<compile_context>
chip_gen: v7x
topology: tpu7x:2x2x1
jax: 0.10.2.dev20260603
libtpu: 0.0.44.dev20260713+nightly
codegen_flags: <defaults>
</compile_context>

<pallas_src>
import functools

import jax
import jax.numpy as jnp
from jax import lax
from jax.experimental import pallas as pl
from jax.experimental.pallas import tpu as pltpu
from jax.experimental.pallas import tpu_sc as plsc

N_NODES = 10000
IN_CH = 128
HID_CH = 128
OUT_CH = 64
N_EDGES = 320000

NC = 2
NS = 16
NW = NC * NS
DEG_W = 16

_E_PER_TILE = N_EDGES // NW
_ROWS_PER_TILE = N_NODES // NS

_CHUNK = 50
_N_CHUNKS = _E_PER_TILE // _CHUNK
_K = 2
_NSUP = _N_CHUNKS // _K
_NPAIR = _NSUP // 2
_WFULL = _ROWS_PER_TILE // _CHUNK
_WREM = _ROWS_PER_TILE - _WFULL * _CHUNK

_DCHUNK = 125
_DN_CHUNKS = _E_PER_TILE // _DCHUNK
_DWIN = 8


def _make_deg_kernel():
    mesh = plsc.VectorSubcoreMesh(core_axis_name="c", subcore_axis_name="s")

    @functools.partial(
        pl.kernel,
        out_type=jax.ShapeDtypeStruct((NC, N_NODES, DEG_W), jnp.float32),
        mesh=mesh,
        compiler_params=pltpu.CompilerParams(use_tc_tiling_on_sc=False),
        scratch_types=[
            pltpu.VMEM((_DN_CHUNKS, _DCHUNK), jnp.int32),
            pltpu.VMEM((_DCHUNK, DEG_W), jnp.float32),
            pltpu.VMEM((_ROWS_PER_TILE, DEG_W), jnp.float32),
            pltpu.VMEM_SHARED((N_NODES, DEG_W), jnp.float32),
            pltpu.SemaphoreType.DMA,
        ],
    )
    def deg_kernel(dst_hbm, out_hbm, dst_t, ones_v, stage_v, acc, ssem):
        c = lax.axis_index("c")
        s = lax.axis_index("s")
        tid = c * NS + s
        row0 = s * _ROWS_PER_TILE

        def fill_stage(i, _):
            stage_v[i, :] = jnp.zeros((16,), jnp.float32)
            return 0

        lax.fori_loop(0, _ROWS_PER_TILE, fill_stage, 0)

        def fill_ones(i, _):
            ones_v[i, :] = jnp.ones((16,), jnp.float32)
            return 0

        lax.fori_loop(0, _DCHUNK, fill_ones, 0)

        pltpu.sync_copy(dst_hbm.at[tid], dst_t)
        pltpu.sync_copy(stage_v, acc.at[pl.ds(row0, _ROWS_PER_TILE)])
        plsc.subcore_barrier()

        def drain_one():
            pltpu.make_async_copy(
                ones_v, acc.at[pl.ds(0, _DCHUNK)], ssem).wait()

        def edge_step(i, _):
            pltpu.async_copy(ones_v, acc.at[dst_t.at[i]], ssem, add=True)

            @pl.when(i >= _DWIN)
            def _():
                drain_one()

            return 0

        lax.fori_loop(0, _DN_CHUNKS, edge_step, 0)
        for _ in range(_DWIN):
            drain_one()
        plsc.subcore_barrier()

        pltpu.sync_copy(acc.at[pl.ds(row0, _ROWS_PER_TILE)], stage_v)
        pltpu.sync_copy(stage_v, out_hbm.at[c, pl.ds(row0, _ROWS_PER_TILE)])

    return deg_kernel


def _make_agg_kernel(D):
    mesh = plsc.VectorSubcoreMesh(core_axis_name="c", subcore_axis_name="s")

    @functools.partial(
        pl.kernel,
        out_type=jax.ShapeDtypeStruct((NC, N_NODES, D), jnp.float32),
        mesh=mesh,
        compiler_params=pltpu.CompilerParams(use_tc_tiling_on_sc=False),
        scratch_types=[
            pltpu.VMEM((_N_CHUNKS, _CHUNK), jnp.int32),
            pltpu.VMEM((_N_CHUNKS, _CHUNK), jnp.int32),
            pltpu.VMEM((2, _K, _CHUNK, D), jnp.float32),
            pltpu.VMEM_SHARED((N_NODES, D), jnp.float32),
            pltpu.SemaphoreType.DMA,
            pltpu.SemaphoreType.DMA,
        ],
    )
    def agg_kernel(hs_hbm, src_hbm, dst_hbm, out_hbm,
                   src_t, dst_t, rows, acc, gsem, ssem):
        c = lax.axis_index("c")
        s = lax.axis_index("s")
        tid = c * NS + s
        row0 = s * _ROWS_PER_TILE
        stage_v = rows.at[0, 0]

        pltpu.sync_copy(src_hbm.at[tid], src_t)
        pltpu.sync_copy(dst_hbm.at[tid], dst_t)

        def fill_stage(i, _):
            for j in range(D // 16):
                rows[0, 0, i, pl.ds(j * 16, 16)] = jnp.zeros((16,), jnp.float32)
            return 0

        lax.fori_loop(0, _CHUNK, fill_stage, 0)

        def zero_acc(k, _):
            pltpu.sync_copy(
                stage_v, acc.at[pl.ds(row0 + k * _CHUNK, _CHUNK)])
            return 0

        lax.fori_loop(0, _WFULL, zero_acc, 0)
        pltpu.sync_copy(
            rows.at[0, 0, pl.ds(0, _WREM)],
            acc.at[pl.ds(row0 + _WFULL * _CHUNK, _WREM)])
        plsc.subcore_barrier()

        def issue_gather(g, k, chunk):
            pltpu.async_copy(hs_hbm.at[src_t.at[chunk]], rows.at[g, k], gsem)

        def wait_gather(g, k):
            pltpu.make_async_copy(
                hs_hbm.at[pl.ds(0, _CHUNK)], rows.at[g, k], gsem).wait()

        def issue_scatter(g, k, chunk):
            pltpu.async_copy(rows.at[g, k], acc.at[dst_t.at[chunk]], ssem,
                             add=True)

        def drain_scatter(g, k):
            pltpu.make_async_copy(
                rows.at[g, k], acc.at[pl.ds(0, _CHUNK)], ssem).wait()

        for k in range(_K):
            issue_gather(0, k, k)

        def pair_step(j2, _):
            base0 = (2 * j2) * _K
            base1 = base0 + _K
            for k in range(_K):
                wait_gather(0, k)

            @pl.when(j2 > 0)
            def _():
                for k in range(_K):
                    drain_scatter(1, k)

            for k in range(_K):
                issue_gather(1, k, base1 + k)
            for k in range(_K):
                issue_scatter(0, k, base0 + k)
            for k in range(_K):
                wait_gather(1, k)
            for k in range(_K):
                drain_scatter(0, k)

            @pl.when(j2 < _NPAIR - 1)
            def _():
                for k in range(_K):
                    issue_gather(0, k, base1 + _K + k)

            for k in range(_K):
                issue_scatter(1, k, base1 + k)
            return 0

        lax.fori_loop(0, _NPAIR, pair_step, 0)
        for k in range(_K):
            drain_scatter(1, k)
        plsc.subcore_barrier()

        def writeout(k, _):
            pltpu.sync_copy(
                acc.at[pl.ds(row0 + k * _CHUNK, _CHUNK)], stage_v)
            pltpu.sync_copy(
                stage_v, out_hbm.at[c, pl.ds(row0 + k * _CHUNK, _CHUNK)])
            return 0

        lax.fori_loop(0, _WFULL, writeout, 0)
        pltpu.sync_copy(
            acc.at[pl.ds(row0 + _WFULL * _CHUNK, _WREM)],
            rows.at[0, 0, pl.ds(0, _WREM)])
        pltpu.sync_copy(
            rows.at[0, 0, pl.ds(0, _WREM)],
            out_hbm.at[c, pl.ds(row0 + _WFULL * _CHUNK, _WREM)])

    return agg_kernel


_deg = _make_deg_kernel()
_agg128 = _make_agg_kernel(HID_CH)
_agg64 = _make_agg_kernel(OUT_CH)

_BLK = 2000
_GRID = N_NODES // _BLK


def _dinv_rows(dp_ref):
    deg = dp_ref[0] + dp_ref[1] + 1.0
    return jnp.min(lax.rsqrt(deg), axis=1, keepdims=True)


def _prep_body(dp_ref, x_ref, w_ref, o_ref):
    dinv = _dinv_rows(dp_ref)
    h = jnp.dot(x_ref[...], w_ref[...], preferred_element_type=jnp.float32)
    o_ref[...] = dinv * h


def _mid_body(dp_ref, p_ref, hs_ref, b_ref, w_ref, o_ref):
    dinv = _dinv_rows(dp_ref)
    z = dinv * (p_ref[0] + p_ref[1] + hs_ref[...]) + b_ref[...]
    z = jnp.maximum(z, 0.0)
    h = jnp.dot(z, w_ref[...], preferred_element_type=jnp.float32)
    o_ref[...] = dinv * h


def _final_body(dp_ref, p_ref, hs_ref, b_ref, o_ref):
    dinv = _dinv_rows(dp_ref)
    t = dinv * (p_ref[0] + p_ref[1] + hs_ref[...]) + b_ref[...]
    m = jnp.max(t, axis=1, keepdims=True)
    e = jnp.exp(t - m)
    lse = jnp.log(jnp.sum(e, axis=1, keepdims=True))
    o_ref[...] = t - m - lse


def _dp_spec():
    return pl.BlockSpec((NC, _BLK, DEG_W), lambda i: (0, i, 0))


def _rows_spec(D):
    return pl.BlockSpec((_BLK, D), lambda i: (i, 0))


def _part_spec(D):
    return pl.BlockSpec((NC, _BLK, D), lambda i: (0, i, 0))


def _vec_spec(D):
    return pl.BlockSpec((D,), lambda i: (0,))


def _mat_spec(Din, Dout):
    return pl.BlockSpec((Din, Dout), lambda i: (0, 0))


def _prep(dp, x, W1):
    return pl.pallas_call(
        _prep_body,
        grid=(_GRID,),
        in_specs=[_dp_spec(), _rows_spec(IN_CH), _mat_spec(IN_CH, HID_CH)],
        out_specs=_rows_spec(HID_CH),
        out_shape=jax.ShapeDtypeStruct((N_NODES, HID_CH), jnp.float32),
    )(dp, x, W1)


def _mid(dp, p, hs, b, W, Dout):
    D = hs.shape[1]
    return pl.pallas_call(
        _mid_body,
        grid=(_GRID,),
        in_specs=[_dp_spec(), _part_spec(D), _rows_spec(D), _vec_spec(D),
                  _mat_spec(D, Dout)],
        out_specs=_rows_spec(Dout),
        out_shape=jax.ShapeDtypeStruct((N_NODES, Dout), jnp.float32),
    )(dp, p, hs, b, W)


def _final(dp, p, hs, b):
    return pl.pallas_call(
        _final_body,
        grid=(_GRID,),
        in_specs=[_dp_spec(), _part_spec(OUT_CH), _rows_spec(OUT_CH),
                  _vec_spec(OUT_CH)],
        out_specs=_rows_spec(OUT_CH),
        out_shape=jax.ShapeDtypeStruct((N_NODES, OUT_CH), jnp.float32),
    )(dp, p, hs, b)


def kernel(x, edge_index, W1, b1, W2, b2, W3, b3):
    src = edge_index[0].astype(jnp.int32)
    dst = edge_index[1].astype(jnp.int32)
    src3 = src.reshape(NW, _N_CHUNKS, _CHUNK)
    dst3 = dst.reshape(NW, _N_CHUNKS, _CHUNK)
    dstd = dst.reshape(NW, _DN_CHUNKS, _DCHUNK)
    dp = _deg(dstd)
    hs1 = _prep(dp, x, W1)
    p1 = _agg128(hs1, src3, dst3)
    hs2 = _mid(dp, p1, hs1, b1, W2, HID_CH)
    p2 = _agg128(hs2, src3, dst3)
    hs3 = _mid(dp, p2, hs2, b2, W3, OUT_CH)
    p3 = _agg64(hs3, src3, dst3)
    return _final(dp, p3, hs3, b3)

# --- scband reference (transcript-rebuilt; emitter-appended) ---
"""Pipeline reference for scband-gcn-21165598834728 (READ-ONLY COPY).

The authoritative reference and input builder live on the scoring server;
editing this copy changes nothing except your own understanding.
"""

import jax, jax.numpy as jnp
import numpy as np

N_NODES = 10000
N_EDGES = 320000
IN_CH = 128
HID_CH = 128
OUT_CH = 64


def setup_inputs(seed: int = 0) -> dict:
    key = jax.random.key(seed)
    ks = jax.random.split(key, 8)
    x = jax.random.normal(ks[0], (N_NODES, IN_CH), dtype=jnp.float32)
    edge_index = jax.random.randint(ks[1], (2, N_EDGES), 0, N_NODES, dtype=jnp.int64)
    def glorot(k, fan_in, fan_out):
        limit = float(np.sqrt(6.0 / (fan_in + fan_out)))
        return jax.random.uniform(k, (fan_in, fan_out), dtype=jnp.float32, minval=-limit, maxval=limit)
    W1 = glorot(ks[2], IN_CH, HID_CH)
    b1 = jnp.zeros((HID_CH,), dtype=jnp.float32)
    W2 = glorot(ks[3], HID_CH, HID_CH)
    b2 = jnp.zeros((HID_CH,), dtype=jnp.float32)
    W3 = glorot(ks[4], HID_CH, OUT_CH)
    b3 = jnp.zeros((OUT_CH,), dtype=jnp.float32)
    return {"x": x, "edge_index": edge_index, "W1": W1, "b1": b1, "W2": W2, "b2": b2, "W3": W3, "b3": b3}


def _gcn_conv(x, edge_index, W, b, num_nodes):
    # PyG GCNConv: add self-loops, linear transform, symmetric normalization, scatter-add aggregate, add bias
    loop = jnp.arange(num_nodes, dtype=edge_index.dtype)
    src = jnp.concatenate([edge_index[0], loop])
    dst = jnp.concatenate([edge_index[1], loop])
    h = x @ W
    deg = jnp.zeros((num_nodes,), dtype=h.dtype).at[dst].add(1.0)
    dinv = jnp.where(deg > 0, jax.lax.rsqrt(deg), 0.0)
    norm = dinv[src] * dinv[dst]
    msg = norm[:, None] * jnp.take(h, src, axis=0)
    out = jnp.zeros((num_nodes, h.shape[1]), dtype=h.dtype).at[dst].add(msg)
    return out + b


def reference(x, edge_index, W1, b1, W2, b2, W3, b3):
    num_nodes = x.shape[0]
    h = _gcn_conv(x, edge_index, W1, b1, num_nodes)
    h = jax.nn.relu(h)
    # dropout is identity in eval mode (training=False)
    h = _gcn_conv(h, edge_index, W2, b2, num_nodes)
    h = jax.nn.relu(h)
    h = _gcn_conv(h, edge_index, W3, b3, num_nodes)
    return jax.nn.log_softmax(h, axis=1)

if __name__ == "__main__":
    import jax
    _d = setup_inputs()
    print(jax.jit(kernel)(*tuple(_d.values())))

</pallas_src>

<mosaic_0001>
#map = affine_map<(d0, d1) -> (0, 0)>
#map1 = affine_map<(d0, d1) -> (0, 0, 0)>
module attributes {stable_mosaic.version = 14 : i64} {
  func.func @agg_kernel(%arg0: i32, %arg1: i32, %arg2: memref<10000x128xf32, #tpu.memory_space<hbm>>, %arg3: memref<32x200x50xi32, #tpu.memory_space<hbm>>, %arg4: memref<32x200x50xi32, #tpu.memory_space<hbm>>, %arg5: memref<2x10000x128xf32, #tpu.memory_space<hbm>>, %arg6: memref<200x50xi32, #tpu.memory_space<vmem>>, %arg7: memref<200x50xi32, #tpu.memory_space<vmem>>, %arg8: memref<2x2x50x128xf32, #tpu.memory_space<vmem>>, %arg9: memref<10000x128xf32, #tpu.memory_space<vmem_shared>>, %arg10: memref<!tpu.dma_semaphore, #tpu.memory_space<semaphore_mem>>, %arg11: memref<!tpu.dma_semaphore, #tpu.memory_space<semaphore_mem>>) attributes {dimension_semantics = [#tpu.dimension_semantics<core_parallel>, #tpu.dimension_semantics<subcore_parallel>], iteration_bounds = array<i64: 2, 16>, scalar_prefetch = 0 : i64, scratch_operands = 6 : i64, tpu.core_type = #tpu.core_type<sc_vector_subcore>, window_params = [{transform_indices = #map}, {transform_indices = #map1}, {transform_indices = #map1}, {transform_indices = #map1}]} {
    %mul3A = arith.constant 16 : i32
    %mul3A_0 = arith.muli %arg0, %mul3A : i32
    %add3A = arith.addi %mul3A_0, %arg1 : i32
    %mul3A_1 = arith.constant 625 : i32
    %mul3A_2 = arith.muli %arg1, %mul3A_1 : i32
    "tpu.region"() ({
      %run_scoped3A_102 = tpu.sem_alloc : memref<!tpu.dma_semaphore, #tpu.memory_space<semaphore_mem>>
      %dma_start3A_103 = arith.constant 0 : i32
      %dma_start3A_104 = arith.constant 0 : i32
      %dma_start3A_105 = tpu.memref_slice %arg3[%add3A, %dma_start3A_103, %dma_start3A_104] : memref<32x200x50xi32, #tpu.memory_space<hbm>> -> memref<1x200x50xi32, #tpu.memory_space<hbm>>
      %dma_start3A_106 = tpu.memref_squeeze %dma_start3A_105 : memref<1x200x50xi32, #tpu.memory_space<hbm>> -> memref<200x50xi32, #tpu.memory_space<hbm>>
      %dma_start3A_107 = arith.constant 0 : i32
      %dma_start3A_108 = arith.constant 0 : i32
      %dma_start3A_109 = tpu.memref_slice %arg3[%add3A, %dma_start3A_107, %dma_start3A_108] : memref<32x200x50xi32, #tpu.memory_space<hbm>> -> memref<1x200x50xi32, #tpu.memory_space<hbm>>
      %dma_start3A_110 = tpu.memref_squeeze %dma_start3A_109 : memref<1x200x50xi32, #tpu.memory_space<hbm>> -> memref<200x50xi32, #tpu.memory_space<hbm>>
      tpu.enqueue_dma source(%dma_start3A_110 : memref<200x50xi32, #tpu.memory_space<hbm>>) target(%arg6 : memref<200x50xi32, #tpu.memory_space<vmem>>) target_semaphore(%run_scoped3A_102 : memref<!tpu.dma_semaphore, #tpu.memory_space<semaphore_mem>>)
      %dma_wait3A_111 = arith.constant 0 : i32
      %dma_wait3A_112 = arith.constant 0 : i32
      %dma_wait3A_113 = tpu.memref_slice %arg3[%add3A, %dma_wait3A_111, %dma_wait3A_112] : memref<32x200x50xi32, #tpu.memory_space<hbm>> -> memref<1x200x50xi32, #tpu.memory_space<hbm>>
      %dma_wait3A_114 = tpu.memref_squeeze %dma_wait3A_113 : memref<1x200x50xi32, #tpu.memory_space<hbm>> -> memref<200x50xi32, #tpu.memory_space<hbm>>
      %dma_wait3A_115 = arith.constant 0 : i32
      %dma_wait3A_116 = arith.constant 0 : i32
      %dma_wait3A_117 = tpu.memref_slice %arg3[%add3A, %dma_wait3A_115, %dma_wait3A_116] : memref<32x200x50xi32, #tpu.memory_space<hbm>> -> memref<1x200x50xi32, #tpu.memory_space<hbm>>
      %dma_wait3A_118 = tpu.memref_squeeze %dma_wait3A_117 : memref<1x200x50xi32, #tpu.memory_space<hbm>> -> memref<200x50xi32, #tpu.memory_space<hbm>>
      tpu.wait_dma2 semaphore(%run_scoped3A_102 : memref<!tpu.dma_semaphore, #tpu.memory_space<semaphore_mem>>) src(%dma_wait3A_118 : memref<200x50xi32, #tpu.memory_space<hbm>>) dst(%arg6 : memref<200x50xi32, #tpu.memory_space<vmem>>)
      tpu.yield
    }) : () -> ()
    "tpu.region"() ({
      %run_scoped3A_102 = tpu.sem_alloc : memref<!tpu.dma_semaphore, #tpu.memory_space<semaphore_mem>>
      %dma_start3A_103 = arith.constant 0 : i32
      %dma_start3A_104 = arith.constant 0 : i32
      %dma_start3A_105 = tpu.memref_slice %arg4[%add3A, %dma_start3A_103, %dma_start3A_104] : memref<32x200x50xi32, #tpu.memory_space<hbm>> -> memref<1x200x50xi32, #tpu.memory_space<hbm>>
      %dma_start3A_106 = tpu.memref_squeeze %dma_start3A_105 : memref<1x200x50xi32, #tpu.memory_space<hbm>> -> memref<200x50xi32, #tpu.memory_space<hbm>>
      %dma_start3A_107 = arith.constant 0 : i32
      %dma_start3A_108 = arith.constant 0 : i32
      %dma_start3A_109 = tpu.memref_slice %arg4[%add3A, %dma_start3A_107, %dma_start3A_108] : memref<32x200x50xi32, #tpu.memory_space<hbm>> -> memref<1x200x50xi32, #tpu.memory_space<hbm>>
      %dma_start3A_110 = tpu.memref_squeeze %dma_start3A_109 : memref<1x200x50xi32, #tpu.memory_space<hbm>> -> memref<200x50xi32, #tpu.memory_space<hbm>>
      tpu.enqueue_dma source(%dma_start3A_110 : memref<200x50xi32, #tpu.memory_space<hbm>>) target(%arg7 : memref<200x50xi32, #tpu.memory_space<vmem>>) target_semaphore(%run_scoped3A_102 : memref<!tpu.dma_semaphore, #tpu.memory_space<semaphore_mem>>)
      %dma_wait3A_111 = arith.constant 0 : i32
      %dma_wait3A_112 = arith.constant 0 : i32
      %dma_wait3A_113 = tpu.memref_slice %arg4[%add3A, %dma_wait3A_111, %dma_wait3A_112] : memref<32x200x50xi32, #tpu.memory_space<hbm>> -> memref<1x200x50xi32, #tpu.memory_space<hbm>>
      %dma_wait3A_114 = tpu.memref_squeeze %dma_wait3A_113 : memref<1x200x50xi32, #tpu.memory_space<hbm>> -> memref<200x50xi32, #tpu.memory_space<hbm>>
      %dma_wait3A_115 = arith.constant 0 : i32
      %dma_wait3A_116 = arith.constant 0 : i32
      %dma_wait3A_117 = tpu.memref_slice %arg4[%add3A, %dma_wait3A_115, %dma_wait3A_116] : memref<32x200x50xi32, #tpu.memory_space<hbm>> -> memref<1x200x50xi32, #tpu.memory_space<hbm>>
      %dma_wait3A_118 = tpu.memref_squeeze %dma_wait3A_117 : memref<1x200x50xi32, #tpu.memory_space<hbm>> -> memref<200x50xi32, #tpu.memory_space<hbm>>
      tpu.wait_dma2 semaphore(%run_scoped3A_102 : memref<!tpu.dma_semaphore, #tpu.memory_space<semaphore_mem>>) src(%dma_wait3A_118 : memref<200x50xi32, #tpu.memory_space<hbm>>) dst(%arg7 : memref<200x50xi32, #tpu.memory_space<vmem>>)
      tpu.yield
    }) : () -> ()
    %scan3A = arith.constant 0 : i32
    %scan3A_3 = arith.constant 0 : i32
    %scan3A_4 = arith.constant 50 : i32
    %scan3A_5 = arith.addi %scan3A_3, %scan3A_4 : i32
    %scan3A_6 = arith.constant 1 : i32
    %scan3A_7 = scf.for %scan3A_102 = %scan3A_3 to %scan3A_5 step %scan3A_6 iter_args(%scan3A_103 = %scan3A) -> (i32)  : i32 {
      %broadcast_in_dim3A = arith.constant 0.000000e+00 : f32
      %broadcast_in_dim3A_104 = vector.broadcast %broadcast_in_dim3A : f32 to vector<16xf32>
      %swap3A = arith.constant 0 : i32
      %swap3A_105 = arith.constant 0 : i32
      %swap3A_106 = arith.index_cast %swap3A : i32 to index
      %swap3A_107 = arith.index_cast %swap3A_105 : i32 to index
      %swap3A_108 = arith.index_cast %scan3A_102 : i32 to index
      %swap3A_109 = arith.constant 0 : index
      %swap3A_110 = tpu.vector_load %arg8[%swap3A_106, %swap3A_107, %swap3A_108, %swap3A_109] {strides = array<i32>} : memref<2x2x50x128xf32, #tpu.memory_space<vmem>>, vector<1x1x1x16xf32>,
      %swap3A_111 = vector.shape_cast %swap3A_110 : vector<1x1x1x16xf32> to vector<16xf32>
      %swap3A_112 = vector.shape_cast %broadcast_in_dim3A_104 : vector<16xf32> to vector<1x1x1x16xf32>
      tpu.vector_store %arg8[%swap3A_106, %swap3A_107, %swap3A_108, %swap3A_109], %swap3A_112 {strides = array<i32>} : memref<2x2x50x128xf32, #tpu.memory_space<vmem>>, vector<1x1x1x16xf32>,
      %broadcast_in_dim3A_113 = arith.constant 0.000000e+00 : f32
      %broadcast_in_dim3A_114 = vector.broadcast %broadcast_in_dim3A_113 : f32 to vector<16xf32>
      %swap3A_115 = arith.constant 0 : i32
      %swap3A_116 = arith.constant 0 : i32
      %swap3A_117 = arith.index_cast %swap3A_115 : i32 to index
      %swap3A_118 = arith.index_cast %swap3A_116 : i32 to index
      %swap3A_119 = arith.index_cast %scan3A_102 : i32 to index
      %swap3A_120 = arith.constant 16 : index
      %swap3A_121 = tpu.vector_load %arg8[%swap3A_117, %swap3A_118, %swap3A_119, %swap3A_120] {strides = array<i32>} : memref<2x2x50x128xf32, #tpu.memory_space<vmem>>, vector<1x1x1x16xf32>,
      %swap3A_122 = vector.shape_cast %swap3A_121 : vector<1x1x1x16xf32> to vector<16xf32>
      %swap3A_123 = vector.shape_cast %broadcast_in_dim3A_114 : vector<16xf32> to vector<1x1x1x16xf32>
      tpu.vector_store %arg8[%swap3A_117, %swap3A_118, %swap3A_119, %swap3A_120], %swap3A_123 {strides = array<i32>} : memref<2x2x50x128xf32, #tpu.memory_space<vmem>>, vector<1x1x1x16xf32>,
      %broadcast_in_dim3A_124 = arith.constant 0.000000e+00 : f32
      %broadcast_in_dim3A_125 = vector.broadcast %broadcast_in_dim3A_124 : f32 to vector<16xf32>
      %swap3A_126 = arith.constant 0 : i32
      %swap3A_127 = arith.constant 0 : i32
      %swap3A_128 = arith.index_cast %swap3A_126 : i32 to index
      %swap3A_129 = arith.index_cast %swap3A_127 : i32 to index
      %swap3A_130 = arith.index_cast %scan3A_102 : i32 to index
      %swap3A_131 = arith.constant 32 : index
      %swap3A_132 = tpu.vector_load %arg8[%swap3A_128, %swap3A_129, %swap3A_130, %swap3A_131] {strides = array<i32>} : memref<2x2x50x128xf32, #tpu.memory_space<vmem>>, vector<1x1x1x16xf32>,
      %swap3A_133 = vector.shape_cast %swap3A_132 : vector<1x1x1x16xf32> to vector<16xf32>
      %swap3A_134 = vector.shape_cast %broadcast_in_dim3A_125 : vector<16xf32> to vector<1x1x1x16xf32>
      tpu.vector_store %arg8[%swap3A_128, %swap3A_129, %swap3A_130, %swap3A_131], %swap3A_134 {strides = array<i32>} : memref<2x2x50x128xf32, #tpu.memory_space<vmem>>, vector<1x1x1x16xf32>,
      %broadcast_in_dim3A_135 = arith.constant 0.000000e+00 : f32
      %broadcast_in_dim3A_136 = vector.broadcast %broadcast_in_dim3A_135 : f32 to vector<16xf32>
      %swap3A_137 = arith.constant 0 : i32
      %swap3A_138 = arith.constant 0 : i32
      %swap3A_139 = arith.index_cast %swap3A_137 : i32 to index
      %swap3A_140 = arith.index_cast %swap3A_138 : i32 to index
      %swap3A_141 = arith.index_cast %scan3A_102 : i32 to index
      %swap3A_142 = arith.constant 48 : index
      %swap3A_143 = tpu.vector_load %arg8[%swap3A_139, %swap3A_140, %swap3A_141, %swap3A_142] {strides = array<i32>} : memref<2x2x50x128xf32, #tpu.memory_space<vmem>>, vector<1x1x1x16xf32>,
      %swap3A_144 = vector.shape_cast %swap3A_143 : vector<1x1x1x16xf32> to vector<16xf32>
      %swap3A_145 = vector.shape_cast %broadcast_in_dim3A_136 : vector<16xf32> to vector<1x1x1x16xf32>
      tpu.vector_store %arg8[%swap3A_139, %swap3A_140, %swap3A_141, %swap3A_142], %swap3A_145 {strides = array<i32>} : memref<2x2x50x128xf32, #tpu.memory_space<vmem>>, vector<1x1x1x16xf32>,
      %broadcast_in_dim3A_146 = arith.constant 0.000000e+00 : f32
      %broadcast_in_dim3A_147 = vector.broadcast %broadcast_in_dim3A_146 : f32 to vector<16xf32>
      %swap3A_148 = arith.constant 0 : i32
      %swap3A_149 = arith.constant 0 : i32
      %swap3A_150 = arith.index_cast %swap3A_148 : i32 to index
      %swap3A_151 = arith.index_cast %swap3A_149 : i32 to index
      %swap3A_152 = arith.index_cast %scan3A_102 : i32 to index
      %swap3A_153 = arith.constant 64 : index
      %swap3A_154 = tpu.vector_load %arg8[%swap3A_150, %swap3A_151, %swap3A_152, %swap3A_153] {strides = array<i32>} : memref<2x2x50x128xf32, #tpu.memory_space<vmem>>, vector<1x1x1x16xf32>,
      %swap3A_155 = vector.shape_cast %swap3A_154 : vector<1x1x1x16xf32> to vector<16xf32>
      %swap3A_156 = vector.shape_cast %broadcast_in_dim3A_147 : vector<16xf32> to vector<1x1x1x16xf32>
      tpu.vector_store %arg8[%swap3A_150, %swap3A_151, %swap3A_152, %swap3A_153], %swap3A_156 {strides = array<i32>} : memref<2x2x50x128xf32, #tpu.memory_space<vmem>>, vector<1x1x1x16xf32>,
      %broadcast_in_dim3A_157 = arith.constant 0.000000e+00 : f32
      %broadcast_in_dim3A_158 = vector.broadcast %broadcast_in_dim3A_157 : f32 to vector<16xf32>
      %swap3A_159 = arith.constant 0 : i32
      %swap3A_160 = arith.constant 0 : i32
      %swap3A_161 = arith.index_cast %swap3A_159 : i32 to index
      %swap3A_162 = arith.index_cast %swap3A_160 : i32 to index
      %swap3A_163 = arith.index_cast %scan3A_102 : i32 to index
      %swap3A_164 = arith.constant 80 : index
      %swap3A_165 = tpu.vector_load %arg8[%swap3A_161, %swap3A_162, %swap3A_163, %swap3A_164] {strides = array<i32>} : memref<2x2x50x128xf32, #tpu.memory_space<vmem>>, vector<1x1x1x16xf32>,
      %swap3A_166 = vector.shape_cast %swap3A_165 : vector<1x1x1x16xf32> to vector<16xf32>
      %swap3A_167 = vector.shape_cast %broadcast_in_dim3A_158 : vector<16xf32> to vector<1x1x1x16xf32>
      tpu.vector_store %arg8[%swap3A_161, %swap3A_162, %swap3A_163, %swap3A_164], %swap3A_167 {strides = array<i32>} : memref<2x2x50x128xf32, #tpu.memory_space<vmem>>, vector<1x1x1x16xf32>,
      %broadcast_in_dim3A_168 = arith.constant 0.000000e+00 : f32
      %broadcast_in_dim3A_169 = vector.broadcast %broadcast_in_dim3A_168 : f32 to vector<16xf32>
      %swap3A_170 = arith.constant 0 : i32
      %swap3A_171 = arith.constant 0 : i32
      %swap3A_172 = arith.index_cast %swap3A_170 : i32 to index
      %swap3A_173 = arith.index_cast %swap3A_171 : i32 to index
      %swap3A_174 = arith.index_cast %scan3A_102 : i32 to index
      %swap3A_175 = arith.constant 96 : index
      %swap3A_176 = tpu.vector_load %arg8[%swap3A_172, %swap3A_173, %swap3A_174, %swap3A_175] {strides = array<i32>} : memref<2x2x50x128xf32, #tpu.memory_space<vmem>>, vector<1x1x1x16xf32>,
      %swap3A_177 = vector.shape_cast %swap3A_176 : vector<1x1x1x16xf32> to vector<16xf32>
      %swap3A_178 = vector.shape_cast %broadcast_in_dim3A_169 : vector<16xf32> to vector<1x1x1x16xf32>
      tpu.vector_store %arg8[%swap3A_172, %swap3A_173, %swap3A_174, %swap3A_175], %swap3A_178 {strides = array<i32>} : memref<2x2x50x128xf32, #tpu.memory_space<vmem>>, vector<1x1x1x16xf32>,
      %broadcast_in_dim3A_179 = arith.constant 0.000000e+00 : f32
      %broadcast_in_dim3A_180 = vector.broadcast %broadcast_in_dim3A_179 : f32 to vector<16xf32>
      %swap3A_181 = arith.constant 0 : i32
      %swap3A_182 = arith.constant 0 : i32
      %swap3A_183 = arith.index_cast %swap3A_181 : i32 to index
      %swap3A_184 = arith.index_cast %swap3A_182 : i32 to index
      %swap3A_185 = arith.index_cast %scan3A_102 : i32 to index
      %swap3A_186 = arith.constant 112 : index
      %swap3A_187 = tpu.vector_load %arg8[%swap3A_183, %swap3A_184, %swap3A_185, %swap3A_186] {strides = array<i32>} : memref<2x2x50x128xf32, #tpu.memory_space<vmem>>, vector<1x1x1x16xf32>,
      %swap3A_188 = vector.shape_cast %swap3A_187 : vector<1x1x1x16xf32> to vector<16xf32>
      %swap3A_189 = vector.shape_cast %broadcast_in_dim3A_180 : vector<16xf32> to vector<1x1x1x16xf32>
      tpu.vector_store %arg8[%swap3A_183, %swap3A_184, %swap3A_185, %swap3A_186], %swap3A_189 {strides = array<i32>} : memref<2x2x50x128xf32, #tpu.memory_space<vmem>>, vector<1x1x1x16xf32>,
      %scan3A_190 = arith.constant 0 : i32
      scf.yield %scan3A_190 : i32
    }
    %scan3A_8 = arith.constant 50 : i32
    %scan3A_9 = arith.constant 0 : i32
    %scan3A_10 = arith.constant 0 : i32
    %scan3A_11 = arith.constant 0 : i32
    %scan3A_12 = arith.constant 0 : i32
    %scan3A_13 = arith.constant 12 : i32
    %scan3A_14 = arith.addi %scan3A_12, %scan3A_13 : i32
    %scan3A_15 = arith.constant 1 : i32
    %scan3A_16 = scf.for %scan3A_102 = %scan3A_12 to %scan3A_14 step %scan3A_15 iter_args(%scan3A_103 = %scan3A_11) -> (i32)  : i32 {
      %mul3A_104 = arith.constant 50 : i32
      %mul3A_105 = arith.muli %scan3A_102, %mul3A_104 : i32
      %add3A_106 = arith.addi %mul3A_2, %mul3A_105 : i32
      "tpu.region"() ({
        %run_scoped3A_108 = tpu.sem_alloc : memref<!tpu.dma_semaphore, #tpu.memory_space<semaphore_mem>>
        %dma_start3A_109 = arith.constant 0 : i32
        %dma_start3A_110 = arith.constant 0 : i32
        %dma_start3A_111 = tpu.memref_slice %arg8[%scan3A_9, %scan3A_10, %dma_start3A_109, %dma_start3A_110] : memref<2x2x50x128xf32, #tpu.memory_space<vmem>> -> memref<1x1x50x128xf32, #tpu.memory_space<vmem>>
        %dma_start3A_112 = tpu.memref_squeeze %dma_start3A_111 : memref<1x1x50x128xf32, #tpu.memory_space<vmem>> -> memref<50x128xf32, #tpu.memory_space<vmem>>
        %dma_start3A_113 = arith.constant 0 : i32
        %dma_start3A_114 = tpu.memref_slice %arg9[%add3A_106, %dma_start3A_113] : memref<10000x128xf32, #tpu.memory_space<vmem_shared>> -> memref<50x128xf32, #tpu.memory_space<vmem_shared>>
        %dma_start3A_115 = arith.constant 0 : i32
        %dma_start3A_116 = tpu.memref_slice %arg9[%add3A_106, %dma_start3A_115] : memref<10000x128xf32, #tpu.memory_space<vmem_shared>> -> memref<50x128xf32, #tpu.memory_space<vmem_shared>>
        %dma_start3A_117 = arith.constant 0 : i32
        %dma_start3A_118 = arith.constant 0 : i32
        %dma_start3A_119 = tpu.memref_slice %arg8[%scan3A_9, %scan3A_10, %dma_start3A_117, %dma_start3A_118] : memref<2x2x50x128xf32, #tpu.memory_space<vmem>> -> memref<1x1x50x128xf32, #tpu.memory_space<vmem>>
        %dma_start3A_120 = tpu.memref_squeeze %dma_start3A_119 : memref<1x1x50x128xf32, #tpu.memory_space<vmem>> -> memref<50x128xf32, #tpu.memory_space<vmem>>
        tpu.enqueue_dma source(%dma_start3A_120 : memref<50x128xf32, #tpu.memory_space<vmem>>) target(%dma_start3A_116 : memref<50x128xf32, #tpu.memory_space<vmem_shared>>) target_semaphore(%run_scoped3A_108 : memref<!tpu.dma_semaphore, #tpu.memory_space<semaphore_mem>>)
        %dma_wait3A_121 = arith.constant 0 : i32
        %dma_wait3A_122 = arith.constant 0 : i32
        %dma_wait3A_123 = tpu.memref_slice %arg8[%scan3A_9, %scan3A_10, %dma_wait3A_121, %dma_wait3A_122] : memref<2x2x50x128xf32, #tpu.memory_space<vmem>> -> memref<1x1x50x128xf32, #tpu.memory_space<vmem>>
        %dma_wait3A_124 = tpu.memref_squeeze %dma_wait3A_123 : memref<1x1x50x128xf32, #tpu.memory_space<vmem>> -> memref<50x128xf32, #tpu.memory_space<vmem>>
        %dma_wait3A_125 = arith.constant 0 : i32
        %dma_wait3A_126 = tpu.memref_slice %arg9[%add3A_106, %dma_wait3A_125] : memref<10000x128xf32, #tpu.memory_space<vmem_shared>> -> memref<50x128xf32, #tpu.memory_space<vmem_shared>>
        %dma_wait3A_127 = arith.constant 0 : i32
        %dma_wait3A_128 = tpu.memref_slice %arg9[%add3A_106, %dma_wait3A_127] : memref<10000x128xf32, #tpu.memory_space<vmem_shared>> -> memref<50x128xf32, #tpu.memory_space<vmem_shared>>
        %dma_wait3A_129 = arith.constant 0 : i32
        %dma_wait3A_130 = arith.constant 0 : i32
        %dma_wait3A_131 = tpu.memref_slice %arg8[%scan3A_9, %scan3A_10, %dma_wait3A_129, %dma_wait3A_130] : memref<2x2x50x128xf32, #tpu.memory_space<vmem>> -> memref<1x1x50x128xf32, #tpu.memory_space<vmem>>
        %dma_wait3A_132 = tpu.memref_squeeze %dma_wait3A_131 : memref<1x1x50x128xf32, #tpu.memory_space<vmem>> -> memref<50x128xf32, #tpu.memory_space<vmem>>
        tpu.wait_dma2 semaphore(%run_scoped3A_108 : memref<!tpu.dma_semaphore, #tpu.memory_space<semaphore_mem>>) src(%dma_wait3A_132 : memref<50x128xf32, #tpu.memory_space<vmem>>) dst(%dma_wait3A_128 : memref<50x128xf32, #tpu.memory_space<vmem_shared>>)
        tpu.yield
      }) : () -> ()
      %scan3A_107 = arith.constant 0 : i32
      scf.yield %scan3A_107 : i32
    }
    %scan3A_17 = arith.constant 12 : i32
    %add3A_18 = arith.constant 600 : i32
    %add3A_19 = arith.addi %mul3A_2, %add3A_18 : i32
    %run_scoped3A = arith.constant 0 : i32
    %run_scoped3A_20 = arith.constant 0 : i32
    "tpu.region"() ({
      %run_scoped3A_102 = tpu.sem_alloc : memref<!tpu.dma_semaphore, #tpu.memory_space<semaphore_mem>>
      %dma_start3A_103 = arith.constant 0 : i32
      %dma_start3A_104 = arith.constant 0 : i32
      %dma_start3A_105 = tpu.memref_slice %arg8[%run_scoped3A, %run_scoped3A_20, %dma_start3A_103, %dma_start3A_104] : memref<2x2x50x128xf32, #tpu.memory_space<vmem>> -> memref<1x1x25x128xf32, #tpu.memory_space<vmem>>
      %dma_start3A_106 = tpu.memref_squeeze %dma_start3A_105 : memref<1x1x25x128xf32, #tpu.memory_space<vmem>> -> memref<25x128xf32, #tpu.memory_space<vmem>>
      %dma_start3A_107 = arith.constant 0 : i32
      %dma_start3A_108 = tpu.memref_slice %arg9[%add3A_19, %dma_start3A_107] : memref<10000x128xf32, #tpu.memory_space<vmem_shared>> -> memref<25x128xf32, #tpu.memory_space<vmem_shared>>
      %dma_start3A_109 = arith.constant 0 : i32
      %dma_start3A_110 = tpu.memref_slice %arg9[%add3A_19, %dma_start3A_109] : memref<10000x128xf32, #tpu.memory_space<vmem_shared>> -> memref<25x128xf32, #tpu.memory_space<vmem_shared>>
      %dma_start3A_111 = arith.constant 0 : i32
      %dma_start3A_112 = arith.constant 0 : i32
      %dma_start3A_113 = tpu.memref_slice %arg8[%run_scoped3A, %run_scoped3A_20, %dma_start3A_111, %dma_start3A_112] : memref<2x2x50x128xf32, #tpu.memory_space<vmem>> -> memref<1x1x25x128xf32, #tpu.memory_space<vmem>>
      %dma_start3A_114 = tpu.memref_squeeze %dma_start3A_113 : memref<1x1x25x128xf32, #tpu.memory_space<vmem>> -> memref<25x128xf32, #tpu.memory_space<vmem>>
      tpu.enqueue_dma source(%dma_start3A_114 : memref<25x128xf32, #tpu.memory_space<vmem>>) target(%dma_start3A_110 : memref<25x128xf32, #tpu.memory_space<vmem_shared>>) target_semaphore(%run_scoped3A_102 : memref<!tpu.dma_semaphore, #tpu.memory_space<semaphore_mem>>)
      %dma_wait3A_115 = arith.constant 0 : i32
      %dma_wait3A_116 = arith.constant 0 : i32
      %dma_wait3A_117 = tpu.memref_slice %arg8[%run_scoped3A, %run_scoped3A_20, %dma_wait3A_115, %dma_wait3A_116] : memref<2x2x50x128xf32, #tpu.memory_space<vmem>> -> memref<1x1x25x128xf32, #tpu.memory_space<vmem>>
      %dma_wait3A_118 = tpu.memref_squeeze %dma_wait3A_117 : memref<1x1x25x128xf32, #tpu.memory_space<vmem>> -> memref<25x128xf32, #tpu.memory_space<vmem>>
      %dma_wait3A_119 = arith.constant 0 : i32
      %dma_wait3A_120 = tpu.memref_slice %arg9[%add3A_19, %dma_wait3A_119] : memref<10000x128xf32, #tpu.memory_space<vmem_shared>> -> memref<25x128xf32, #tpu.memory_space<vmem_shared>>
      %dma_wait3A_121 = arith.constant 0 : i32
      %dma_wait3A_122 = tpu.memref_slice %arg9[%add3A_19, %dma_wait3A_121] : memref<10000x128xf32, #tpu.memory_space<vmem_shared>> -> memref<25x128xf32, #tpu.memory_space<vmem_shared>>
      %dma_wait3A_123 = arith.constant 0 : i32
      %dma_wait3A_124 = arith.constant 0 : i32
      %dma_wait3A_125 = tpu.memref_slice %arg8[%run_scoped3A, %run_scoped3A_20, %dma_wait3A_123, %dma_wait3A_124] : memref<2x2x50x128xf32, #tpu.memory_space<vmem>> -> memref<1x1x25x128xf32, #tpu.memory_space<vmem>>
      %dma_wait3A_126 = tpu.memref_squeeze %dma_wait3A_125 : memref<1x1x25x128xf32, #tpu.memory_space<vmem>> -> memref<25x128xf32, #tpu.memory_space<vmem>>
      tpu.wait_dma2 semaphore(%run_scoped3A_102 : memref<!tpu.dma_semaphore, #tpu.memory_space<semaphore_mem>>) src(%dma_wait3A_126 : memref<25x128xf32, #tpu.memory_space<vmem>>) dst(%dma_wait3A_122 : memref<25x128xf32, #tpu.memory_space<vmem_shared>>)
      tpu.yield
    }) : () -> ()
    %barrier3A = arith.constant 0 : index
    tpu.barrier barrier_id(%barrier3A)
    %dma_start3A = arith.constant 0 : i32
    %dma_start3A_21 = arith.constant 0 : i32
    %dma_start3A_22 = arith.constant 0 : i32
    %dma_start3A_23 = arith.constant 0 : i32
    %dma_start3A_24 = arith.constant 0 : i32
    %dma_start3A_25 = tpu.memref_slice %arg8[%dma_start3A_21, %dma_start3A_22, %dma_start3A_23, %dma_start3A_24] : memref<2x2x50x128xf32, #tpu.memory_space<vmem>> -> memref<1x1x50x128xf32, #tpu.memory_space<vmem>>
    %dma_start3A_26 = tpu.memref_squeeze %dma_start3A_25 : memref<1x1x50x128xf32, #tpu.memory_space<vmem>> -> memref<50x128xf32, #tpu.memory_space<vmem>>
    %dma_start3A_27 = arith.constant 0 : i32
    %dma_start3A_28 = tpu.memref_slice %arg6[%dma_start3A, %dma_start3A_27] : memref<200x50xi32, #tpu.memory_space<vmem>> -> memref<1x50xi32, #tpu.memory_space<vmem>>
    %dma_start3A_29 = tpu.memref_squeeze %dma_start3A_28 : memref<1x50xi32, #tpu.memory_space<vmem>> -> memref<50xi32, #tpu.memory_space<vmem>>
    %dma_start3A_30 = arith.constant 0 : i32
    %dma_start3A_31 = arith.constant 0 : i32
    %dma_start3A_32 = tpu.memref_slice %arg2[%dma_start3A_30, %dma_start3A_31] : memref<10000x128xf32, #tpu.memory_space<hbm>> -> memref<10000x128xf32, #tpu.memory_space<hbm>>
    tpu.enqueue_indirect_dma source(%dma_start3A_32 : memref<10000x128xf32, #tpu.memory_space<hbm>>) target(%dma_start3A_26 : memref<50x128xf32, #tpu.memory_space<vmem>>) offsets(%dma_start3A_29 : memref<50xi32, #tpu.memory_space<vmem>>) semaphore(%arg10 : memref<!tpu.dma_semaphore, #tpu.memory_space<semaphore_mem>>)
    %dma_start3A_33 = arith.constant 1 : i32
    %dma_start3A_34 = arith.constant 0 : i32
    %dma_start3A_35 = arith.constant 1 : i32
    %dma_start3A_36 = arith.constant 0 : i32
    %dma_start3A_37 = arith.constant 0 : i32
    %dma_start3A_38 = tpu.memref_slice %arg8[%dma_start3A_34, %dma_start3A_35, %dma_start3A_36, %dma_start3A_37] : memref<2x2x50x128xf32, #tpu.memory_space<vmem>> -> memref<1x1x50x128xf32, #tpu.memory_space<vmem>>
    %dma_start3A_39 = tpu.memref_squeeze %dma_start3A_38 : memref<1x1x50x128xf32, #tpu.memory_space<vmem>> -> memref<50x128xf32, #tpu.memory_space<vmem>>
    %dma_start3A_40 = arith.constant 0 : i32
    %dma_start3A_41 = tpu.memref_slice %arg6[%dma_start3A_33, %dma_start3A_40] : memref<200x50xi32, #tpu.memory_space<vmem>> -> memref<1x50xi32, #tpu.memory_space<vmem>>
    %dma_start3A_42 = tpu.memref_squeeze %dma_start3A_41 : memref<1x50xi32, #tpu.memory_space<vmem>> -> memref<50xi32, #tpu.memory_space<vmem>>
    %dma_start3A_43 = arith.constant 0 : i32
    %dma_start3A_44 = arith.constant 0 : i32
    %dma_start3A_45 = tpu.memref_slice %arg2[%dma_start3A_43, %dma_start3A_44] : memref<10000x128xf32, #tpu.memory_space<hbm>> -> memref<10000x128xf32, #tpu.memory_space<hbm>>
    tpu.enqueue_indirect_dma source(%dma_start3A_45 : memref<10000x128xf32, #tpu.memory_space<hbm>>) target(%dma_start3A_39 : memref<50x128xf32, #tpu.memory_space<vmem>>) offsets(%dma_start3A_42 : memref<50xi32, #tpu.memory_space<vmem>>) semaphore(%arg10 : memref<!tpu.dma_semaphore, #tpu.memory_space<semaphore_mem>>)
    %scan3A_46 = arith.constant 0 : i32
    %scan3A_47 = arith.constant 0 : i32
    %scan3A_48 = arith.constant 50 : i32
    %scan3A_49 = arith.addi %scan3A_47, %scan3A_48 : i32
    %scan3A_50 = arith.constant 1 : i32
    %scan3A_51 = scf.for %scan3A_102 = %scan3A_47 to %scan3A_49 step %scan3A_50 iter_args(%scan3A_103 = %scan3A_46) -> (i32)  : i32 {
      %mul3A_104 = arith.constant 2 : i32
      %mul3A_105 = arith.muli %mul3A_104, %scan3A_102 : i32
      %mul3A_106 = arith.constant 2 : i32
      %mul3A_107 = arith.muli %mul3A_105, %mul3A_106 : i32
      %add3A_108 = arith.constant 2 : i32
      %add3A_109 = arith.addi %mul3A_107, %add3A_108 : i32
      %dma_wait3A_110 = arith.constant 0 : i32
      %dma_wait3A_111 = arith.constant 0 : i32
      %dma_wait3A_112 = arith.constant 0 : i32
      %dma_wait3A_113 = arith.constant 0 : i32
      %dma_wait3A_114 = tpu.memref_slice %arg8[%dma_wait3A_110, %dma_wait3A_111, %dma_wait3A_112, %dma_wait3A_113] : memref<2x2x50x128xf32, #tpu.memory_space<vmem>> -> memref<1x1x50x128xf32, #tpu.memory_space<vmem>>
      %dma_wait3A_115 = tpu.memref_squeeze %dma_wait3A_114 : memref<1x1x50x128xf32, #tpu.memory_space<vmem>> -> memref<50x128xf32, #tpu.memory_space<vmem>>
      %dma_wait3A_116 = arith.constant 0 : i32
      %dma_wait3A_117 = arith.constant 0 : i32
      %dma_wait3A_118 = tpu.memref_slice %arg2[%dma_wait3A_116, %dma_wait3A_117] : memref<10000x128xf32, #tpu.memory_space<hbm>> -> memref<50x128xf32, #tpu.memory_space<hbm>>
      %dma_wait3A_119 = arith.constant 0 : i32
      %dma_wait3A_120 = arith.constant 0 : i32
      %dma_wait3A_121 = tpu.memref_slice %arg8[%dma_wait3A_110, %dma_wait3A_111, %dma_wait3A_119, %dma_wait3A_120] : memref<2x2x50x128xf32, #tpu.memory_space<vmem>> -> memref<1x1x50x128xf32, #tpu.memory_space<vmem>>
      %dma_wait3A_122 = tpu.memref_squeeze %dma_wait3A_121 : memref<1x1x50x128xf32, #tpu.memory_space<vmem>> -> memref<50x128xf32, #tpu.memory_space<vmem>>
      %dma_wait3A_123 = arith.constant 0 : i32
      %dma_wait3A_124 = arith.constant 0 : i32
      %dma_wait3A_125 = tpu.memref_slice %arg2[%dma_wait3A_123, %dma_wait3A_124] : memref<10000x128xf32, #tpu.memory_space<hbm>> -> memref<50x128xf32, #tpu.memory_space<hbm>>
      tpu.wait_dma2 semaphore(%arg10 : memref<!tpu.dma_semaphore, #tpu.memory_space<semaphore_mem>>) src(%dma_wait3A_125 : memref<50x128xf32, #tpu.memory_space<hbm>>) dst(%dma_wait3A_122 : memref<50x128xf32, #tpu.memory_space<vmem>>)
      %dma_wait3A_126 = arith.constant 0 : i32
      %dma_wait3A_127 = arith.constant 1 : i32
      %dma_wait3A_128 = arith.constant 0 : i32
      %dma_wait3A_129 = arith.constant 0 : i32
      %dma_wait3A_130 = tpu.memref_slice %arg8[%dma_wait3A_126, %dma_wait3A_127, %dma_wait3A_128, %dma_wait3A_129] : memref<2x2x50x128xf32, #tpu.memory_space<vmem>> -> memref<1x1x50x128xf32, #tpu.memory_space<vmem>>
      %dma_wait3A_131 = tpu.memref_squeeze %dma_wait3A_130 : memref<1x1x50x128xf32, #tpu.memory_space<vmem>> -> memref<50x128xf32, #tpu.memory_space<vmem>>
      %dma_wait3A_132 = arith.constant 0 : i32
      %dma_wait3A_133 = arith.constant 0 : i32
      %dma_wait3A_134 = tpu.memref_slice %arg2[%dma_wait3A_132, %dma_wait3A_133] : memref<10000x128xf32, #tpu.memory_space<hbm>> -> memref<50x128xf32, #tpu.memory_space<hbm>>
      %dma_wait3A_135 = arith.constant 0 : i32
      %dma_wait3A_136 = arith.constant 0 : i32
      %dma_wait3A_137 = tpu.memref_slice %arg8[%dma_wait3A_126, %dma_wait3A_127, %dma_wait3A_135, %dma_wait3A_136] : memref<2x2x50x128xf32, #tpu.memory_space<vmem>> -> memref<1x1x50x128xf32, #tpu.memory_space<vmem>>
      %dma_wait3A_138 = tpu.memref_squeeze %dma_wait3A_137 : memref<1x1x50x128xf32, #tpu.memory_space<vmem>> -> memref<50x128xf32, #tpu.memory_space<vmem>>
      %dma_wait3A_139 = arith.constant 0 : i32
      %dma_wait3A_140 = arith.constant 0 : i32
      %dma_wait3A_141 = tpu.memref_slice %arg2[%dma_wait3A_139, %dma_wait3A_140] : memref<10000x128xf32, #tpu.memory_space<hbm>> -> memref<50x128xf32, #tpu.memory_space<hbm>>
      tpu.wait_dma2 semaphore(%arg10 : memref<!tpu.dma_semaphore, #tpu.memory_space<semaphore_mem>>) src(%dma_wait3A_141 : memref<50x128xf32, #tpu.memory_space<hbm>>) dst(%dma_wait3A_138 : memref<50x128xf32, #tpu.memory_space<vmem>>)
      %gt3A = arith.constant 0 : i32
      %gt3A_142 = arith.cmpi sgt, %scan3A_102, %gt3A : i32
      %convert_element_type3A = arith.extui %gt3A_142 : i1 to i32
      %cond3A = arith.constant 0 : i32
      %cond3A_143 = arith.cmpi ne, %convert_element_type3A, %cond3A : i32
      scf.if %cond3A_143 {
        %dma_wait3A_297 = arith.constant 1 : i32
        %dma_wait3A_298 = arith.constant 0 : i32
        %dma_wait3A_299 = arith.constant 0 : i32
        %dma_wait3A_300 = arith.constant 0 : i32
        %dma_wait3A_301 = tpu.memref_slice %arg8[%dma_wait3A_297, %dma_wait3A_298, %dma_wait3A_299, %dma_wait3A_300] : memref<2x2x50x128xf32, #tpu.memory_space<vmem>> -> memref<1x1x50x128xf32, #tpu.memory_space<vmem>>
        %dma_wait3A_302 = tpu.memref_squeeze %dma_wait3A_301 : memref<1x1x50x128xf32, #tpu.memory_space<vmem>> -> memref<50x128xf32, #tpu.memory_space<vmem>>
        %dma_wait3A_303 = arith.constant 0 : i32
        %dma_wait3A_304 = arith.constant 0 : i32
        %dma_wait3A_305 = tpu.memref_slice %arg9[%dma_wait3A_303, %dma_wait3A_304] : memref<10000x128xf32, #tpu.memory_space<vmem_shared>> -> memref<50x128xf32, #tpu.memory_space<vmem_shared>>
        %dma_wait3A_306 = arith.constant 0 : i32
        %dma_wait3A_307 = arith.constant 0 : i32
        %dma_wait3A_308 = tpu.memref_slice %arg9[%dma_wait3A_306, %dma_wait3A_307] : memref<10000x128xf32, #tpu.memory_space<vmem_shared>> -> memref<50x128xf32, #tpu.memory_space<vmem_shared>>
        %dma_wait3A_309 = arith.constant 0 : i32
        %dma_wait3A_310 = arith.constant 0 : i32
        %dma_wait3A_311 = tpu.memref_slice %arg8[%dma_wait3A_297, %dma_wait3A_298, %dma_wait3A_309, %dma_wait3A_310] : memref<2x2x50x128xf32, #tpu.memory_space<vmem>> -> memref<1x1x50x128xf32, #tpu.memory_space<vmem>>
        %dma_wait3A_312 = tpu.memref_squeeze %dma_wait3A_311 : memref<1x1x50x128xf32, #tpu.memory_space<vmem>> -> memref<50x128xf32, #tpu.memory_space<vmem>>
        tpu.wait_dma2 semaphore(%arg11 : memref<!tpu.dma_semaphore, #tpu.memory_space<semaphore_mem>>) src(%dma_wait3A_312 : memref<50x128xf32, #tpu.memory_space<vmem>>) dst(%dma_wait3A_308 : memref<50x128xf32, #tpu.memory_space<vmem_shared>>)
        %dma_wait3A_313 = arith.constant 1 : i32
        %dma_wait3A_314 = arith.constant 1 : i32
        %dma_wait3A_315 = arith.constant 0 : i32
        %dma_wait3A_316 = arith.constant 0 : i32
        %dma_wait3A_317 = tpu.memref_slice %arg8[%dma_wait3A_313, %dma_wait3A_314, %dma_wait3A_315, %dma_wait3A_316] : memref<2x2x50x128xf32, #tpu.memory_space<vmem>> -> memref<1x1x50x128xf32, #tpu.memory_space<vmem>>
        %dma_wait3A_318 = tpu.memref_squeeze %dma_wait3A_317 : memref<1x1x50x128xf32, #tpu.memory_space<vmem>> -> memref<50x128xf32, #tpu.memory_space<vmem>>
        %dma_wait3A_319 = arith.constant 0 : i32
        %dma_wait3A_320 = arith.constant 0 : i32
        %dma_wait3A_321 = tpu.memref_slice %arg9[%dma_wait3A_319, %dma_wait3A_320] : memref<10000x128xf32, #tpu.memory_space<vmem_shared>> -> memref<50x128xf32, #tpu.memory_space<vmem_shared>>
        %dma_wait3A_322 = arith.constant 0 : i32
        %dma_wait3A_323 = arith.constant 0 : i32
        %dma_wait3A_324 = tpu.memref_slice %arg9[%dma_wait3A_322, %dma_wait3A_323] : memref<10000x128xf32, #tpu.memory_space<vmem_shared>> -> memref<50x128xf32, #tpu.memory_space<vmem_shared>>
        %dma_wait3A_325 = arith.constant 0 : i32
        %dma_wait3A_326 = arith.constant 0 : i32
        %dma_wait3A_327 = tpu.memref_slice %arg8[%dma_wait3A_313, %dma_wait3A_314, %dma_wait3A_325, %dma_wait3A_326] : memref<2x2x50x128xf32, #tpu.memory_space<vmem>> -> memref<1x1x50x128xf32, #tpu.memory_space<vmem>>
        %dma_wait3A_328 = tpu.memref_squeeze %dma_wait3A_327 : memref<1x1x50x128xf32, #tpu.memory_space<vmem>> -> memref<50x128xf32, #tpu.memory_space<vmem>>
        tpu.wait_dma2 semaphore(%arg11 : memref<!tpu.dma_semaphore, #tpu.memory_space<semaphore_mem>>) src(%dma_wait3A_328 : memref<50x128xf32, #tpu.memory_space<vmem>>) dst(%dma_wait3A_324 : memref<50x128xf32, #tpu.memory_space<vmem_shared>>)
      } else {
      }
      %add3A_144 = arith.constant 0 : i32
      %add3A_145 = arith.addi %add3A_109, %add3A_144 : i32
      %dma_start3A_146 = arith.constant 1 : i32
      %dma_start3A_147 = arith.constant 0 : i32
      %dma_start3A_148 = arith.constant 0 : i32
      %dma_start3A_149 = arith.constant 0 : i32
      %dma_start3A_150 = tpu.memref_slice %arg8[%dma_start3A_146, %dma_start3A_147, %dma_start3A_148, %dma_start3A_149] : memref<2x2x50x128xf32, #tpu.memory_space<vmem>> -> memref<1x1x50x128xf32, #tpu.memory_space<vmem>>
      %dma_start3A_151 = tpu.memref_squeeze %dma_start3A_150 : memref<1x1x50x128xf32, #tpu.memory_space<vmem>> -> memref<50x128xf32, #tpu.memory_space<vmem>>
      %dma_start3A_152 = arith.constant 0 : i32
      %dma_start3A_153 = tpu.memref_slice %arg6[%add3A_145, %dma_start3A_152] : memref<200x50xi32, #tpu.memory_space<vmem>> -> memref<1x50xi32, #tpu.memory_space<vmem>>
      %dma_start3A_154 = tpu.memref_squeeze %dma_start3A_153 : memref<1x50xi32, #tpu.memory_space<vmem>> -> memref<50xi32, #tpu.memory_space<vmem>>
      %dma_start3A_155 = arith.constant 0 : i32
      %dma_start3A_156 = arith.constant 0 : i32
      %dma_start3A_157 = tpu.memref_slice %arg2[%dma_start3A_155, %dma_start3A_156] : memref<10000x128xf32, #tpu.memory_space<hbm>> -> memref<10000x128xf32, #tpu.memory_space<hbm>>
      tpu.enqueue_indirect_dma source(%dma_start3A_157 : memref<10000x128xf32, #tpu.memory_space<hbm>>) target(%dma_start3A_151 : memref<50x128xf32, #tpu.memory_space<vmem>>) offsets(%dma_start3A_154 : memref<50xi32, #tpu.memory_space<vmem>>) semaphore(%arg10 : memref<!tpu.dma_semaphore, #tpu.memory_space<semaphore_mem>>)
      %add3A_158 = arith.constant 1 : i32
      %add3A_159 = arith.addi %add3A_109, %add3A_158 : i32
      %dma_start3A_160 = arith.constant 1 : i32
      %dma_start3A_161 = arith.constant 1 : i32
      %dma_start3A_162 = arith.constant 0 : i32
      %dma_start3A_163 = arith.constant 0 : i32
      %dma_start3A_164 = tpu.memref_slice %arg8[%dma_start3A_160, %dma_start3A_161, %dma_start3A_162, %dma_start3A_163] : memref<2x2x50x128xf32, #tpu.memory_space<vmem>> -> memref<1x1x50x128xf32, #tpu.memory_space<vmem>>
      %dma_start3A_165 = tpu.memref_squeeze %dma_start3A_164 : memref<1x1x50x128xf32, #tpu.memory_space<vmem>> -> memref<50x128xf32, #tpu.memory_space<vmem>>
      %dma_start3A_166 = arith.constant 0 : i32
      %dma_start3A_167 = tpu.memref_slice %arg6[%add3A_159, %dma_start3A_166] : memref<200x50xi32, #tpu.memory_space<vmem>> -> memref<1x50xi32, #tpu.memory_space<vmem>>
      %dma_start3A_168 = tpu.memref_squeeze %dma_start3A_167 : memref<1x50xi32, #tpu.memory_space<vmem>> -> memref<50xi32, #tpu.memory_space<vmem>>
      %dma_start3A_169 = arith.constant 0 : i32
      %dma_start3A_170 = arith.constant 0 : i32
      %dma_start3A_171 = tpu.memref_slice %arg2[%dma_start3A_169, %dma_start3A_170] : memref<10000x128xf32, #tpu.memory_space<hbm>> -> memref<10000x128xf32, #tpu.memory_space<hbm>>
      tpu.enqueue_indirect_dma source(%dma_start3A_171 : memref<10000x128xf32, #tpu.memory_space<hbm>>) target(%dma_start3A_165 : memref<50x128xf32, #tpu.memory_space<vmem>>) offsets(%dma_start3A_168 : memref<50xi32, #tpu.memory_space<vmem>>) semaphore(%arg10 : memref<!tpu.dma_semaphore, #tpu.memory_space<semaphore_mem>>)
      %add3A_172 = arith.constant 0 : i32
      %add3A_173 = arith.addi %mul3A_107, %add3A_172 : i32
      %dma_start3A_174 = arith.constant 0 : i32
      %dma_start3A_175 = arith.constant 0 : i32
      %dma_start3A_176 = arith.constant 0 : i32
      %dma_start3A_177 = arith.constant 0 : i32
      %dma_start3A_178 = tpu.memref_slice %arg8[%dma_start3A_174, %dma_start3A_175, %dma_start3A_176, %dma_start3A_177] : memref<2x2x50x128xf32, #tpu.memory_space<vmem>> -> memref<1x1x50x128xf32, #tpu.memory_space<vmem>>
      %dma_start3A_179 = tpu.memref_squeeze %dma_start3A_178 : memref<1x1x50x128xf32, #tpu.memory_space<vmem>> -> memref<50x128xf32, #tpu.memory_space<vmem>>
      %dma_start3A_180 = arith.constant 0 : i32
      %dma_start3A_181 = tpu.memref_slice %arg7[%add3A_173, %dma_start3A_180] : memref<200x50xi32, #tpu.memory_space<vmem>> -> memref<1x50xi32, #tpu.memory_space<vmem>>
      %dma_start3A_182 = tpu.memref_squeeze %dma_start3A_181 : memref<1x50xi32, #tpu.memory_space<vmem>> -> memref<50xi32, #tpu.memory_space<vmem>>
      %dma_start3A_183 = arith.constant 0 : i32
      %dma_start3A_184 = arith.constant 0 : i32
      %dma_start3A_185 = tpu.memref_slice %arg9[%dma_start3A_183, %dma_start3A_184] : memref<10000x128xf32, #tpu.memory_space<vmem_shared>> -> memref<10000x128xf32, #tpu.memory_space<vmem_shared>>
      tpu.enqueue_indirect_dma source(%dma_start3A_179 : memref<50x128xf32, #tpu.memory_space<vmem>>) target(%dma_start3A_185 : memref<10000x128xf32, #tpu.memory_space<vmem_shared>>) offsets(%dma_start3A_182 : memref<50xi32, #tpu.memory_space<vmem>>) semaphore(%arg11 : memref<!tpu.dma_semaphore, #tpu.memory_space<semaphore_mem>>) {add = true}
      %add3A_186 = arith.constant 1 : i32
      %add3A_187 = arith.addi %mul3A_107, %add3A_186 : i32
      %dma_start3A_188 = arith.constant 0 : i32
      %dma_start3A_189 = arith.constant 1 : i32
      %dma_start3A_190 = arith.constant 0 : i32
      %dma_start3A_191 = arith.constant 0 : i32
      %dma_start3A_192 = tpu.memref_slice %arg8[%dma_start3A_188, %dma_start3A_189, %dma_start3A_190, %dma_start3A_191] : memref<2x2x50x128xf32, #tpu.memory_space<vmem>> -> memref<1x1x50x128xf32, #tpu.memory_space<vmem>>
      %dma_start3A_193 = tpu.memref_squeeze %dma_start3A_192 : memref<1x1x50x128xf32, #tpu.memory_space<vmem>> -> memref<50x128xf32, #tpu.memory_space<vmem>>
      %dma_start3A_194 = arith.constant 0 : i32
      %dma_start3A_195 = tpu.memref_slice %arg7[%add3A_187, %dma_start3A_194] : memref<200x50xi32, #tpu.memory_space<vmem>> -> memref<1x50xi32, #tpu.memory_space<vmem>>
      %dma_start3A_196 = tpu.memref_squeeze %dma_start3A_195 : memref<1x50xi32, #tpu.memory_space<vmem>> -> memref<50xi32, #tpu.memory_space<vmem>>
      %dma_start3A_197 = arith.constant 0 : i32
      %dma_start3A_198 = arith.constant 0 : i32
      %dma_start3A_199 = tpu.memref_slice %arg9[%dma_start3A_197, %dma_start3A_198] : memref<10000x128xf32, #tpu.memory_space<vmem_shared>> -> memref<10000x128xf32, #tpu.memory_space<vmem_shared>>
      tpu.enqueue_indirect_dma source(%dma_start3A_193 : memref<50x128xf32, #tpu.memory_space<vmem>>) target(%dma_start3A_199 : memref<10000x128xf32, #tpu.memory_space<vmem_shared>>) offsets(%dma_start3A_196 : memref<50xi32, #tpu.memory_space<vmem>>) semaphore(%arg11 : memref<!tpu.dma_semaphore, #tpu.memory_space<semaphore_mem>>) {add = true}
      %dma_wait3A_200 = arith.constant 1 : i32
      %dma_wait3A_201 = arith.constant 0 : i32
      %dma_wait3A_202 = arith.constant 0 : i32
      %dma_wait3A_203 = arith.constant 0 : i32
      %dma_wait3A_204 = tpu.memref_slice %arg8[%dma_wait3A_200, %dma_wait3A_201, %dma_wait3A_202, %dma_wait3A_203] : memref<2x2x50x128xf32, #tpu.memory_space<vmem>> -> memref<1x1x50x128xf32, #tpu.memory_space<vmem>>
      %dma_wait3A_205 = tpu.memref_squeeze %dma_wait3A_204 : memref<1x1x50x128xf32, #tpu.memory_space<vmem>> -> memref<50x128xf32, #tpu.memory_space<vmem>>
      %dma_wait3A_206 = arith.constant 0 : i32
      %dma_wait3A_207 = arith.constant 0 : i32
      %dma_wait3A_208 = tpu.memref_slice %arg2[%dma_wait3A_206, %dma_wait3A_207] : memref<10000x128xf32, #tpu.memory_space<hbm>> -> memref<50x128xf32, #tpu.memory_space<hbm>>
      %dma_wait3A_209 = arith.constant 0 : i32
      %dma_wait3A_210 = arith.constant 0 : i32
      %dma_wait3A_211 = tpu.memref_slice %arg8[%dma_wait3A_200, %dma_wait3A_201, %dma_wait3A_209, %dma_wait3A_210] : memref<2x2x50x128xf32, #tpu.memory_space<vmem>> -> memref<1x1x50x128xf32, #tpu.memory_space<vmem>>
      %dma_wait3A_212 = tpu.memref_squeeze %dma_wait3A_211 : memref<1x1x50x128xf32, #tpu.memory_space<vmem>> -> memref<50x128xf32, #tpu.memory_space<vmem>>
      %dma_wait3A_213 = arith.constant 0 : i32
      %dma_wait3A_214 = arith.constant 0 : i32
      %dma_wait3A_215 = tpu.memref_slice %arg2[%dma_wait3A_213, %dma_wait3A_214] : memref<10000x128xf32, #tpu.memory_space<hbm>> -> memref<50x128xf32, #tpu.memory_space<hbm>>
      tpu.wait_dma2 semaphore(%arg10 : memref<!tpu.dma_semaphore, #tpu.memory_space<semaphore_mem>>) src(%dma_wait3A_215 : memref<50x128xf32, #tpu.memory_space<hbm>>) dst(%dma_wait3A_212 : memref<50x128xf32, #tpu.memory_space<vmem>>)
      %dma_wait3A_216 = arith.constant 1 : i32
      %dma_wait3A_217 = arith.constant 1 : i32
      %dma_wait3A_218 = arith.constant 0 : i32
      %dma_wait3A_219 = arith.constant 0 : i32
      %dma_wait3A_220 = tpu.memref_slice %arg8[%dma_wait3A_216, %dma_wait3A_217, %dma_wait3A_218, %dma_wait3A_219] : memref<2x2x50x128xf32, #tpu.memory_space<vmem>> -> memref<1x1x50x128xf32, #tpu.memory_space<vmem>>
      %dma_wait3A_221 = tpu.memref_squeeze %dma_wait3A_220 : memref<1x1x50x128xf32, #tpu.memory_space<vmem>> -> memref<50x128xf32, #tpu.memory_space<vmem>>
      %dma_wait3A_222 = arith.constant 0 : i32
      %dma_wait3A_223 = arith.constant 0 : i32
      %dma_wait3A_224 = tpu.memref_slice %arg2[%dma_wait3A_222, %dma_wait3A_223] : memref<10000x128xf32, #tpu.memory_space<hbm>> -> memref<50x128xf32, #tpu.memory_space<hbm>>
      %dma_wait3A_225 = arith.constant 0 : i32
      %dma_wait3A_226 = arith.constant 0 : i32
      %dma_wait3A_227 = tpu.memref_slice %arg8[%dma_wait3A_216, %dma_wait3A_217, %dma_wait3A_225, %dma_wait3A_226] : memref<2x2x50x128xf32, #tpu.memory_space<vmem>> -> memref<1x1x50x128xf32, #tpu.memory_space<vmem>>
      %dma_wait3A_228 = tpu.memref_squeeze %dma_wait3A_227 : memref<1x1x50x128xf32, #tpu.memory_space<vmem>> -> memref<50x128xf32, #tpu.memory_space<vmem>>
      %dma_wait3A_229 = arith.constant 0 : i32
      %dma_wait3A_230 = arith.constant 0 : i32
      %dma_wait3A_231 = tpu.memref_slice %arg2[%dma_wait3A_229, %dma_wait3A_230] : memref<10000x128xf32, #tpu.memory_space<hbm>> -> memref<50x128xf32, #tpu.memory_space<hbm>>
      tpu.wait_dma2 semaphore(%arg10 : memref<!tpu.dma_semaphore, #tpu.memory_space<semaphore_mem>>) src(%dma_wait3A_231 : memref<50x128xf32, #tpu.memory_space<hbm>>) dst(%dma_wait3A_228 : memref<50x128xf32, #tpu.memory_space<vmem>>)
      %dma_wait3A_232 = arith.constant 0 : i32
      %dma_wait3A_233 = arith.constant 0 : i32
      %dma_wait3A_234 = arith.constant 0 : i32
      %dma_wait3A_235 = arith.constant 0 : i32
      %dma_wait3A_236 = tpu.memref_slice %arg8[%dma_wait3A_232, %dma_wait3A_233, %dma_wait3A_234, %dma_wait3A_235] : memref<2x2x50x128xf32, #tpu.memory_space<vmem>> -> memref<1x1x50x128xf32, #tpu.memory_space<vmem>>
      %dma_wait3A_237 = tpu.memref_squeeze %dma_wait3A_236 : memref<1x1x50x128xf32, #tpu.memory_space<vmem>> -> memref<50x128xf32, #tpu.memory_space<vmem>>
      %dma_wait3A_238 = arith.constant 0 : i32
      %dma_wait3A_239 = arith.constant 0 : i32
      %dma_wait3A_240 = tpu.memref_slice %arg9[%dma_wait3A_238, %dma_wait3A_239] : memref<10000x128xf32, #tpu.memory_space<vmem_shared>> -> memref<50x128xf32, #tpu.memory_space<vmem_shared>>
      %dma_wait3A_241 = arith.constant 0 : i32
      %dma_wait3A_242 = arith.constant 0 : i32
      %dma_wait3A_243 = tpu.memref_slice %arg9[%dma_wait3A_241, %dma_wait3A_242] : memref<10000x128xf32, #tpu.memory_space<vmem_shared>> -> memref<50x128xf32, #tpu.memory_space<vmem_shared>>
      %dma_wait3A_244 = arith.constant 0 : i32
      %dma_wait3A_245 = arith.constant 0 : i32
      %dma_wait3A_246 = tpu.memref_slice %arg8[%dma_wait3A_232, %dma_wait3A_233, %dma_wait3A_244, %dma_wait3A_245] : memref<2x2x50x128xf32, #tpu.memory_space<vmem>> -> memref<1x1x50x128xf32, #tpu.memory_space<vmem>>
      %dma_wait3A_247 = tpu.memref_squeeze %dma_wait3A_246 : memref<1x1x50x128xf32, #tpu.memory_space<vmem>> -> memref<50x128xf32, #tpu.memory_space<vmem>>
      tpu.wait_dma2 semaphore(%arg11 : memref<!tpu.dma_semaphore, #tpu.memory_space<semaphore_mem>>) src(%dma_wait3A_247 : memref<50x128xf32, #tpu.memory_space<vmem>>) dst(%dma_wait3A_243 : memref<50x128xf32, #tpu.memory_space<vmem_shared>>)
      %dma_wait3A_248 = arith.constant 0 : i32
      %dma_wait3A_249 = arith.constant 1 : i32
      %dma_wait3A_250 = arith.constant 0 : i32
      %dma_wait3A_251 = arith.constant 0 : i32
      %dma_wait3A_252 = tpu.memref_slice %arg8[%dma_wait3A_248, %dma_wait3A_249, %dma_wait3A_250, %dma_wait3A_251] : memref<2x2x50x128xf32, #tpu.memory_space<vmem>> -> memref<1x1x50x128xf32, #tpu.memory_space<vmem>>
      %dma_wait3A_253 = tpu.memref_squeeze %dma_wait3A_252 : memref<1x1x50x128xf32, #tpu.memory_space<vmem>> -> memref<50x128xf32, #tpu.memory_space<vmem>>
      %dma_wait3A_254 = arith.constant 0 : i32
      %dma_wait3A_255 = arith.constant 0 : i32
      %dma_wait3A_256 = tpu.memref_slice %arg9[%dma_wait3A_254, %dma_wait3A_255] : memref<10000x128xf32, #tpu.memory_space<vmem_shared>> -> memref<50x128xf32, #tpu.memory_space<vmem_shared>>
      %dma_wait3A_257 = arith.constant 0 : i32
      %dma_wait3A_258 = arith.constant 0 : i32
      %dma_wait3A_259 = tpu.memref_slice %arg9[%dma_wait3A_257, %dma_wait3A_258] : memref<10000x128xf32, #tpu.memory_space<vmem_shared>> -> memref<50x128xf32, #tpu.memory_space<vmem_shared>>
      %dma_wait3A_260 = arith.constant 0 : i32
      %dma_wait3A_261 = arith.constant 0 : i32
      %dma_wait3A_262 = tpu.memref_slice %arg8[%dma_wait3A_248, %dma_wait3A_249, %dma_wait3A_260, %dma_wait3A_261] : memref<2x2x50x128xf32, #tpu.memory_space<vmem>> -> memref<1x1x50x128xf32, #tpu.memory_space<vmem>>
      %dma_wait3A_263 = tpu.memref_squeeze %dma_wait3A_262 : memref<1x1x50x128xf32, #tpu.memory_space<vmem>> -> memref<50x128xf32, #tpu.memory_space<vmem>>
      tpu.wait_dma2 semaphore(%arg11 : memref<!tpu.dma_semaphore, #tpu.memory_space<semaphore_mem>>) src(%dma_wait3A_263 : memref<50x128xf32, #tpu.memory_space<vmem>>) dst(%dma_wait3A_259 : memref<50x128xf32, #tpu.memory_space<vmem_shared>>)
      %lt3A = arith.constant 49 : i32
      %lt3A_264 = arith.cmpi slt, %scan3A_102, %lt3A : i32
      %convert_element_type3A_265 = arith.extui %lt3A_264 : i1 to i32
      %cond3A_266 = arith.constant 0 : i32
      %cond3A_267 = arith.cmpi ne, %convert_element_type3A_265, %cond3A_266 : i32
      scf.if %cond3A_267 {
        %add3A_297 = arith.constant 2 : i32
        %add3A_298 = arith.addi %add3A_109, %add3A_297 : i32
        %add3A_299 = arith.constant 0 : i32
        %add3A_300 = arith.addi %add3A_298, %add3A_299 : i32
        %dma_start3A_301 = arith.constant 0 : i32
        %dma_start3A_302 = arith.constant 0 : i32
        %dma_start3A_303 = arith.constant 0 : i32
        %dma_start3A_304 = arith.constant 0 : i32
        %dma_start3A_305 = tpu.memref_slice %arg8[%dma_start3A_301, %dma_start3A_302, %dma_start3A_303, %dma_start3A_304] : memref<2x2x50x128xf32, #tpu.memory_space<vmem>> -> memref<1x1x50x128xf32, #tpu.memory_space<vmem>>
        %dma_start3A_306 = tpu.memref_squeeze %dma_start3A_305 : memref<1x1x50x128xf32, #tpu.memory_space<vmem>> -> memref<50x128xf32, #tpu.memory_space<vmem>>
        %dma_start3A_307 = arith.constant 0 : i32
        %dma_start3A_308 = tpu.memref_slice %arg6[%add3A_300, %dma_start3A_307] : memref<200x50xi32, #tpu.memory_space<vmem>> -> memref<1x50xi32, #tpu.memory_space<vmem>>
        %dma_start3A_309 = tpu.memref_squeeze %dma_start3A_308 : memref<1x50xi32, #tpu.memory_space<vmem>> -> memref<50xi32, #tpu.memory_space<vmem>>
        %dma_start3A_310 = arith.constant 0 : i32
        %dma_start3A_311 = arith.constant 0 : i32
        %dma_start3A_312 = tpu.memref_slice %arg2[%dma_start3A_310, %dma_start3A_311] : memref<10000x128xf32, #tpu.memory_space<hbm>> -> memref<10000x128xf32, #tpu.memory_space<hbm>>
        tpu.enqueue_indirect_dma source(%dma_start3A_312 : memref<10000x128xf32, #tpu.memory_space<hbm>>) target(%dma_start3A_306 : memref<50x128xf32, #tpu.memory_space<vmem>>) offsets(%dma_start3A_309 : memref<50xi32, #tpu.memory_space<vmem>>) semaphore(%arg10 : memref<!tpu.dma_semaphore, #tpu.memory_space<semaphore_mem>>)
        %add3A_313 = arith.constant 2 : i32
        %add3A_314 = arith.addi %add3A_109, %add3A_313 : i32
        %add3A_315 = arith.constant 1 : i32
        %add3A_316 = arith.addi %add3A_314, %add3A_315 : i32
        %dma_start3A_317 = arith.constant 0 : i32
        %dma_start3A_318 = arith.constant 1 : i32
        %dma_start3A_319 = arith.constant 0 : i32
        %dma_start3A_320 = arith.constant 0 : i32
        %dma_start3A_321 = tpu.memref_slice %arg8[%dma_start3A_317, %dma_start3A_318, %dma_start3A_319, %dma_start3A_320] : memref<2x2x50x128xf32, #tpu.memory_space<vmem>> -> memref<1x1x50x128xf32, #tpu.memory_space<vmem>>
        %dma_start3A_322 = tpu.memref_squeeze %dma_start3A_321 : memref<1x1x50x128xf32, #tpu.memory_space<vmem>> -> memref<50x128xf32, #tpu.memory_space<vmem>>
        %dma_start3A_323 = arith.constant 0 : i32
        %dma_start3A_324 = tpu.memref_slice %arg6[%add3A_316, %dma_start3A_323] : memref<200x50xi32, #tpu.memory_space<vmem>> -> memref<1x50xi32, #tpu.memory_space<vmem>>
        %dma_start3A_325 = tpu.memref_squeeze %dma_start3A_324 : memref<1x50xi32, #tpu.memory_space<vmem>> -> memref<50xi32, #tpu.memory_space<vmem>>
        %dma_start3A_326 = arith.constant 0 : i32
        %dma_start3A_327 = arith.constant 0 : i32
        %dma_start3A_328 = tpu.memref_slice %arg2[%dma_start3A_326, %dma_start3A_327] : memref<10000x128xf32, #tpu.memory_space<hbm>> -> memref<10000x128xf32, #tpu.memory_space<hbm>>
        tpu.enqueue_indirect_dma source(%dma_start3A_328 : memref<10000x128xf32, #tpu.memory_space<hbm>>) target(%dma_start3A_322 : memref<50x128xf32, #tpu.memory_space<vmem>>) offsets(%dma_start3A_325 : memref<50xi32, #tpu.memory_space<vmem>>) semaphore(%arg10 : memref<!tpu.dma_semaphore, #tpu.memory_space<semaphore_mem>>)
      } else {
      }
      %add3A_268 = arith.constant 0 : i32
      %add3A_269 = arith.addi %add3A_109, %add3A_268 : i32
      %dma_start3A_270 = arith.constant 1 : i32
      %dma_start3A_271 = arith.constant 0 : i32
      %dma_start3A_272 = arith.constant 0 : i32
      %dma_start3A_273 = arith.constant 0 : i32
      %dma_start3A_274 = tpu.memref_slice %arg8[%dma_start3A_270, %dma_start3A_271, %dma_start3A_272, %dma_start3A_273] : memref<2x2x50x128xf32, #tpu.memory_space<vmem>> -> memref<1x1x50x128xf32, #tpu.memory_space<vmem>>
      %dma_start3A_275 = tpu.memref_squeeze %dma_start3A_274 : memref<1x1x50x128xf32, #tpu.memory_space<vmem>> -> memref<50x128xf32, #tpu.memory_space<vmem>>
      %dma_start3A_276 = arith.constant 0 : i32
      %dma_start3A_277 = tpu.memref_slice %arg7[%add3A_269, %dma_start3A_276] : memref<200x50xi32, #tpu.memory_space<vmem>> -> memref<1x50xi32, #tpu.memory_space<vmem>>
      %dma_start3A_278 = tpu.memref_squeeze %dma_start3A_277 : memref<1x50xi32, #tpu.memory_space<vmem>> -> memref<50xi32, #tpu.memory_space<vmem>>
      %dma_start3A_279 = arith.constant 0 : i32
      %dma_start3A_280 = arith.constant 0 : i32
      %dma_start3A_281 = tpu.memref_slice %arg9[%dma_start3A_279, %dma_start3A_280] : memref<10000x128xf32, #tpu.memory_space<vmem_shared>> -> memref<10000x128xf32, #tpu.memory_space<vmem_shared>>
      tpu.enqueue_indirect_dma source(%dma_start3A_275 : memref<50x128xf32, #tpu.memory_space<vmem>>) target(%dma_start3A_281 : memref<10000x128xf32, #tpu.memory_space<vmem_shared>>) offsets(%dma_start3A_278 : memref<50xi32, #tpu.memory_space<vmem>>) semaphore(%arg11 : memref<!tpu.dma_semaphore, #tpu.memory_space<semaphore_mem>>) {add = true}
      %add3A_282 = arith.constant 1 : i32
      %add3A_283 = arith.addi %add3A_109, %add3A_282 : i32
      %dma_start3A_284 = arith.constant 1 : i32
      %dma_start3A_285 = arith.constant 1 : i32
      %dma_start3A_286 = arith.constant 0 : i32
      %dma_start3A_287 = arith.constant 0 : i32
      %dma_start3A_288 = tpu.memref_slice %arg8[%dma_start3A_284, %dma_start3A_285, %dma_start3A_286, %dma_start3A_287] : memref<2x2x50x128xf32, #tpu.memory_space<vmem>> -> memref<1x1x50x128xf32, #tpu.memory_space<vmem>>
      %dma_start3A_289 = tpu.memref_squeeze %dma_start3A_288 : memref<1x1x50x128xf32, #tpu.memory_space<vmem>> -> memref<50x128xf32, #tpu.memory_space<vmem>>
      %dma_start3A_290 = arith.constant 0 : i32
      %dma_start3A_291 = tpu.memref_slice %arg7[%add3A_283, %dma_start3A_290] : memref<200x50xi32, #tpu.memory_space<vmem>> -> memref<1x50xi32, #tpu.memory_space<vmem>>
      %dma_start3A_292 = tpu.memref_squeeze %dma_start3A_291 : memref<1x50xi32, #tpu.memory_space<vmem>> -> memref<50xi32, #tpu.memory_space<vmem>>
      %dma_start3A_293 = arith.constant 0 : i32
      %dma_start3A_294 = arith.constant 0 : i32
      %dma_start3A_295 = tpu.memref_slice %arg9[%dma_start3A_293, %dma_start3A_294] : memref<10000x128xf32, #tpu.memory_space<vmem_shared>> -> memref<10000x128xf32, #tpu.memory_space<vmem_shared>>
      tpu.enqueue_indirect_dma source(%dma_start3A_289 : memref<50x128xf32, #tpu.memory_space<vmem>>) target(%dma_start3A_295 : memref<10000x128xf32, #tpu.memory_space<vmem_shared>>) offsets(%dma_start3A_292 : memref<50xi32, #tpu.memory_space<vmem>>) semaphore(%arg11 : memref<!tpu.dma_semaphore, #tpu.memory_space<semaphore_mem>>) {add = true}
      %scan3A_296 = arith.constant 0 : i32
      scf.yield %scan3A_296 : i32
    }
    %scan3A_52 = arith.constant 50 : i32
    %dma_wait3A = arith.constant 1 : i32
    %dma_wait3A_53 = arith.constant 0 : i32
    %dma_wait3A_54 = arith.constant 0 : i32
    %dma_wait3A_55 = arith.constant 0 : i32
    %dma_wait3A_56 = tpu.memref_slice %arg8[%dma_wait3A, %dma_wait3A_53, %dma_wait3A_54, %dma_wait3A_55] : memref<2x2x50x128xf32, #tpu.memory_space<vmem>> -> memref<1x1x50x128xf32, #tpu.memory_space<vmem>>
    %dma_wait3A_57 = tpu.memref_squeeze %dma_wait3A_56 : memref<1x1x50x128xf32, #tpu.memory_space<vmem>> -> memref<50x128xf32, #tpu.memory_space<vmem>>
    %dma_wait3A_58 = arith.constant 0 : i32
    %dma_wait3A_59 = arith.constant 0 : i32
    %dma_wait3A_60 = tpu.memref_slice %arg9[%dma_wait3A_58, %dma_wait3A_59] : memref<10000x128xf32, #tpu.memory_space<vmem_shared>> -> memref<50x128xf32, #tpu.memory_space<vmem_shared>>
    %dma_wait3A_61 = arith.constant 0 : i32
    %dma_wait3A_62 = arith.constant 0 : i32
    %dma_wait3A_63 = tpu.memref_slice %arg9[%dma_wait3A_61, %dma_wait3A_62] : memref<10000x128xf32, #tpu.memory_space<vmem_shared>> -> memref<50x128xf32, #tpu.memory_space<vmem_shared>>
    %dma_wait3A_64 = arith.constant 0 : i32
    %dma_wait3A_65 = arith.constant 0 : i32
    %dma_wait3A_66 = tpu.memref_slice %arg8[%dma_wait3A, %dma_wait3A_53, %dma_wait3A_64, %dma_wait3A_65] : memref<2x2x50x128xf32, #tpu.memory_space<vmem>> -> memref<1x1x50x128xf32, #tpu.memory_space<vmem>>
    %dma_wait3A_67 = tpu.memref_squeeze %dma_wait3A_66 : memref<1x1x50x128xf32, #tpu.memory_space<vmem>> -> memref<50x128xf32, #tpu.memory_space<vmem>>
    tpu.wait_dma2 semaphore(%arg11 : memref<!tpu.dma_semaphore, #tpu.memory_space<semaphore_mem>>) src(%dma_wait3A_67 : memref<50x128xf32, #tpu.memory_space<vmem>>) dst(%dma_wait3A_63 : memref<50x128xf32, #tpu.memory_space<vmem_shared>>)
    %dma_wait3A_68 = arith.constant 1 : i32
    %dma_wait3A_69 = arith.constant 1 : i32
    %dma_wait3A_70 = arith.constant 0 : i32
    %dma_wait3A_71 = arith.constant 0 : i32
    %dma_wait3A_72 = tpu.memref_slice %arg8[%dma_wait3A_68, %dma_wait3A_69, %dma_wait3A_70, %dma_wait3A_71] : memref<2x2x50x128xf32, #tpu.memory_space<vmem>> -> memref<1x1x50x128xf32, #tpu.memory_space<vmem>>
    %dma_wait3A_73 = tpu.memref_squeeze %dma_wait3A_72 : memref<1x1x50x128xf32, #tpu.memory_space<vmem>> -> memref<50x128xf32, #tpu.memory_space<vmem>>
    %dma_wait3A_74 = arith.constant 0 : i32
    %dma_wait3A_75 = arith.constant 0 : i32
    %dma_wait3A_76 = tpu.memref_slice %arg9[%dma_wait3A_74, %dma_wait3A_75] : memref<10000x128xf32, #tpu.memory_space<vmem_shared>> -> memref<50x128xf32, #tpu.memory_space<vmem_shared>>
    %dma_wait3A_77 = arith.constant 0 : i32
    %dma_wait3A_78 = arith.constant 0 : i32
    %dma_wait3A_79 = tpu.memref_slice %arg9[%dma_wait3A_77, %dma_wait3A_78] : memref<10000x128xf32, #tpu.memory_space<vmem_shared>> -> memref<50x128xf32, #tpu.memory_space<vmem_shared>>
    %dma_wait3A_80 = arith.constant 0 : i32
    %dma_wait3A_81 = arith.constant 0 : i32
    %dma_wait3A_82 = tpu.memref_slice %arg8[%dma_wait3A_68, %dma_wait3A_69, %dma_wait3A_80, %dma_wait3A_81] : memref<2x2x50x128xf32, #tpu.memory_space<vmem>> -> memref<1x1x50x128xf32, #tpu.memory_space<vmem>>
    %dma_wait3A_83 = tpu.memref_squeeze %dma_wait3A_82 : memref<1x1x50x128xf32, #tpu.memory_space<vmem>> -> memref<50x128xf32, #tpu.memory_space<vmem>>
    tpu.wait_dma2 semaphore(%arg11 : memref<!tpu.dma_semaphore, #tpu.memory_space<semaphore_mem>>) src(%dma_wait3A_83 : memref<50x128xf32, #tpu.memory_space<vmem>>) dst(%dma_wait3A_79 : memref<50x128xf32, #tpu.memory_space<vmem_shared>>)
    %barrier3A_84 = arith.constant 0 : index
    tpu.barrier barrier_id(%barrier3A_84)
    %scan3A_85 = arith.constant 0 : i32
    %scan3A_86 = arith.constant 0 : i32
    %scan3A_87 = arith.constant 0 : i32
    %scan3A_88 = arith.constant 0 : i32
    %scan3A_89 = arith.constant 12 : i32
    %scan3A_90 = arith.addi %scan3A_88, %scan3A_89 : i32
    %scan3A_91 = arith.constant 1 : i32
    %scan3A_92 = scf.for %scan3A_102 = %scan3A_88 to %scan3A_90 step %scan3A_91 iter_args(%scan3A_103 = %scan3A_87) -> (i32)  : i32 {
      %mul3A_104 = arith.constant 50 : i32
      %mul3A_105 = arith.muli %scan3A_102, %mul3A_104 : i32
      %add3A_106 = arith.addi %mul3A_2, %mul3A_105 : i32
      "tpu.region"() ({
        %run_scoped3A_111 = tpu.sem_alloc : memref<!tpu.dma_semaphore, #tpu.memory_space<semaphore_mem>>
        %dma_start3A_112 = arith.constant 0 : i32
        %dma_start3A_113 = arith.constant 0 : i32
        %dma_start3A_114 = tpu.memref_slice %arg8[%scan3A_85, %scan3A_86, %dma_start3A_112, %dma_start3A_113] : memref<2x2x50x128xf32, #tpu.memory_space<vmem>> -> memref<1x1x50x128xf32, #tpu.memory_space<vmem>>
        %dma_start3A_115 = tpu.memref_squeeze %dma_start3A_114 : memref<1x1x50x128xf32, #tpu.memory_space<vmem>> -> memref<50x128xf32, #tpu.memory_space<vmem>>
        %dma_start3A_116 = arith.constant 0 : i32
        %dma_start3A_117 = tpu.memref_slice %arg9[%add3A_106, %dma_start3A_116] : memref<10000x128xf32, #tpu.memory_space<vmem_shared>> -> memref<50x128xf32, #tpu.memory_space<vmem_shared>>
        %dma_start3A_118 = arith.constant 0 : i32
        %dma_start3A_119 = arith.constant 0 : i32
        %dma_start3A_120 = tpu.memref_slice %arg8[%scan3A_85, %scan3A_86, %dma_start3A_118, %dma_start3A_119] : memref<2x2x50x128xf32, #tpu.memory_space<vmem>> -> memref<1x1x50x128xf32, #tpu.memory_space<vmem>>
        %dma_start3A_121 = tpu.memref_squeeze %dma_start3A_120 : memref<1x1x50x128xf32, #tpu.memory_space<vmem>> -> memref<50x128xf32, #tpu.memory_space<vmem>>
        %dma_start3A_122 = arith.constant 0 : i32
        %dma_start3A_123 = tpu.memref_slice %arg9[%add3A_106, %dma_start3A_122] : memref<10000x128xf32, #tpu.memory_space<vmem_shared>> -> memref<50x128xf32, #tpu.memory_space<vmem_shared>>
        tpu.enqueue_dma source(%dma_start3A_123 : memref<50x128xf32, #tpu.memory_space<vmem_shared>>) target(%dma_start3A_121 : memref<50x128xf32, #tpu.memory_space<vmem>>) target_semaphore(%run_scoped3A_111 : memref<!tpu.dma_semaphore, #tpu.memory_space<semaphore_mem>>)
        %dma_wait3A_124 = arith.constant 0 : i32
        %dma_wait3A_125 = arith.constant 0 : i32
        %dma_wait3A_126 = tpu.memref_slice %arg8[%scan3A_85, %scan3A_86, %dma_wait3A_124, %dma_wait3A_125] : memref<2x2x50x128xf32, #tpu.memory_space<vmem>> -> memref<1x1x50x128xf32, #tpu.memory_space<vmem>>
        %dma_wait3A_127 = tpu.memref_squeeze %dma_wait3A_126 : memref<1x1x50x128xf32, #tpu.memory_space<vmem>> -> memref<50x128xf32, #tpu.memory_space<vmem>>
        %dma_wait3A_128 = arith.constant 0 : i32
        %dma_wait3A_129 = tpu.memref_slice %arg9[%add3A_106, %dma_wait3A_128] : memref<10000x128xf32, #tpu.memory_space<vmem_shared>> -> memref<50x128xf32, #tpu.memory_space<vmem_shared>>
        %dma_wait3A_130 = arith.constant 0 : i32
        %dma_wait3A_131 = arith.constant 0 : i32
        %dma_wait3A_132 = tpu.memref_slice %arg8[%scan3A_85, %scan3A_86, %dma_wait3A_130, %dma_wait3A_131] : memref<2x2x50x128xf32, #tpu.memory_space<vmem>> -> memref<1x1x50x128xf32, #tpu.memory_space<vmem>>
        %dma_wait3A_133 = tpu.memref_squeeze %dma_wait3A_132 : memref<1x1x50x128xf32, #tpu.memory_space<vmem>> -> memref<50x128xf32, #tpu.memory_space<vmem>>
        %dma_wait3A_134 = arith.constant 0 : i32
        %dma_wait3A_135 = tpu.memref_slice %arg9[%add3A_106, %dma_wait3A_134] : memref<10000x128xf32, #tpu.memory_space<vmem_shared>> -> memref<50x128xf32, #tpu.memory_space<vmem_shared>>
        tpu.wait_dma2 semaphore(%run_scoped3A_111 : memref<!tpu.dma_semaphore, #tpu.memory_space<semaphore_mem>>) src(%dma_wait3A_135 : memref<50x128xf32, #tpu.memory_space<vmem_shared>>) dst(%dma_wait3A_133 : memref<50x128xf32, #tpu.memory_space<vmem>>)
        tpu.yield
      }) : () -> ()
      %mul3A_107 = arith.constant 50 : i32
      %mul3A_108 = arith.muli %scan3A_102, %mul3A_107 : i32
      %add3A_109 = arith.addi %mul3A_2, %mul3A_108 : i32
      "tpu.region"() ({
        %run_scoped3A_111 = tpu.sem_alloc : memref<!tpu.dma_semaphore, #tpu.memory_space<semaphore_mem>>
        %dma_start3A_112 = arith.constant 0 : i32
        %dma_start3A_113 = arith.constant 0 : i32
        %dma_start3A_114 = tpu.memref_slice %arg8[%scan3A_85, %scan3A_86, %dma_start3A_112, %dma_start3A_113] : memref<2x2x50x128xf32, #tpu.memory_space<vmem>> -> memref<1x1x50x128xf32, #tpu.memory_space<vmem>>
        %dma_start3A_115 = tpu.memref_squeeze %dma_start3A_114 : memref<1x1x50x128xf32, #tpu.memory_space<vmem>> -> memref<50x128xf32, #tpu.memory_space<vmem>>
        %dma_start3A_116 = arith.constant 0 : i32
        %dma_start3A_117 = tpu.memref_slice %arg5[%arg0, %add3A_109, %dma_start3A_116] : memref<2x10000x128xf32, #tpu.memory_space<hbm>> -> memref<1x50x128xf32, #tpu.memory_space<hbm>>
        %dma_start3A_118 = tpu.memref_squeeze %dma_start3A_117 : memref<1x50x128xf32, #tpu.memory_space<hbm>> -> memref<50x128xf32, #tpu.memory_space<hbm>>
        %dma_start3A_119 = arith.constant 0 : i32
        %dma_start3A_120 = tpu.memref_slice %arg5[%arg0, %add3A_109, %dma_start3A_119] : memref<2x10000x128xf32, #tpu.memory_space<hbm>> -> memref<1x50x128xf32, #tpu.memory_space<hbm>>
        %dma_start3A_121 = tpu.memref_squeeze %dma_start3A_120 : memref<1x50x128xf32, #tpu.memory_space<hbm>> -> memref<50x128xf32, #tpu.memory_space<hbm>>
        %dma_start3A_122 = arith.constant 0 : i32
        %dma_start3A_123 = arith.constant 0 : i32
        %dma_start3A_124 = tpu.memref_slice %arg8[%scan3A_85, %scan3A_86, %dma_start3A_122, %dma_start3A_123] : memref<2x2x50x128xf32, #tpu.memory_space<vmem>> -> memref<1x1x50x128xf32, #tpu.memory_space<vmem>>
        %dma_start3A_125 = tpu.memref_squeeze %dma_start3A_124 : memref<1x1x50x128xf32, #tpu.memory_space<vmem>> -> memref<50x128xf32, #tpu.memory_space<vmem>>
        tpu.enqueue_dma source(%dma_start3A_125 : memref<50x128xf32, #tpu.memory_space<vmem>>) target(%dma_start3A_121 : memref<50x128xf32, #tpu.memory_space<hbm>>) target_semaphore(%run_scoped3A_111 : memref<!tpu.dma_semaphore, #tpu.memory_space<semaphore_mem>>)
        %dma_wait3A_126 = arith.constant 0 : i32
        %dma_wait3A_127 = arith.constant 0 : i32
        %dma_wait3A_128 = tpu.memref_slice %arg8[%scan3A_85, %scan3A_86, %dma_wait3A_126, %dma_wait3A_127] : memref<2x2x50x128xf32, #tpu.memory_space<vmem>> -> memref<1x1x50x128xf32, #tpu.memory_space<vmem>>
        %dma_wait3A_129 = tpu.memref_squeeze %dma_wait3A_128 : memref<1x1x50x128xf32, #tpu.memory_space<vmem>> -> memref<50x128xf32, #tpu.memory_space<vmem>>
        %dma_wait3A_130 = arith.constant 0 : i32
        %dma_wait3A_131 = tpu.memref_slice %arg5[%arg0, %add3A_109, %dma_wait3A_130] : memref<2x10000x128xf32, #tpu.memory_space<hbm>> -> memref<1x50x128xf32, #tpu.memory_space<hbm>>
        %dma_wait3A_132 = tpu.memref_squeeze %dma_wait3A_131 : memref<1x50x128xf32, #tpu.memory_space<hbm>> -> memref<50x128xf32, #tpu.memory_space<hbm>>
        %dma_wait3A_133 = arith.constant 0 : i32
        %dma_wait3A_134 = tpu.memref_slice %arg5[%arg0, %add3A_109, %dma_wait3A_133] : memref<2x10000x128xf32, #tpu.memory_space<hbm>> -> memref<1x50x128xf32, #tpu.memory_space<hbm>>
        %dma_wait3A_135 = tpu.memref_squeeze %dma_wait3A_134 : memref<1x50x128xf32, #tpu.memory_space<hbm>> -> memref<50x128xf32, #tpu.memory_space<hbm>>
        %dma_wait3A_136 = arith.constant 0 : i32
        %dma_wait3A_137 = arith.constant 0 : i32
        %dma_wait3A_138 = tpu.memref_slice %arg8[%scan3A_85, %scan3A_86, %dma_wait3A_136, %dma_wait3A_137] : memref<2x2x50x128xf32, #tpu.memory_space<vmem>> -> memref<1x1x50x128xf32, #tpu.memory_space<vmem>>
        %dma_wait3A_139 = tpu.memref_squeeze %dma_wait3A_138 : memref<1x1x50x128xf32, #tpu.memory_space<vmem>> -> memref<50x128xf32, #tpu.memory_space<vmem>>
        tpu.wait_dma2 semaphore(%run_scoped3A_111 : memref<!tpu.dma_semaphore, #tpu.memory_space<semaphore_mem>>) src(%dma_wait3A_139 : memref<50x128xf32, #tpu.memory_space<vmem>>) dst(%dma_wait3A_135 : memref<50x128xf32, #tpu.memory_space<hbm>>)
        tpu.yield
      }) : () -> ()
      %scan3A_110 = arith.constant 0 : i32
      scf.yield %scan3A_110 : i32
    }
    %scan3A_93 = arith.constant 12 : i32
    %add3A_94 = arith.constant 600 : i32
    %add3A_95 = arith.addi %mul3A_2, %add3A_94 : i32
    %run_scoped3A_96 = arith.constant 0 : i32
    %run_scoped3A_97 = arith.constant 0 : i32
    "tpu.region"() ({
      %run_scoped3A_102 = tpu.sem_alloc : memref<!tpu.dma_semaphore, #tpu.memory_space<semaphore_mem>>
      %dma_start3A_103 = arith.constant 0 : i32
      %dma_start3A_104 = arith.constant 0 : i32
      %dma_start3A_105 = tpu.memref_slice %arg8[%run_scoped3A_96, %run_scoped3A_97, %dma_start3A_103, %dma_start3A_104] : memref<2x2x50x128xf32, #tpu.memory_space<vmem>> -> memref<1x1x25x128xf32, #tpu.memory_space<vmem>>
      %dma_start3A_106 = tpu.memref_squeeze %dma_start3A_105 : memref<1x1x25x128xf32, #tpu.memory_space<vmem>> -> memref<25x128xf32, #tpu.memory_space<vmem>>
      %dma_start3A_107 = arith.constant 0 : i32
      %dma_start3A_108 = tpu.memref_slice %arg9[%add3A_95, %dma_start3A_107] : memref<10000x128xf32, #tpu.memory_space<vmem_shared>> -> memref<25x128xf32, #tpu.memory_space<vmem_shared>>
      %dma_start3A_109 = arith.constant 0 : i32
      %dma_start3A_110 = arith.constant 0 : i32
      %dma_start3A_111 = tpu.memref_slice %arg8[%run_scoped3A_96, %run_scoped3A_97, %dma_start3A_109, %dma_start3A_110] : memref<2x2x50x128xf32, #tpu.memory_space<vmem>> -> memref<1x1x25x128xf32, #tpu.memory_space<vmem>>
      %dma_start3A_112 = tpu.memref_squeeze %dma_start3A_111 : memref<1x1x25x128xf32, #tpu.memory_space<vmem>> -> memref<25x128xf32, #tpu.memory_space<vmem>>
      %dma_start3A_113 = arith.constant 0 : i32
      %dma_start3A_114 = tpu.memref_slice %arg9[%add3A_95, %dma_start3A_113] : memref<10000x128xf32, #tpu.memory_space<vmem_shared>> -> memref<25x128xf32, #tpu.memory_space<vmem_shared>>
      tpu.enqueue_dma source(%dma_start3A_114 : memref<25x128xf32, #tpu.memory_space<vmem_shared>>) target(%dma_start3A_112 : memref<25x128xf32, #tpu.memory_space<vmem>>) target_semaphore(%run_scoped3A_102 : memref<!tpu.dma_semaphore, #tpu.memory_space<semaphore_mem>>)
      %dma_wait3A_115 = arith.constant 0 : i32
      %dma_wait3A_116 = arith.constant 0 : i32
      %dma_wait3A_117 = tpu.memref_slice %arg8[%run_scoped3A_96, %run_scoped3A_97, %dma_wait3A_115, %dma_wait3A_116] : memref<2x2x50x128xf32, #tpu.memory_space<vmem>> -> memref<1x1x25x128xf32, #tpu.memory_space<vmem>>
      %dma_wait3A_118 = tpu.memref_squeeze %dma_wait3A_117 : memref<1x1x25x128xf32, #tpu.memory_space<vmem>> -> memref<25x128xf32, #tpu.memory_space<vmem>>
      %dma_wait3A_119 = arith.constant 0 : i32
      %dma_wait3A_120 = tpu.memref_slice %arg9[%add3A_95, %dma_wait3A_119] : memref<10000x128xf32, #tpu.memory_space<vmem_shared>> -> memref<25x128xf32, #tpu.memory_space<vmem_shared>>
      %dma_wait3A_121 = arith.constant 0 : i32
      %dma_wait3A_122 = arith.constant 0 : i32
      %dma_wait3A_123 = tpu.memref_slice %arg8[%run_scoped3A_96, %run_scoped3A_97, %dma_wait3A_121, %dma_wait3A_122] : memref<2x2x50x128xf32, #tpu.memory_space<vmem>> -> memref<1x1x25x128xf32, #tpu.memory_space<vmem>>
      %dma_wait3A_124 = tpu.memref_squeeze %dma_wait3A_123 : memref<1x1x25x128xf32, #tpu.memory_space<vmem>> -> memref<25x128xf32, #tpu.memory_space<vmem>>
      %dma_wait3A_125 = arith.constant 0 : i32
      %dma_wait3A_126 = tpu.memref_slice %arg9[%add3A_95, %dma_wait3A_125] : memref<10000x128xf32, #tpu.memory_space<vmem_shared>> -> memref<25x128xf32, #tpu.memory_space<vmem_shared>>
      tpu.wait_dma2 semaphore(%run_scoped3A_102 : memref<!tpu.dma_semaphore, #tpu.memory_space<semaphore_mem>>) src(%dma_wait3A_126 : memref<25x128xf32, #tpu.memory_space<vmem_shared>>) dst(%dma_wait3A_124 : memref<25x128xf32, #tpu.memory_space<vmem>>)
      tpu.yield
    }) : () -> ()
    %add3A_98 = arith.constant 600 : i32
    %add3A_99 = arith.addi %mul3A_2, %add3A_98 : i32
    %run_scoped3A_100 = arith.constant 0 : i32
    %run_scoped3A_101 = arith.constant 0 : i32
    "tpu.region"() ({
      %run_scoped3A_102 = tpu.sem_alloc : memref<!tpu.dma_semaphore, #tpu.memory_space<semaphore_mem>>
      %dma_start3A_103 = arith.constant 0 : i32
      %dma_start3A_104 = arith.constant 0 : i32
      %dma_start3A_105 = tpu.memref_slice %arg8[%run_scoped3A_100, %run_scoped3A_101, %dma_start3A_103, %dma_start3A_104] : memref<2x2x50x128xf32, #tpu.memory_space<vmem>> -> memref<1x1x25x128xf32, #tpu.memory_space<vmem>>
      %dma_start3A_106 = tpu.memref_squeeze %dma_start3A_105 : memref<1x1x25x128xf32, #tpu.memory_space<vmem>> -> memref<25x128xf32, #tpu.memory_space<vmem>>
      %dma_start3A_107 = arith.constant 0 : i32
      %dma_start3A_108 = tpu.memref_slice %arg5[%arg0, %add3A_99, %dma_start3A_107] : memref<2x10000x128xf32, #tpu.memory_space<hbm>> -> memref<1x25x128xf32, #tpu.memory_space<hbm>>
      %dma_start3A_109 = tpu.memref_squeeze %dma_start3A_108 : memref<1x25x128xf32, #tpu.memory_space<hbm>> -> memref<25x128xf32, #tpu.memory_space<hbm>>
      %dma_start3A_110 = arith.constant 0 : i32
      %dma_start3A_111 = tpu.memref_slice %arg5[%arg0, %add3A_99, %dma_start3A_110] : memref<2x10000x128xf32, #tpu.memory_space<hbm>> -> memref<1x25x128xf32, #tpu.memory_space<hbm>>
      %dma_start3A_112 = tpu.memref_squeeze %dma_start3A_111 : memref<1x25x128xf32, #tpu.memory_space<hbm>> -> memref<25x128xf32, #tpu.memory_space<hbm>>
      %dma_start3A_113 = arith.constant 0 : i32
      %dma_start3A_114 = arith.constant 0 : i32
      %dma_start3A_115 = tpu.memref_slice %arg8[%run_scoped3A_100, %run_scoped3A_101, %dma_start3A_113, %dma_start3A_114] : memref<2x2x50x128xf32, #tpu.memory_space<vmem>> -> memref<1x1x25x128xf32, #tpu.memory_space<vmem>>
      %dma_start3A_116 = tpu.memref_squeeze %dma_start3A_115 : memref<1x1x25x128xf32, #tpu.memory_space<vmem>> -> memref<25x128xf32, #tpu.memory_space<vmem>>
      tpu.enqueue_dma source(%dma_start3A_116 : memref<25x128xf32, #tpu.memory_space<vmem>>) target(%dma_start3A_112 : memref<25x128xf32, #tpu.memory_space<hbm>>) target_semaphore(%run_scoped3A_102 : memref<!tpu.dma_semaphore, #tpu.memory_space<semaphore_mem>>)
      %dma_wait3A_117 = arith.constant 0 : i32
      %dma_wait3A_118 = arith.constant 0 : i32
      %dma_wait3A_119 = tpu.memref_slice %arg8[%run_scoped3A_100, %run_scoped3A_101, %dma_wait3A_117, %dma_wait3A_118] : memref<2x2x50x128xf32, #tpu.memory_space<vmem>> -> memref<1x1x25x128xf32, #tpu.memory_space<vmem>>
      %dma_wait3A_120 = tpu.memref_squeeze %dma_wait3A_119 : memref<1x1x25x128xf32, #tpu.memory_space<vmem>> -> memref<25x128xf32, #tpu.memory_space<vmem>>
      %dma_wait3A_121 = arith.constant 0 : i32
      %dma_wait3A_122 = tpu.memref_slice %arg5[%arg0, %add3A_99, %dma_wait3A_121] : memref<2x10000x128xf32, #tpu.memory_space<hbm>> -> memref<1x25x128xf32, #tpu.memory_space<hbm>>
      %dma_wait3A_123 = tpu.memref_squeeze %dma_wait3A_122 : memref<1x25x128xf32, #tpu.memory_space<hbm>> -> memref<25x128xf32, #tpu.memory_space<hbm>>
      %dma_wait3A_124 = arith.constant 0 : i32
      %dma_wait3A_125 = tpu.memref_slice %arg5[%arg0, %add3A_99, %dma_wait3A_124] : memref<2x10000x128xf32, #tpu.memory_space<hbm>> -> memref<1x25x128xf32, #tpu.memory_space<hbm>>
      %dma_wait3A_126 = tpu.memref_squeeze %dma_wait3A_125 : memref<1x25x128xf32, #tpu.memory_space<hbm>> -> memref<25x128xf32, #tpu.memory_space<hbm>>
      %dma_wait3A_127 = arith.constant 0 : i32
      %dma_wait3A_128 = arith.constant 0 : i32
      %dma_wait3A_129 = tpu.memref_slice %arg8[%run_scoped3A_100, %run_scoped3A_101, %dma_wait3A_127, %dma_wait3A_128] : memref<2x2x50x128xf32, #tpu.memory_space<vmem>> -> memref<1x1x25x128xf32, #tpu.memory_space<vmem>>
      %dma_wait3A_130 = tpu.memref_squeeze %dma_wait3A_129 : memref<1x1x25x128xf32, #tpu.memory_space<vmem>> -> memref<25x128xf32, #tpu.memory_space<vmem>>
      tpu.wait_dma2 semaphore(%run_scoped3A_102 : memref<!tpu.dma_semaphore, #tpu.memory_space<semaphore_mem>>) src(%dma_wait3A_130 : memref<25x128xf32, #tpu.memory_space<vmem>>) dst(%dma_wait3A_126 : memref<25x128xf32, #tpu.memory_space<hbm>>)
      tpu.yield
    }) : () -> ()
    return
  }
}

#map = affine_map<(d0, d1) -> (0, 0, 0)>
module attributes {stable_mosaic.version = 14 : i64} {
  func.func @deg_kernel(%arg0: i32, %arg1: i32, %arg2: memref<32x80x125xi32, #tpu.memory_space<hbm>>, %arg3: memref<2x10000x16xf32, #tpu.memory_space<hbm>>, %arg4: memref<80x125xi32, #tpu.memory_space<vmem>>, %arg5: memref<125x16xf32, #tpu.memory_space<vmem>>, %arg6: memref<625x16xf32, #tpu.memory_space<vmem>>, %arg7: memref<10000x16xf32, #tpu.memory_space<vmem_shared>>, %arg8: memref<!tpu.dma_semaphore, #tpu.memory_space<semaphore_mem>>) attributes {dimension_semantics = [#tpu.dimension_semantics<core_parallel>, #tpu.dimension_semantics<subcore_parallel>], iteration_bounds = array<i64: 2, 16>, scalar_prefetch = 0 : i64, scratch_operands = 5 : i64, tpu.core_type = #tpu.core_type<sc_vector_subcore>, window_params = [{transform_indices = #map}, {transform_indices = #map}]} {
    %mul3A = arith.constant 16 : i32
    %mul3A_0 = arith.muli %arg0, %mul3A : i32
    %add3A = arith.addi %mul3A_0, %arg1 : i32
    %mul3A_1 = arith.constant 625 : i32
    %mul3A_2 = arith.muli %arg1, %mul3A_1 : i32
    %scan3A = arith.constant 0 : i32
    %scan3A_3 = arith.constant 0 : i32
    %scan3A_4 = arith.constant 625 : i32
    %scan3A_5 = arith.addi %scan3A_3, %scan3A_4 : i32
    %scan3A_6 = arith.constant 1 : i32
    %scan3A_7 = scf.for %scan3A_71 = %scan3A_3 to %scan3A_5 step %scan3A_6 iter_args(%scan3A_72 = %scan3A) -> (i32)  : i32 {
      %broadcast_in_dim3A = arith.constant 0.000000e+00 : f32
      %broadcast_in_dim3A_73 = vector.broadcast %broadcast_in_dim3A : f32 to vector<16xf32>
      %swap3A = arith.index_cast %scan3A_71 : i32 to index
      %swap3A_74 = arith.constant 0 : index
      %swap3A_75 = tpu.vector_load %arg6[%swap3A, %swap3A_74] {strides = array<i32>} : memref<625x16xf32, #tpu.memory_space<vmem>>, vector<1x16xf32>,
      %swap3A_76 = vector.shape_cast %swap3A_75 : vector<1x16xf32> to vector<16xf32>
      %swap3A_77 = vector.shape_cast %broadcast_in_dim3A_73 : vector<16xf32> to vector<1x16xf32>
      tpu.vector_store %arg6[%swap3A, %swap3A_74], %swap3A_77 {strides = array<i32>} : memref<625x16xf32, #tpu.memory_space<vmem>>, vector<1x16xf32>,
      %scan3A_78 = arith.constant 0 : i32
      scf.yield %scan3A_78 : i32
    }
    %scan3A_8 = arith.constant 625 : i32
    %scan3A_9 = arith.constant 0 : i32
    %scan3A_10 = arith.constant 0 : i32
    %scan3A_11 = arith.constant 125 : i32
    %scan3A_12 = arith.addi %scan3A_10, %scan3A_11 : i32
    %scan3A_13 = arith.constant 1 : i32
    %scan3A_14 = scf.for %scan3A_71 = %scan3A_10 to %scan3A_12 step %scan3A_13 iter_args(%scan3A_72 = %scan3A_9) -> (i32)  : i32 {
      %broadcast_in_dim3A = arith.constant 1.000000e+00 : f32
      %broadcast_in_dim3A_73 = vector.broadcast %broadcast_in_dim3A : f32 to vector<16xf32>
      %swap3A = arith.index_cast %scan3A_71 : i32 to index
      %swap3A_74 = arith.constant 0 : index
      %swap3A_75 = tpu.vector_load %arg5[%swap3A, %swap3A_74] {strides = array<i32>} : memref<125x16xf32, #tpu.memory_space<vmem>>, vector<1x16xf32>,
      %swap3A_76 = vector.shape_cast %swap3A_75 : vector<1x16xf32> to vector<16xf32>
      %swap3A_77 = vector.shape_cast %broadcast_in_dim3A_73 : vector<16xf32> to vector<1x16xf32>
      tpu.vector_store %arg5[%swap3A, %swap3A_74], %swap3A_77 {strides = array<i32>} : memref<125x16xf32, #tpu.memory_space<vmem>>, vector<1x16xf32>,
      %scan3A_78 = arith.constant 0 : i32
      scf.yield %scan3A_78 : i32
    }
    %scan3A_15 = arith.constant 125 : i32
    "tpu.region"() ({
      %run_scoped3A = tpu.sem_alloc : memref<!tpu.dma_semaphore, #tpu.memory_space<semaphore_mem>>
      %dma_start3A = arith.constant 0 : i32
      %dma_start3A_71 = arith.constant 0 : i32
      %dma_start3A_72 = tpu.memref_slice %arg2[%add3A, %dma_start3A, %dma_start3A_71] : memref<32x80x125xi32, #tpu.memory_space<hbm>> -> memref<1x80x125xi32, #tpu.memory_space<hbm>>
      %dma_start3A_73 = tpu.memref_squeeze %dma_start3A_72 : memref<1x80x125xi32, #tpu.memory_space<hbm>> -> memref<80x125xi32, #tpu.memory_space<hbm>>
      %dma_start3A_74 = arith.constant 0 : i32
      %dma_start3A_75 = arith.constant 0 : i32
      %dma_start3A_76 = tpu.memref_slice %arg2[%add3A, %dma_start3A_74, %dma_start3A_75] : memref<32x80x125xi32, #tpu.memory_space<hbm>> -> memref<1x80x125xi32, #tpu.memory_space<hbm>>
      %dma_start3A_77 = tpu.memref_squeeze %dma_start3A_76 : memref<1x80x125xi32, #tpu.memory_space<hbm>> -> memref<80x125xi32, #tpu.memory_space<hbm>>
      tpu.enqueue_dma source(%dma_start3A_77 : memref<80x125xi32, #tpu.memory_space<hbm>>) target(%arg4 : memref<80x125xi32, #tpu.memory_space<vmem>>) target_semaphore(%run_scoped3A : memref<!tpu.dma_semaphore, #tpu.memory_space<semaphore_mem>>)
      %dma_wait3A_78 = arith.constant 0 : i32
      %dma_wait3A_79 = arith.constant 0 : i32
      %dma_wait3A_80 = tpu.memref_slice %arg2[%add3A, %dma_wait3A_78, %dma_wait3A_79] : memref<32x80x125xi32, #tpu.memory_space<hbm>> -> memref<1x80x125xi32, #tpu.memory_space<hbm>>
      %dma_wait3A_81 = tpu.memref_squeeze %dma_wait3A_80 : memref<1x80x125xi32, #tpu.memory_space<hbm>> -> memref<80x125xi32, #tpu.memory_space<hbm>>
      %dma_wait3A_82 = arith.constant 0 : i32
      %dma_wait3A_83 = arith.constant 0 : i32
      %dma_wait3A_84 = tpu.memref_slice %arg2[%add3A, %dma_wait3A_82, %dma_wait3A_83] : memref<32x80x125xi32, #tpu.memory_space<hbm>> -> memref<1x80x125xi32, #tpu.memory_space<hbm>>
      %dma_wait3A_85 = tpu.memref_squeeze %dma_wait3A_84 : memref<1x80x125xi32, #tpu.memory_space<hbm>> -> memref<80x125xi32, #tpu.memory_space<hbm>>
      tpu.wait_dma2 semaphore(%run_scoped3A : memref<!tpu.dma_semaphore, #tpu.memory_space<semaphore_mem>>) src(%dma_wait3A_85 : memref<80x125xi32, #tpu.memory_space<hbm>>) dst(%arg4 : memref<80x125xi32, #tpu.memory_space<vmem>>)
      tpu.yield
    }) : () -> ()
    "tpu.region"() ({
      %run_scoped3A = tpu.sem_alloc : memref<!tpu.dma_semaphore, #tpu.memory_space<semaphore_mem>>
      %dma_start3A = arith.constant 0 : i32
      %dma_start3A_71 = tpu.memref_slice %arg7[%mul3A_2, %dma_start3A] : memref<10000x16xf32, #tpu.memory_space<vmem_shared>> -> memref<625x16xf32, #tpu.memory_space<vmem_shared>>
      %dma_start3A_72 = arith.constant 0 : i32
      %dma_start3A_73 = tpu.memref_slice %arg7[%mul3A_2, %dma_start3A_72] : memref<10000x16xf32, #tpu.memory_space<vmem_shared>> -> memref<625x16xf32, #tpu.memory_space<vmem_shared>>
      tpu.enqueue_dma source(%arg6 : memref<625x16xf32, #tpu.memory_space<vmem>>) target(%dma_start3A_73 : memref<625x16xf32, #tpu.memory_space<vmem_shared>>) target_semaphore(%run_scoped3A : memref<!tpu.dma_semaphore, #tpu.memory_space<semaphore_mem>>)
      %dma_wait3A_74 = arith.constant 0 : i32
      %dma_wait3A_75 = tpu.memref_slice %arg7[%mul3A_2, %dma_wait3A_74] : memref<10000x16xf32, #tpu.memory_space<vmem_shared>> -> memref<625x16xf32, #tpu.memory_space<vmem_shared>>
      %dma_wait3A_76 = arith.constant 0 : i32
      %dma_wait3A_77 = tpu.memref_slice %arg7[%mul3A_2, %dma_wait3A_76] : memref<10000x16xf32, #tpu.memory_space<vmem_shared>> -> memref<625x16xf32, #tpu.memory_space<vmem_shared>>
      tpu.wait_dma2 semaphore(%run_scoped3A : memref<!tpu.dma_semaphore, #tpu.memory_space<semaphore_mem>>) src(%arg6 : memref<625x16xf32, #tpu.memory_space<vmem>>) dst(%dma_wait3A_77 : memref<625x16xf32, #tpu.memory_space<vmem_shared>>)
      tpu.yield
    }) : () -> ()
    %barrier3A = arith.constant 0 : index
    tpu.barrier barrier_id(%barrier3A)
    %scan3A_16 = arith.constant 0 : i32
    %scan3A_17 = arith.constant 0 : i32
    %scan3A_18 = arith.constant 80 : i32
    %scan3A_19 = arith.addi %scan3A_17, %scan3A_18 : i32
    %scan3A_20 = arith.constant 1 : i32
    %scan3A_21 = scf.for %scan3A_71 = %scan3A_17 to %scan3A_19 step %scan3A_20 iter_args(%scan3A_72 = %scan3A_16) -> (i32)  : i32 {
      %dma_start3A = arith.constant 0 : i32
      %dma_start3A_73 = tpu.memref_slice %arg4[%scan3A_71, %dma_start3A] : memref<80x125xi32, #tpu.memory_space<vmem>> -> memref<1x125xi32, #tpu.memory_space<vmem>>
      %dma_start3A_74 = tpu.memref_squeeze %dma_start3A_73 : memref<1x125xi32, #tpu.memory_space<vmem>> -> memref<125xi32, #tpu.memory_space<vmem>>
      %dma_start3A_75 = arith.constant 0 : i32
      %dma_start3A_76 = arith.constant 0 : i32
      %dma_start3A_77 = tpu.memref_slice %arg7[%dma_start3A_75, %dma_start3A_76] : memref<10000x16xf32, #tpu.memory_space<vmem_shared>> -> memref<10000x16xf32, #tpu.memory_space<vmem_shared>>
      tpu.enqueue_indirect_dma source(%arg5 : memref<125x16xf32, #tpu.memory_space<vmem>>) target(%dma_start3A_77 : memref<10000x16xf32, #tpu.memory_space<vmem_shared>>) offsets(%dma_start3A_74 : memref<125xi32, #tpu.memory_space<vmem>>) semaphore(%arg8 : memref<!tpu.dma_semaphore, #tpu.memory_space<semaphore_mem>>) {add = true}
      %ge3A = arith.constant 8 : i32
      %ge3A_78 = arith.cmpi sge, %scan3A_71, %ge3A : i32
      %convert_element_type3A = arith.extui %ge3A_78 : i1 to i32
      %cond3A = arith.constant 0 : i32
      %cond3A_79 = arith.cmpi ne, %convert_element_type3A, %cond3A : i32
      scf.if %cond3A_79 {
        %dma_wait3A_81 = arith.constant 0 : i32
        %dma_wait3A_82 = arith.constant 0 : i32
        %dma_wait3A_83 = tpu.memref_slice %arg7[%dma_wait3A_81, %dma_wait3A_82] : memref<10000x16xf32, #tpu.memory_space<vmem_shared>> -> memref<125x16xf32, #tpu.memory_space<vmem_shared>>
        %dma_wait3A_84 = arith.constant 0 : i32
        %dma_wait3A_85 = arith.constant 0 : i32
        %dma_wait3A_86 = tpu.memref_slice %arg7[%dma_wait3A_84, %dma_wait3A_85] : memref<10000x16xf32, #tpu.memory_space<vmem_shared>> -> memref<125x16xf32, #tpu.memory_space<vmem_shared>>
        tpu.wait_dma2 semaphore(%arg8 : memref<!tpu.dma_semaphore, #tpu.memory_space<semaphore_mem>>) src(%arg5 : memref<125x16xf32, #tpu.memory_space<vmem>>) dst(%dma_wait3A_86 : memref<125x16xf32, #tpu.memory_space<vmem_shared>>)
      } else {
      }
      %scan3A_80 = arith.constant 0 : i32
      scf.yield %scan3A_80 : i32
    }
    %scan3A_22 = arith.constant 80 : i32
    %dma_wait3A = arith.constant 0 : i32
    %dma_wait3A_23 = arith.constant 0 : i32
    %dma_wait3A_24 = tpu.memref_slice %arg7[%dma_wait3A, %dma_wait3A_23] : memref<10000x16xf32, #tpu.memory_space<vmem_shared>> -> memref<125x16xf32, #tpu.memory_space<vmem_shared>>
    %dma_wait3A_25 = arith.constant 0 : i32
    %dma_wait3A_26 = arith.constant 0 : i32
    %dma_wait3A_27 = tpu.memref_slice %arg7[%dma_wait3A_25, %dma_wait3A_26] : memref<10000x16xf32, #tpu.memory_space<vmem_shared>> -> memref<125x16xf32, #tpu.memory_space<vmem_shared>>
    tpu.wait_dma2 semaphore(%arg8 : memref<!tpu.dma_semaphore, #tpu.memory_space<semaphore_mem>>) src(%arg5 : memref<125x16xf32, #tpu.memory_space<vmem>>) dst(%dma_wait3A_27 : memref<125x16xf32, #tpu.memory_space<vmem_shared>>)
    %dma_wait3A_28 = arith.constant 0 : i32
    %dma_wait3A_29 = arith.constant 0 : i32
    %dma_wait3A_30 = tpu.memref_slice %arg7[%dma_wait3A_28, %dma_wait3A_29] : memref<10000x16xf32, #tpu.memory_space<vmem_shared>> -> memref<125x16xf32, #tpu.memory_space<vmem_shared>>
    %dma_wait3A_31 = arith.constant 0 : i32
    %dma_wait3A_32 = arith.constant 0 : i32
    %dma_wait3A_33 = tpu.memref_slice %arg7[%dma_wait3A_31, %dma_wait3A_32] : memref<10000x16xf32, #tpu.memory_space<vmem_shared>> -> memref<125x16xf32, #tpu.memory_space<vmem_shared>>
    tpu.wait_dma2 semaphore(%arg8 : memref<!tpu.dma_semaphore, #tpu.memory_space<semaphore_mem>>) src(%arg5 : memref<125x16xf32, #tpu.memory_space<vmem>>) dst(%dma_wait3A_33 : memref<125x16xf32, #tpu.memory_space<vmem_shared>>)
    %dma_wait3A_34 = arith.constant 0 : i32
    %dma_wait3A_35 = arith.constant 0 : i32
    %dma_wait3A_36 = tpu.memref_slice %arg7[%dma_wait3A_34, %dma_wait3A_35] : memref<10000x16xf32, #tpu.memory_space<vmem_shared>> -> memref<125x16xf32, #tpu.memory_space<vmem_shared>>
    %dma_wait3A_37 = arith.constant 0 : i32
    %dma_wait3A_38 = arith.constant 0 : i32
    %dma_wait3A_39 = tpu.memref_slice %arg7[%dma_wait3A_37, %dma_wait3A_38] : memref<10000x16xf32, #tpu.memory_space<vmem_shared>> -> memref<125x16xf32, #tpu.memory_space<vmem_shared>>
    tpu.wait_dma2 semaphore(%arg8 : memref<!tpu.dma_semaphore, #tpu.memory_space<semaphore_mem>>) src(%arg5 : memref<125x16xf32, #tpu.memory_space<vmem>>) dst(%dma_wait3A_39 : memref<125x16xf32, #tpu.memory_space<vmem_shared>>)
    %dma_wait3A_40 = arith.constant 0 : i32
    %dma_wait3A_41 = arith.constant 0 : i32
    %dma_wait3A_42 = tpu.memref_slice %arg7[%dma_wait3A_40, %dma_wait3A_41] : memref<10000x16xf32, #tpu.memory_space<vmem_shared>> -> memref<125x16xf32, #tpu.memory_space<vmem_shared>>
    %dma_wait3A_43 = arith.constant 0 : i32
    %dma_wait3A_44 = arith.constant 0 : i32
    %dma_wait3A_45 = tpu.memref_slice %arg7[%dma_wait3A_43, %dma_wait3A_44] : memref<10000x16xf32, #tpu.memory_space<vmem_shared>> -> memref<125x16xf32, #tpu.memory_space<vmem_shared>>
    tpu.wait_dma2 semaphore(%arg8 : memref<!tpu.dma_semaphore, #tpu.memory_space<semaphore_mem>>) src(%arg5 : memref<125x16xf32, #tpu.memory_space<vmem>>) dst(%dma_wait3A_45 : memref<125x16xf32, #tpu.memory_space<vmem_shared>>)
    %dma_wait3A_46 = arith.constant 0 : i32
    %dma_wait3A_47 = arith.constant 0 : i32
    %dma_wait3A_48 = tpu.memref_slice %arg7[%dma_wait3A_46, %dma_wait3A_47] : memref<10000x16xf32, #tpu.memory_space<vmem_shared>> -> memref<125x16xf32, #tpu.memory_space<vmem_shared>>
    %dma_wait3A_49 = arith.constant 0 : i32
    %dma_wait3A_50 = arith.constant 0 : i32
    %dma_wait3A_51 = tpu.memref_slice %arg7[%dma_wait3A_49, %dma_wait3A_50] : memref<10000x16xf32, #tpu.memory_space<vmem_shared>> -> memref<125x16xf32, #tpu.memory_space<vmem_shared>>
    tpu.wait_dma2 semaphore(%arg8 : memref<!tpu.dma_semaphore, #tpu.memory_space<semaphore_mem>>) src(%arg5 : memref<125x16xf32, #tpu.memory_space<vmem>>) dst(%dma_wait3A_51 : memref<125x16xf32, #tpu.memory_space<vmem_shared>>)
    %dma_wait3A_52 = arith.constant 0 : i32
    %dma_wait3A_53 = arith.constant 0 : i32
    %dma_wait3A_54 = tpu.memref_slice %arg7[%dma_wait3A_52, %dma_wait3A_53] : memref<10000x16xf32, #tpu.memory_space<vmem_shared>> -> memref<125x16xf32, #tpu.memory_space<vmem_shared>>
    %dma_wait3A_55 = arith.constant 0 : i32
    %dma_wait3A_56 = arith.constant 0 : i32
    %dma_wait3A_57 = tpu.memref_slice %arg7[%dma_wait3A_55, %dma_wait3A_56] : memref<10000x16xf32, #tpu.memory_space<vmem_shared>> -> memref<125x16xf32, #tpu.memory_space<vmem_shared>>
    tpu.wait_dma2 semaphore(%arg8 : memref<!tpu.dma_semaphore, #tpu.memory_space<semaphore_mem>>) src(%arg5 : memref<125x16xf32, #tpu.memory_space<vmem>>) dst(%dma_wait3A_57 : memref<125x16xf32, #tpu.memory_space<vmem_shared>>)
    %dma_wait3A_58 = arith.constant 0 : i32
    %dma_wait3A_59 = arith.constant 0 : i32
    %dma_wait3A_60 = tpu.memref_slice %arg7[%dma_wait3A_58, %dma_wait3A_59] : memref<10000x16xf32, #tpu.memory_space<vmem_shared>> -> memref<125x16xf32, #tpu.memory_space<vmem_shared>>
    %dma_wait3A_61 = arith.constant 0 : i32
    %dma_wait3A_62 = arith.constant 0 : i32
    %dma_wait3A_63 = tpu.memref_slice %arg7[%dma_wait3A_61, %dma_wait3A_62] : memref<10000x16xf32, #tpu.memory_space<vmem_shared>> -> memref<125x16xf32, #tpu.memory_space<vmem_shared>>
    tpu.wait_dma2 semaphore(%arg8 : memref<!tpu.dma_semaphore, #tpu.memory_space<semaphore_mem>>) src(%arg5 : memref<125x16xf32, #tpu.memory_space<vmem>>) dst(%dma_wait3A_63 : memref<125x16xf32, #tpu.memory_space<vmem_shared>>)
    %dma_wait3A_64 = arith.constant 0 : i32
    %dma_wait3A_65 = arith.constant 0 : i32
    %dma_wait3A_66 = tpu.memref_slice %arg7[%dma_wait3A_64, %dma_wait3A_65] : memref<10000x16xf32, #tpu.memory_space<vmem_shared>> -> memref<125x16xf32, #tpu.memory_space<vmem_shared>>
    %dma_wait3A_67 = arith.constant 0 : i32
    %dma_wait3A_68 = arith.constant 0 : i32
    %dma_wait3A_69 = tpu.memref_slice %arg7[%dma_wait3A_67, %dma_wait3A_68] : memref<10000x16xf32, #tpu.memory_space<vmem_shared>> -> memref<125x16xf32, #tpu.memory_space<vmem_shared>>
    tpu.wait_dma2 semaphore(%arg8 : memref<!tpu.dma_semaphore, #tpu.memory_space<semaphore_mem>>) src(%arg5 : memref<125x16xf32, #tpu.memory_space<vmem>>) dst(%dma_wait3A_69 : memref<125x16xf32, #tpu.memory_space<vmem_shared>>)
    %barrier3A_70 = arith.constant 0 : index
    tpu.barrier barrier_id(%barrier3A_70)
    "tpu.region"() ({
      %run_scoped3A = tpu.sem_alloc : memref<!tpu.dma_semaphore, #tpu.memory_space<semaphore_mem>>
      %dma_start3A = arith.constant 0 : i32
      %dma_start3A_71 = tpu.memref_slice %arg7[%mul3A_2, %dma_start3A] : memref<10000x16xf32, #tpu.memory_space<vmem_shared>> -> memref<625x16xf32, #tpu.memory_space<vmem_shared>>
      %dma_start3A_72 = arith.constant 0 : i32
      %dma_start3A_73 = tpu.memref_slice %arg7[%mul3A_2, %dma_start3A_72] : memref<10000x16xf32, #tpu.memory_space<vmem_shared>> -> memref<625x16xf32, #tpu.memory_space<vmem_shared>>
      tpu.enqueue_dma source(%dma_start3A_73 : memref<625x16xf32, #tpu.memory_space<vmem_shared>>) target(%arg6 : memref<625x16xf32, #tpu.memory_space<vmem>>) target_semaphore(%run_scoped3A : memref<!tpu.dma_semaphore, #tpu.memory_space<semaphore_mem>>)
      %dma_wait3A_74 = arith.constant 0 : i32
      %dma_wait3A_75 = tpu.memref_slice %arg7[%mul3A_2, %dma_wait3A_74] : memref<10000x16xf32, #tpu.memory_space<vmem_shared>> -> memref<625x16xf32, #tpu.memory_space<vmem_shared>>
      %dma_wait3A_76 = arith.constant 0 : i32
      %dma_wait3A_77 = tpu.memref_slice %arg7[%mul3A_2, %dma_wait3A_76] : memref<10000x16xf32, #tpu.memory_space<vmem_shared>> -> memref<625x16xf32, #tpu.memory_space<vmem_shared>>
      tpu.wait_dma2 semaphore(%run_scoped3A : memref<!tpu.dma_semaphore, #tpu.memory_space<semaphore_mem>>) src(%dma_wait3A_77 : memref<625x16xf32, #tpu.memory_space<vmem_shared>>) dst(%arg6 : memref<625x16xf32, #tpu.memory_space<vmem>>)
      tpu.yield
    }) : () -> ()
    "tpu.region"() ({
      %run_scoped3A = tpu.sem_alloc : memref<!tpu.dma_semaphore, #tpu.memory_space<semaphore_mem>>
      %dma_start3A = arith.constant 0 : i32
      %dma_start3A_71 = tpu.memref_slice %arg3[%arg0, %mul3A_2, %dma_start3A] : memref<2x10000x16xf32, #tpu.memory_space<hbm>> -> memref<1x625x16xf32, #tpu.memory_space<hbm>>
      %dma_start3A_72 = tpu.memref_squeeze %dma_start3A_71 : memref<1x625x16xf32, #tpu.memory_space<hbm>> -> memref<625x16xf32, #tpu.memory_space<hbm>>
      %dma_start3A_73 = arith.constant 0 : i32
      %dma_start3A_74 = tpu.memref_slice %arg3[%arg0, %mul3A_2, %dma_start3A_73] : memref<2x10000x16xf32, #tpu.memory_space<hbm>> -> memref<1x625x16xf32, #tpu.memory_space<hbm>>
      %dma_start3A_75 = tpu.memref_squeeze %dma_start3A_74 : memref<1x625x16xf32, #tpu.memory_space<hbm>> -> memref<625x16xf32, #tpu.memory_space<hbm>>
      tpu.enqueue_dma source(%arg6 : memref<625x16xf32, #tpu.memory_space<vmem>>) target(%dma_start3A_75 : memref<625x16xf32, #tpu.memory_space<hbm>>) target_semaphore(%run_scoped3A : memref<!tpu.dma_semaphore, #tpu.memory_space<semaphore_mem>>)
      %dma_wait3A_76 = arith.constant 0 : i32
      %dma_wait3A_77 = tpu.memref_slice %arg3[%arg0, %mul3A_2, %dma_wait3A_76] : memref<2x10000x16xf32, #tpu.memory_space<hbm>> -> memref<1x625x16xf32, #tpu.memory_space<hbm>>
      %dma_wait3A_78 = tpu.memref_squeeze %dma_wait3A_77 : memref<1x625x16xf32, #tpu.memory_space<hbm>> -> memref<625x16xf32, #tpu.memory_space<hbm>>
      %dma_wait3A_79 = arith.constant 0 : i32
      %dma_wait3A_80 = tpu.memref_slice %arg3[%arg0, %mul3A_2, %dma_wait3A_79] : memref<2x10000x16xf32, #tpu.memory_space<hbm>> -> memref<1x625x16xf32, #tpu.memory_space<hbm>>
      %dma_wait3A_81 = tpu.memref_squeeze %dma_wait3A_80 : memref<1x625x16xf32, #tpu.memory_space<hbm>> -> memref<625x16xf32, #tpu.memory_space<hbm>>
      tpu.wait_dma2 semaphore(%run_scoped3A : memref<!tpu.dma_semaphore, #tpu.memory_space<semaphore_mem>>) src(%arg6 : memref<625x16xf32, #tpu.memory_space<vmem>>) dst(%dma_wait3A_81 : memref<625x16xf32, #tpu.memory_space<hbm>>)
      tpu.yield
    }) : () -> ()
    return
  }
}

#map = affine_map<(d0, d1) -> (0, 0)>
#map1 = affine_map<(d0, d1) -> (0, 0, 0)>
module attributes {stable_mosaic.version = 14 : i64} {
  func.func @agg_kernel(%arg0: i32, %arg1: i32, %arg2: memref<10000x64xf32, #tpu.memory_space<hbm>>, %arg3: memref<32x200x50xi32, #tpu.memory_space<hbm>>, %arg4: memref<32x200x50xi32, #tpu.memory_space<hbm>>, %arg5: memref<2x10000x64xf32, #tpu.memory_space<hbm>>, %arg6: memref<200x50xi32, #tpu.memory_space<vmem>>, %arg7: memref<200x50xi32, #tpu.memory_space<vmem>>, %arg8: memref<2x2x50x64xf32, #tpu.memory_space<vmem>>, %arg9: memref<10000x64xf32, #tpu.memory_space<vmem_shared>>, %arg10: memref<!tpu.dma_semaphore, #tpu.memory_space<semaphore_mem>>, %arg11: memref<!tpu.dma_semaphore, #tpu.memory_space<semaphore_mem>>) attributes {dimension_semantics = [#tpu.dimension_semantics<core_parallel>, #tpu.dimension_semantics<subcore_parallel>], iteration_bounds = array<i64: 2, 16>, scalar_prefetch = 0 : i64, scratch_operands = 6 : i64, tpu.core_type = #tpu.core_type<sc_vector_subcore>, window_params = [{transform_indices = #map}, {transform_indices = #map1}, {transform_indices = #map1}, {transform_indices = #map1}]} {
    %mul3A = arith.constant 16 : i32
    %mul3A_0 = arith.muli %arg0, %mul3A : i32
    %add3A = arith.addi %mul3A_0, %arg1 : i32
    %mul3A_1 = arith.constant 625 : i32
    %mul3A_2 = arith.muli %arg1, %mul3A_1 : i32
    "tpu.region"() ({
      %run_scoped3A_102 = tpu.sem_alloc : memref<!tpu.dma_semaphore, #tpu.memory_space<semaphore_mem>>
      %dma_start3A_103 = arith.constant 0 : i32
      %dma_start3A_104 = arith.constant 0 : i32
      %dma_start3A_105 = tpu.memref_slice %arg3[%add3A, %dma_start3A_103, %dma_start3A_104] : memref<32x200x50xi32, #tpu.memory_space<hbm>> -> memref<1x200x50xi32, #tpu.memory_space<hbm>>
      %dma_start3A_106 = tpu.memref_squeeze %dma_start3A_105 : memref<1x200x50xi32, #tpu.memory_space<hbm>> -> memref<200x50xi32, #tpu.memory_space<hbm>>
      %dma_start3A_107 = arith.constant 0 : i32
      %dma_start3A_108 = arith.constant 0 : i32
      %dma_start3A_109 = tpu.memref_slice %arg3[%add3A, %dma_start3A_107, %dma_start3A_108] : memref<32x200x50xi32, #tpu.memory_space<hbm>> -> memref<1x200x50xi32, #tpu.memory_space<hbm>>
      %dma_start3A_110 = tpu.memref_squeeze %dma_start3A_109 : memref<1x200x50xi32, #tpu.memory_space<hbm>> -> memref<200x50xi32, #tpu.memory_space<hbm>>
      tpu.enqueue_dma source(%dma_start3A_110 : memref<200x50xi32, #tpu.memory_space<hbm>>) target(%arg6 : memref<200x50xi32, #tpu.memory_space<vmem>>) target_semaphore(%run_scoped3A_102 : memref<!tpu.dma_semaphore, #tpu.memory_space<semaphore_mem>>)
      %dma_wait3A_111 = arith.constant 0 : i32
      %dma_wait3A_112 = arith.constant 0 : i32
      %dma_wait3A_113 = tpu.memref_slice %arg3[%add3A, %dma_wait3A_111, %dma_wait3A_112] : memref<32x200x50xi32, #tpu.memory_space<hbm>> -> memref<1x200x50xi32, #tpu.memory_space<hbm>>
      %dma_wait3A_114 = tpu.memref_squeeze %dma_wait3A_113 : memref<1x200x50xi32, #tpu.memory_space<hbm>> -> memref<200x50xi32, #tpu.memory_space<hbm>>
      %dma_wait3A_115 = arith.constant 0 : i32
      %dma_wait3A_116 = arith.constant 0 : i32
      %dma_wait3A_117 = tpu.memref_slice %arg3[%add3A, %dma_wait3A_115, %dma_wait3A_116] : memref<32x200x50xi32, #tpu.memory_space<hbm>> -> memref<1x200x50xi32, #tpu.memory_space<hbm>>
      %dma_wait3A_118 = tpu.memref_squeeze %dma_wait3A_117 : memref<1x200x50xi32, #tpu.memory_space<hbm>> -> memref<200x50xi32, #tpu.memory_space<hbm>>
      tpu.wait_dma2 semaphore(%run_scoped3A_102 : memref<!tpu.dma_semaphore, #tpu.memory_space<semaphore_mem>>) src(%dma_wait3A_118 : memref<200x50xi32, #tpu.memory_space<hbm>>) dst(%arg6 : memref<200x50xi32, #tpu.memory_space<vmem>>)
      tpu.yield
    }) : () -> ()
    "tpu.region"() ({
      %run_scoped3A_102 = tpu.sem_alloc : memref<!tpu.dma_semaphore, #tpu.memory_space<semaphore_mem>>
      %dma_start3A_103 = arith.constant 0 : i32
      %dma_start3A_104 = arith.constant 0 : i32
      %dma_start3A_105 = tpu.memref_slice %arg4[%add3A, %dma_start3A_103, %dma_start3A_104] : memref<32x200x50xi32, #tpu.memory_space<hbm>> -> memref<1x200x50xi32, #tpu.memory_space<hbm>>
      %dma_start3A_106 = tpu.memref_squeeze %dma_start3A_105 : memref<1x200x50xi32, #tpu.memory_space<hbm>> -> memref<200x50xi32, #tpu.memory_space<hbm>>
      %dma_start3A_107 = arith.constant 0 : i32
      %dma_start3A_108 = arith.constant 0 : i32
      %dma_start3A_109 = tpu.memref_slice %arg4[%add3A, %dma_start3A_107, %dma_start3A_108] : memref<32x200x50xi32, #tpu.memory_space<hbm>> -> memref<1x200x50xi32, #tpu.memory_space<hbm>>
      %dma_start3A_110 = tpu.memref_squeeze %dma_start3A_109 : memref<1x200x50xi32, #tpu.memory_space<hbm>> -> memref<200x50xi32, #tpu.memory_space<hbm>>
      tpu.enqueue_dma source(%dma_start3A_110 : memref<200x50xi32, #tpu.memory_space<hbm>>) target(%arg7 : memref<200x50xi32, #tpu.memory_space<vmem>>) target_semaphore(%run_scoped3A_102 : memref<!tpu.dma_semaphore, #tpu.memory_space<semaphore_mem>>)
      %dma_wait3A_111 = arith.constant 0 : i32
      %dma_wait3A_112 = arith.constant 0 : i32
      %dma_wait3A_113 = tpu.memref_slice %arg4[%add3A, %dma_wait3A_111, %dma_wait3A_112] : memref<32x200x50xi32, #tpu.memory_space<hbm>> -> memref<1x200x50xi32, #tpu.memory_space<hbm>>
      %dma_wait3A_114 = tpu.memref_squeeze %dma_wait3A_113 : memref<1x200x50xi32, #tpu.memory_space<hbm>> -> memref<200x50xi32, #tpu.memory_space<hbm>>
      %dma_wait3A_115 = arith.constant 0 : i32
      %dma_wait3A_116 = arith.constant 0 : i32
      %dma_wait3A_117 = tpu.memref_slice %arg4[%add3A, %dma_wait3A_115, %dma_wait3A_116] : memref<32x200x50xi32, #tpu.memory_space<hbm>> -> memref<1x200x50xi32, #tpu.memory_space<hbm>>
      %dma_wait3A_118 = tpu.memref_squeeze %dma_wait3A_117 : memref<1x200x50xi32, #tpu.memory_space<hbm>> -> memref<200x50xi32, #tpu.memory_space<hbm>>
      tpu.wait_dma2 semaphore(%run_scoped3A_102 : memref<!tpu.dma_semaphore, #tpu.memory_space<semaphore_mem>>) src(%dma_wait3A_118 : memref<200x50xi32, #tpu.memory_space<hbm>>) dst(%arg7 : memref<200x50xi32, #tpu.memory_space<vmem>>)
      tpu.yield
    }) : () -> ()
    %scan3A = arith.constant 0 : i32
    %scan3A_3 = arith.constant 0 : i32
    %scan3A_4 = arith.constant 50 : i32
    %scan3A_5 = arith.addi %scan3A_3, %scan3A_4 : i32
    %scan3A_6 = arith.constant 1 : i32
    %scan3A_7 = scf.for %scan3A_102 = %scan3A_3 to %scan3A_5 step %scan3A_6 iter_args(%scan3A_103 = %scan3A) -> (i32)  : i32 {
      %broadcast_in_dim3A = arith.constant 0.000000e+00 : f32
      %broadcast_in_dim3A_104 = vector.broadcast %broadcast_in_dim3A : f32 to vector<16xf32>
      %swap3A = arith.constant 0 : i32
      %swap3A_105 = arith.constant 0 : i32
      %swap3A_106 = arith.index_cast %swap3A : i32 to index
      %swap3A_107 = arith.index_cast %swap3A_105 : i32 to index
      %swap3A_108 = arith.index_cast %scan3A_102 : i32 to index
      %swap3A_109 = arith.constant 0 : index
      %swap3A_110 = tpu.vector_load %arg8[%swap3A_106, %swap3A_107, %swap3A_108, %swap3A_109] {strides = array<i32>} : memref<2x2x50x64xf32, #tpu.memory_space<vmem>>, vector<1x1x1x16xf32>,
      %swap3A_111 = vector.shape_cast %swap3A_110 : vector<1x1x1x16xf32> to vector<16xf32>
      %swap3A_112 = vector.shape_cast %broadcast_in_dim3A_104 : vector<16xf32> to vector<1x1x1x16xf32>
      tpu.vector_store %arg8[%swap3A_106, %swap3A_107, %swap3A_108, %swap3A_109], %swap3A_112 {strides = array<i32>} : memref<2x2x50x64xf32, #tpu.memory_space<vmem>>, vector<1x1x1x16xf32>,
      %broadcast_in_dim3A_113 = arith.constant 0.000000e+00 : f32
      %broadcast_in_dim3A_114 = vector.broadcast %broadcast_in_dim3A_113 : f32 to vector<16xf32>
      %swap3A_115 = arith.constant 0 : i32
      %swap3A_116 = arith.constant 0 : i32
      %swap3A_117 = arith.index_cast %swap3A_115 : i32 to index
      %swap3A_118 = arith.index_cast %swap3A_116 : i32 to index
      %swap3A_119 = arith.index_cast %scan3A_102 : i32 to index
      %swap3A_120 = arith.constant 16 : index
      %swap3A_121 = tpu.vector_load %arg8[%swap3A_117, %swap3A_118, %swap3A_119, %swap3A_120] {strides = array<i32>} : memref<2x2x50x64xf32, #tpu.memory_space<vmem>>, vector<1x1x1x16xf32>,
      %swap3A_122 = vector.shape_cast %swap3A_121 : vector<1x1x1x16xf32> to vector<16xf32>
      %swap3A_123 = vector.shape_cast %broadcast_in_dim3A_114 : vector<16xf32> to vector<1x1x1x16xf32>
      tpu.vector_store %arg8[%swap3A_117, %swap3A_118, %swap3A_119, %swap3A_120], %swap3A_123 {strides = array<i32>} : memref<2x2x50x64xf32, #tpu.memory_space<vmem>>, vector<1x1x1x16xf32>,
      %broadcast_in_dim3A_124 = arith.constant 0.000000e+00 : f32
      %broadcast_in_dim3A_125 = vector.broadcast %broadcast_in_dim3A_124 : f32 to vector<16xf32>
      %swap3A_126 = arith.constant 0 : i32
      %swap3A_127 = arith.constant 0 : i32
      %swap3A_128 = arith.index_cast %swap3A_126 : i32 to index
      %swap3A_129 = arith.index_cast %swap3A_127 : i32 to index
      %swap3A_130 = arith.index_cast %scan3A_102 : i32 to index
      %swap3A_131 = arith.constant 32 : index
      %swap3A_132 = tpu.vector_load %arg8[%swap3A_128, %swap3A_129, %swap3A_130, %swap3A_131] {strides = array<i32>} : memref<2x2x50x64xf32, #tpu.memory_space<vmem>>, vector<1x1x1x16xf32>,
      %swap3A_133 = vector.shape_cast %swap3A_132 : vector<1x1x1x16xf32> to vector<16xf32>
      %swap3A_134 = vector.shape_cast %broadcast_in_dim3A_125 : vector<16xf32> to vector<1x1x1x16xf32>
      tpu.vector_store %arg8[%swap3A_128, %swap3A_129, %swap3A_130, %swap3A_131], %swap3A_134 {strides = array<i32>} : memref<2x2x50x64xf32, #tpu.memory_space<vmem>>, vector<1x1x1x16xf32>,
      %broadcast_in_dim3A_135 = arith.constant 0.000000e+00 : f32
      %broadcast_in_dim3A_136 = vector.broadcast %broadcast_in_dim3A_135 : f32 to vector<16xf32>
      %swap3A_137 = arith.constant 0 : i32
      %swap3A_138 = arith.constant 0 : i32
      %swap3A_139 = arith.index_cast %swap3A_137 : i32 to index
      %swap3A_140 = arith.index_cast %swap3A_138 : i32 to index
      %swap3A_141 = arith.index_cast %scan3A_102 : i32 to index
      %swap3A_142 = arith.constant 48 : index
      %swap3A_143 = tpu.vector_load %arg8[%swap3A_139, %swap3A_140, %swap3A_141, %swap3A_142] {strides = array<i32>} : memref<2x2x50x64xf32, #tpu.memory_space<vmem>>, vector<1x1x1x16xf32>,
      %swap3A_144 = vector.shape_cast %swap3A_143 : vector<1x1x1x16xf32> to vector<16xf32>
      %swap3A_145 = vector.shape_cast %broadcast_in_dim3A_136 : vector<16xf32> to vector<1x1x1x16xf32>
      tpu.vector_store %arg8[%swap3A_139, %swap3A_140, %swap3A_141, %swap3A_142], %swap3A_145 {strides = array<i32>} : memref<2x2x50x64xf32, #tpu.memory_space<vmem>>, vector<1x1x1x16xf32>,
      %scan3A_146 = arith.constant 0 : i32
      scf.yield %scan3A_146 : i32
    }
    %scan3A_8 = arith.constant 50 : i32
    %scan3A_9 = arith.constant 0 : i32
    %scan3A_10 = arith.constant 0 : i32
    %scan3A_11 = arith.constant 0 : i32
    %scan3A_12 = arith.constant 0 : i32
    %scan3A_13 = arith.constant 12 : i32
    %scan3A_14 = arith.addi %scan3A_12, %scan3A_13 : i32
    %scan3A_15 = arith.constant 1 : i32
    %scan3A_16 = scf.for %scan3A_102 = %scan3A_12 to %scan3A_14 step %scan3A_15 iter_args(%scan3A_103 = %scan3A_11) -> (i32)  : i32 {
      %mul3A_104 = arith.constant 50 : i32
      %mul3A_105 = arith.muli %scan3A_102, %mul3A_104 : i32
      %add3A_106 = arith.addi %mul3A_2, %mul3A_105 : i32
      "tpu.region"() ({
        %run_scoped3A_108 = tpu.sem_alloc : memref<!tpu.dma_semaphore, #tpu.memory_space<semaphore_mem>>
        %dma_start3A_109 = arith.constant 0 : i32
        %dma_start3A_110 = arith.constant 0 : i32
        %dma_start3A_111 = tpu.memref_slice %arg8[%scan3A_9, %scan3A_10, %dma_start3A_109, %dma_start3A_110] : memref<2x2x50x64xf32, #tpu.memory_space<vmem>> -> memref<1x1x50x64xf32, #tpu.memory_space<vmem>>
        %dma_start3A_112 = tpu.memref_squeeze %dma_start3A_111 : memref<1x1x50x64xf32, #tpu.memory_space<vmem>> -> memref<50x64xf32, #tpu.memory_space<vmem>>
        %dma_start3A_113 = arith.constant 0 : i32
        %dma_start3A_114 = tpu.memref_slice %arg9[%add3A_106, %dma_start3A_113] : memref<10000x64xf32, #tpu.memory_space<vmem_shared>> -> memref<50x64xf32, #tpu.memory_space<vmem_shared>>
        %dma_start3A_115 = arith.constant 0 : i32
        %dma_start3A_116 = tpu.memref_slice %arg9[%add3A_106, %dma_start3A_115] : memref<10000x64xf32, #tpu.memory_space<vmem_shared>> -> memref<50x64xf32, #tpu.memory_space<vmem_shared>>
        %dma_start3A_117 = arith.constant 0 : i32
        %dma_start3A_118 = arith.constant 0 : i32
        %dma_start3A_119 = tpu.memref_slice %arg8[%scan3A_9, %scan3A_10, %dma_start3A_117, %dma_start3A_118] : memref<2x2x50x64xf32, #tpu.memory_space<vmem>> -> memref<1x1x50x64xf32, #tpu.memory_space<vmem>>
        %dma_start3A_120 = tpu.memref_squeeze %dma_start3A_119 : memref<1x1x50x64xf32, #tpu.memory_space<vmem>> -> memref<50x64xf32, #tpu.memory_space<vmem>>
        tpu.enqueue_dma source(%dma_start3A_120 : memref<50x64xf32, #tpu.memory_space<vmem>>) target(%dma_start3A_116 : memref<50x64xf32, #tpu.memory_space<vmem_shared>>) target_semaphore(%run_scoped3A_108 : memref<!tpu.dma_semaphore, #tpu.memory_space<semaphore_mem>>)
        %dma_wait3A_121 = arith.constant 0 : i32
        %dma_wait3A_122 = arith.constant 0 : i32
        %dma_wait3A_123 = tpu.memref_slice %arg8[%scan3A_9, %scan3A_10, %dma_wait3A_121, %dma_wait3A_122] : memref<2x2x50x64xf32, #tpu.memory_space<vmem>> -> memref<1x1x50x64xf32, #tpu.memory_space<vmem>>
        %dma_wait3A_124 = tpu.memref_squeeze %dma_wait3A_123 : memref<1x1x50x64xf32, #tpu.memory_space<vmem>> -> memref<50x64xf32, #tpu.memory_space<vmem>>
        %dma_wait3A_125 = arith.constant 0 : i32
        %dma_wait3A_126 = tpu.memref_slice %arg9[%add3A_106, %dma_wait3A_125] : memref<10000x64xf32, #tpu.memory_space<vmem_shared>> -> memref<50x64xf32, #tpu.memory_space<vmem_shared>>
        %dma_wait3A_127 = arith.constant 0 : i32
        %dma_wait3A_128 = tpu.memref_slice %arg9[%add3A_106, %dma_wait3A_127] : memref<10000x64xf32, #tpu.memory_space<vmem_shared>> -> memref<50x64xf32, #tpu.memory_space<vmem_shared>>
        %dma_wait3A_129 = arith.constant 0 : i32
        %dma_wait3A_130 = arith.constant 0 : i32
        %dma_wait3A_131 = tpu.memref_slice %arg8[%scan3A_9, %scan3A_10, %dma_wait3A_129, %dma_wait3A_130] : memref<2x2x50x64xf32, #tpu.memory_space<vmem>> -> memref<1x1x50x64xf32, #tpu.memory_space<vmem>>
        %dma_wait3A_132 = tpu.memref_squeeze %dma_wait3A_131 : memref<1x1x50x64xf32, #tpu.memory_space<vmem>> -> memref<50x64xf32, #tpu.memory_space<vmem>>
        tpu.wait_dma2 semaphore(%run_scoped3A_108 : memref<!tpu.dma_semaphore, #tpu.memory_space<semaphore_mem>>) src(%dma_wait3A_132 : memref<50x64xf32, #tpu.memory_space<vmem>>) dst(%dma_wait3A_128 : memref<50x64xf32, #tpu.memory_space<vmem_shared>>)
        tpu.yield
      }) : () -> ()
      %scan3A_107 = arith.constant 0 : i32
      scf.yield %scan3A_107 : i32
    }
    %scan3A_17 = arith.constant 12 : i32
    %add3A_18 = arith.constant 600 : i32
    %add3A_19 = arith.addi %mul3A_2, %add3A_18 : i32
    %run_scoped3A = arith.constant 0 : i32
    %run_scoped3A_20 = arith.constant 0 : i32
    "tpu.region"() ({
      %run_scoped3A_102 = tpu.sem_alloc : memref<!tpu.dma_semaphore, #tpu.memory_space<semaphore_mem>>
      %dma_start3A_103 = arith.constant 0 : i32
      %dma_start3A_104 = arith.constant 0 : i32
      %dma_start3A_105 = tpu.memref_slice %arg8[%run_scoped3A, %run_scoped3A_20, %dma_start3A_103, %dma_start3A_104] : memref<2x2x50x64xf32, #tpu.memory_space<vmem>> -> memref<1x1x25x64xf32, #tpu.memory_space<vmem>>
      %dma_start3A_106 = tpu.memref_squeeze %dma_start3A_105 : memref<1x1x25x64xf32, #tpu.memory_space<vmem>> -> memref<25x64xf32, #tpu.memory_space<vmem>>
      %dma_start3A_107 = arith.constant 0 : i32
      %dma_start3A_108 = tpu.memref_slice %arg9[%add3A_19, %dma_start3A_107] : memref<10000x64xf32, #tpu.memory_space<vmem_shared>> -> memref<25x64xf32, #tpu.memory_space<vmem_shared>>
      %dma_start3A_109 = arith.constant 0 : i32
      %dma_start3A_110 = tpu.memref_slice %arg9[%add3A_19, %dma_start3A_109] : memref<10000x64xf32, #tpu.memory_space<vmem_shared>> -> memref<25x64xf32, #tpu.memory_space<vmem_shared>>
      %dma_start3A_111 = arith.constant 0 : i32
      %dma_start3A_112 = arith.constant 0 : i32
      %dma_start3A_113 = tpu.memref_slice %arg8[%run_scoped3A, %run_scoped3A_20, %dma_start3A_111, %dma_start3A_112] : memref<2x2x50x64xf32, #tpu.memory_space<vmem>> -> memref<1x1x25x64xf32, #tpu.memory_space<vmem>>
      %dma_start3A_114 = tpu.memref_squeeze %dma_start3A_113 : memref<1x1x25x64xf32, #tpu.memory_space<vmem>> -> memref<25x64xf32, #tpu.memory_space<vmem>>
      tpu.enqueue_dma source(%dma_start3A_114 : memref<25x64xf32, #tpu.memory_space<vmem>>) target(%dma_start3A_110 : memref<25x64xf32, #tpu.memory_space<vmem_shared>>) target_semaphore(%run_scoped3A_102 : memref<!tpu.dma_semaphore, #tpu.memory_space<semaphore_mem>>)
      %dma_wait3A_115 = arith.constant 0 : i32
      %dma_wait3A_116 = arith.constant 0 : i32
      %dma_wait3A_117 = tpu.memref_slice %arg8[%run_scoped3A, %run_scoped3A_20, %dma_wait3A_115, %dma_wait3A_116] : memref<2x2x50x64xf32, #tpu.memory_space<vmem>> -> memref<1x1x25x64xf32, #tpu.memory_space<vmem>>
      %dma_wait3A_118 = tpu.memref_squeeze %dma_wait3A_117 : memref<1x1x25x64xf32, #tpu.memory_space<vmem>> -> memref<25x64xf32, #tpu.memory_space<vmem>>
      %dma_wait3A_119 = arith.constant 0 : i32
      %dma_wait3A_120 = tpu.memref_slice %arg9[%add3A_19, %dma_wait3A_119] : memref<10000x64xf32, #tpu.memory_space<vmem_shared>> -> memref<25x64xf32, #tpu.memory_space<vmem_shared>>
      %dma_wait3A_121 = arith.constant 0 : i32
      %dma_wait3A_122 = tpu.memref_slice %arg9[%add3A_19, %dma_wait3A_121] : memref<10000x64xf32, #tpu.memory_space<vmem_shared>> -> memref<25x64xf32, #tpu.memory_space<vmem_shared>>
      %dma_wait3A_123 = arith.constant 0 : i32
      %dma_wait3A_124 = arith.constant 0 : i32
      %dma_wait3A_125 = tpu.memref_slice %arg8[%run_scoped3A, %run_scoped3A_20, %dma_wait3A_123, %dma_wait3A_124] : memref<2x2x50x64xf32, #tpu.memory_space<vmem>> -> memref<1x1x25x64xf32, #tpu.memory_space<vmem>>
      %dma_wait3A_126 = tpu.memref_squeeze %dma_wait3A_125 : memref<1x1x25x64xf32, #tpu.memory_space<vmem>> -> memref<25x64xf32, #tpu.memory_space<vmem>>
      tpu.wait_dma2 semaphore(%run_scoped3A_102 : memref<!tpu.dma_semaphore, #tpu.memory_space<semaphore_mem>>) src(%dma_wait3A_126 : memref<25x64xf32, #tpu.memory_space<vmem>>) dst(%dma_wait3A_122 : memref<25x64xf32, #tpu.memory_space<vmem_shared>>)
      tpu.yield
    }) : () -> ()
    %barrier3A = arith.constant 0 : index
    tpu.barrier barrier_id(%barrier3A)
    %dma_start3A = arith.constant 0 : i32
    %dma_start3A_21 = arith.constant 0 : i32
    %dma_start3A_22 = arith.constant 0 : i32
    %dma_start3A_23 = arith.constant 0 : i32
    %dma_start3A_24 = arith.constant 0 : i32
    %dma_start3A_25 = tpu.memref_slice %arg8[%dma_start3A_21, %dma_start3A_22, %dma_start3A_23, %dma_start3A_24] : memref<2x2x50x64xf32, #tpu.memory_space<vmem>> -> memref<1x1x50x64xf32, #tpu.memory_space<vmem>>
    %dma_start3A_26 = tpu.memref_squeeze %dma_start3A_25 : memref<1x1x50x64xf32, #tpu.memory_space<vmem>> -> memref<50x64xf32, #tpu.memory_space<vmem>>
    %dma_start3A_27 = arith.constant 0 : i32
    %dma_start3A_28 = tpu.memref_slice %arg6[%dma_start3A, %dma_start3A_27] : memref<200x50xi32, #tpu.memory_space<vmem>> -> memref<1x50xi32, #tpu.memory_space<vmem>>
    %dma_start3A_29 = tpu.memref_squeeze %dma_start3A_28 : memref<1x50xi32, #tpu.memory_space<vmem>> -> memref<50xi32, #tpu.memory_space<vmem>>
    %dma_start3A_30 = arith.constant 0 : i32
    %dma_start3A_31 = arith.constant 0 : i32
    %dma_start3A_32 = tpu.memref_slice %arg2[%dma_start3A_30, %dma_start3A_31] : memref<10000x64xf32, #tpu.memory_space<hbm>> -> memref<10000x64xf32, #tpu.memory_space<hbm>>
    tpu.enqueue_indirect_dma source(%dma_start3A_32 : memref<10000x64xf32, #tpu.memory_space<hbm>>) target(%dma_start3A_26 : memref<50x64xf32, #tpu.memory_space<vmem>>) offsets(%dma_start3A_29 : memref<50xi32, #tpu.memory_space<vmem>>) semaphore(%arg10 : memref<!tpu.dma_semaphore, #tpu.memory_space<semaphore_mem>>)
    %dma_start3A_33 = arith.constant 1 : i32
    %dma_start3A_34 = arith.constant 0 : i32
    %dma_start3A_35 = arith.constant 1 : i32
    %dma_start3A_36 = arith.constant 0 : i32
    %dma_start3A_37 = arith.constant 0 : i32
    %dma_start3A_38 = tpu.memref_slice %arg8[%dma_start3A_34, %dma_start3A_35, %dma_start3A_36, %dma_start3A_37] : memref<2x2x50x64xf32, #tpu.memory_space<vmem>> -> memref<1x1x50x64xf32, #tpu.memory_space<vmem>>
    %dma_start3A_39 = tpu.memref_squeeze %dma_start3A_38 : memref<1x1x50x64xf32, #tpu.memory_space<vmem>> -> memref<50x64xf32, #tpu.memory_space<vmem>>
    %dma_start3A_40 = arith.constant 0 : i32
    %dma_start3A_41 = tpu.memref_slice %arg6[%dma_start3A_33, %dma_start3A_40] : memref<200x50xi32, #tpu.memory_space<vmem>> -> memref<1x50xi32, #tpu.memory_space<vmem>>
    %dma_start3A_42 = tpu.memref_squeeze %dma_start3A_41 : memref<1x50xi32, #tpu.memory_space<vmem>> -> memref<50xi32, #tpu.memory_space<vmem>>
    %dma_start3A_43 = arith.constant 0 : i32
    %dma_start3A_44 = arith.constant 0 : i32
    %dma_start3A_45 = tpu.memref_slice %arg2[%dma_start3A_43, %dma_start3A_44] : memref<10000x64xf32, #tpu.memory_space<hbm>> -> memref<10000x64xf32, #tpu.memory_space<hbm>>
    tpu.enqueue_indirect_dma source(%dma_start3A_45 : memref<10000x64xf32, #tpu.memory_space<hbm>>) target(%dma_start3A_39 : memref<50x64xf32, #tpu.memory_space<vmem>>) offsets(%dma_start3A_42 : memref<50xi32, #tpu.memory_space<vmem>>) semaphore(%arg10 : memref<!tpu.dma_semaphore, #tpu.memory_space<semaphore_mem>>)
    %scan3A_46 = arith.constant 0 : i32
    %scan3A_47 = arith.constant 0 : i32
    %scan3A_48 = arith.constant 50 : i32
    %scan3A_49 = arith.addi %scan3A_47, %scan3A_48 : i32
    %scan3A_50 = arith.constant 1 : i32
    %scan3A_51 = scf.for %scan3A_102 = %scan3A_47 to %scan3A_49 step %scan3A_50 iter_args(%scan3A_103 = %scan3A_46) -> (i32)  : i32 {
      %mul3A_104 = arith.constant 2 : i32
      %mul3A_105 = arith.muli %mul3A_104, %scan3A_102 : i32
      %mul3A_106 = arith.constant 2 : i32
      %mul3A_107 = arith.muli %mul3A_105, %mul3A_106 : i32
      %add3A_108 = arith.constant 2 : i32
      %add3A_109 = arith.addi %mul3A_107, %add3A_108 : i32
      %dma_wait3A_110 = arith.constant 0 : i32
      %dma_wait3A_111 = arith.constant 0 : i32
      %dma_wait3A_112 = arith.constant 0 : i32
      %dma_wait3A_113 = arith.constant 0 : i32
      %dma_wait3A_114 = tpu.memref_slice %arg8[%dma_wait3A_110, %dma_wait3A_111, %dma_wait3A_112, %dma_wait3A_113] : memref<2x2x50x64xf32, #tpu.memory_space<vmem>> -> memref<1x1x50x64xf32, #tpu.memory_space<vmem>>
      %dma_wait3A_115 = tpu.memref_squeeze %dma_wait3A_114 : memref<1x1x50x64xf32, #tpu.memory_space<vmem>> -> memref<50x64xf32, #tpu.memory_space<vmem>>
      %dma_wait3A_116 = arith.constant 0 : i32
      %dma_wait3A_117 = arith.constant 0 : i32
      %dma_wait3A_118 = tpu.memref_slice %arg2[%dma_wait3A_116, %dma_wait3A_117] : memref<10000x64xf32, #tpu.memory_space<hbm>> -> memref<50x64xf32, #tpu.memory_space<hbm>>
      %dma_wait3A_119 = arith.constant 0 : i32
      %dma_wait3A_120 = arith.constant 0 : i32
      %dma_wait3A_121 = tpu.memref_slice %arg8[%dma_wait3A_110, %dma_wait3A_111, %dma_wait3A_119, %dma_wait3A_120] : memref<2x2x50x64xf32, #tpu.memory_space<vmem>> -> memref<1x1x50x64xf32, #tpu.memory_space<vmem>>
      %dma_wait3A_122 = tpu.memref_squeeze %dma_wait3A_121 : memref<1x1x50x64xf32, #tpu.memory_space<vmem>> -> memref<50x64xf32, #tpu.memory_space<vmem>>
      %dma_wait3A_123 = arith.constant 0 : i32
      %dma_wait3A_124 = arith.constant 0 : i32
      %dma_wait3A_125 = tpu.memref_slice %arg2[%dma_wait3A_123, %dma_wait3A_124] : memref<10000x64xf32, #tpu.memory_space<hbm>> -> memref<50x64xf32, #tpu.memory_space<hbm>>
      tpu.wait_dma2 semaphore(%arg10 : memref<!tpu.dma_semaphore, #tpu.memory_space<semaphore_mem>>) src(%dma_wait3A_125 : memref<50x64xf32, #tpu.memory_space<hbm>>) dst(%dma_wait3A_122 : memref<50x64xf32, #tpu.memory_space<vmem>>)
      %dma_wait3A_126 = arith.constant 0 : i32
      %dma_wait3A_127 = arith.constant 1 : i32
      %dma_wait3A_128 = arith.constant 0 : i32
      %dma_wait3A_129 = arith.constant 0 : i32
      %dma_wait3A_130 = tpu.memref_slice %arg8[%dma_wait3A_126, %dma_wait3A_127, %dma_wait3A_128, %dma_wait3A_129] : memref<2x2x50x64xf32, #tpu.memory_space<vmem>> -> memref<1x1x50x64xf32, #tpu.memory_space<vmem>>
      %dma_wait3A_131 = tpu.memref_squeeze %dma_wait3A_130 : memref<1x1x50x64xf32, #tpu.memory_space<vmem>> -> memref<50x64xf32, #tpu.memory_space<vmem>>
      %dma_wait3A_132 = arith.constant 0 : i32
      %dma_wait3A_133 = arith.constant 0 : i32
      %dma_wait3A_134 = tpu.memref_slice %arg2[%dma_wait3A_132, %dma_wait3A_133] : memref<10000x64xf32, #tpu.memory_space<hbm>> -> memref<50x64xf32, #tpu.memory_space<hbm>>
      %dma_wait3A_135 = arith.constant 0 : i32
      %dma_wait3A_136 = arith.constant 0 : i32
      %dma_wait3A_137 = tpu.memref_slice %arg8[%dma_wait3A_126, %dma_wait3A_127, %dma_wait3A_135, %dma_wait3A_136] : memref<2x2x50x64xf32, #tpu.memory_space<vmem>> -> memref<1x1x50x64xf32, #tpu.memory_space<vmem>>
      %dma_wait3A_138 = tpu.memref_squeeze %dma_wait3A_137 : memref<1x1x50x64xf32, #tpu.memory_space<vmem>> -> memref<50x64xf32, #tpu.memory_space<vmem>>
      %dma_wait3A_139 = arith.constant 0 : i32
      %dma_wait3A_140 = arith.constant 0 : i32
      %dma_wait3A_141 = tpu.memref_slice %arg2[%dma_wait3A_139, %dma_wait3A_140] : memref<10000x64xf32, #tpu.memory_space<hbm>> -> memref<50x64xf32, #tpu.memory_space<hbm>>
      tpu.wait_dma2 semaphore(%arg10 : memref<!tpu.dma_semaphore, #tpu.memory_space<semaphore_mem>>) src(%dma_wait3A_141 : memref<50x64xf32, #tpu.memory_space<hbm>>) dst(%dma_wait3A_138 : memref<50x64xf32, #tpu.memory_space<vmem>>)
      %gt3A = arith.constant 0 : i32
      %gt3A_142 = arith.cmpi sgt, %scan3A_102, %gt3A : i32
      %convert_element_type3A = arith.extui %gt3A_142 : i1 to i32
      %cond3A = arith.constant 0 : i32
      %cond3A_143 = arith.cmpi ne, %convert_element_type3A, %cond3A : i32
      scf.if %cond3A_143 {
        %dma_wait3A_297 = arith.constant 1 : i32
        %dma_wait3A_298 = arith.constant 0 : i32
        %dma_wait3A_299 = arith.constant 0 : i32
        %dma_wait3A_300 = arith.constant 0 : i32
        %dma_wait3A_301 = tpu.memref_slice %arg8[%dma_wait3A_297, %dma_wait3A_298, %dma_wait3A_299, %dma_wait3A_300] : memref<2x2x50x64xf32, #tpu.memory_space<vmem>> -> memref<1x1x50x64xf32, #tpu.memory_space<vmem>>
        %dma_wait3A_302 = tpu.memref_squeeze %dma_wait3A_301 : memref<1x1x50x64xf32, #tpu.memory_space<vmem>> -> memref<50x64xf32, #tpu.memory_space<vmem>>
        %dma_wait3A_303 = arith.constant 0 : i32
        %dma_wait3A_304 = arith.constant 0 : i32
        %dma_wait3A_305 = tpu.memref_slice %arg9[%dma_wait3A_303, %dma_wait3A_304] : memref<10000x64xf32, #tpu.memory_space<vmem_shared>> -> memref<50x64xf32, #tpu.memory_space<vmem_shared>>
        %dma_wait3A_306 = arith.constant 0 : i32
        %dma_wait3A_307 = arith.constant 0 : i32
        %dma_wait3A_308 = tpu.memref_slice %arg9[%dma_wait3A_306, %dma_wait3A_307] : memref<10000x64xf32, #tpu.memory_space<vmem_shared>> -> memref<50x64xf32, #tpu.memory_space<vmem_shared>>
        %dma_wait3A_309 = arith.constant 0 : i32
        %dma_wait3A_310 = arith.constant 0 : i32
        %dma_wait3A_311 = tpu.memref_slice %arg8[%dma_wait3A_297, %dma_wait3A_298, %dma_wait3A_309, %dma_wait3A_310] : memref<2x2x50x64xf32, #tpu.memory_space<vmem>> -> memref<1x1x50x64xf32, #tpu.memory_space<vmem>>
        %dma_wait3A_312 = tpu.memref_squeeze %dma_wait3A_311 : memref<1x1x50x64xf32, #tpu.memory_space<vmem>> -> memref<50x64xf32, #tpu.memory_space<vmem>>
        tpu.wait_dma2 semaphore(%arg11 : memref<!tpu.dma_semaphore, #tpu.memory_space<semaphore_mem>>) src(%dma_wait3A_312 : memref<50x64xf32, #tpu.memory_space<vmem>>) dst(%dma_wait3A_308 : memref<50x64xf32, #tpu.memory_space<vmem_shared>>)
        %dma_wait3A_313 = arith.constant 1 : i32
        %dma_wait3A_314 = arith.constant 1 : i32
        %dma_wait3A_315 = arith.constant 0 : i32
        %dma_wait3A_316 = arith.constant 0 : i32
        %dma_wait3A_317 = tpu.memref_slice %arg8[%dma_wait3A_313, %dma_wait3A_314, %dma_wait3A_315, %dma_wait3A_316] : memref<2x2x50x64xf32, #tpu.memory_space<vmem>> -> memref<1x1x50x64xf32, #tpu.memory_space<vmem>>
        %dma_wait3A_318 = tpu.memref_squeeze %dma_wait3A_317 : memref<1x1x50x64xf32, #tpu.memory_space<vmem>> -> memref<50x64xf32, #tpu.memory_space<vmem>>
        %dma_wait3A_319 = arith.constant 0 : i32
        %dma_wait3A_320 = arith.constant 0 : i32
        %dma_wait3A_321 = tpu.memref_slice %arg9[%dma_wait3A_319, %dma_wait3A_320] : memref<10000x64xf32, #tpu.memory_space<vmem_shared>> -> memref<50x64xf32, #tpu.memory_space<vmem_shared>>
        %dma_wait3A_322 = arith.constant 0 : i32
        %dma_wait3A_323 = arith.constant 0 : i32
        %dma_wait3A_324 = tpu.memref_slice %arg9[%dma_wait3A_322, %dma_wait3A_323] : memref<10000x64xf32, #tpu.memory_space<vmem_shared>> -> memref<50x64xf32, #tpu.memory_space<vmem_shared>>
        %dma_wait3A_325 = arith.constant 0 : i32
        %dma_wait3A_326 = arith.constant 0 : i32
        %dma_wait3A_327 = tpu.memref_slice %arg8[%dma_wait3A_313, %dma_wait3A_314, %dma_wait3A_325, %dma_wait3A_326] : memref<2x2x50x64xf32, #tpu.memory_space<vmem>> -> memref<1x1x50x64xf32, #tpu.memory_space<vmem>>
        %dma_wait3A_328 = tpu.memref_squeeze %dma_wait3A_327 : memref<1x1x50x64xf32, #tpu.memory_space<vmem>> -> memref<50x64xf32, #tpu.memory_space<vmem>>
        tpu.wait_dma2 semaphore(%arg11 : memref<!tpu.dma_semaphore, #tpu.memory_space<semaphore_mem>>) src(%dma_wait3A_328 : memref<50x64xf32, #tpu.memory_space<vmem>>) dst(%dma_wait3A_324 : memref<50x64xf32, #tpu.memory_space<vmem_shared>>)
      } else {
      }
      %add3A_144 = arith.constant 0 : i32
      %add3A_145 = arith.addi %add3A_109, %add3A_144 : i32
      %dma_start3A_146 = arith.constant 1 : i32
      %dma_start3A_147 = arith.constant 0 : i32
      %dma_start3A_148 = arith.constant 0 : i32
      %dma_start3A_149 = arith.constant 0 : i32
      %dma_start3A_150 = tpu.memref_slice %arg8[%dma_start3A_146, %dma_start3A_147, %dma_start3A_148, %dma_start3A_149] : memref<2x2x50x64xf32, #tpu.memory_space<vmem>> -> memref<1x1x50x64xf32, #tpu.memory_space<vmem>>
      %dma_start3A_151 = tpu.memref_squeeze %dma_start3A_150 : memref<1x1x50x64xf32, #tpu.memory_space<vmem>> -> memref<50x64xf32, #tpu.memory_space<vmem>>
      %dma_start3A_152 = arith.constant 0 : i32
      %dma_start3A_153 = tpu.memref_slice %arg6[%add3A_145, %dma_start3A_152] : memref<200x50xi32, #tpu.memory_space<vmem>> -> memref<1x50xi32, #tpu.memory_space<vmem>>
      %dma_start3A_154 = tpu.memref_squeeze %dma_start3A_153 : memref<1x50xi32, #tpu.memory_space<vmem>> -> memref<50xi32, #tpu.memory_space<vmem>>
      %dma_start3A_155 = arith.constant 0 : i32
      %dma_start3A_156 = arith.constant 0 : i32
      %dma_start3A_157 = tpu.memref_slice %arg2[%dma_start3A_155, %dma_start3A_156] : memref<10000x64xf32, #tpu.memory_space<hbm>> -> memref<10000x64xf32, #tpu.memory_space<hbm>>
      tpu.enqueue_indirect_dma source(%dma_start3A_157 : memref<10000x64xf32, #tpu.memory_space<hbm>>) target(%dma_start3A_151 : memref<50x64xf32, #tpu.memory_space<vmem>>) offsets(%dma_start3A_154 : memref<50xi32, #tpu.memory_space<vmem>>) semaphore(%arg10 : memref<!tpu.dma_semaphore, #tpu.memory_space<semaphore_mem>>)
      %add3A_158 = arith.constant 1 : i32
      %add3A_159 = arith.addi %add3A_109, %add3A_158 : i32
      %dma_start3A_160 = arith.constant 1 : i32
      %dma_start3A_161 = arith.constant 1 : i32
      %dma_start3A_162 = arith.constant 0 : i32
      %dma_start3A_163 = arith.constant 0 : i32
      %dma_start3A_164 = tpu.memref_slice %arg8[%dma_start3A_160, %dma_start3A_161, %dma_start3A_162, %dma_start3A_163] : memref<2x2x50x64xf32, #tpu.memory_space<vmem>> -> memref<1x1x50x64xf32, #tpu.memory_space<vmem>>
      %dma_start3A_165 = tpu.memref_squeeze %dma_start3A_164 : memref<1x1x50x64xf32, #tpu.memory_space<vmem>> -> memref<50x64xf32, #tpu.memory_space<vmem>>
      %dma_start3A_166 = arith.constant 0 : i32
      %dma_start3A_167 = tpu.memref_slice %arg6[%add3A_159, %dma_start3A_166] : memref<200x50xi32, #tpu.memory_space<vmem>> -> memref<1x50xi32, #tpu.memory_space<vmem>>
      %dma_start3A_168 = tpu.memref_squeeze %dma_start3A_167 : memref<1x50xi32, #tpu.memory_space<vmem>> -> memref<50xi32, #tpu.memory_space<vmem>>
      %dma_start3A_169 = arith.constant 0 : i32
      %dma_start3A_170 = arith.constant 0 : i32
      %dma_start3A_171 = tpu.memref_slice %arg2[%dma_start3A_169, %dma_start3A_170] : memref<10000x64xf32, #tpu.memory_space<hbm>> -> memref<10000x64xf32, #tpu.memory_space<hbm>>
      tpu.enqueue_indirect_dma source(%dma_start3A_171 : memref<10000x64xf32, #tpu.memory_space<hbm>>) target(%dma_start3A_165 : memref<50x64xf32, #tpu.memory_space<vmem>>) offsets(%dma_start3A_168 : memref<50xi32, #tpu.memory_space<vmem>>) semaphore(%arg10 : memref<!tpu.dma_semaphore, #tpu.memory_space<semaphore_mem>>)
      %add3A_172 = arith.constant 0 : i32
      %add3A_173 = arith.addi %mul3A_107, %add3A_172 : i32
      %dma_start3A_174 = arith.constant 0 : i32
      %dma_start3A_175 = arith.constant 0 : i32
      %dma_start3A_176 = arith.constant 0 : i32
      %dma_start3A_177 = arith.constant 0 : i32
      %dma_start3A_178 = tpu.memref_slice %arg8[%dma_start3A_174, %dma_start3A_175, %dma_start3A_176, %dma_start3A_177] : memref<2x2x50x64xf32, #tpu.memory_space<vmem>> -> memref<1x1x50x64xf32, #tpu.memory_space<vmem>>
      %dma_start3A_179 = tpu.memref_squeeze %dma_start3A_178 : memref<1x1x50x64xf32, #tpu.memory_space<vmem>> -> memref<50x64xf32, #tpu.memory_space<vmem>>
      %dma_start3A_180 = arith.constant 0 : i32
      %dma_start3A_181 = tpu.memref_slice %arg7[%add3A_173, %dma_start3A_180] : memref<200x50xi32, #tpu.memory_space<vmem>> -> memref<1x50xi32, #tpu.memory_space<vmem>>
      %dma_start3A_182 = tpu.memref_squeeze %dma_start3A_181 : memref<1x50xi32, #tpu.memory_space<vmem>> -> memref<50xi32, #tpu.memory_space<vmem>>
      %dma_start3A_183 = arith.constant 0 : i32
      %dma_start3A_184 = arith.constant 0 : i32
      %dma_start3A_185 = tpu.memref_slice %arg9[%dma_start3A_183, %dma_start3A_184] : memref<10000x64xf32, #tpu.memory_space<vmem_shared>> -> memref<10000x64xf32, #tpu.memory_space<vmem_shared>>
      tpu.enqueue_indirect_dma source(%dma_start3A_179 : memref<50x64xf32, #tpu.memory_space<vmem>>) target(%dma_start3A_185 : memref<10000x64xf32, #tpu.memory_space<vmem_shared>>) offsets(%dma_start3A_182 : memref<50xi32, #tpu.memory_space<vmem>>) semaphore(%arg11 : memref<!tpu.dma_semaphore, #tpu.memory_space<semaphore_mem>>) {add = true}
      %add3A_186 = arith.constant 1 : i32
      %add3A_187 = arith.addi %mul3A_107, %add3A_186 : i32
      %dma_start3A_188 = arith.constant 0 : i32
      %dma_start3A_189 = arith.constant 1 : i32
      %dma_start3A_190 = arith.constant 0 : i32
      %dma_start3A_191 = arith.constant 0 : i32
      %dma_start3A_192 = tpu.memref_slice %arg8[%dma_start3A_188, %dma_start3A_189, %dma_start3A_190, %dma_start3A_191] : memref<2x2x50x64xf32, #tpu.memory_space<vmem>> -> memref<1x1x50x64xf32, #tpu.memory_space<vmem>>
      %dma_start3A_193 = tpu.memref_squeeze %dma_start3A_192 : memref<1x1x50x64xf32, #tpu.memory_space<vmem>> -> memref<50x64xf32, #tpu.memory_space<vmem>>
      %dma_start3A_194 = arith.constant 0 : i32
      %dma_start3A_195 = tpu.memref_slice %arg7[%add3A_187, %dma_start3A_194] : memref<200x50xi32, #tpu.memory_space<vmem>> -> memref<1x50xi32, #tpu.memory_space<vmem>>
      %dma_start3A_196 = tpu.memref_squeeze %dma_start3A_195 : memref<1x50xi32, #tpu.memory_space<vmem>> -> memref<50xi32, #tpu.memory_space<vmem>>
      %dma_start3A_197 = arith.constant 0 : i32
      %dma_start3A_198 = arith.constant 0 : i32
      %dma_start3A_199 = tpu.memref_slice %arg9[%dma_start3A_197, %dma_start3A_198] : memref<10000x64xf32, #tpu.memory_space<vmem_shared>> -> memref<10000x64xf32, #tpu.memory_space<vmem_shared>>
      tpu.enqueue_indirect_dma source(%dma_start3A_193 : memref<50x64xf32, #tpu.memory_space<vmem>>) target(%dma_start3A_199 : memref<10000x64xf32, #tpu.memory_space<vmem_shared>>) offsets(%dma_start3A_196 : memref<50xi32, #tpu.memory_space<vmem>>) semaphore(%arg11 : memref<!tpu.dma_semaphore, #tpu.memory_space<semaphore_mem>>) {add = true}
      %dma_wait3A_200 = arith.constant 1 : i32
      %dma_wait3A_201 = arith.constant 0 : i32
      %dma_wait3A_202 = arith.constant 0 : i32
      %dma_wait3A_203 = arith.constant 0 : i32
      %dma_wait3A_204 = tpu.memref_slice %arg8[%dma_wait3A_200, %dma_wait3A_201, %dma_wait3A_202, %dma_wait3A_203] : memref<2x2x50x64xf32, #tpu.memory_space<vmem>> -> memref<1x1x50x64xf32, #tpu.memory_space<vmem>>
      %dma_wait3A_205 = tpu.memref_squeeze %dma_wait3A_204 : memref<1x1x50x64xf32, #tpu.memory_space<vmem>> -> memref<50x64xf32, #tpu.memory_space<vmem>>
      %dma_wait3A_206 = arith.constant 0 : i32
      %dma_wait3A_207 = arith.constant 0 : i32
      %dma_wait3A_208 = tpu.memref_slice %arg2[%dma_wait3A_206, %dma_wait3A_207] : memref<10000x64xf32, #tpu.memory_space<hbm>> -> memref<50x64xf32, #tpu.memory_space<hbm>>
      %dma_wait3A_209 = arith.constant 0 : i32
      %dma_wait3A_210 = arith.constant 0 : i32
      %dma_wait3A_211 = tpu.memref_slice %arg8[%dma_wait3A_200, %dma_wait3A_201, %dma_wait3A_209, %dma_wait3A_210] : memref<2x2x50x64xf32, #tpu.memory_space<vmem>> -> memref<1x1x50x64xf32, #tpu.memory_space<vmem>>
      %dma_wait3A_212 = tpu.memref_squeeze %dma_wait3A_211 : memref<1x1x50x64xf32, #tpu.memory_space<vmem>> -> memref<50x64xf32, #tpu.memory_space<vmem>>
      %dma_wait3A_213 = arith.constant 0 : i32
      %dma_wait3A_214 = arith.constant 0 : i32
      %dma_wait3A_215 = tpu.memref_slice %arg2[%dma_wait3A_213, %dma_wait3A_214] : memref<10000x64xf32, #tpu.memory_space<hbm>> -> memref<50x64xf32, #tpu.memory_space<hbm>>
      tpu.wait_dma2 semaphore(%arg10 : memref<!tpu.dma_semaphore, #tpu.memory_space<semaphore_mem>>) src(%dma_wait3A_215 : memref<50x64xf32, #tpu.memory_space<hbm>>) dst(%dma_wait3A_212 : memref<50x64xf32, #tpu.memory_space<vmem>>)
      %dma_wait3A_216 = arith.constant 1 : i32
      %dma_wait3A_217 = arith.constant 1 : i32
      %dma_wait3A_218 = arith.constant 0 : i32
      %dma_wait3A_219 = arith.constant 0 : i32
      %dma_wait3A_220 = tpu.memref_slice %arg8[%dma_wait3A_216, %dma_wait3A_217, %dma_wait3A_218, %dma_wait3A_219] : memref<2x2x50x64xf32, #tpu.memory_space<vmem>> -> memref<1x1x50x64xf32, #tpu.memory_space<vmem>>
      %dma_wait3A_221 = tpu.memref_squeeze %dma_wait3A_220 : memref<1x1x50x64xf32, #tpu.memory_space<vmem>> -> memref<50x64xf32, #tpu.memory_space<vmem>>
      %dma_wait3A_222 = arith.constant 0 : i32
      %dma_wait3A_223 = arith.constant 0 : i32
      %dma_wait3A_224 = tpu.memref_slice %arg2[%dma_wait3A_222, %dma_wait3A_223] : memref<10000x64xf32, #tpu.memory_space<hbm>> -> memref<50x64xf32, #tpu.memory_space<hbm>>
      %dma_wait3A_225 = arith.constant 0 : i32
      %dma_wait3A_226 = arith.constant 0 : i32
      %dma_wait3A_227 = tpu.memref_slice %arg8[%dma_wait3A_216, %dma_wait3A_217, %dma_wait3A_225, %dma_wait3A_226] : memref<2x2x50x64xf32, #tpu.memory_space<vmem>> -> memref<1x1x50x64xf32, #tpu.memory_space<vmem>>
      %dma_wait3A_228 = tpu.memref_squeeze %dma_wait3A_227 : memref<1x1x50x64xf32, #tpu.memory_space<vmem>> -> memref<50x64xf32, #tpu.memory_space<vmem>>
      %dma_wait3A_229 = arith.constant 0 : i32
      %dma_wait3A_230 = arith.constant 0 : i32
      %dma_wait3A_231 = tpu.memref_slice %arg2[%dma_wait3A_229, %dma_wait3A_230] : memref<10000x64xf32, #tpu.memory_space<hbm>> -> memref<50x64xf32, #tpu.memory_space<hbm>>
      tpu.wait_dma2 semaphore(%arg10 : memref<!tpu.dma_semaphore, #tpu.memory_space<semaphore_mem>>) src(%dma_wait3A_231 : memref<50x64xf32, #tpu.memory_space<hbm>>) dst(%dma_wait3A_228 : memref<50x64xf32, #tpu.memory_space<vmem>>)
      %dma_wait3A_232 = arith.constant 0 : i32
      %dma_wait3A_233 = arith.constant 0 : i32
      %dma_wait3A_234 = arith.constant 0 : i32
      %dma_wait3A_235 = arith.constant 0 : i32
      %dma_wait3A_236 = tpu.memref_slice %arg8[%dma_wait3A_232, %dma_wait3A_233, %dma_wait3A_234, %dma_wait3A_235] : memref<2x2x50x64xf32, #tpu.memory_space<vmem>> -> memref<1x1x50x64xf32, #tpu.memory_space<vmem>>
      %dma_wait3A_237 = tpu.memref_squeeze %dma_wait3A_236 : memref<1x1x50x64xf32, #tpu.memory_space<vmem>> -> memref<50x64xf32, #tpu.memory_space<vmem>>
      %dma_wait3A_238 = arith.constant 0 : i32
      %dma_wait3A_239 = arith.constant 0 : i32
      %dma_wait3A_240 = tpu.memref_slice %arg9[%dma_wait3A_238, %dma_wait3A_239] : memref<10000x64xf32, #tpu.memory_space<vmem_shared>> -> memref<50x64xf32, #tpu.memory_space<vmem_shared>>
      %dma_wait3A_241 = arith.constant 0 : i32
      %dma_wait3A_242 = arith.constant 0 : i32
      %dma_wait3A_243 = tpu.memref_slice %arg9[%dma_wait3A_241, %dma_wait3A_242] : memref<10000x64xf32, #tpu.memory_space<vmem_shared>> -> memref<50x64xf32, #tpu.memory_space<vmem_shared>>
      %dma_wait3A_244 = arith.constant 0 : i32
      %dma_wait3A_245 = arith.constant 0 : i32
      %dma_wait3A_246 = tpu.memref_slice %arg8[%dma_wait3A_232, %dma_wait3A_233, %dma_wait3A_244, %dma_wait3A_245] : memref<2x2x50x64xf32, #tpu.memory_space<vmem>> -> memref<1x1x50x64xf32, #tpu.memory_space<vmem>>
      %dma_wait3A_247 = tpu.memref_squeeze %dma_wait3A_246 : memref<1x1x50x64xf32, #tpu.memory_space<vmem>> -> memref<50x64xf32, #tpu.memory_space<vmem>>
      tpu.wait_dma2 semaphore(%arg11 : memref<!tpu.dma_semaphore, #tpu.memory_space<semaphore_mem>>) src(%dma_wait3A_247 : memref<50x64xf32, #tpu.memory_space<vmem>>) dst(%dma_wait3A_243 : memref<50x64xf32, #tpu.memory_space<vmem_shared>>)
      %dma_wait3A_248 = arith.constant 0 : i32
      %dma_wait3A_249 = arith.constant 1 : i32
      %dma_wait3A_250 = arith.constant 0 : i32
      %dma_wait3A_251 = arith.constant 0 : i32
      %dma_wait3A_252 = tpu.memref_slice %arg8[%dma_wait3A_248, %dma_wait3A_249, %dma_wait3A_250, %dma_wait3A_251] : memref<2x2x50x64xf32, #tpu.memory_space<vmem>> -> memref<1x1x50x64xf32, #tpu.memory_space<vmem>>
      %dma_wait3A_253 = tpu.memref_squeeze %dma_wait3A_252 : memref<1x1x50x64xf32, #tpu.memory_space<vmem>> -> memref<50x64xf32, #tpu.memory_space<vmem>>
      %dma_wait3A_254 = arith.constant 0 : i32
      %dma_wait3A_255 = arith.constant 0 : i32
      %dma_wait3A_256 = tpu.memref_slice %arg9[%dma_wait3A_254, %dma_wait3A_255] : memref<10000x64xf32, #tpu.memory_space<vmem_shared>> -> memref<50x64xf32, #tpu.memory_space<vmem_shared>>
      %dma_wait3A_257 = arith.constant 0 : i32
      %dma_wait3A_258 = arith.constant 0 : i32
      %dma_wait3A_259 = tpu.memref_slice %arg9[%dma_wait3A_257, %dma_wait3A_258] : memref<10000x64xf32, #tpu.memory_space<vmem_shared>> -> memref<50x64xf32, #tpu.memory_space<vmem_shared>>
      %dma_wait3A_260 = arith.constant 0 : i32
      %dma_wait3A_261 = arith.constant 0 : i32
      %dma_wait3A_262 = tpu.memref_slice %arg8[%dma_wait3A_248, %dma_wait3A_249, %dma_wait3A_260, %dma_wait3A_261] : memref<2x2x50x64xf32, #tpu.memory_space<vmem>> -> memref<1x1x50x64xf32, #tpu.memory_space<vmem>>
      %dma_wait3A_263 = tpu.memref_squeeze %dma_wait3A_262 : memref<1x1x50x64xf32, #tpu.memory_space<vmem>> -> memref<50x64xf32, #tpu.memory_space<vmem>>
      tpu.wait_dma2 semaphore(%arg11 : memref<!tpu.dma_semaphore, #tpu.memory_space<semaphore_mem>>) src(%dma_wait3A_263 : memref<50x64xf32, #tpu.memory_space<vmem>>) dst(%dma_wait3A_259 : memref<50x64xf32, #tpu.memory_space<vmem_shared>>)
      %lt3A = arith.constant 49 : i32
      %lt3A_264 = arith.cmpi slt, %scan3A_102, %lt3A : i32
      %convert_element_type3A_265 = arith.extui %lt3A_264 : i1 to i32
      %cond3A_266 = arith.constant 0 : i32
      %cond3A_267 = arith.cmpi ne, %convert_element_type3A_265, %cond3A_266 : i32
      scf.if %cond3A_267 {
        %add3A_297 = arith.constant 2 : i32
        %add3A_298 = arith.addi %add3A_109, %add3A_297 : i32
        %add3A_299 = arith.constant 0 : i32
        %add3A_300 = arith.addi %add3A_298, %add3A_299 : i32
        %dma_start3A_301 = arith.constant 0 : i32
        %dma_start3A_302 = arith.constant 0 : i32
        %dma_start3A_303 = arith.constant 0 : i32
        %dma_start3A_304 = arith.constant 0 : i32
        %dma_start3A_305 = tpu.memref_slice %arg8[%dma_start3A_301, %dma_start3A_302, %dma_start3A_303, %dma_start3A_304] : memref<2x2x50x64xf32, #tpu.memory_space<vmem>> -> memref<1x1x50x64xf32, #tpu.memory_space<vmem>>
        %dma_start3A_306 = tpu.memref_squeeze %dma_start3A_305 : memref<1x1x50x64xf32, #tpu.memory_space<vmem>> -> memref<50x64xf32, #tpu.memory_space<vmem>>
        %dma_start3A_307 = arith.constant 0 : i32
        %dma_start3A_308 = tpu.memref_slice %arg6[%add3A_300, %dma_start3A_307] : memref<200x50xi32, #tpu.memory_space<vmem>> -> memref<1x50xi32, #tpu.memory_space<vmem>>
        %dma_start3A_309 = tpu.memref_squeeze %dma_start3A_308 : memref<1x50xi32, #tpu.memory_space<vmem>> -> memref<50xi32, #tpu.memory_space<vmem>>
        %dma_start3A_310 = arith.constant 0 : i32
        %dma_start3A_311 = arith.constant 0 : i32
        %dma_start3A_312 = tpu.memref_slice %arg2[%dma_start3A_310, %dma_start3A_311] : memref<10000x64xf32, #tpu.memory_space<hbm>> -> memref<10000x64xf32, #tpu.memory_space<hbm>>
        tpu.enqueue_indirect_dma source(%dma_start3A_312 : memref<10000x64xf32, #tpu.memory_space<hbm>>) target(%dma_start3A_306 : memref<50x64xf32, #tpu.memory_space<vmem>>) offsets(%dma_start3A_309 : memref<50xi32, #tpu.memory_space<vmem>>) semaphore(%arg10 : memref<!tpu.dma_semaphore, #tpu.memory_space<semaphore_mem>>)
        %add3A_313 = arith.constant 2 : i32
        %add3A_314 = arith.addi %add3A_109, %add3A_313 : i32
        %add3A_315 = arith.constant 1 : i32
        %add3A_316 = arith.addi %add3A_314, %add3A_315 : i32
        %dma_start3A_317 = arith.constant 0 : i32
        %dma_start3A_318 = arith.constant 1 : i32
        %dma_start3A_319 = arith.constant 0 : i32
        %dma_start3A_320 = arith.constant 0 : i32
        %dma_start3A_321 = tpu.memref_slice %arg8[%dma_start3A_317, %dma_start3A_318, %dma_start3A_319, %dma_start3A_320] : memref<2x2x50x64xf32, #tpu.memory_space<vmem>> -> memref<1x1x50x64xf32, #tpu.memory_space<vmem>>
        %dma_start3A_322 = tpu.memref_squeeze %dma_start3A_321 : memref<1x1x50x64xf32, #tpu.memory_space<vmem>> -> memref<50x64xf32, #tpu.memory_space<vmem>>
        %dma_start3A_323 = arith.constant 0 : i32
        %dma_start3A_324 = tpu.memref_slice %arg6[%add3A_316, %dma_start3A_323] : memref<200x50xi32, #tpu.memory_space<vmem>> -> memref<1x50xi32, #tpu.memory_space<vmem>>
        %dma_start3A_325 = tpu.memref_squeeze %dma_start3A_324 : memref<1x50xi32, #tpu.memory_space<vmem>> -> memref<50xi32, #tpu.memory_space<vmem>>
        %dma_start3A_326 = arith.constant 0 : i32
        %dma_start3A_327 = arith.constant 0 : i32
        %dma_start3A_328 = tpu.memref_slice %arg2[%dma_start3A_326, %dma_start3A_327] : memref<10000x64xf32, #tpu.memory_space<hbm>> -> memref<10000x64xf32, #tpu.memory_space<hbm>>
        tpu.enqueue_indirect_dma source(%dma_start3A_328 : memref<10000x64xf32, #tpu.memory_space<hbm>>) target(%dma_start3A_322 : memref<50x64xf32, #tpu.memory_space<vmem>>) offsets(%dma_start3A_325 : memref<50xi32, #tpu.memory_space<vmem>>) semaphore(%arg10 : memref<!tpu.dma_semaphore, #tpu.memory_space<semaphore_mem>>)
      } else {
      }
      %add3A_268 = arith.constant 0 : i32
      %add3A_269 = arith.addi %add3A_109, %add3A_268 : i32
      %dma_start3A_270 = arith.constant 1 : i32
      %dma_start3A_271 = arith.constant 0 : i32
      %dma_start3A_272 = arith.constant 0 : i32
      %dma_start3A_273 = arith.constant 0 : i32
      %dma_start3A_274 = tpu.memref_slice %arg8[%dma_start3A_270, %dma_start3A_271, %dma_start3A_272, %dma_start3A_273] : memref<2x2x50x64xf32, #tpu.memory_space<vmem>> -> memref<1x1x50x64xf32, #tpu.memory_space<vmem>>
      %dma_start3A_275 = tpu.memref_squeeze %dma_start3A_274 : memref<1x1x50x64xf32, #tpu.memory_space<vmem>> -> memref<50x64xf32, #tpu.memory_space<vmem>>
      %dma_start3A_276 = arith.constant 0 : i32
      %dma_start3A_277 = tpu.memref_slice %arg7[%add3A_269, %dma_start3A_276] : memref<200x50xi32, #tpu.memory_space<vmem>> -> memref<1x50xi32, #tpu.memory_space<vmem>>
      %dma_start3A_278 = tpu.memref_squeeze %dma_start3A_277 : memref<1x50xi32, #tpu.memory_space<vmem>> -> memref<50xi32, #tpu.memory_space<vmem>>
      %dma_start3A_279 = arith.constant 0 : i32
      %dma_start3A_280 = arith.constant 0 : i32
      %dma_start3A_281 = tpu.memref_slice %arg9[%dma_start3A_279, %dma_start3A_280] : memref<10000x64xf32, #tpu.memory_space<vmem_shared>> -> memref<10000x64xf32, #tpu.memory_space<vmem_shared>>
      tpu.enqueue_indirect_dma source(%dma_start3A_275 : memref<50x64xf32, #tpu.memory_space<vmem>>) target(%dma_start3A_281 : memref<10000x64xf32, #tpu.memory_space<vmem_shared>>) offsets(%dma_start3A_278 : memref<50xi32, #tpu.memory_space<vmem>>) semaphore(%arg11 : memref<!tpu.dma_semaphore, #tpu.memory_space<semaphore_mem>>) {add = true}
      %add3A_282 = arith.constant 1 : i32
      %add3A_283 = arith.addi %add3A_109, %add3A_282 : i32
      %dma_start3A_284 = arith.constant 1 : i32
      %dma_start3A_285 = arith.constant 1 : i32
      %dma_start3A_286 = arith.constant 0 : i32
      %dma_start3A_287 = arith.constant 0 : i32
      %dma_start3A_288 = tpu.memref_slice %arg8[%dma_start3A_284, %dma_start3A_285, %dma_start3A_286, %dma_start3A_287] : memref<2x2x50x64xf32, #tpu.memory_space<vmem>> -> memref<1x1x50x64xf32, #tpu.memory_space<vmem>>
      %dma_start3A_289 = tpu.memref_squeeze %dma_start3A_288 : memref<1x1x50x64xf32, #tpu.memory_space<vmem>> -> memref<50x64xf32, #tpu.memory_space<vmem>>
      %dma_start3A_290 = arith.constant 0 : i32
      %dma_start3A_291 = tpu.memref_slice %arg7[%add3A_283, %dma_start3A_290] : memref<200x50xi32, #tpu.memory_space<vmem>> -> memref<1x50xi32, #tpu.memory_space<vmem>>
      %dma_start3A_292 = tpu.memref_squeeze %dma_start3A_291 : memref<1x50xi32, #tpu.memory_space<vmem>> -> memref<50xi32, #tpu.memory_space<vmem>>
      %dma_start3A_293 = arith.constant 0 : i32
      %dma_start3A_294 = arith.constant 0 : i32
      %dma_start3A_295 = tpu.memref_slice %arg9[%dma_start3A_293, %dma_start3A_294] : memref<10000x64xf32, #tpu.memory_space<vmem_shared>> -> memref<10000x64xf32, #tpu.memory_space<vmem_shared>>
      tpu.enqueue_indirect_dma source(%dma_start3A_289 : memref<50x64xf32, #tpu.memory_space<vmem>>) target(%dma_start3A_295 : memref<10000x64xf32, #tpu.memory_space<vmem_shared>>) offsets(%dma_start3A_292 : memref<50xi32, #tpu.memory_space<vmem>>) semaphore(%arg11 : memref<!tpu.dma_semaphore, #tpu.memory_space<semaphore_mem>>) {add = true}
      %scan3A_296 = arith.constant 0 : i32
      scf.yield %scan3A_296 : i32
    }
    %scan3A_52 = arith.constant 50 : i32
    %dma_wait3A = arith.constant 1 : i32
    %dma_wait3A_53 = arith.constant 0 : i32
    %dma_wait3A_54 = arith.constant 0 : i32
    %dma_wait3A_55 = arith.constant 0 : i32
    %dma_wait3A_56 = tpu.memref_slice %arg8[%dma_wait3A, %dma_wait3A_53, %dma_wait3A_54, %dma_wait3A_55] : memref<2x2x50x64xf32, #tpu.memory_space<vmem>> -> memref<1x1x50x64xf32, #tpu.memory_space<vmem>>
    %dma_wait3A_57 = tpu.memref_squeeze %dma_wait3A_56 : memref<1x1x50x64xf32, #tpu.memory_space<vmem>> -> memref<50x64xf32, #tpu.memory_space<vmem>>
    %dma_wait3A_58 = arith.constant 0 : i32
    %dma_wait3A_59 = arith.constant 0 : i32
    %dma_wait3A_60 = tpu.memref_slice %arg9[%dma_wait3A_58, %dma_wait3A_59] : memref<10000x64xf32, #tpu.memory_space<vmem_shared>> -> memref<50x64xf32, #tpu.memory_space<vmem_shared>>
    %dma_wait3A_61 = arith.constant 0 : i32
    %dma_wait3A_62 = arith.constant 0 : i32
    %dma_wait3A_63 = tpu.memref_slice %arg9[%dma_wait3A_61, %dma_wait3A_62] : memref<10000x64xf32, #tpu.memory_space<vmem_shared>> -> memref<50x64xf32, #tpu.memory_space<vmem_shared>>
    %dma_wait3A_64 = arith.constant 0 : i32
    %dma_wait3A_65 = arith.constant 0 : i32
    %dma_wait3A_66 = tpu.memref_slice %arg8[%dma_wait3A, %dma_wait3A_53, %dma_wait3A_64, %dma_wait3A_65] : memref<2x2x50x64xf32, #tpu.memory_space<vmem>> -> memref<1x1x50x64xf32, #tpu.memory_space<vmem>>
    %dma_wait3A_67 = tpu.memref_squeeze %dma_wait3A_66 : memref<1x1x50x64xf32, #tpu.memory_space<vmem>> -> memref<50x64xf32, #tpu.memory_space<vmem>>
    tpu.wait_dma2 semaphore(%arg11 : memref<!tpu.dma_semaphore, #tpu.memory_space<semaphore_mem>>) src(%dma_wait3A_67 : memref<50x64xf32, #tpu.memory_space<vmem>>) dst(%dma_wait3A_63 : memref<50x64xf32, #tpu.memory_space<vmem_shared>>)
    %dma_wait3A_68 = arith.constant 1 : i32
    %dma_wait3A_69 = arith.constant 1 : i32
    %dma_wait3A_70 = arith.constant 0 : i32
    %dma_wait3A_71 = arith.constant 0 : i32
    %dma_wait3A_72 = tpu.memref_slice %arg8[%dma_wait3A_68, %dma_wait3A_69, %dma_wait3A_70, %dma_wait3A_71] : memref<2x2x50x64xf32, #tpu.memory_space<vmem>> -> memref<1x1x50x64xf32, #tpu.memory_space<vmem>>
    %dma_wait3A_73 = tpu.memref_squeeze %dma_wait3A_72 : memref<1x1x50x64xf32, #tpu.memory_space<vmem>> -> memref<50x64xf32, #tpu.memory_space<vmem>>
    %dma_wait3A_74 = arith.constant 0 : i32
    %dma_wait3A_75 = arith.constant 0 : i32
    %dma_wait3A_76 = tpu.memref_slice %arg9[%dma_wait3A_74, %dma_wait3A_75] : memref<10000x64xf32, #tpu.memory_space<vmem_shared>> -> memref<50x64xf32, #tpu.memory_space<vmem_shared>>
    %dma_wait3A_77 = arith.constant 0 : i32
    %dma_wait3A_78 = arith.constant 0 : i32
    %dma_wait3A_79 = tpu.memref_slice %arg9[%dma_wait3A_77, %dma_wait3A_78] : memref<10000x64xf32, #tpu.memory_space<vmem_shared>> -> memref<50x64xf32, #tpu.memory_space<vmem_shared>>
    %dma_wait3A_80 = arith.constant 0 : i32
    %dma_wait3A_81 = arith.constant 0 : i32
    %dma_wait3A_82 = tpu.memref_slice %arg8[%dma_wait3A_68, %dma_wait3A_69, %dma_wait3A_80, %dma_wait3A_81] : memref<2x2x50x64xf32, #tpu.memory_space<vmem>> -> memref<1x1x50x64xf32, #tpu.memory_space<vmem>>
    %dma_wait3A_83 = tpu.memref_squeeze %dma_wait3A_82 : memref<1x1x50x64xf32, #tpu.memory_space<vmem>> -> memref<50x64xf32, #tpu.memory_space<vmem>>
    tpu.wait_dma2 semaphore(%arg11 : memref<!tpu.dma_semaphore, #tpu.memory_space<semaphore_mem>>) src(%dma_wait3A_83 : memref<50x64xf32, #tpu.memory_space<vmem>>) dst(%dma_wait3A_79 : memref<50x64xf32, #tpu.memory_space<vmem_shared>>)
    %barrier3A_84 = arith.constant 0 : index
    tpu.barrier barrier_id(%barrier3A_84)
    %scan3A_85 = arith.constant 0 : i32
    %scan3A_86 = arith.constant 0 : i32
    %scan3A_87 = arith.constant 0 : i32
    %scan3A_88 = arith.constant 0 : i32
    %scan3A_89 = arith.constant 12 : i32
    %scan3A_90 = arith.addi %scan3A_88, %scan3A_89 : i32
    %scan3A_91 = arith.constant 1 : i32
    %scan3A_92 = scf.for %scan3A_102 = %scan3A_88 to %scan3A_90 step %scan3A_91 iter_args(%scan3A_103 = %scan3A_87) -> (i32)  : i32 {
      %mul3A_104 = arith.constant 50 : i32
      %mul3A_105 = arith.muli %scan3A_102, %mul3A_104 : i32
      %add3A_106 = arith.addi %mul3A_2, %mul3A_105 : i32
      "tpu.region"() ({
        %run_scoped3A_111 = tpu.sem_alloc : memref<!tpu.dma_semaphore, #tpu.memory_space<semaphore_mem>>
        %dma_start3A_112 = arith.constant 0 : i32
        %dma_start3A_113 = arith.constant 0 : i32
        %dma_start3A_114 = tpu.memref_slice %arg8[%scan3A_85, %scan3A_86, %dma_start3A_112, %dma_start3A_113] : memref<2x2x50x64xf32, #tpu.memory_space<vmem>> -> memref<1x1x50x64xf32, #tpu.memory_space<vmem>>
        %dma_start3A_115 = tpu.memref_squeeze %dma_start3A_114 : memref<1x1x50x64xf32, #tpu.memory_space<vmem>> -> memref<50x64xf32, #tpu.memory_space<vmem>>
        %dma_start3A_116 = arith.constant 0 : i32
        %dma_start3A_117 = tpu.memref_slice %arg9[%add3A_106, %dma_start3A_116] : memref<10000x64xf32, #tpu.memory_space<vmem_shared>> -> memref<50x64xf32, #tpu.memory_space<vmem_shared>>
        %dma_start3A_118 = arith.constant 0 : i32
        %dma_start3A_119 = arith.constant 0 : i32
        %dma_start3A_120 = tpu.memref_slice %arg8[%scan3A_85, %scan3A_86, %dma_start3A_118, %dma_start3A_119] : memref<2x2x50x64xf32, #tpu.memory_space<vmem>> -> memref<1x1x50x64xf32, #tpu.memory_space<vmem>>
        %dma_start3A_121 = tpu.memref_squeeze %dma_start3A_120 : memref<1x1x50x64xf32, #tpu.memory_space<vmem>> -> memref<50x64xf32, #tpu.memory_space<vmem>>
        %dma_start3A_122 = arith.constant 0 : i32
        %dma_start3A_123 = tpu.memref_slice %arg9[%add3A_106, %dma_start3A_122] : memref<10000x64xf32, #tpu.memory_space<vmem_shared>> -> memref<50x64xf32, #tpu.memory_space<vmem_shared>>
        tpu.enqueue_dma source(%dma_start3A_123 : memref<50x64xf32, #tpu.memory_space<vmem_shared>>) target(%dma_start3A_121 : memref<50x64xf32, #tpu.memory_space<vmem>>) target_semaphore(%run_scoped3A_111 : memref<!tpu.dma_semaphore, #tpu.memory_space<semaphore_mem>>)
        %dma_wait3A_124 = arith.constant 0 : i32
        %dma_wait3A_125 = arith.constant 0 : i32
        %dma_wait3A_126 = tpu.memref_slice %arg8[%scan3A_85, %scan3A_86, %dma_wait3A_124, %dma_wait3A_125] : memref<2x2x50x64xf32, #tpu.memory_space<vmem>> -> memref<1x1x50x64xf32, #tpu.memory_space<vmem>>
        %dma_wait3A_127 = tpu.memref_squeeze %dma_wait3A_126 : memref<1x1x50x64xf32, #tpu.memory_space<vmem>> -> memref<50x64xf32, #tpu.memory_space<vmem>>
        %dma_wait3A_128 = arith.constant 0 : i32
        %dma_wait3A_129 = tpu.memref_slice %arg9[%add3A_106, %dma_wait3A_128] : memref<10000x64xf32, #tpu.memory_space<vmem_shared>> -> memref<50x64xf32, #tpu.memory_space<vmem_shared>>
        %dma_wait3A_130 = arith.constant 0 : i32
        %dma_wait3A_131 = arith.constant 0 : i32
        %dma_wait3A_132 = tpu.memref_slice %arg8[%scan3A_85, %scan3A_86, %dma_wait3A_130, %dma_wait3A_131] : memref<2x2x50x64xf32, #tpu.memory_space<vmem>> -> memref<1x1x50x64xf32, #tpu.memory_space<vmem>>
        %dma_wait3A_133 = tpu.memref_squeeze %dma_wait3A_132 : memref<1x1x50x64xf32, #tpu.memory_space<vmem>> -> memref<50x64xf32, #tpu.memory_space<vmem>>
        %dma_wait3A_134 = arith.constant 0 : i32
        %dma_wait3A_135 = tpu.memref_slice %arg9[%add3A_106, %dma_wait3A_134] : memref<10000x64xf32, #tpu.memory_space<vmem_shared>> -> memref<50x64xf32, #tpu.memory_space<vmem_shared>>
        tpu.wait_dma2 semaphore(%run_scoped3A_111 : memref<!tpu.dma_semaphore, #tpu.memory_space<semaphore_mem>>) src(%dma_wait3A_135 : memref<50x64xf32, #tpu.memory_space<vmem_shared>>) dst(%dma_wait3A_133 : memref<50x64xf32, #tpu.memory_space<vmem>>)
        tpu.yield
      }) : () -> ()
      %mul3A_107 = arith.constant 50 : i32
      %mul3A_108 = arith.muli %scan3A_102, %mul3A_107 : i32
      %add3A_109 = arith.addi %mul3A_2, %mul3A_108 : i32
      "tpu.region"() ({
        %run_scoped3A_111 = tpu.sem_alloc : memref<!tpu.dma_semaphore, #tpu.memory_space<semaphore_mem>>
        %dma_start3A_112 = arith.constant 0 : i32
        %dma_start3A_113 = arith.constant 0 : i32
        %dma_start3A_114 = tpu.memref_slice %arg8[%scan3A_85, %scan3A_86, %dma_start3A_112, %dma_start3A_113] : memref<2x2x50x64xf32, #tpu.memory_space<vmem>> -> memref<1x1x50x64xf32, #tpu.memory_space<vmem>>
        %dma_start3A_115 = tpu.memref_squeeze %dma_start3A_114 : memref<1x1x50x64xf32, #tpu.memory_space<vmem>> -> memref<50x64xf32, #tpu.memory_space<vmem>>
        %dma_start3A_116 = arith.constant 0 : i32
        %dma_start3A_117 = tpu.memref_slice %arg5[%arg0, %add3A_109, %dma_start3A_116] : memref<2x10000x64xf32, #tpu.memory_space<hbm>> -> memref<1x50x64xf32, #tpu.memory_space<hbm>>
        %dma_start3A_118 = tpu.memref_squeeze %dma_start3A_117 : memref<1x50x64xf32, #tpu.memory_space<hbm>> -> memref<50x64xf32, #tpu.memory_space<hbm>>
        %dma_start3A_119 = arith.constant 0 : i32
        %dma_start3A_120 = tpu.memref_slice %arg5[%arg0, %add3A_109, %dma_start3A_119] : memref<2x10000x64xf32, #tpu.memory_space<hbm>> -> memref<1x50x64xf32, #tpu.memory_space<hbm>>
        %dma_start3A_121 = tpu.memref_squeeze %dma_start3A_120 : memref<1x50x64xf32, #tpu.memory_space<hbm>> -> memref<50x64xf32, #tpu.memory_space<hbm>>
        %dma_start3A_122 = arith.constant 0 : i32
        %dma_start3A_123 = arith.constant 0 : i32
        %dma_start3A_124 = tpu.memref_slice %arg8[%scan3A_85, %scan3A_86, %dma_start3A_122, %dma_start3A_123] : memref<2x2x50x64xf32, #tpu.memory_space<vmem>> -> memref<1x1x50x64xf32, #tpu.memory_space<vmem>>
        %dma_start3A_125 = tpu.memref_squeeze %dma_start3A_124 : memref<1x1x50x64xf32, #tpu.memory_space<vmem>> -> memref<50x64xf32, #tpu.memory_space<vmem>>
        tpu.enqueue_dma source(%dma_start3A_125 : memref<50x64xf32, #tpu.memory_space<vmem>>) target(%dma_start3A_121 : memref<50x64xf32, #tpu.memory_space<hbm>>) target_semaphore(%run_scoped3A_111 : memref<!tpu.dma_semaphore, #tpu.memory_space<semaphore_mem>>)
        %dma_wait3A_126 = arith.constant 0 : i32
        %dma_wait3A_127 = arith.constant 0 : i32
        %dma_wait3A_128 = tpu.memref_slice %arg8[%scan3A_85, %scan3A_86, %dma_wait3A_126, %dma_wait3A_127] : memref<2x2x50x64xf32, #tpu.memory_space<vmem>> -> memref<1x1x50x64xf32, #tpu.memory_space<vmem>>
        %dma_wait3A_129 = tpu.memref_squeeze %dma_wait3A_128 : memref<1x1x50x64xf32, #tpu.memory_space<vmem>> -> memref<50x64xf32, #tpu.memory_space<vmem>>
        %dma_wait3A_130 = arith.constant 0 : i32
        %dma_wait3A_131 = tpu.memref_slice %arg5[%arg0, %add3A_109, %dma_wait3A_130] : memref<2x10000x64xf32, #tpu.memory_space<hbm>> -> memref<1x50x64xf32, #tpu.memory_space<hbm>>
        %dma_wait3A_132 = tpu.memref_squeeze %dma_wait3A_131 : memref<1x50x64xf32, #tpu.memory_space<hbm>> -> memref<50x64xf32, #tpu.memory_space<hbm>>
        %dma_wait3A_133 = arith.constant 0 : i32
        %dma_wait3A_134 = tpu.memref_slice %arg5[%arg0, %add3A_109, %dma_wait3A_133] : memref<2x10000x64xf32, #tpu.memory_space<hbm>> -> memref<1x50x64xf32, #tpu.memory_space<hbm>>
        %dma_wait3A_135 = tpu.memref_squeeze %dma_wait3A_134 : memref<1x50x64xf32, #tpu.memory_space<hbm>> -> memref<50x64xf32, #tpu.memory_space<hbm>>
        %dma_wait3A_136 = arith.constant 0 : i32
        %dma_wait3A_137 = arith.constant 0 : i32
        %dma_wait3A_138 = tpu.memref_slice %arg8[%scan3A_85, %scan3A_86, %dma_wait3A_136, %dma_wait3A_137] : memref<2x2x50x64xf32, #tpu.memory_space<vmem>> -> memref<1x1x50x64xf32, #tpu.memory_space<vmem>>
        %dma_wait3A_139 = tpu.memref_squeeze %dma_wait3A_138 : memref<1x1x50x64xf32, #tpu.memory_space<vmem>> -> memref<50x64xf32, #tpu.memory_space<vmem>>
        tpu.wait_dma2 semaphore(%run_scoped3A_111 : memref<!tpu.dma_semaphore, #tpu.memory_space<semaphore_mem>>) src(%dma_wait3A_139 : memref<50x64xf32, #tpu.memory_space<vmem>>) dst(%dma_wait3A_135 : memref<50x64xf32, #tpu.memory_space<hbm>>)
        tpu.yield
      }) : () -> ()
      %scan3A_110 = arith.constant 0 : i32
      scf.yield %scan3A_110 : i32
    }
    %scan3A_93 = arith.constant 12 : i32
    %add3A_94 = arith.constant 600 : i32
    %add3A_95 = arith.addi %mul3A_2, %add3A_94 : i32
    %run_scoped3A_96 = arith.constant 0 : i32
    %run_scoped3A_97 = arith.constant 0 : i32
    "tpu.region"() ({
      %run_scoped3A_102 = tpu.sem_alloc : memref<!tpu.dma_semaphore, #tpu.memory_space<semaphore_mem>>
      %dma_start3A_103 = arith.constant 0 : i32
      %dma_start3A_104 = arith.constant 0 : i32
      %dma_start3A_105 = tpu.memref_slice %arg8[%run_scoped3A_96, %run_scoped3A_97, %dma_start3A_103, %dma_start3A_104] : memref<2x2x50x64xf32, #tpu.memory_space<vmem>> -> memref<1x1x25x64xf32, #tpu.memory_space<vmem>>
      %dma_start3A_106 = tpu.memref_squeeze %dma_start3A_105 : memref<1x1x25x64xf32, #tpu.memory_space<vmem>> -> memref<25x64xf32, #tpu.memory_space<vmem>>
      %dma_start3A_107 = arith.constant 0 : i32
      %dma_start3A_108 = tpu.memref_slice %arg9[%add3A_95, %dma_start3A_107] : memref<10000x64xf32, #tpu.memory_space<vmem_shared>> -> memref<25x64xf32, #tpu.memory_space<vmem_shared>>
      %dma_start3A_109 = arith.constant 0 : i32
      %dma_start3A_110 = arith.constant 0 : i32
      %dma_start3A_111 = tpu.memref_slice %arg8[%run_scoped3A_96, %run_scoped3A_97, %dma_start3A_109, %dma_start3A_110] : memref<2x2x50x64xf32, #tpu.memory_space<vmem>> -> memref<1x1x25x64xf32, #tpu.memory_space<vmem>>
      %dma_start3A_112 = tpu.memref_squeeze %dma_start3A_111 : memref<1x1x25x64xf32, #tpu.memory_space<vmem>> -> memref<25x64xf32, #tpu.memory_space<vmem>>
      %dma_start3A_113 = arith.constant 0 : i32
      %dma_start3A_114 = tpu.memref_slice %arg9[%add3A_95, %dma_start3A_113] : memref<10000x64xf32, #tpu.memory_space<vmem_shared>> -> memref<25x64xf32, #tpu.memory_space<vmem_shared>>
      tpu.enqueue_dma source(%dma_start3A_114 : memref<25x64xf32, #tpu.memory_space<vmem_shared>>) target(%dma_start3A_112 : memref<25x64xf32, #tpu.memory_space<vmem>>) target_semaphore(%run_scoped3A_102 : memref<!tpu.dma_semaphore, #tpu.memory_space<semaphore_mem>>)
      %dma_wait3A_115 = arith.constant 0 : i32
      %dma_wait3A_116 = arith.constant 0 : i32
      %dma_wait3A_117 = tpu.memref_slice %arg8[%run_scoped3A_96, %run_scoped3A_97, %dma_wait3A_115, %dma_wait3A_116] : memref<2x2x50x64xf32, #tpu.memory_space<vmem>> -> memref<1x1x25x64xf32, #tpu.memory_space<vmem>>
      %dma_wait3A_118 = tpu.memref_squeeze %dma_wait3A_117 : memref<1x1x25x64xf32, #tpu.memory_space<vmem>> -> memref<25x64xf32, #tpu.memory_space<vmem>>
      %dma_wait3A_119 = arith.constant 0 : i32
      %dma_wait3A_120 = tpu.memref_slice %arg9[%add3A_95, %dma_wait3A_119] : memref<10000x64xf32, #tpu.memory_space<vmem_shared>> -> memref<25x64xf32, #tpu.memory_space<vmem_shared>>
      %dma_wait3A_121 = arith.constant 0 : i32
      %dma_wait3A_122 = arith.constant 0 : i32
      %dma_wait3A_123 = tpu.memref_slice %arg8[%run_scoped3A_96, %run_scoped3A_97, %dma_wait3A_121, %dma_wait3A_122] : memref<2x2x50x64xf32, #tpu.memory_space<vmem>> -> memref<1x1x25x64xf32, #tpu.memory_space<vmem>>
      %dma_wait3A_124 = tpu.memref_squeeze %dma_wait3A_123 : memref<1x1x25x64xf32, #tpu.memory_space<vmem>> -> memref<25x64xf32, #tpu.memory_space<vmem>>
      %dma_wait3A_125 = arith.constant 0 : i32
      %dma_wait3A_126 = tpu.memref_slice %arg9[%add3A_95, %dma_wait3A_125] : memref<10000x64xf32, #tpu.memory_space<vmem_shared>> -> memref<25x64xf32, #tpu.memory_space<vmem_shared>>
      tpu.wait_dma2 semaphore(%run_scoped3A_102 : memref<!tpu.dma_semaphore, #tpu.memory_space<semaphore_mem>>) src(%dma_wait3A_126 : memref<25x64xf32, #tpu.memory_space<vmem_shared>>) dst(%dma_wait3A_124 : memref<25x64xf32, #tpu.memory_space<vmem>>)
      tpu.yield
    }) : () -> ()
    %add3A_98 = arith.constant 600 : i32
    %add3A_99 = arith.addi %mul3A_2, %add3A_98 : i32
    %run_scoped3A_100 = arith.constant 0 : i32
    %run_scoped3A_101 = arith.constant 0 : i32
    "tpu.region"() ({
      %run_scoped3A_102 = tpu.sem_alloc : memref<!tpu.dma_semaphore, #tpu.memory_space<semaphore_mem>>
      %dma_start3A_103 = arith.constant 0 : i32
      %dma_start3A_104 = arith.constant 0 : i32
      %dma_start3A_105 = tpu.memref_slice %arg8[%run_scoped3A_100, %run_scoped3A_101, %dma_start3A_103, %dma_start3A_104] : memref<2x2x50x64xf32, #tpu.memory_space<vmem>> -> memref<1x1x25x64xf32, #tpu.memory_space<vmem>>
      %dma_start3A_106 = tpu.memref_squeeze %dma_start3A_105 : memref<1x1x25x64xf32, #tpu.memory_space<vmem>> -> memref<25x64xf32, #tpu.memory_space<vmem>>
      %dma_start3A_107 = arith.constant 0 : i32
      %dma_start3A_108 = tpu.memref_slice %arg5[%arg0, %add3A_99, %dma_start3A_107] : memref<2x10000x64xf32, #tpu.memory_space<hbm>> -> memref<1x25x64xf32, #tpu.memory_space<hbm>>
      %dma_start3A_109 = tpu.memref_squeeze %dma_start3A_108 : memref<1x25x64xf32, #tpu.memory_space<hbm>> -> memref<25x64xf32, #tpu.memory_space<hbm>>
      %dma_start3A_110 = arith.constant 0 : i32
      %dma_start3A_111 = tpu.memref_slice %arg5[%arg0, %add3A_99, %dma_start3A_110] : memref<2x10000x64xf32, #tpu.memory_space<hbm>> -> memref<1x25x64xf32, #tpu.memory_space<hbm>>
      %dma_start3A_112 = tpu.memref_squeeze %dma_start3A_111 : memref<1x25x64xf32, #tpu.memory_space<hbm>> -> memref<25x64xf32, #tpu.memory_space<hbm>>
      %dma_start3A_113 = arith.constant 0 : i32
      %dma_start3A_114 = arith.constant 0 : i32
      %dma_start3A_115 = tpu.memref_slice %arg8[%run_scoped3A_100, %run_scoped3A_101, %dma_start3A_113, %dma_start3A_114] : memref<2x2x50x64xf32, #tpu.memory_space<vmem>> -> memref<1x1x25x64xf32, #tpu.memory_space<vmem>>
      %dma_start3A_116 = tpu.memref_squeeze %dma_start3A_115 : memref<1x1x25x64xf32, #tpu.memory_space<vmem>> -> memref<25x64xf32, #tpu.memory_space<vmem>>
      tpu.enqueue_dma source(%dma_start3A_116 : memref<25x64xf32, #tpu.memory_space<vmem>>) target(%dma_start3A_112 : memref<25x64xf32, #tpu.memory_space<hbm>>) target_semaphore(%run_scoped3A_102 : memref<!tpu.dma_semaphore, #tpu.memory_space<semaphore_mem>>)
      %dma_wait3A_117 = arith.constant 0 : i32
      %dma_wait3A_118 = arith.constant 0 : i32
      %dma_wait3A_119 = tpu.memref_slice %arg8[%run_scoped3A_100, %run_scoped3A_101, %dma_wait3A_117, %dma_wait3A_118] : memref<2x2x50x64xf32, #tpu.memory_space<vmem>> -> memref<1x1x25x64xf32, #tpu.memory_space<vmem>>
      %dma_wait3A_120 = tpu.memref_squeeze %dma_wait3A_119 : memref<1x1x25x64xf32, #tpu.memory_space<vmem>> -> memref<25x64xf32, #tpu.memory_space<vmem>>
      %dma_wait3A_121 = arith.constant 0 : i32
      %dma_wait3A_122 = tpu.memref_slice %arg5[%arg0, %add3A_99, %dma_wait3A_121] : memref<2x10000x64xf32, #tpu.memory_space<hbm>> -> memref<1x25x64xf32, #tpu.memory_space<hbm>>
      %dma_wait3A_123 = tpu.memref_squeeze %dma_wait3A_122 : memref<1x25x64xf32, #tpu.memory_space<hbm>> -> memref<25x64xf32, #tpu.memory_space<hbm>>
      %dma_wait3A_124 = arith.constant 0 : i32
      %dma_wait3A_125 = tpu.memref_slice %arg5[%arg0, %add3A_99, %dma_wait3A_124] : memref<2x10000x64xf32, #tpu.memory_space<hbm>> -> memref<1x25x64xf32, #tpu.memory_space<hbm>>
      %dma_wait3A_126 = tpu.memref_squeeze %dma_wait3A_125 : memref<1x25x64xf32, #tpu.memory_space<hbm>> -> memref<25x64xf32, #tpu.memory_space<hbm>>
      %dma_wait3A_127 = arith.constant 0 : i32
      %dma_wait3A_128 = arith.constant 0 : i32
      %dma_wait3A_129 = tpu.memref_slice %arg8[%run_scoped3A_100, %run_scoped3A_101, %dma_wait3A_127, %dma_wait3A_128] : memref<2x2x50x64xf32, #tpu.memory_space<vmem>> -> memref<1x1x25x64xf32, #tpu.memory_space<vmem>>
      %dma_wait3A_130 = tpu.memref_squeeze %dma_wait3A_129 : memref<1x1x25x64xf32, #tpu.memory_space<vmem>> -> memref<25x64xf32, #tpu.memory_space<vmem>>
      tpu.wait_dma2 semaphore(%run_scoped3A_102 : memref<!tpu.dma_semaphore, #tpu.memory_space<semaphore_mem>>) src(%dma_wait3A_130 : memref<25x64xf32, #tpu.memory_space<vmem>>) dst(%dma_wait3A_126 : memref<25x64xf32, #tpu.memory_space<hbm>>)
      tpu.yield
    }) : () -> ()
    return
  }
}

#map = affine_map<(d0, d1) -> (0, 0)>
#map1 = affine_map<(d0, d1) -> (0, 0, 0)>
module attributes {stable_mosaic.version = 14 : i64} {
  func.func @agg_kernel(%arg0: i32, %arg1: i32, %arg2: memref<10000x128xf32, #tpu.memory_space<hbm>>, %arg3: memref<32x200x50xi32, #tpu.memory_space<hbm>>, %arg4: memref<32x200x50xi32, #tpu.memory_space<hbm>>, %arg5: memref<2x10000x128xf32, #tpu.memory_space<hbm>>, %arg6: memref<200x50xi32, #tpu.memory_space<vmem>>, %arg7: memref<200x50xi32, #tpu.memory_space<vmem>>, %arg8: memref<2x2x50x128xf32, #tpu.memory_space<vmem>>, %arg9: memref<10000x128xf32, #tpu.memory_space<vmem_shared>>, %arg10: memref<!tpu.dma_semaphore, #tpu.memory_space<semaphore_mem>>, %arg11: memref<!tpu.dma_semaphore, #tpu.memory_space<semaphore_mem>>) attributes {dimension_semantics = [#tpu.dimension_semantics<core_parallel>, #tpu.dimension_semantics<subcore_parallel>], iteration_bounds = array<i64: 2, 16>, scalar_prefetch = 0 : i64, scratch_operands = 6 : i64, tpu.core_type = #tpu.core_type<sc_vector_subcore>, window_params = [{transform_indices = #map}, {transform_indices = #map1}, {transform_indices = #map1}, {transform_indices = #map1}]} {
    %mul3A = arith.constant 16 : i32
    %mul3A_0 = arith.muli %arg0, %mul3A : i32
    %add3A = arith.addi %mul3A_0, %arg1 : i32
    %mul3A_1 = arith.constant 625 : i32
    %mul3A_2 = arith.muli %arg1, %mul3A_1 : i32
    "tpu.region"() ({
      %run_scoped3A_102 = tpu.sem_alloc : memref<!tpu.dma_semaphore, #tpu.memory_space<semaphore_mem>>
      %dma_start3A_103 = arith.constant 0 : i32
      %dma_start3A_104 = arith.constant 0 : i32
      %dma_start3A_105 = tpu.memref_slice %arg3[%add3A, %dma_start3A_103, %dma_start3A_104] : memref<32x200x50xi32, #tpu.memory_space<hbm>> -> memref<1x200x50xi32, #tpu.memory_space<hbm>>
      %dma_start3A_106 = tpu.memref_squeeze %dma_start3A_105 : memref<1x200x50xi32, #tpu.memory_space<hbm>> -> memref<200x50xi32, #tpu.memory_space<hbm>>
      %dma_start3A_107 = arith.constant 0 : i32
      %dma_start3A_108 = arith.constant 0 : i32
      %dma_start3A_109 = tpu.memref_slice %arg3[%add3A, %dma_start3A_107, %dma_start3A_108] : memref<32x200x50xi32, #tpu.memory_space<hbm>> -> memref<1x200x50xi32, #tpu.memory_space<hbm>>
      %dma_start3A_110 = tpu.memref_squeeze %dma_start3A_109 : memref<1x200x50xi32, #tpu.memory_space<hbm>> -> memref<200x50xi32, #tpu.memory_space<hbm>>
      tpu.enqueue_dma source(%dma_start3A_110 : memref<200x50xi32, #tpu.memory_space<hbm>>) target(%arg6 : memref<200x50xi32, #tpu.memory_space<vmem>>) target_semaphore(%run_scoped3A_102 : memref<!tpu.dma_semaphore, #tpu.memory_space<semaphore_mem>>)
      %dma_wait3A_111 = arith.constant 0 : i32
      %dma_wait3A_112 = arith.constant 0 : i32
      %dma_wait3A_113 = tpu.memref_slice %arg3[%add3A, %dma_wait3A_111, %dma_wait3A_112] : memref<32x200x50xi32, #tpu.memory_space<hbm>> -> memref<1x200x50xi32, #tpu.memory_space<hbm>>
      %dma_wait3A_114 = tpu.memref_squeeze %dma_wait3A_113 : memref<1x200x50xi32, #tpu.memory_space<hbm>> -> memref<200x50xi32, #tpu.memory_space<hbm>>
      %dma_wait3A_115 = arith.constant 0 : i32
      %dma_wait3A_116 = arith.constant 0 : i32
      %dma_wait3A_117 = tpu.memref_slice %arg3[%add3A, %dma_wait3A_115, %dma_wait3A_116] : memref<32x200x50xi32, #tpu.memory_space<hbm>> -> memref<1x200x50xi32, #tpu.memory_space<hbm>>
      %dma_wait3A_118 = tpu.memref_squeeze %dma_wait3A_117 : memref<1x200x50xi32, #tpu.memory_space<hbm>> -> memref<200x50xi32, #tpu.memory_space<hbm>>
      tpu.wait_dma2 semaphore(%run_scoped3A_102 : memref<!tpu.dma_semaphore, #tpu.memory_space<semaphore_mem>>) src(%dma_wait3A_118 : memref<200x50xi32, #tpu.memory_space<hbm>>) dst(%arg6 : memref<200x50xi32, #tpu.memory_space<vmem>>)
      tpu.yield
    }) : () -> ()
    "tpu.region"() ({
      %run_scoped3A_102 = tpu.sem_alloc : memref<!tpu.dma_semaphore, #tpu.memory_space<semaphore_mem>>
      %dma_start3A_103 = arith.constant 0 : i32
      %dma_start3A_104 = arith.constant 0 : i32
      %dma_start3A_105 = tpu.memref_slice %arg4[%add3A, %dma_start3A_103, %dma_start3A_104] : memref<32x200x50xi32, #tpu.memory_space<hbm>> -> memref<1x200x50xi32, #tpu.memory_space<hbm>>
      %dma_start3A_106 = tpu.memref_squeeze %dma_start3A_105 : memref<1x200x50xi32, #tpu.memory_space<hbm>> -> memref<200x50xi32, #tpu.memory_space<hbm>>
      %dma_start3A_107 = arith.constant 0 : i32
      %dma_start3A_108 = arith.constant 0 : i32
      %dma_start3A_109 = tpu.memref_slice %arg4[%add3A, %dma_start3A_107, %dma_start3A_108] : memref<32x200x50xi32, #tpu.memory_space<hbm>> -> memref<1x200x50xi32, #tpu.memory_space<hbm>>
      %dma_start3A_110 = tpu.memref_squeeze %dma_start3A_109 : memref<1x200x50xi32, #tpu.memory_space<hbm>> -> memref<200x50xi32, #tpu.memory_space<hbm>>
      tpu.enqueue_dma source(%dma_start3A_110 : memref<200x50xi32, #tpu.memory_space<hbm>>) target(%arg7 : memref<200x50xi32, #tpu.memory_space<vmem>>) target_semaphore(%run_scoped3A_102 : memref<!tpu.dma_semaphore, #tpu.memory_space<semaphore_mem>>)
      %dma_wait3A_111 = arith.constant 0 : i32
      %dma_wait3A_112 = arith.constant 0 : i32
      %dma_wait3A_113 = tpu.memref_slice %arg4[%add3A, %dma_wait3A_111, %dma_wait3A_112] : memref<32x200x50xi32, #tpu.memory_space<hbm>> -> memref<1x200x50xi32, #tpu.memory_space<hbm>>
      %dma_wait3A_114 = tpu.memref_squeeze %dma_wait3A_113 : memref<1x200x50xi32, #tpu.memory_space<hbm>> -> memref<200x50xi32, #tpu.memory_space<hbm>>
      %dma_wait3A_115 = arith.constant 0 : i32
      %dma_wait3A_116 = arith.constant 0 : i32
      %dma_wait3A_117 = tpu.memref_slice %arg4[%add3A, %dma_wait3A_115, %dma_wait3A_116] : memref<32x200x50xi32, #tpu.memory_space<hbm>> -> memref<1x200x50xi32, #tpu.memory_space<hbm>>
      %dma_wait3A_118 = tpu.memref_squeeze %dma_wait3A_117 : memref<1x200x50xi32, #tpu.memory_space<hbm>> -> memref<200x50xi32, #tpu.memory_space<hbm>>
      tpu.wait_dma2 semaphore(%run_scoped3A_102 : memref<!tpu.dma_semaphore, #tpu.memory_space<semaphore_mem>>) src(%dma_wait3A_118 : memref<200x50xi32, #tpu.memory_space<hbm>>) dst(%arg7 : memref<200x50xi32, #tpu.memory_space<vmem>>)
      tpu.yield
    }) : () -> ()
    %scan3A = arith.constant 0 : i32
    %scan3A_3 = arith.constant 0 : i32
    %scan3A_4 = arith.constant 50 : i32
    %scan3A_5 = arith.addi %scan3A_3, %scan3A_4 : i32
    %scan3A_6 = arith.constant 1 : i32
    %scan3A_7 = scf.for %scan3A_102 = %scan3A_3 to %scan3A_5 step %scan3A_6 iter_args(%scan3A_103 = %scan3A) -> (i32)  : i32 {
      %broadcast_in_dim3A = arith.constant 0.000000e+00 : f32
      %broadcast_in_dim3A_104 = vector.broadcast %broadcast_in_dim3A : f32 to vector<16xf32>
      %swap3A = arith.constant 0 : i32
      %swap3A_105 = arith.constant 0 : i32
      %swap3A_106 = arith.index_cast %swap3A : i32 to index
      %swap3A_107 = arith.index_cast %swap3A_105 : i32 to index
      %swap3A_108 = arith.index_cast %scan3A_102 : i32 to index
      %swap3A_109 = arith.constant 0 : index
      %swap3A_110 = tpu.vector_load %arg8[%swap3A_106, %swap3A_107, %swap3A_108, %swap3A_109] {strides = array<i32>} : memref<2x2x50x128xf32, #tpu.memory_space<vmem>>, vector<1x1x1x16xf32>,
      %swap3A_111 = vector.shape_cast %swap3A_110 : vector<1x1x1x16xf32> to vector<16xf32>
      %swap3A_112 = vector.shape_cast %broadcast_in_dim3A_104 : vector<16xf32> to vector<1x1x1x16xf32>
      tpu.vector_store %arg8[%swap3A_106, %swap3A_107, %swap3A_108, %swap3A_109], %swap3A_112 {strides = array<i32>} : memref<2x2x50x128xf32, #tpu.memory_space<vmem>>, vector<1x1x1x16xf32>,
      %broadcast_in_dim3A_113 = arith.constant 0.000000e+00 : f32
      %broadcast_in_dim3A_114 = vector.broadcast %broadcast_in_dim3A_113 : f32 to vector<16xf32>
      %swap3A_115 = arith.constant 0 : i32
      %swap3A_116 = arith.constant 0 : i32
      %swap3A_117 = arith.index_cast %swap3A_115 : i32 to index
      %swap3A_118 = arith.index_cast %swap3A_116 : i32 to index
      %swap3A_119 = arith.index_cast %scan3A_102 : i32 to index
      %swap3A_120 = arith.constant 16 : index
      %swap3A_121 = tpu.vector_load %arg8[%swap3A_117, %swap3A_118, %swap3A_119, %swap3A_120] {strides = array<i32>} : memref<2x2x50x128xf32, #tpu.memory_space<vmem>>, vector<1x1x1x16xf32>,
      %swap3A_122 = vector.shape_cast %swap3A_121 : vector<1x1x1x16xf32> to vector<16xf32>
      %swap3A_123 = vector.shape_cast %broadcast_in_dim3A_114 : vector<16xf32> to vector<1x1x1x16xf32>
      tpu.vector_store %arg8[%swap3A_117, %swap3A_118, %swap3A_119, %swap3A_120], %swap3A_123 {strides = array<i32>} : memref<2x2x50x128xf32, #tpu.memory_space<vmem>>, vector<1x1x1x16xf32>,
      %broadcast_in_dim3A_124 = arith.constant 0.000000e+00 : f32
      %broadcast_in_dim3A_125 = vector.broadcast %broadcast_in_dim3A_124 : f32 to vector<16xf32>
      %swap3A_126 = arith.constant 0 : i32
      %swap3A_127 = arith.constant 0 : i32
      %swap3A_128 = arith.index_cast %swap3A_126 : i32 to index
      %swap3A_129 = arith.index_cast %swap3A_127 : i32 to index
      %swap3A_130 = arith.index_cast %scan3A_102 : i32 to index
      %swap3A_131 = arith.constant 32 : index
      %swap3A_132 = tpu.vector_load %arg8[%swap3A_128, %swap3A_129, %swap3A_130, %swap3A_131] {strides = array<i32>} : memref<2x2x50x128xf32, #tpu.memory_space<vmem>>, vector<1x1x1x16xf32>,
      %swap3A_133 = vector.shape_cast %swap3A_132 : vector<1x1x1x16xf32> to vector<16xf32>
      %swap3A_134 = vector.shape_cast %broadcast_in_dim3A_125 : vector<16xf32> to vector<1x1x1x16xf32>
      tpu.vector_store %arg8[%swap3A_128, %swap3A_129, %swap3A_130, %swap3A_131], %swap3A_134 {strides = array<i32>} : memref<2x2x50x128xf32, #tpu.memory_space<vmem>>, vector<1x1x1x16xf32>,
      %broadcast_in_dim3A_135 = arith.constant 0.000000e+00 : f32
      %broadcast_in_dim3A_136 = vector.broadcast %broadcast_in_dim3A_135 : f32 to vector<16xf32>
      %swap3A_137 = arith.constant 0 : i32
      %swap3A_138 = arith.constant 0 : i32
      %swap3A_139 = arith.index_cast %swap3A_137 : i32 to index
      %swap3A_140 = arith.index_cast %swap3A_138 : i32 to index
      %swap3A_141 = arith.index_cast %scan3A_102 : i32 to index
      %swap3A_142 = arith.constant 48 : index
      %swap3A_143 = tpu.vector_load %arg8[%swap3A_139, %swap3A_140, %swap3A_141, %swap3A_142] {strides = array<i32>} : memref<2x2x50x128xf32, #tpu.memory_space<vmem>>, vector<1x1x1x16xf32>,
      %swap3A_144 = vector.shape_cast %swap3A_143 : vector<1x1x1x16xf32> to vector<16xf32>
      %swap3A_145 = vector.shape_cast %broadcast_in_dim3A_136 : vector<16xf32> to vector<1x1x1x16xf32>
      tpu.vector_store %arg8[%swap3A_139, %swap3A_140, %swap3A_141, %swap3A_142], %swap3A_145 {strides = array<i32>} : memref<2x2x50x128xf32, #tpu.memory_space<vmem>>, vector<1x1x1x16xf32>,
      %broadcast_in_dim3A_146 = arith.constant 0.000000e+00 : f32
      %broadcast_in_dim3A_147 = vector.broadcast %broadcast_in_dim3A_146 : f32 to vector<16xf32>
      %swap3A_148 = arith.constant 0 : i32
      %swap3A_149 = arith.constant 0 : i32
      %swap3A_150 = arith.index_cast %swap3A_148 : i32 to index
      %swap3A_151 = arith.index_cast %swap3A_149 : i32 to index
      %swap3A_152 = arith.index_cast %scan3A_102 : i32 to index
      %swap3A_153 = arith.constant 64 : index
      %swap3A_154 = tpu.vector_load %arg8[%swap3A_150, %swap3A_151, %swap3A_152, %swap3A_153] {strides = array<i32>} : memref<2x2x50x128xf32, #tpu.memory_space<vmem>>, vector<1x1x1x16xf32>,
      %swap3A_155 = vector.shape_cast %swap3A_154 : vector<1x1x1x16xf32> to vector<16xf32>
      %swap3A_156 = vector.shape_cast %broadcast_in_dim3A_147 : vector<16xf32> to vector<1x1x1x16xf32>
      tpu.vector_store %arg8[%swap3A_150, %swap3A_151, %swap3A_152, %swap3A_153], %swap3A_156 {strides = array<i32>} : memref<2x2x50x128xf32, #tpu.memory_space<vmem>>, vector<1x1x1x16xf32>,
      %broadcast_in_dim3A_157 = arith.constant 0.000000e+00 : f32
      %broadcast_in_dim3A_158 = vector.broadcast %broadcast_in_dim3A_157 : f32 to vector<16xf32>
      %swap3A_159 = arith.constant 0 : i32
      %swap3A_160 = arith.constant 0 : i32
      %swap3A_161 = arith.index_cast %swap3A_159 : i32 to index
      %swap3A_162 = arith.index_cast %swap3A_160 : i32 to index
      %swap3A_163 = arith.index_cast %scan3A_102 : i32 to index
      %swap3A_164 = arith.constant 80 : index
      %swap3A_165 = tpu.vector_load %arg8[%swap3A_161, %swap3A_162, %swap3A_163, %swap3A_164] {strides = array<i32>} : memref<2x2x50x128xf32, #tpu.memory_space<vmem>>, vector<1x1x1x16xf32>,
      %swap3A_166 = vector.shape_cast %swap3A_165 : vector<1x1x1x16xf32> to vector<16xf32>
      %swap3A_167 = vector.shape_cast %broadcast_in_dim3A_158 : vector<16xf32> to vector<1x1x1x16xf32>
      tpu.vector_store %arg8[%swap3A_161, %swap3A_162, %swap3A_163, %swap3A_164], %swap3A_167 {strides = array<i32>} : memref<2x2x50x128xf32, #tpu.memory_space<vmem>>, vector<1x1x1x16xf32>,
      %broadcast_in_dim3A_168 = arith.constant 0.000000e+00 : f32
      %broadcast_in_dim3A_169 = vector.broadcast %broadcast_in_dim3A_168 : f32 to vector<16xf32>
      %swap3A_170 = arith.constant 0 : i32
      %swap3A_171 = arith.constant 0 : i32
      %swap3A_172 = arith.index_cast %swap3A_170 : i32 to index
      %swap3A_173 = arith.index_cast %swap3A_171 : i32 to index
      %swap3A_174 = arith.index_cast %scan3A_102 : i32 to index
      %swap3A_175 = arith.constant 96 : index
      %swap3A_176 = tpu.vector_load %arg8[%swap3A_172, %swap3A_173, %swap3A_174, %swap3A_175] {strides = array<i32>} : memref<2x2x50x128xf32, #tpu.memory_space<vmem>>, vector<1x1x1x16xf32>,
      %swap3A_177 = vector.shape_cast %swap3A_176 : vector<1x1x1x16xf32> to vector<16xf32>
      %swap3A_178 = vector.shape_cast %broadcast_in_dim3A_169 : vector<16xf32> to vector<1x1x1x16xf32>
      tpu.vector_store %arg8[%swap3A_172, %swap3A_173, %swap3A_174, %swap3A_175], %swap3A_178 {strides = array<i32>} : memref<2x2x50x128xf32, #tpu.memory_space<vmem>>, vector<1x1x1x16xf32>,
      %broadcast_in_dim3A_179 = arith.constant 0.000000e+00 : f32
      %broadcast_in_dim3A_180 = vector.broadcast %broadcast_in_dim3A_179 : f32 to vector<16xf32>
      %swap3A_181 = arith.constant 0 : i32
      %swap3A_182 = arith.constant 0 : i32
      %swap3A_183 = arith.index_cast %swap3A_181 : i32 to index
      %swap3A_184 = arith.index_cast %swap3A_182 : i32 to index
      %swap3A_185 = arith.index_cast %scan3A_102 : i32 to index
      %swap3A_186 = arith.constant 112 : index
      %swap3A_187 = tpu.vector_load %arg8[%swap3A_183, %swap3A_184, %swap3A_185, %swap3A_186] {strides = array<i32>} : memref<2x2x50x128xf32, #tpu.memory_space<vmem>>, vector<1x1x1x16xf32>,
      %swap3A_188 = vector.shape_cast %swap3A_187 : vector<1x1x1x16xf32> to vector<16xf32>
      %swap3A_189 = vector.shape_cast %broadcast_in_dim3A_180 : vector<16xf32> to vector<1x1x1x16xf32>
      tpu.vector_store %arg8[%swap3A_183, %swap3A_184, %swap3A_185, %swap3A_186], %swap3A_189 {strides = array<i32>} : memref<2x2x50x128xf32, #tpu.memory_space<vmem>>, vector<1x1x1x16xf32>,
      %scan3A_190 = arith.constant 0 : i32
      scf.yield %scan3A_190 : i32
    }
    %scan3A_8 = arith.constant 50 : i32
    %scan3A_9 = arith.constant 0 : i32
    %scan3A_10 = arith.constant 0 : i32
    %scan3A_11 = arith.constant 0 : i32
    %scan3A_12 = arith.constant 0 : i32
    %scan3A_13 = arith.constant 12 : i32
    %scan3A_14 = arith.addi %scan3A_12, %scan3A_13 : i32
    %scan3A_15 = arith.constant 1 : i32
    %scan3A_16 = scf.for %scan3A_102 = %scan3A_12 to %scan3A_14 step %scan3A_15 iter_args(%scan3A_103 = %scan3A_11) -> (i32)  : i32 {
      %mul3A_104 = arith.constant 50 : i32
      %mul3A_105 = arith.muli %scan3A_102, %mul3A_104 : i32
      %add3A_106 = arith.addi %mul3A_2, %mul3A_105 : i32
      "tpu.region"() ({
        %run_scoped3A_108 = tpu.sem_alloc : memref<!tpu.dma_semaphore, #tpu.memory_space<semaphore_mem>>
        %dma_start3A_109 = arith.constant 0 : i32
        %dma_start3A_110 = arith.constant 0 : i32
        %dma_start3A_111 = tpu.memref_slice %arg8[%scan3A_9, %scan3A_10, %dma_start3A_109, %dma_start3A_110] : memref<2x2x50x128xf32, #tpu.memory_space<vmem>> -> memref<1x1x50x128xf32, #tpu.memory_space<vmem>>
        %dma_start3A_112 = tpu.memref_squeeze %dma_start3A_111 : memref<1x1x50x128xf32, #tpu.memory_space<vmem>> -> memref<50x128xf32, #tpu.memory_space<vmem>>
        %dma_start3A_113 = arith.constant 0 : i32
        %dma_start3A_114 = tpu.memref_slice %arg9[%add3A_106, %dma_start3A_113] : memref<10000x128xf32, #tpu.memory_space<vmem_shared>> -> memref<50x128xf32, #tpu.memory_space<vmem_shared>>
        %dma_start3A_115 = arith.constant 0 : i32
        %dma_start3A_116 = tpu.memref_slice %arg9[%add3A_106, %dma_start3A_115] : memref<10000x128xf32, #tpu.memory_space<vmem_shared>> -> memref<50x128xf32, #tpu.memory_space<vmem_shared>>
        %dma_start3A_117 = arith.constant 0 : i32
        %dma_start3A_118 = arith.constant 0 : i32
        %dma_start3A_119 = tpu.memref_slice %arg8[%scan3A_9, %scan3A_10, %dma_start3A_117, %dma_start3A_118] : memref<2x2x50x128xf32, #tpu.memory_space<vmem>> -> memref<1x1x50x128xf32, #tpu.memory_space<vmem>>
        %dma_start3A_120 = tpu.memref_squeeze %dma_start3A_119 : memref<1x1x50x128xf32, #tpu.memory_space<vmem>> -> memref<50x128xf32, #tpu.memory_space<vmem>>
        tpu.enqueue_dma source(%dma_start3A_120 : memref<50x128xf32, #tpu.memory_space<vmem>>) target(%dma_start3A_116 : memref<50x128xf32, #tpu.memory_space<vmem_shared>>) target_semaphore(%run_scoped3A_108 : memref<!tpu.dma_semaphore, #tpu.memory_space<semaphore_mem>>)
        %dma_wait3A_121 = arith.constant 0 : i32
        %dma_wait3A_122 = arith.constant 0 : i32
        %dma_wait3A_123 = tpu.memref_slice %arg8[%scan3A_9, %scan3A_10, %dma_wait3A_121, %dma_wait3A_122] : memref<2x2x50x128xf32, #tpu.memory_space<vmem>> -> memref<1x1x50x128xf32, #tpu.memory_space<vmem>>
        %dma_wait3A_124 = tpu.memref_squeeze %dma_wait3A_123 : memref<1x1x50x128xf32, #tpu.memory_space<vmem>> -> memref<50x128xf32, #tpu.memory_space<vmem>>
        %dma_wait3A_125 = arith.constant 0 : i32
        %dma_wait3A_126 = tpu.memref_slice %arg9[%add3A_106, %dma_wait3A_125] : memref<10000x128xf32, #tpu.memory_space<vmem_shared>> -> memref<50x128xf32, #tpu.memory_space<vmem_shared>>
        %dma_wait3A_127 = arith.constant 0 : i32
        %dma_wait3A_128 = tpu.memref_slice %arg9[%add3A_106, %dma_wait3A_127] : memref<10000x128xf32, #tpu.memory_space<vmem_shared>> -> memref<50x128xf32, #tpu.memory_space<vmem_shared>>
        %dma_wait3A_129 = arith.constant 0 : i32
        %dma_wait3A_130 = arith.constant 0 : i32
        %dma_wait3A_131 = tpu.memref_slice %arg8[%scan3A_9, %scan3A_10, %dma_wait3A_129, %dma_wait3A_130] : memref<2x2x50x128xf32, #tpu.memory_space<vmem>> -> memref<1x1x50x128xf32, #tpu.memory_space<vmem>>
        %dma_wait3A_132 = tpu.memref_squeeze %dma_wait3A_131 : memref<1x1x50x128xf32, #tpu.memory_space<vmem>> -> memref<50x128xf32, #tpu.memory_space<vmem>>
        tpu.wait_dma2 semaphore(%run_scoped3A_108 : memref<!tpu.dma_semaphore, #tpu.memory_space<semaphore_mem>>) src(%dma_wait3A_132 : memref<50x128xf32, #tpu.memory_space<vmem>>) dst(%dma_wait3A_128 : memref<50x128xf32, #tpu.memory_space<vmem_shared>>)
        tpu.yield
      }) : () -> ()
      %scan3A_107 = arith.constant 0 : i32
      scf.yield %scan3A_107 : i32
    }
    %scan3A_17 = arith.constant 12 : i32
    %add3A_18 = arith.constant 600 : i32
    %add3A_19 = arith.addi %mul3A_2, %add3A_18 : i32
    %run_scoped3A = arith.constant 0 : i32
    %run_scoped3A_20 = arith.constant 0 : i32
    "tpu.region"() ({
      %run_scoped3A_102 = tpu.sem_alloc : memref<!tpu.dma_semaphore, #tpu.memory_space<semaphore_mem>>
      %dma_start3A_103 = arith.constant 0 : i32
      %dma_start3A_104 = arith.constant 0 : i32
      %dma_start3A_105 = tpu.memref_slice %arg8[%run_scoped3A, %run_scoped3A_20, %dma_start3A_103, %dma_start3A_104] : memref<2x2x50x128xf32, #tpu.memory_space<vmem>> -> memref<1x1x25x128xf32, #tpu.memory_space<vmem>>
      %dma_start3A_106 = tpu.memref_squeeze %dma_start3A_105 : memref<1x1x25x128xf32, #tpu.memory_space<vmem>> -> memref<25x128xf32, #tpu.memory_space<vmem>>
      %dma_start3A_107 = arith.constant 0 : i32
      %dma_start3A_108 = tpu.memref_slice %arg9[%add3A_19, %dma_start3A_107] : memref<10000x128xf32, #tpu.memory_space<vmem_shared>> -> memref<25x128xf32, #tpu.memory_space<vmem_shared>>
      %dma_start3A_109 = arith.constant 0 : i32
      %dma_start3A_110 = tpu.memref_slice %arg9[%add3A_19, %dma_start3A_109] : memref<10000x128xf32, #tpu.memory_space<vmem_shared>> -> memref<25x128xf32, #tpu.memory_space<vmem_shared>>
      %dma_start3A_111 = arith.constant 0 : i32
      %dma_start3A_112 = arith.constant 0 : i32
      %dma_start3A_113 = tpu.memref_slice %arg8[%run_scoped3A, %run_scoped3A_20, %dma_start3A_111, %dma_start3A_112] : memref<2x2x50x128xf32, #tpu.memory_space<vmem>> -> memref<1x1x25x128xf32, #tpu.memory_space<vmem>>
      %dma_start3A_114 = tpu.memref_squeeze %dma_start3A_113 : memref<1x1x25x128xf32, #tpu.memory_space<vmem>> -> memref<25x128xf32, #tpu.memory_space<vmem>>
      tpu.enqueue_dma source(%dma_start3A_114 : memref<25x128xf32, #tpu.memory_space<vmem>>) target(%dma_start3A_110 : memref<25x128xf32, #tpu.memory_space<vmem_shared>>) target_semaphore(%run_scoped3A_102 : memref<!tpu.dma_semaphore, #tpu.memory_space<semaphore_mem>>)
      %dma_wait3A_115 = arith.constant 0 : i32
      %dma_wait3A_116 = arith.constant 0 : i32
      %dma_wait3A_117 = tpu.memref_slice %arg8[%run_scoped3A, %run_scoped3A_20, %dma_wait3A_115, %dma_wait3A_116] : memref<2x2x50x128xf32, #tpu.memory_space<vmem>> -> memref<1x1x25x128xf32, #tpu.memory_space<vmem>>
      %dma_wait3A_118 = tpu.memref_squeeze %dma_wait3A_117 : memref<1x1x25x128xf32, #tpu.memory_space<vmem>> -> memref<25x128xf32, #tpu.memory_space<vmem>>
      %dma_wait3A_119 = arith.constant 0 : i32
      %dma_wait3A_120 = tpu.memref_slice %arg9[%add3A_19, %dma_wait3A_119] : memref<10000x128xf32, #tpu.memory_space<vmem_shared>> -> memref<25x128xf32, #tpu.memory_space<vmem_shared>>
      %dma_wait3A_121 = arith.constant 0 : i32
      %dma_wait3A_122 = tpu.memref_slice %arg9[%add3A_19, %dma_wait3A_121] : memref<10000x128xf32, #tpu.memory_space<vmem_shared>> -> memref<25x128xf32, #tpu.memory_space<vmem_shared>>
      %dma_wait3A_123 = arith.constant 0 : i32
      %dma_wait3A_124 = arith.constant 0 : i32
      %dma_wait3A_125 = tpu.memref_slice %arg8[%run_scoped3A, %run_scoped3A_20, %dma_wait3A_123, %dma_wait3A_124] : memref<2x2x50x128xf32, #tpu.memory_space<vmem>> -> memref<1x1x25x128xf32, #tpu.memory_space<vmem>>
      %dma_wait3A_126 = tpu.memref_squeeze %dma_wait3A_125 : memref<1x1x25x128xf32, #tpu.memory_space<vmem>> -> memref<25x128xf32, #tpu.memory_space<vmem>>
      tpu.wait_dma2 semaphore(%run_scoped3A_102 : memref<!tpu.dma_semaphore, #tpu.memory_space<semaphore_mem>>) src(%dma_wait3A_126 : memref<25x128xf32, #tpu.memory_space<vmem>>) dst(%dma_wait3A_122 : memref<25x128xf32, #tpu.memory_space<vmem_shared>>)
      tpu.yield
    }) : () -> ()
    %barrier3A = arith.constant 0 : index
    tpu.barrier barrier_id(%barrier3A)
    %dma_start3A = arith.constant 0 : i32
    %dma_start3A_21 = arith.constant 0 : i32
    %dma_start3A_22 = arith.constant 0 : i32
    %dma_start3A_23 = arith.constant 0 : i32
    %dma_start3A_24 = arith.constant 0 : i32
    %dma_start3A_25 = tpu.memref_slice %arg8[%dma_start3A_21, %dma_start3A_22, %dma_start3A_23, %dma_start3A_24] : memref<2x2x50x128xf32, #tpu.memory_space<vmem>> -> memref<1x1x50x128xf32, #tpu.memory_space<vmem>>
    %dma_start3A_26 = tpu.memref_squeeze %dma_start3A_25 : memref<1x1x50x128xf32, #tpu.memory_space<vmem>> -> memref<50x128xf32, #tpu.memory_space<vmem>>
    %dma_start3A_27 = arith.constant 0 : i32
    %dma_start3A_28 = tpu.memref_slice %arg6[%dma_start3A, %dma_start3A_27] : memref<200x50xi32, #tpu.memory_space<vmem>> -> memref<1x50xi32, #tpu.memory_space<vmem>>
    %dma_start3A_29 = tpu.memref_squeeze %dma_start3A_28 : memref<1x50xi32, #tpu.memory_space<vmem>> -> memref<50xi32, #tpu.memory_space<vmem>>
    %dma_start3A_30 = arith.constant 0 : i32
    %dma_start3A_31 = arith.constant 0 : i32
    %dma_start3A_32 = tpu.memref_slice %arg2[%dma_start3A_30, %dma_start3A_31] : memref<10000x128xf32, #tpu.memory_space<hbm>> -> memref<10000x128xf32, #tpu.memory_space<hbm>>
    tpu.enqueue_indirect_dma source(%dma_start3A_32 : memref<10000x128xf32, #tpu.memory_space<hbm>>) target(%dma_start3A_26 : memref<50x128xf32, #tpu.memory_space<vmem>>) offsets(%dma_start3A_29 : memref<50xi32, #tpu.memory_space<vmem>>) semaphore(%arg10 : memref<!tpu.dma_semaphore, #tpu.memory_space<semaphore_mem>>)
    %dma_start3A_33 = arith.constant 1 : i32
    %dma_start3A_34 = arith.constant 0 : i32
    %dma_start3A_35 = arith.constant 1 : i32
    %dma_start3A_36 = arith.constant 0 : i32
    %dma_start3A_37 = arith.constant 0 : i32
    %dma_start3A_38 = tpu.memref_slice %arg8[%dma_start3A_34, %dma_start3A_35, %dma_start3A_36, %dma_start3A_37] : memref<2x2x50x128xf32, #tpu.memory_space<vmem>> -> memref<1x1x50x128xf32, #tpu.memory_space<vmem>>
    %dma_start3A_39 = tpu.memref_squeeze %dma_start3A_38 : memref<1x1x50x128xf32, #tpu.memory_space<vmem>> -> memref<50x128xf32, #tpu.memory_space<vmem>>
    %dma_start3A_40 = arith.constant 0 : i32
    %dma_start3A_41 = tpu.memref_slice %arg6[%dma_start3A_33, %dma_start3A_40] : memref<200x50xi32, #tpu.memory_space<vmem>> -> memref<1x50xi32, #tpu.memory_space<vmem>>
    %dma_start3A_42 = tpu.memref_squeeze %dma_start3A_41 : memref<1x50xi32, #tpu.memory_space<vmem>> -> memref<50xi32, #tpu.memory_space<vmem>>
    %dma_start3A_43 = arith.constant 0 : i32
    %dma_start3A_44 = arith.constant 0 : i32
    %dma_start3A_45 = tpu.memref_slice %arg2[%dma_start3A_43, %dma_start3A_44] : memref<10000x128xf32, #tpu.memory_space<hbm>> -> memref<10000x128xf32, #tpu.memory_space<hbm>>
    tpu.enqueue_indirect_dma source(%dma_start3A_45 : memref<10000x128xf32, #tpu.memory_space<hbm>>) target(%dma_start3A_39 : memref<50x128xf32, #tpu.memory_space<vmem>>) offsets(%dma_start3A_42 : memref<50xi32, #tpu.memory_space<vmem>>) semaphore(%arg10 : memref<!tpu.dma_semaphore, #tpu.memory_space<semaphore_mem>>)
    %scan3A_46 = arith.constant 0 : i32
    %scan3A_47 = arith.constant 0 : i32
    %scan3A_48 = arith.constant 50 : i32
    %scan3A_49 = arith.addi %scan3A_47, %scan3A_48 : i32
    %scan3A_50 = arith.constant 1 : i32
    %scan3A_51 = scf.for %scan3A_102 = %scan3A_47 to %scan3A_49 step %scan3A_50 iter_args(%scan3A_103 = %scan3A_46) -> (i32)  : i32 {
      %mul3A_104 = arith.constant 2 : i32
      %mul3A_105 = arith.muli %mul3A_104, %scan3A_102 : i32
      %mul3A_106 = arith.constant 2 : i32
      %mul3A_107 = arith.muli %mul3A_105, %mul3A_106 : i32
      %add3A_108 = arith.constant 2 : i32
      %add3A_109 = arith.addi %mul3A_107, %add3A_108 : i32
      %dma_wait3A_110 = arith.constant 0 : i32
      %dma_wait3A_111 = arith.constant 0 : i32
      %dma_wait3A_112 = arith.constant 0 : i32
      %dma_wait3A_113 = arith.constant 0 : i32
      %dma_wait3A_114 = tpu.memref_slice %arg8[%dma_wait3A_110, %dma_wait3A_111, %dma_wait3A_112, %dma_wait3A_113] : memref<2x2x50x128xf32, #tpu.memory_space<vmem>> -> memref<1x1x50x128xf32, #tpu.memory_space<vmem>>
      %dma_wait3A_115 = tpu.memref_squeeze %dma_wait3A_114 : memref<1x1x50x128xf32, #tpu.memory_space<vmem>> -> memref<50x128xf32, #tpu.memory_space<vmem>>
      %dma_wait3A_116 = arith.constant 0 : i32
      %dma_wait3A_117 = arith.constant 0 : i32
      %dma_wait3A_118 = tpu.memref_slice %arg2[%dma_wait3A_116, %dma_wait3A_117] : memref<10000x128xf32, #tpu.memory_space<hbm>> -> memref<50x128xf32, #tpu.memory_space<hbm>>
      %dma_wait3A_119 = arith.constant 0 : i32
      %dma_wait3A_120 = arith.constant 0 : i32
      %dma_wait3A_121 = tpu.memref_slice %arg8[%dma_wait3A_110, %dma_wait3A_111, %dma_wait3A_119, %dma_wait3A_120] : memref<2x2x50x128xf32, #tpu.memory_space<vmem>> -> memref<1x1x50x128xf32, #tpu.memory_space<vmem>>
      %dma_wait3A_122 = tpu.memref_squeeze %dma_wait3A_121 : memref<1x1x50x128xf32, #tpu.memory_space<vmem>> -> memref<50x128xf32, #tpu.memory_space<vmem>>
      %dma_wait3A_123 = arith.constant 0 : i32
      %dma_wait3A_124 = arith.constant 0 : i32
      %dma_wait3A_125 = tpu.memref_slice %arg2[%dma_wait3A_123, %dma_wait3A_124] : memref<10000x128xf32, #tpu.memory_space<hbm>> -> memref<50x128xf32, #tpu.memory_space<hbm>>
      tpu.wait_dma2 semaphore(%arg10 : memref<!tpu.dma_semaphore, #tpu.memory_space<semaphore_mem>>) src(%dma_wait3A_125 : memref<50x128xf32, #tpu.memory_space<hbm>>) dst(%dma_wait3A_122 : memref<50x128xf32, #tpu.memory_space<vmem>>)
      %dma_wait3A_126 = arith.constant 0 : i32
      %dma_wait3A_127 = arith.constant 1 : i32
      %dma_wait3A_128 = arith.constant 0 : i32
      %dma_wait3A_129 = arith.constant 0 : i32
      %dma_wait3A_130 = tpu.memref_slice %arg8[%dma_wait3A_126, %dma_wait3A_127, %dma_wait3A_128, %dma_wait3A_129] : memref<2x2x50x128xf32, #tpu.memory_space<vmem>> -> memref<1x1x50x128xf32, #tpu.memory_space<vmem>>
      %dma_wait3A_131 = tpu.memref_squeeze %dma_wait3A_130 : memref<1x1x50x128xf32, #tpu.memory_space<vmem>> -> memref<50x128xf32, #tpu.memory_space<vmem>>
      %dma_wait3A_132 = arith.constant 0 : i32
      %dma_wait3A_133 = arith.constant 0 : i32
      %dma_wait3A_134 = tpu.memref_slice %arg2[%dma_wait3A_132, %dma_wait3A_133] : memref<10000x128xf32, #tpu.memory_space<hbm>> -> memref<50x128xf32, #tpu.memory_space<hbm>>
      %dma_wait3A_135 = arith.constant 0 : i32
      %dma_wait3A_136 = arith.constant 0 : i32
      %dma_wait3A_137 = tpu.memref_slice %arg8[%dma_wait3A_126, %dma_wait3A_127, %dma_wait3A_135, %dma_wait3A_136] : memref<2x2x50x128xf32, #tpu.memory_space<vmem>> -> memref<1x1x50x128xf32, #tpu.memory_space<vmem>>
      %dma_wait3A_138 = tpu.memref_squeeze %dma_wait3A_137 : memref<1x1x50x128xf32, #tpu.memory_space<vmem>> -> memref<50x128xf32, #tpu.memory_space<vmem>>
      %dma_wait3A_139 = arith.constant 0 : i32
      %dma_wait3A_140 = arith.constant 0 : i32
      %dma_wait3A_141 = tpu.memref_slice %arg2[%dma_wait3A_139, %dma_wait3A_140] : memref<10000x128xf32, #tpu.memory_space<hbm>> -> memref<50x128xf32, #tpu.memory_space<hbm>>
      tpu.wait_dma2 semaphore(%arg10 : memref<!tpu.dma_semaphore, #tpu.memory_space<semaphore_mem>>) src(%dma_wait3A_141 : memref<50x128xf32, #tpu.memory_space<hbm>>) dst(%dma_wait3A_138 : memref<50x128xf32, #tpu.memory_space<vmem>>)
      %gt3A = arith.constant 0 : i32
      %gt3A_142 = arith.cmpi sgt, %scan3A_102, %gt3A : i32
      %convert_element_type3A = arith.extui %gt3A_142 : i1 to i32
      %cond3A = arith.constant 0 : i32
      %cond3A_143 = arith.cmpi ne, %convert_element_type3A, %cond3A : i32
      scf.if %cond3A_143 {
        %dma_wait3A_297 = arith.constant 1 : i32
        %dma_wait3A_298 = arith.constant 0 : i32
        %dma_wait3A_299 = arith.constant 0 : i32
        %dma_wait3A_300 = arith.constant 0 : i32
        %dma_wait3A_301 = tpu.memref_slice %arg8[%dma_wait3A_297, %dma_wait3A_298, %dma_wait3A_299, %dma_wait3A_300] : memref<2x2x50x128xf32, #tpu.memory_space<vmem>> -> memref<1x1x50x128xf32, #tpu.memory_space<vmem>>
        %dma_wait3A_302 = tpu.memref_squeeze %dma_wait3A_301 : memref<1x1x50x128xf32, #tpu.memory_space<vmem>> -> memref<50x128xf32, #tpu.memory_space<vmem>>
        %dma_wait3A_303 = arith.constant 0 : i32
        %dma_wait3A_304 = arith.constant 0 : i32
        %dma_wait3A_305 = tpu.memref_slice %arg9[%dma_wait3A_303, %dma_wait3A_304] : memref<10000x128xf32, #tpu.memory_space<vmem_shared>> -> memref<50x128xf32, #tpu.memory_space<vmem_shared>>
        %dma_wait3A_306 = arith.constant 0 : i32
        %dma_wait3A_307 = arith.constant 0 : i32
        %dma_wait3A_308 = tpu.memref_slice %arg9[%dma_wait3A_306, %dma_wait3A_307] : memref<10000x128xf32, #tpu.memory_space<vmem_shared>> -> memref<50x128xf32, #tpu.memory_space<vmem_shared>>
        %dma_wait3A_309 = arith.constant 0 : i32
        %dma_wait3A_310 = arith.constant 0 : i32
        %dma_wait3A_311 = tpu.memref_slice %arg8[%dma_wait3A_297, %dma_wait3A_298, %dma_wait3A_309, %dma_wait3A_310] : memref<2x2x50x128xf32, #tpu.memory_space<vmem>> -> memref<1x1x50x128xf32, #tpu.memory_space<vmem>>
        %dma_wait3A_312 = tpu.memref_squeeze %dma_wait3A_311 : memref<1x1x50x128xf32, #tpu.memory_space<vmem>> -> memref<50x128xf32, #tpu.memory_space<vmem>>
        tpu.wait_dma2 semaphore(%arg11 : memref<!tpu.dma_semaphore, #tpu.memory_space<semaphore_mem>>) src(%dma_wait3A_312 : memref<50x128xf32, #tpu.memory_space<vmem>>) dst(%dma_wait3A_308 : memref<50x128xf32, #tpu.memory_space<vmem_shared>>)
        %dma_wait3A_313 = arith.constant 1 : i32
        %dma_wait3A_314 = arith.constant 1 : i32
        %dma_wait3A_315 = arith.constant 0 : i32
        %dma_wait3A_316 = arith.constant 0 : i32
        %dma_wait3A_317 = tpu.memref_slice %arg8[%dma_wait3A_313, %dma_wait3A_314, %dma_wait3A_315, %dma_wait3A_316] : memref<2x2x50x128xf32, #tpu.memory_space<vmem>> -> memref<1x1x50x128xf32, #tpu.memory_space<vmem>>
        %dma_wait3A_318 = tpu.memref_squeeze %dma_wait3A_317 : memref<1x1x50x128xf32, #tpu.memory_space<vmem>> -> memref<50x128xf32, #tpu.memory_space<vmem>>
        %dma_wait3A_319 = arith.constant 0 : i32
        %dma_wait3A_320 = arith.constant 0 : i32
        %dma_wait3A_321 = tpu.memref_slice %arg9[%dma_wait3A_319, %dma_wait3A_320] : memref<10000x128xf32, #tpu.memory_space<vmem_shared>> -> memref<50x128xf32, #tpu.memory_space<vmem_shared>>
        %dma_wait3A_322 = arith.constant 0 : i32
        %dma_wait3A_323 = arith.constant 0 : i32
        %dma_wait3A_324 = tpu.memref_slice %arg9[%dma_wait3A_322, %dma_wait3A_323] : memref<10000x128xf32, #tpu.memory_space<vmem_shared>> -> memref<50x128xf32, #tpu.memory_space<vmem_shared>>
        %dma_wait3A_325 = arith.constant 0 : i32
        %dma_wait3A_326 = arith.constant 0 : i32
        %dma_wait3A_327 = tpu.memref_slice %arg8[%dma_wait3A_313, %dma_wait3A_314, %dma_wait3A_325, %dma_wait3A_326] : memref<2x2x50x128xf32, #tpu.memory_space<vmem>> -> memref<1x1x50x128xf32, #tpu.memory_space<vmem>>
        %dma_wait3A_328 = tpu.memref_squeeze %dma_wait3A_327 : memref<1x1x50x128xf32, #tpu.memory_space<vmem>> -> memref<50x128xf32, #tpu.memory_space<vmem>>
        tpu.wait_dma2 semaphore(%arg11 : memref<!tpu.dma_semaphore, #tpu.memory_space<semaphore_mem>>) src(%dma_wait3A_328 : memref<50x128xf32, #tpu.memory_space<vmem>>) dst(%dma_wait3A_324 : memref<50x128xf32, #tpu.memory_space<vmem_shared>>)
      } else {
      }
      %add3A_144 = arith.constant 0 : i32
      %add3A_145 = arith.addi %add3A_109, %add3A_144 : i32
      %dma_start3A_146 = arith.constant 1 : i32
      %dma_start3A_147 = arith.constant 0 : i32
      %dma_start3A_148 = arith.constant 0 : i32
      %dma_start3A_149 = arith.constant 0 : i32
      %dma_start3A_150 = tpu.memref_slice %arg8[%dma_start3A_146, %dma_start3A_147, %dma_start3A_148, %dma_start3A_149] : memref<2x2x50x128xf32, #tpu.memory_space<vmem>> -> memref<1x1x50x128xf32, #tpu.memory_space<vmem>>
      %dma_start3A_151 = tpu.memref_squeeze %dma_start3A_150 : memref<1x1x50x128xf32, #tpu.memory_space<vmem>> -> memref<50x128xf32, #tpu.memory_space<vmem>>
      %dma_start3A_152 = arith.constant 0 : i32
      %dma_start3A_153 = tpu.memref_slice %arg6[%add3A_145, %dma_start3A_152] : memref<200x50xi32, #tpu.memory_space<vmem>> -> memref<1x50xi32, #tpu.memory_space<vmem>>
      %dma_start3A_154 = tpu.memref_squeeze %dma_start3A_153 : memref<1x50xi32, #tpu.memory_space<vmem>> -> memref<50xi32, #tpu.memory_space<vmem>>
      %dma_start3A_155 = arith.constant 0 : i32
      %dma_start3A_156 = arith.constant 0 : i32
      %dma_start3A_157 = tpu.memref_slice %arg2[%dma_start3A_155, %dma_start3A_156] : memref<10000x128xf32, #tpu.memory_space<hbm>> -> memref<10000x128xf32, #tpu.memory_space<hbm>>
      tpu.enqueue_indirect_dma source(%dma_start3A_157 : memref<10000x128xf32, #tpu.memory_space<hbm>>) target(%dma_start3A_151 : memref<50x128xf32, #tpu.memory_space<vmem>>) offsets(%dma_start3A_154 : memref<50xi32, #tpu.memory_space<vmem>>) semaphore(%arg10 : memref<!tpu.dma_semaphore, #tpu.memory_space<semaphore_mem>>)
      %add3A_158 = arith.constant 1 : i32
      %add3A_159 = arith.addi %add3A_109, %add3A_158 : i32
      %dma_start3A_160 = arith.constant 1 : i32
      %dma_start3A_161 = arith.constant 1 : i32
      %dma_start3A_162 = arith.constant 0 : i32
      %dma_start3A_163 = arith.constant 0 : i32
      %dma_start3A_164 = tpu.memref_slice %arg8[%dma_start3A_160, %dma_start3A_161, %dma_start3A_162, %dma_start3A_163] : memref<2x2x50x128xf32, #tpu.memory_space<vmem>> -> memref<1x1x50x128xf32, #tpu.memory_space<vmem>>
      %dma_start3A_165 = tpu.memref_squeeze %dma_start3A_164 : memref<1x1x50x128xf32, #tpu.memory_space<vmem>> -> memref<50x128xf32, #tpu.memory_space<vmem>>
      %dma_start3A_166 = arith.constant 0 : i32
      %dma_start3A_167 = tpu.memref_slice %arg6[%add3A_159, %dma_start3A_166] : memref<200x50xi32, #tpu.memory_space<vmem>> -> memref<1x50xi32, #tpu.memory_space<vmem>>
      %dma_start3A_168 = tpu.memref_squeeze %dma_start3A_167 : memref<1x50xi32, #tpu.memory_space<vmem>> -> memref<50xi32, #tpu.memory_space<vmem>>
      %dma_start3A_169 = arith.constant 0 : i32
      %dma_start3A_170 = arith.constant 0 : i32
      %dma_start3A_171 = tpu.memref_slice %arg2[%dma_start3A_169, %dma_start3A_170] : memref<10000x128xf32, #tpu.memory_space<hbm>> -> memref<10000x128xf32, #tpu.memory_space<hbm>>
      tpu.enqueue_indirect_dma source(%dma_start3A_171 : memref<10000x128xf32, #tpu.memory_space<hbm>>) target(%dma_start3A_165 : memref<50x128xf32, #tpu.memory_space<vmem>>) offsets(%dma_start3A_168 : memref<50xi32, #tpu.memory_space<vmem>>) semaphore(%arg10 : memref<!tpu.dma_semaphore, #tpu.memory_space<semaphore_mem>>)
      %add3A_172 = arith.constant 0 : i32
      %add3A_173 = arith.addi %mul3A_107, %add3A_172 : i32
      %dma_start3A_174 = arith.constant 0 : i32
      %dma_start3A_175 = arith.constant 0 : i32
      %dma_start3A_176 = arith.constant 0 : i32
      %dma_start3A_177 = arith.constant 0 : i32
      %dma_start3A_178 = tpu.memref_slice %arg8[%dma_start3A_174, %dma_start3A_175, %dma_start3A_176, %dma_start3A_177] : memref<2x2x50x128xf32, #tpu.memory_space<vmem>> -> memref<1x1x50x128xf32, #tpu.memory_space<vmem>>
      %dma_start3A_179 = tpu.memref_squeeze %dma_start3A_178 : memref<1x1x50x128xf32, #tpu.memory_space<vmem>> -> memref<50x128xf32, #tpu.memory_space<vmem>>
      %dma_start3A_180 = arith.constant 0 : i32
      %dma_start3A_181 = tpu.memref_slice %arg7[%add3A_173, %dma_start3A_180] : memref<200x50xi32, #tpu.memory_space<vmem>> -> memref<1x50xi32, #tpu.memory_space<vmem>>
      %dma_start3A_182 = tpu.memref_squeeze %dma_start3A_181 : memref<1x50xi32, #tpu.memory_space<vmem>> -> memref<50xi32, #tpu.memory_space<vmem>>
      %dma_start3A_183 = arith.constant 0 : i32
      %dma_start3A_184 = arith.constant 0 : i32
      %dma_start3A_185 = tpu.memref_slice %arg9[%dma_start3A_183, %dma_start3A_184] : memref<10000x128xf32, #tpu.memory_space<vmem_shared>> -> memref<10000x128xf32, #tpu.memory_space<vmem_shared>>
      tpu.enqueue_indirect_dma source(%dma_start3A_179 : memref<50x128xf32, #tpu.memory_space<vmem>>) target(%dma_start3A_185 : memref<10000x128xf32, #tpu.memory_space<vmem_shared>>) offsets(%dma_start3A_182 : memref<50xi32, #tpu.memory_space<vmem>>) semaphore(%arg11 : memref<!tpu.dma_semaphore, #tpu.memory_space<semaphore_mem>>) {add = true}
      %add3A_186 = arith.constant 1 : i32
      %add3A_187 = arith.addi %mul3A_107, %add3A_186 : i32
      %dma_start3A_188 = arith.constant 0 : i32
      %dma_start3A_189 = arith.constant 1 : i32
      %dma_start3A_190 = arith.constant 0 : i32
      %dma_start3A_191 = arith.constant 0 : i32
      %dma_start3A_192 = tpu.memref_slice %arg8[%dma_start3A_188, %dma_start3A_189, %dma_start3A_190, %dma_start3A_191] : memref<2x2x50x128xf32, #tpu.memory_space<vmem>> -> memref<1x1x50x128xf32, #tpu.memory_space<vmem>>
      %dma_start3A_193 = tpu.memref_squeeze %dma_start3A_192 : memref<1x1x50x128xf32, #tpu.memory_space<vmem>> -> memref<50x128xf32, #tpu.memory_space<vmem>>
      %dma_start3A_194 = arith.constant 0 : i32
      %dma_start3A_195 = tpu.memref_slice %arg7[%add3A_187, %dma_start3A_194] : memref<200x50xi32, #tpu.memory_space<vmem>> -> memref<1x50xi32, #tpu.memory_space<vmem>>
      %dma_start3A_196 = tpu.memref_squeeze %dma_start3A_195 : memref<1x50xi32, #tpu.memory_space<vmem>> -> memref<50xi32, #tpu.memory_space<vmem>>
      %dma_start3A_197 = arith.constant 0 : i32
      %dma_start3A_198 = arith.constant 0 : i32
      %dma_start3A_199 = tpu.memref_slice %arg9[%dma_start3A_197, %dma_start3A_198] : memref<10000x128xf32, #tpu.memory_space<vmem_shared>> -> memref<10000x128xf32, #tpu.memory_space<vmem_shared>>
      tpu.enqueue_indirect_dma source(%dma_start3A_193 : memref<50x128xf32, #tpu.memory_space<vmem>>) target(%dma_start3A_199 : memref<10000x128xf32, #tpu.memory_space<vmem_shared>>) offsets(%dma_start3A_196 : memref<50xi32, #tpu.memory_space<vmem>>) semaphore(%arg11 : memref<!tpu.dma_semaphore, #tpu.memory_space<semaphore_mem>>) {add = true}
      %dma_wait3A_200 = arith.constant 1 : i32
      %dma_wait3A_201 = arith.constant 0 : i32
      %dma_wait3A_202 = arith.constant 0 : i32
      %dma_wait3A_203 = arith.constant 0 : i32
      %dma_wait3A_204 = tpu.memref_slice %arg8[%dma_wait3A_200, %dma_wait3A_201, %dma_wait3A_202, %dma_wait3A_203] : memref<2x2x50x128xf32, #tpu.memory_space<vmem>> -> memref<1x1x50x128xf32, #tpu.memory_space<vmem>>
      %dma_wait3A_205 = tpu.memref_squeeze %dma_wait3A_204 : memref<1x1x50x128xf32, #tpu.memory_space<vmem>> -> memref<50x128xf32, #tpu.memory_space<vmem>>
      %dma_wait3A_206 = arith.constant 0 : i32
      %dma_wait3A_207 = arith.constant 0 : i32
      %dma_wait3A_208 = tpu.memref_slice %arg2[%dma_wait3A_206, %dma_wait3A_207] : memref<10000x128xf32, #tpu.memory_space<hbm>> -> memref<50x128xf32, #tpu.memory_space<hbm>>
      %dma_wait3A_209 = arith.constant 0 : i32
      %dma_wait3A_210 = arith.constant 0 : i32
      %dma_wait3A_211 = tpu.memref_slice %arg8[%dma_wait3A_200, %dma_wait3A_201, %dma_wait3A_209, %dma_wait3A_210] : memref<2x2x50x128xf32, #tpu.memory_space<vmem>> -> memref<1x1x50x128xf32, #tpu.memory_space<vmem>>
      %dma_wait3A_212 = tpu.memref_squeeze %dma_wait3A_211 : memref<1x1x50x128xf32, #tpu.memory_space<vmem>> -> memref<50x128xf32, #tpu.memory_space<vmem>>
      %dma_wait3A_213 = arith.constant 0 : i32
      %dma_wait3A_214 = arith.constant 0 : i32
      %dma_wait3A_215 = tpu.memref_slice %arg2[%dma_wait3A_213, %dma_wait3A_214] : memref<10000x128xf32, #tpu.memory_space<hbm>> -> memref<50x128xf32, #tpu.memory_space<hbm>>
      tpu.wait_dma2 semaphore(%arg10 : memref<!tpu.dma_semaphore, #tpu.memory_space<semaphore_mem>>) src(%dma_wait3A_215 : memref<50x128xf32, #tpu.memory_space<hbm>>) dst(%dma_wait3A_212 : memref<50x128xf32, #tpu.memory_space<vmem>>)
      %dma_wait3A_216 = arith.constant 1 : i32
      %dma_wait3A_217 = arith.constant 1 : i32
      %dma_wait3A_218 = arith.constant 0 : i32
      %dma_wait3A_219 = arith.constant 0 : i32
      %dma_wait3A_220 = tpu.memref_slice %arg8[%dma_wait3A_216, %dma_wait3A_217, %dma_wait3A_218, %dma_wait3A_219] : memref<2x2x50x128xf32, #tpu.memory_space<vmem>> -> memref<1x1x50x128xf32, #tpu.memory_space<vmem>>
      %dma_wait3A_221 = tpu.memref_squeeze %dma_wait3A_220 : memref<1x1x50x128xf32, #tpu.memory_space<vmem>> -> memref<50x128xf32, #tpu.memory_space<vmem>>
      %dma_wait3A_222 = arith.constant 0 : i32
      %dma_wait3A_223 = arith.constant 0 : i32
      %dma_wait3A_224 = tpu.memref_slice %arg2[%dma_wait3A_222, %dma_wait3A_223] : memref<10000x128xf32, #tpu.memory_space<hbm>> -> memref<50x128xf32, #tpu.memory_space<hbm>>
      %dma_wait3A_225 = arith.constant 0 : i32
      %dma_wait3A_226 = arith.constant 0 : i32
      %dma_wait3A_227 = tpu.memref_slice %arg8[%dma_wait3A_216, %dma_wait3A_217, %dma_wait3A_225, %dma_wait3A_226] : memref<2x2x50x128xf32, #tpu.memory_space<vmem>> -> memref<1x1x50x128xf32, #tpu.memory_space<vmem>>
      %dma_wait3A_228 = tpu.memref_squeeze %dma_wait3A_227 : memref<1x1x50x128xf32, #tpu.memory_space<vmem>> -> memref<50x128xf32, #tpu.memory_space<vmem>>
      %dma_wait3A_229 = arith.constant 0 : i32
      %dma_wait3A_230 = arith.constant 0 : i32
      %dma_wait3A_231 = tpu.memref_slice %arg2[%dma_wait3A_229, %dma_wait3A_230] : memref<10000x128xf32, #tpu.memory_space<hbm>> -> memref<50x128xf32, #tpu.memory_space<hbm>>
      tpu.wait_dma2 semaphore(%arg10 : memref<!tpu.dma_semaphore, #tpu.memory_space<semaphore_mem>>) src(%dma_wait3A_231 : memref<50x128xf32, #tpu.memory_space<hbm>>) dst(%dma_wait3A_228 : memref<50x128xf32, #tpu.memory_space<vmem>>)
      %dma_wait3A_232 = arith.constant 0 : i32
      %dma_wait3A_233 = arith.constant 0 : i32
      %dma_wait3A_234 = arith.constant 0 : i32
      %dma_wait3A_235 = arith.constant 0 : i32
      %dma_wait3A_236 = tpu.memref_slice %arg8[%dma_wait3A_232, %dma_wait3A_233, %dma_wait3A_234, %dma_wait3A_235] : memref<2x2x50x128xf32, #tpu.memory_space<vmem>> -> memref<1x1x50x128xf32, #tpu.memory_space<vmem>>
      %dma_wait3A_237 = tpu.memref_squeeze %dma_wait3A_236 : memref<1x1x50x128xf32, #tpu.memory_space<vmem>> -> memref<50x128xf32, #tpu.memory_space<vmem>>
      %dma_wait3A_238 = arith.constant 0 : i32
      %dma_wait3A_239 = arith.constant 0 : i32
      %dma_wait3A_240 = tpu.memref_slice %arg9[%dma_wait3A_238, %dma_wait3A_239] : memref<10000x128xf32, #tpu.memory_space<vmem_shared>> -> memref<50x128xf32, #tpu.memory_space<vmem_shared>>
      %dma_wait3A_241 = arith.constant 0 : i32
      %dma_wait3A_242 = arith.constant 0 : i32
      %dma_wait3A_243 = tpu.memref_slice %arg9[%dma_wait3A_241, %dma_wait3A_242] : memref<10000x128xf32, #tpu.memory_space<vmem_shared>> -> memref<50x128xf32, #tpu.memory_space<vmem_shared>>
      %dma_wait3A_244 = arith.constant 0 : i32
      %dma_wait3A_245 = arith.constant 0 : i32
      %dma_wait3A_246 = tpu.memref_slice %arg8[%dma_wait3A_232, %dma_wait3A_233, %dma_wait3A_244, %dma_wait3A_245] : memref<2x2x50x128xf32, #tpu.memory_space<vmem>> -> memref<1x1x50x128xf32, #tpu.memory_space<vmem>>
      %dma_wait3A_247 = tpu.memref_squeeze %dma_wait3A_246 : memref<1x1x50x128xf32, #tpu.memory_space<vmem>> -> memref<50x128xf32, #tpu.memory_space<vmem>>
      tpu.wait_dma2 semaphore(%arg11 : memref<!tpu.dma_semaphore, #tpu.memory_space<semaphore_mem>>) src(%dma_wait3A_247 : memref<50x128xf32, #tpu.memory_space<vmem>>) dst(%dma_wait3A_243 : memref<50x128xf32, #tpu.memory_space<vmem_shared>>)
      %dma_wait3A_248 = arith.constant 0 : i32
      %dma_wait3A_249 = arith.constant 1 : i32
      %dma_wait3A_250 = arith.constant 0 : i32
      %dma_wait3A_251 = arith.constant 0 : i32
      %dma_wait3A_252 = tpu.memref_slice %arg8[%dma_wait3A_248, %dma_wait3A_249, %dma_wait3A_250, %dma_wait3A_251] : memref<2x2x50x128xf32, #tpu.memory_space<vmem>> -> memref<1x1x50x128xf32, #tpu.memory_space<vmem>>
      %dma_wait3A_253 = tpu.memref_squeeze %dma_wait3A_252 : memref<1x1x50x128xf32, #tpu.memory_space<vmem>> -> memref<50x128xf32, #tpu.memory_space<vmem>>
      %dma_wait3A_254 = arith.constant 0 : i32
      %dma_wait3A_255 = arith.constant 0 : i32
      %dma_wait3A_256 = tpu.memref_slice %arg9[%dma_wait3A_254, %dma_wait3A_255] : memref<10000x128xf32, #tpu.memory_space<vmem_shared>> -> memref<50x128xf32, #tpu.memory_space<vmem_shared>>
      %dma_wait3A_257 = arith.constant 0 : i32
      %dma_wait3A_258 = arith.constant 0 : i32
      %dma_wait3A_259 = tpu.memref_slice %arg9[%dma_wait3A_257, %dma_wait3A_258] : memref<10000x128xf32, #tpu.memory_space<vmem_shared>> -> memref<50x128xf32, #tpu.memory_space<vmem_shared>>
      %dma_wait3A_260 = arith.constant 0 : i32
      %dma_wait3A_261 = arith.constant 0 : i32
      %dma_wait3A_262 = tpu.memref_slice %arg8[%dma_wait3A_248, %dma_wait3A_249, %dma_wait3A_260, %dma_wait3A_261] : memref<2x2x50x128xf32, #tpu.memory_space<vmem>> -> memref<1x1x50x128xf32, #tpu.memory_space<vmem>>
      %dma_wait3A_263 = tpu.memref_squeeze %dma_wait3A_262 : memref<1x1x50x128xf32, #tpu.memory_space<vmem>> -> memref<50x128xf32, #tpu.memory_space<vmem>>
      tpu.wait_dma2 semaphore(%arg11 : memref<!tpu.dma_semaphore, #tpu.memory_space<semaphore_mem>>) src(%dma_wait3A_263 : memref<50x128xf32, #tpu.memory_space<vmem>>) dst(%dma_wait3A_259 : memref<50x128xf32, #tpu.memory_space<vmem_shared>>)
      %lt3A = arith.constant 49 : i32
      %lt3A_264 = arith.cmpi slt, %scan3A_102, %lt3A : i32
      %convert_element_type3A_265 = arith.extui %lt3A_264 : i1 to i32
      %cond3A_266 = arith.constant 0 : i32
      %cond3A_267 = arith.cmpi ne, %convert_element_type3A_265, %cond3A_266 : i32
      scf.if %cond3A_267 {
        %add3A_297 = arith.constant 2 : i32
        %add3A_298 = arith.addi %add3A_109, %add3A_297 : i32
        %add3A_299 = arith.constant 0 : i32
        %add3A_300 = arith.addi %add3A_298, %add3A_299 : i32
        %dma_start3A_301 = arith.constant 0 : i32
        %dma_start3A_302 = arith.constant 0 : i32
        %dma_start3A_303 = arith.constant 0 : i32
        %dma_start3A_304 = arith.constant 0 : i32
        %dma_start3A_305 = tpu.memref_slice %arg8[%dma_start3A_301, %dma_start3A_302, %dma_start3A_303, %dma_start3A_304] : memref<2x2x50x128xf32, #tpu.memory_space<vmem>> -> memref<1x1x50x128xf32, #tpu.memory_space<vmem>>
        %dma_start3A_306 = tpu.memref_squeeze %dma_start3A_305 : memref<1x1x50x128xf32, #tpu.memory_space<vmem>> -> memref<50x128xf32, #tpu.memory_space<vmem>>
        %dma_start3A_307 = arith.constant 0 : i32
        %dma_start3A_308 = tpu.memref_slice %arg6[%add3A_300, %dma_start3A_307] : memref<200x50xi32, #tpu.memory_space<vmem>> -> memref<1x50xi32, #tpu.memory_space<vmem>>
        %dma_start3A_309 = tpu.memref_squeeze %dma_start3A_308 : memref<1x50xi32, #tpu.memory_space<vmem>> -> memref<50xi32, #tpu.memory_space<vmem>>
        %dma_start3A_310 = arith.constant 0 : i32
        %dma_start3A_311 = arith.constant 0 : i32
        %dma_start3A_312 = tpu.memref_slice %arg2[%dma_start3A_310, %dma_start3A_311] : memref<10000x128xf32, #tpu.memory_space<hbm>> -> memref<10000x128xf32, #tpu.memory_space<hbm>>
        tpu.enqueue_indirect_dma source(%dma_start3A_312 : memref<10000x128xf32, #tpu.memory_space<hbm>>) target(%dma_start3A_306 : memref<50x128xf32, #tpu.memory_space<vmem>>) offsets(%dma_start3A_309 : memref<50xi32, #tpu.memory_space<vmem>>) semaphore(%arg10 : memref<!tpu.dma_semaphore, #tpu.memory_space<semaphore_mem>>)
        %add3A_313 = arith.constant 2 : i32
        %add3A_314 = arith.addi %add3A_109, %add3A_313 : i32
        %add3A_315 = arith.constant 1 : i32
        %add3A_316 = arith.addi %add3A_314, %add3A_315 : i32
        %dma_start3A_317 = arith.constant 0 : i32
        %dma_start3A_318 = arith.constant 1 : i32
        %dma_start3A_319 = arith.constant 0 : i32
        %dma_start3A_320 = arith.constant 0 : i32
        %dma_start3A_321 = tpu.memref_slice %arg8[%dma_start3A_317, %dma_start3A_318, %dma_start3A_319, %dma_start3A_320] : memref<2x2x50x128xf32, #tpu.memory_space<vmem>> -> memref<1x1x50x128xf32, #tpu.memory_space<vmem>>
        %dma_start3A_322 = tpu.memref_squeeze %dma_start3A_321 : memref<1x1x50x128xf32, #tpu.memory_space<vmem>> -> memref<50x128xf32, #tpu.memory_space<vmem>>
        %dma_start3A_323 = arith.constant 0 : i32
        %dma_start3A_324 = tpu.memref_slice %arg6[%add3A_316, %dma_start3A_323] : memref<200x50xi32, #tpu.memory_space<vmem>> -> memref<1x50xi32, #tpu.memory_space<vmem>>
        %dma_start3A_325 = tpu.memref_squeeze %dma_start3A_324 : memref<1x50xi32, #tpu.memory_space<vmem>> -> memref<50xi32, #tpu.memory_space<vmem>>
        %dma_start3A_326 = arith.constant 0 : i32
        %dma_start3A_327 = arith.constant 0 : i32
        %dma_start3A_328 = tpu.memref_slice %arg2[%dma_start3A_326, %dma_start3A_327] : memref<10000x128xf32, #tpu.memory_space<hbm>> -> memref<10000x128xf32, #tpu.memory_space<hbm>>
        tpu.enqueue_indirect_dma source(%dma_start3A_328 : memref<10000x128xf32, #tpu.memory_space<hbm>>) target(%dma_start3A_322 : memref<50x128xf32, #tpu.memory_space<vmem>>) offsets(%dma_start3A_325 : memref<50xi32, #tpu.memory_space<vmem>>) semaphore(%arg10 : memref<!tpu.dma_semaphore, #tpu.memory_space<semaphore_mem>>)
      } else {
      }
      %add3A_268 = arith.constant 0 : i32
      %add3A_269 = arith.addi %add3A_109, %add3A_268 : i32
      %dma_start3A_270 = arith.constant 1 : i32
      %dma_start3A_271 = arith.constant 0 : i32
      %dma_start3A_272 = arith.constant 0 : i32
      %dma_start3A_273 = arith.constant 0 : i32
      %dma_start3A_274 = tpu.memref_slice %arg8[%dma_start3A_270, %dma_start3A_271, %dma_start3A_272, %dma_start3A_273] : memref<2x2x50x128xf32, #tpu.memory_space<vmem>> -> memref<1x1x50x128xf32, #tpu.memory_space<vmem>>
      %dma_start3A_275 = tpu.memref_squeeze %dma_start3A_274 : memref<1x1x50x128xf32, #tpu.memory_space<vmem>> -> memref<50x128xf32, #tpu.memory_space<vmem>>
      %dma_start3A_276 = arith.constant 0 : i32
      %dma_start3A_277 = tpu.memref_slice %arg7[%add3A_269, %dma_start3A_276] : memref<200x50xi32, #tpu.memory_space<vmem>> -> memref<1x50xi32, #tpu.memory_space<vmem>>
      %dma_start3A_278 = tpu.memref_squeeze %dma_start3A_277 : memref<1x50xi32, #tpu.memory_space<vmem>> -> memref<50xi32, #tpu.memory_space<vmem>>
      %dma_start3A_279 = arith.constant 0 : i32
      %dma_start3A_280 = arith.constant 0 : i32
      %dma_start3A_281 = tpu.memref_slice %arg9[%dma_start3A_279, %dma_start3A_280] : memref<10000x128xf32, #tpu.memory_space<vmem_shared>> -> memref<10000x128xf32, #tpu.memory_space<vmem_shared>>
      tpu.enqueue_indirect_dma source(%dma_start3A_275 : memref<50x128xf32, #tpu.memory_space<vmem>>) target(%dma_start3A_281 : memref<10000x128xf32, #tpu.memory_space<vmem_shared>>) offsets(%dma_start3A_278 : memref<50xi32, #tpu.memory_space<vmem>>) semaphore(%arg11 : memref<!tpu.dma_semaphore, #tpu.memory_space<semaphore_mem>>) {add = true}
      %add3A_282 = arith.constant 1 : i32
      %add3A_283 = arith.addi %add3A_109, %add3A_282 : i32
      %dma_start3A_284 = arith.constant 1 : i32
      %dma_start3A_285 = arith.constant 1 : i32
      %dma_start3A_286 = arith.constant 0 : i32
      %dma_start3A_287 = arith.constant 0 : i32
      %dma_start3A_288 = tpu.memref_slice %arg8[%dma_start3A_284, %dma_start3A_285, %dma_start3A_286, %dma_start3A_287] : memref<2x2x50x128xf32, #tpu.memory_space<vmem>> -> memref<1x1x50x128xf32, #tpu.memory_space<vmem>>
      %dma_start3A_289 = tpu.memref_squeeze %dma_start3A_288 : memref<1x1x50x128xf32, #tpu.memory_space<vmem>> -> memref<50x128xf32, #tpu.memory_space<vmem>>
      %dma_start3A_290 = arith.constant 0 : i32
      %dma_start3A_291 = tpu.memref_slice %arg7[%add3A_283, %dma_start3A_290] : memref<200x50xi32, #tpu.memory_space<vmem>> -> memref<1x50xi32, #tpu.memory_space<vmem>>
      %dma_start3A_292 = tpu.memref_squeeze %dma_start3A_291 : memref<1x50xi32, #tpu.memory_space<vmem>> -> memref<50xi32, #tpu.memory_space<vmem>>
      %dma_start3A_293 = arith.constant 0 : i32
      %dma_start3A_294 = arith.constant 0 : i32
      %dma_start3A_295 = tpu.memref_slice %arg9[%dma_start3A_293, %dma_start3A_294] : memref<10000x128xf32, #tpu.memory_space<vmem_shared>> -> memref<10000x128xf32, #tpu.memory_space<vmem_shared>>
      tpu.enqueue_indirect_dma source(%dma_start3A_289 : memref<50x128xf32, #tpu.memory_space<vmem>>) target(%dma_start3A_295 : memref<10000x128xf32, #tpu.memory_space<vmem_shared>>) offsets(%dma_start3A_292 : memref<50xi32, #tpu.memory_space<vmem>>) semaphore(%arg11 : memref<!tpu.dma_semaphore, #tpu.memory_space<semaphore_mem>>) {add = true}
      %scan3A_296 = arith.constant 0 : i32
      scf.yield %scan3A_296 : i32
    }
    %scan3A_52 = arith.constant 50 : i32
    %dma_wait3A = arith.constant 1 : i32
    %dma_wait3A_53 = arith.constant 0 : i32
    %dma_wait3A_54 = arith.constant 0 : i32
    %dma_wait3A_55 = arith.constant 0 : i32
    %dma_wait3A_56 = tpu.memref_slice %arg8[%dma_wait3A, %dma_wait3A_53, %dma_wait3A_54, %dma_wait3A_55] : memref<2x2x50x128xf32, #tpu.memory_space<vmem>> -> memref<1x1x50x128xf32, #tpu.memory_space<vmem>>
    %dma_wait3A_57 = tpu.memref_squeeze %dma_wait3A_56 : memref<1x1x50x128xf32, #tpu.memory_space<vmem>> -> memref<50x128xf32, #tpu.memory_space<vmem>>
    %dma_wait3A_58 = arith.constant 0 : i32
    %dma_wait3A_59 = arith.constant 0 : i32
    %dma_wait3A_60 = tpu.memref_slice %arg9[%dma_wait3A_58, %dma_wait3A_59] : memref<10000x128xf32, #tpu.memory_space<vmem_shared>> -> memref<50x128xf32, #tpu.memory_space<vmem_shared>>
    %dma_wait3A_61 = arith.constant 0 : i32
    %dma_wait3A_62 = arith.constant 0 : i32
    %dma_wait3A_63 = tpu.memref_slice %arg9[%dma_wait3A_61, %dma_wait3A_62] : memref<10000x128xf32, #tpu.memory_space<vmem_shared>> -> memref<50x128xf32, #tpu.memory_space<vmem_shared>>
    %dma_wait3A_64 = arith.constant 0 : i32
    %dma_wait3A_65 = arith.constant 0 : i32
    %dma_wait3A_66 = tpu.memref_slice %arg8[%dma_wait3A, %dma_wait3A_53, %dma_wait3A_64, %dma_wait3A_65] : memref<2x2x50x128xf32, #tpu.memory_space<vmem>> -> memref<1x1x50x128xf32, #tpu.memory_space<vmem>>
    %dma_wait3A_67 = tpu.memref_squeeze %dma_wait3A_66 : memref<1x1x50x128xf32, #tpu.memory_space<vmem>> -> memref<50x128xf32, #tpu.memory_space<vmem>>
    tpu.wait_dma2 semaphore(%arg11 : memref<!tpu.dma_semaphore, #tpu.memory_space<semaphore_mem>>) src(%dma_wait3A_67 : memref<50x128xf32, #tpu.memory_space<vmem>>) dst(%dma_wait3A_63 : memref<50x128xf32, #tpu.memory_space<vmem_shared>>)
    %dma_wait3A_68 = arith.constant 1 : i32
    %dma_wait3A_69 = arith.constant 1 : i32
    %dma_wait3A_70 = arith.constant 0 : i32
    %dma_wait3A_71 = arith.constant 0 : i32
    %dma_wait3A_72 = tpu.memref_slice %arg8[%dma_wait3A_68, %dma_wait3A_69, %dma_wait3A_70, %dma_wait3A_71] : memref<2x2x50x128xf32, #tpu.memory_space<vmem>> -> memref<1x1x50x128xf32, #tpu.memory_space<vmem>>
    %dma_wait3A_73 = tpu.memref_squeeze %dma_wait3A_72 : memref<1x1x50x128xf32, #tpu.memory_space<vmem>> -> memref<50x128xf32, #tpu.memory_space<vmem>>
    %dma_wait3A_74 = arith.constant 0 : i32
    %dma_wait3A_75 = arith.constant 0 : i32
    %dma_wait3A_76 = tpu.memref_slice %arg9[%dma_wait3A_74, %dma_wait3A_75] : memref<10000x128xf32, #tpu.memory_space<vmem_shared>> -> memref<50x128xf32, #tpu.memory_space<vmem_shared>>
    %dma_wait3A_77 = arith.constant 0 : i32
    %dma_wait3A_78 = arith.constant 0 : i32
    %dma_wait3A_79 = tpu.memref_slice %arg9[%dma_wait3A_77, %dma_wait3A_78] : memref<10000x128xf32, #tpu.memory_space<vmem_shared>> -> memref<50x128xf32, #tpu.memory_space<vmem_shared>>
    %dma_wait3A_80 = arith.constant 0 : i32
    %dma_wait3A_81 = arith.constant 0 : i32
    %dma_wait3A_82 = tpu.memref_slice %arg8[%dma_wait3A_68, %dma_wait3A_69, %dma_wait3A_80, %dma_wait3A_81] : memref<2x2x50x128xf32, #tpu.memory_space<vmem>> -> memref<1x1x50x128xf32, #tpu.memory_space<vmem>>
    %dma_wait3A_83 = tpu.memref_squeeze %dma_wait3A_82 : memref<1x1x50x128xf32, #tpu.memory_space<vmem>> -> memref<50x128xf32, #tpu.memory_space<vmem>>
    tpu.wait_dma2 semaphore(%arg11 : memref<!tpu.dma_semaphore, #tpu.memory_space<semaphore_mem>>) src(%dma_wait3A_83 : memref<50x128xf32, #tpu.memory_space<vmem>>) dst(%dma_wait3A_79 : memref<50x128xf32, #tpu.memory_space<vmem_shared>>)
    %barrier3A_84 = arith.constant 0 : index
    tpu.barrier barrier_id(%barrier3A_84)
    %scan3A_85 = arith.constant 0 : i32
    %scan3A_86 = arith.constant 0 : i32
    %scan3A_87 = arith.constant 0 : i32
    %scan3A_88 = arith.constant 0 : i32
    %scan3A_89 = arith.constant 12 : i32
    %scan3A_90 = arith.addi %scan3A_88, %scan3A_89 : i32
    %scan3A_91 = arith.constant 1 : i32
    %scan3A_92 = scf.for %scan3A_102 = %scan3A_88 to %scan3A_90 step %scan3A_91 iter_args(%scan3A_103 = %scan3A_87) -> (i32)  : i32 {
      %mul3A_104 = arith.constant 50 : i32
      %mul3A_105 = arith.muli %scan3A_102, %mul3A_104 : i32
      %add3A_106 = arith.addi %mul3A_2, %mul3A_105 : i32
      "tpu.region"() ({
        %run_scoped3A_111 = tpu.sem_alloc : memref<!tpu.dma_semaphore, #tpu.memory_space<semaphore_mem>>
        %dma_start3A_112 = arith.constant 0 : i32
        %dma_start3A_113 = arith.constant 0 : i32
        %dma_start3A_114 = tpu.memref_slice %arg8[%scan3A_85, %scan3A_86, %dma_start3A_112, %dma_start3A_113] : memref<2x2x50x128xf32, #tpu.memory_space<vmem>> -> memref<1x1x50x128xf32, #tpu.memory_space<vmem>>
        %dma_start3A_115 = tpu.memref_squeeze %dma_start3A_114 : memref<1x1x50x128xf32, #tpu.memory_space<vmem>> -> memref<50x128xf32, #tpu.memory_space<vmem>>
        %dma_start3A_116 = arith.constant 0 : i32
        %dma_start3A_117 = tpu.memref_slice %arg9[%add3A_106, %dma_start3A_116] : memref<10000x128xf32, #tpu.memory_space<vmem_shared>> -> memref<50x128xf32, #tpu.memory_space<vmem_shared>>
        %dma_start3A_118 = arith.constant 0 : i32
        %dma_start3A_119 = arith.constant 0 : i32
        %dma_start3A_120 = tpu.memref_slice %arg8[%scan3A_85, %scan3A_86, %dma_start3A_118, %dma_start3A_119] : memref<2x2x50x128xf32, #tpu.memory_space<vmem>> -> memref<1x1x50x128xf32, #tpu.memory_space<vmem>>
        %dma_start3A_121 = tpu.memref_squeeze %dma_start3A_120 : memref<1x1x50x128xf32, #tpu.memory_space<vmem>> -> memref<50x128xf32, #tpu.memory_space<vmem>>
        %dma_start3A_122 = arith.constant 0 : i32
        %dma_start3A_123 = tpu.memref_slice %arg9[%add3A_106, %dma_start3A_122] : memref<10000x128xf32, #tpu.memory_space<vmem_shared>> -> memref<50x128xf32, #tpu.memory_space<vmem_shared>>
        tpu.enqueue_dma source(%dma_start3A_123 : memref<50x128xf32, #tpu.memory_space<vmem_shared>>) target(%dma_start3A_121 : memref<50x128xf32, #tpu.memory_space<vmem>>) target_semaphore(%run_scoped3A_111 : memref<!tpu.dma_semaphore, #tpu.memory_space<semaphore_mem>>)
        %dma_wait3A_124 = arith.constant 0 : i32
        %dma_wait3A_125 = arith.constant 0 : i32
        %dma_wait3A_126 = tpu.memref_slice %arg8[%scan3A_85, %scan3A_86, %dma_wait3A_124, %dma_wait3A_125] : memref<2x2x50x128xf32, #tpu.memory_space<vmem>> -> memref<1x1x50x128xf32, #tpu.memory_space<vmem>>
        %dma_wait3A_127 = tpu.memref_squeeze %dma_wait3A_126 : memref<1x1x50x128xf32, #tpu.memory_space<vmem>> -> memref<50x128xf32, #tpu.memory_space<vmem>>
        %dma_wait3A_128 = arith.constant 0 : i32
        %dma_wait3A_129 = tpu.memref_slice %arg9[%add3A_106, %dma_wait3A_128] : memref<10000x128xf32, #tpu.memory_space<vmem_shared>> -> memref<50x128xf32, #tpu.memory_space<vmem_shared>>
        %dma_wait3A_130 = arith.constant 0 : i32
        %dma_wait3A_131 = arith.constant 0 : i32
        %dma_wait3A_132 = tpu.memref_slice %arg8[%scan3A_85, %scan3A_86, %dma_wait3A_130, %dma_wait3A_131] : memref<2x2x50x128xf32, #tpu.memory_space<vmem>> -> memref<1x1x50x128xf32, #tpu.memory_space<vmem>>
        %dma_wait3A_133 = tpu.memref_squeeze %dma_wait3A_132 : memref<1x1x50x128xf32, #tpu.memory_space<vmem>> -> memref<50x128xf32, #tpu.memory_space<vmem>>
        %dma_wait3A_134 = arith.constant 0 : i32
        %dma_wait3A_135 = tpu.memref_slice %arg9[%add3A_106, %dma_wait3A_134] : memref<10000x128xf32, #tpu.memory_space<vmem_shared>> -> memref<50x128xf32, #tpu.memory_space<vmem_shared>>
        tpu.wait_dma2 semaphore(%run_scoped3A_111 : memref<!tpu.dma_semaphore, #tpu.memory_space<semaphore_mem>>) src(%dma_wait3A_135 : memref<50x128xf32, #tpu.memory_space<vmem_shared>>) dst(%dma_wait3A_133 : memref<50x128xf32, #tpu.memory_space<vmem>>)
        tpu.yield
      }) : () -> ()
      %mul3A_107 = arith.constant 50 : i32
      %mul3A_108 = arith.muli %scan3A_102, %mul3A_107 : i32
      %add3A_109 = arith.addi %mul3A_2, %mul3A_108 : i32
      "tpu.region"() ({
        %run_scoped3A_111 = tpu.sem_alloc : memref<!tpu.dma_semaphore, #tpu.memory_space<semaphore_mem>>
        %dma_start3A_112 = arith.constant 0 : i32
        %dma_start3A_113 = arith.constant 0 : i32
        %dma_start3A_114 = tpu.memref_slice %arg8[%scan3A_85, %scan3A_86, %dma_start3A_112, %dma_start3A_113] : memref<2x2x50x128xf32, #tpu.memory_space<vmem>> -> memref<1x1x50x128xf32, #tpu.memory_space<vmem>>
        %dma_start3A_115 = tpu.memref_squeeze %dma_start3A_114 : memref<1x1x50x128xf32, #tpu.memory_space<vmem>> -> memref<50x128xf32, #tpu.memory_space<vmem>>
        %dma_start3A_116 = arith.constant 0 : i32
        %dma_start3A_117 = tpu.memref_slice %arg5[%arg0, %add3A_109, %dma_start3A_116] : memref<2x10000x128xf32, #tpu.memory_space<hbm>> -> memref<1x50x128xf32, #tpu.memory_space<hbm>>
        %dma_start3A_118 = tpu.memref_squeeze %dma_start3A_117 : memref<1x50x128xf32, #tpu.memory_space<hbm>> -> memref<50x128xf32, #tpu.memory_space<hbm>>
        %dma_start3A_119 = arith.constant 0 : i32
        %dma_start3A_120 = tpu.memref_slice %arg5[%arg0, %add3A_109, %dma_start3A_119] : memref<2x10000x128xf32, #tpu.memory_space<hbm>> -> memref<1x50x128xf32, #tpu.memory_space<hbm>>
        %dma_start3A_121 = tpu.memref_squeeze %dma_start3A_120 : memref<1x50x128xf32, #tpu.memory_space<hbm>> -> memref<50x128xf32, #tpu.memory_space<hbm>>
        %dma_start3A_122 = arith.constant 0 : i32
        %dma_start3A_123 = arith.constant 0 : i32
        %dma_start3A_124 = tpu.memref_slice %arg8[%scan3A_85, %scan3A_86, %dma_start3A_122, %dma_start3A_123] : memref<2x2x50x128xf32, #tpu.memory_space<vmem>> -> memref<1x1x50x128xf32, #tpu.memory_space<vmem>>
        %dma_start3A_125 = tpu.memref_squeeze %dma_start3A_124 : memref<1x1x50x128xf32, #tpu.memory_space<vmem>> -> memref<50x128xf32, #tpu.memory_space<vmem>>
        tpu.enqueue_dma source(%dma_start3A_125 : memref<50x128xf32, #tpu.memory_space<vmem>>) target(%dma_start3A_121 : memref<50x128xf32, #tpu.memory_space<hbm>>) target_semaphore(%run_scoped3A_111 : memref<!tpu.dma_semaphore, #tpu.memory_space<semaphore_mem>>)
        %dma_wait3A_126 = arith.constant 0 : i32
        %dma_wait3A_127 = arith.constant 0 : i32
        %dma_wait3A_128 = tpu.memref_slice %arg8[%scan3A_85, %scan3A_86, %dma_wait3A_126, %dma_wait3A_127] : memref<2x2x50x128xf32, #tpu.memory_space<vmem>> -> memref<1x1x50x128xf32, #tpu.memory_space<vmem>>
        %dma_wait3A_129 = tpu.memref_squeeze %dma_wait3A_128 : memref<1x1x50x128xf32, #tpu.memory_space<vmem>> -> memref<50x128xf32, #tpu.memory_space<vmem>>
        %dma_wait3A_130 = arith.constant 0 : i32
        %dma_wait3A_131 = tpu.memref_slice %arg5[%arg0, %add3A_109, %dma_wait3A_130] : memref<2x10000x128xf32, #tpu.memory_space<hbm>> -> memref<1x50x128xf32, #tpu.memory_space<hbm>>
        %dma_wait3A_132 = tpu.memref_squeeze %dma_wait3A_131 : memref<1x50x128xf32, #tpu.memory_space<hbm>> -> memref<50x128xf32, #tpu.memory_space<hbm>>
        %dma_wait3A_133 = arith.constant 0 : i32
        %dma_wait3A_134 = tpu.memref_slice %arg5[%arg0, %add3A_109, %dma_wait3A_133] : memref<2x10000x128xf32, #tpu.memory_space<hbm>> -> memref<1x50x128xf32, #tpu.memory_space<hbm>>
        %dma_wait3A_135 = tpu.memref_squeeze %dma_wait3A_134 : memref<1x50x128xf32, #tpu.memory_space<hbm>> -> memref<50x128xf32, #tpu.memory_space<hbm>>
        %dma_wait3A_136 = arith.constant 0 : i32
        %dma_wait3A_137 = arith.constant 0 : i32
        %dma_wait3A_138 = tpu.memref_slice %arg8[%scan3A_85, %scan3A_86, %dma_wait3A_136, %dma_wait3A_137] : memref<2x2x50x128xf32, #tpu.memory_space<vmem>> -> memref<1x1x50x128xf32, #tpu.memory_space<vmem>>
        %dma_wait3A_139 = tpu.memref_squeeze %dma_wait3A_138 : memref<1x1x50x128xf32, #tpu.memory_space<vmem>> -> memref<50x128xf32, #tpu.memory_space<vmem>>
        tpu.wait_dma2 semaphore(%run_scoped3A_111 : memref<!tpu.dma_semaphore, #tpu.memory_space<semaphore_mem>>) src(%dma_wait3A_139 : memref<50x128xf32, #tpu.memory_space<vmem>>) dst(%dma_wait3A_135 : memref<50x128xf32, #tpu.memory_space<hbm>>)
        tpu.yield
      }) : () -> ()
      %scan3A_110 = arith.constant 0 : i32
      scf.yield %scan3A_110 : i32
    }
    %scan3A_93 = arith.constant 12 : i32
    %add3A_94 = arith.constant 600 : i32
    %add3A_95 = arith.addi %mul3A_2, %add3A_94 : i32
    %run_scoped3A_96 = arith.constant 0 : i32
    %run_scoped3A_97 = arith.constant 0 : i32
    "tpu.region"() ({
      %run_scoped3A_102 = tpu.sem_alloc : memref<!tpu.dma_semaphore, #tpu.memory_space<semaphore_mem>>
      %dma_start3A_103 = arith.constant 0 : i32
      %dma_start3A_104 = arith.constant 0 : i32
      %dma_start3A_105 = tpu.memref_slice %arg8[%run_scoped3A_96, %run_scoped3A_97, %dma_start3A_103, %dma_start3A_104] : memref<2x2x50x128xf32, #tpu.memory_space<vmem>> -> memref<1x1x25x128xf32, #tpu.memory_space<vmem>>
      %dma_start3A_106 = tpu.memref_squeeze %dma_start3A_105 : memref<1x1x25x128xf32, #tpu.memory_space<vmem>> -> memref<25x128xf32, #tpu.memory_space<vmem>>
      %dma_start3A_107 = arith.constant 0 : i32
      %dma_start3A_108 = tpu.memref_slice %arg9[%add3A_95, %dma_start3A_107] : memref<10000x128xf32, #tpu.memory_space<vmem_shared>> -> memref<25x128xf32, #tpu.memory_space<vmem_shared>>
      %dma_start3A_109 = arith.constant 0 : i32
      %dma_start3A_110 = arith.constant 0 : i32
      %dma_start3A_111 = tpu.memref_slice %arg8[%run_scoped3A_96, %run_scoped3A_97, %dma_start3A_109, %dma_start3A_110] : memref<2x2x50x128xf32, #tpu.memory_space<vmem>> -> memref<1x1x25x128xf32, #tpu.memory_space<vmem>>
      %dma_start3A_112 = tpu.memref_squeeze %dma_start3A_111 : memref<1x1x25x128xf32, #tpu.memory_space<vmem>> -> memref<25x128xf32, #tpu.memory_space<vmem>>
      %dma_start3A_113 = arith.constant 0 : i32
      %dma_start3A_114 = tpu.memref_slice %arg9[%add3A_95, %dma_start3A_113] : memref<10000x128xf32, #tpu.memory_space<vmem_shared>> -> memref<25x128xf32, #tpu.memory_space<vmem_shared>>
      tpu.enqueue_dma source(%dma_start3A_114 : memref<25x128xf32, #tpu.memory_space<vmem_shared>>) target(%dma_start3A_112 : memref<25x128xf32, #tpu.memory_space<vmem>>) target_semaphore(%run_scoped3A_102 : memref<!tpu.dma_semaphore, #tpu.memory_space<semaphore_mem>>)
      %dma_wait3A_115 = arith.constant 0 : i32
      %dma_wait3A_116 = arith.constant 0 : i32
      %dma_wait3A_117 = tpu.memref_slice %arg8[%run_scoped3A_96, %run_scoped3A_97, %dma_wait3A_115, %dma_wait3A_116] : memref<2x2x50x128xf32, #tpu.memory_space<vmem>> -> memref<1x1x25x128xf32, #tpu.memory_space<vmem>>
      %dma_wait3A_118 = tpu.memref_squeeze %dma_wait3A_117 : memref<1x1x25x128xf32, #tpu.memory_space<vmem>> -> memref<25x128xf32, #tpu.memory_space<vmem>>
      %dma_wait3A_119 = arith.constant 0 : i32
      %dma_wait3A_120 = tpu.memref_slice %arg9[%add3A_95, %dma_wait3A_119] : memref<10000x128xf32, #tpu.memory_space<vmem_shared>> -> memref<25x128xf32, #tpu.memory_space<vmem_shared>>
      %dma_wait3A_121 = arith.constant 0 : i32
      %dma_wait3A_122 = arith.constant 0 : i32
      %dma_wait3A_123 = tpu.memref_slice %arg8[%run_scoped3A_96, %run_scoped3A_97, %dma_wait3A_121, %dma_wait3A_122] : memref<2x2x50x128xf32, #tpu.memory_space<vmem>> -> memref<1x1x25x128xf32, #tpu.memory_space<vmem>>
      %dma_wait3A_124 = tpu.memref_squeeze %dma_wait3A_123 : memref<1x1x25x128xf32, #tpu.memory_space<vmem>> -> memref<25x128xf32, #tpu.memory_space<vmem>>
      %dma_wait3A_125 = arith.constant 0 : i32
      %dma_wait3A_126 = tpu.memref_slice %arg9[%add3A_95, %dma_wait3A_125] : memref<10000x128xf32, #tpu.memory_space<vmem_shared>> -> memref<25x128xf32, #tpu.memory_space<vmem_shared>>
      tpu.wait_dma2 semaphore(%run_scoped3A_102 : memref<!tpu.dma_semaphore, #tpu.memory_space<semaphore_mem>>) src(%dma_wait3A_126 : memref<25x128xf32, #tpu.memory_space<vmem_shared>>) dst(%dma_wait3A_124 : memref<25x128xf32, #tpu.memory_space<vmem>>)
      tpu.yield
    }) : () -> ()
    %add3A_98 = arith.constant 600 : i32
    %add3A_99 = arith.addi %mul3A_2, %add3A_98 : i32
    %run_scoped3A_100 = arith.constant 0 : i32
    %run_scoped3A_101 = arith.constant 0 : i32
    "tpu.region"() ({
      %run_scoped3A_102 = tpu.sem_alloc : memref<!tpu.dma_semaphore, #tpu.memory_space<semaphore_mem>>
      %dma_start3A_103 = arith.constant 0 : i32
      %dma_start3A_104 = arith.constant 0 : i32
      %dma_start3A_105 = tpu.memref_slice %arg8[%run_scoped3A_100, %run_scoped3A_101, %dma_start3A_103, %dma_start3A_104] : memref<2x2x50x128xf32, #tpu.memory_space<vmem>> -> memref<1x1x25x128xf32, #tpu.memory_space<vmem>>
      %dma_start3A_106 = tpu.memref_squeeze %dma_start3A_105 : memref<1x1x25x128xf32, #tpu.memory_space<vmem>> -> memref<25x128xf32, #tpu.memory_space<vmem>>
      %dma_start3A_107 = arith.constant 0 : i32
      %dma_start3A_108 = tpu.memref_slice %arg5[%arg0, %add3A_99, %dma_start3A_107] : memref<2x10000x128xf32, #tpu.memory_space<hbm>> -> memref<1x25x128xf32, #tpu.memory_space<hbm>>
      %dma_start3A_109 = tpu.memref_squeeze %dma_start3A_108 : memref<1x25x128xf32, #tpu.memory_space<hbm>> -> memref<25x128xf32, #tpu.memory_space<hbm>>
      %dma_start3A_110 = arith.constant 0 : i32
      %dma_start3A_111 = tpu.memref_slice %arg5[%arg0, %add3A_99, %dma_start3A_110] : memref<2x10000x128xf32, #tpu.memory_space<hbm>> -> memref<1x25x128xf32, #tpu.memory_space<hbm>>
      %dma_start3A_112 = tpu.memref_squeeze %dma_start3A_111 : memref<1x25x128xf32, #tpu.memory_space<hbm>> -> memref<25x128xf32, #tpu.memory_space<hbm>>
      %dma_start3A_113 = arith.constant 0 : i32
      %dma_start3A_114 = arith.constant 0 : i32
      %dma_start3A_115 = tpu.memref_slice %arg8[%run_scoped3A_100, %run_scoped3A_101, %dma_start3A_113, %dma_start3A_114] : memref<2x2x50x128xf32, #tpu.memory_space<vmem>> -> memref<1x1x25x128xf32, #tpu.memory_space<vmem>>
      %dma_start3A_116 = tpu.memref_squeeze %dma_start3A_115 : memref<1x1x25x128xf32, #tpu.memory_space<vmem>> -> memref<25x128xf32, #tpu.memory_space<vmem>>
      tpu.enqueue_dma source(%dma_start3A_116 : memref<25x128xf32, #tpu.memory_space<vmem>>) target(%dma_start3A_112 : memref<25x128xf32, #tpu.memory_space<hbm>>) target_semaphore(%run_scoped3A_102 : memref<!tpu.dma_semaphore, #tpu.memory_space<semaphore_mem>>)
      %dma_wait3A_117 = arith.constant 0 : i32
      %dma_wait3A_118 = arith.constant 0 : i32
      %dma_wait3A_119 = tpu.memref_slice %arg8[%run_scoped3A_100, %run_scoped3A_101, %dma_wait3A_117, %dma_wait3A_118] : memref<2x2x50x128xf32, #tpu.memory_space<vmem>> -> memref<1x1x25x128xf32, #tpu.memory_space<vmem>>
      %dma_wait3A_120 = tpu.memref_squeeze %dma_wait3A_119 : memref<1x1x25x128xf32, #tpu.memory_space<vmem>> -> memref<25x128xf32, #tpu.memory_space<vmem>>
      %dma_wait3A_121 = arith.constant 0 : i32
      %dma_wait3A_122 = tpu.memref_slice %arg5[%arg0, %add3A_99, %dma_wait3A_121] : memref<2x10000x128xf32, #tpu.memory_space<hbm>> -> memref<1x25x128xf32, #tpu.memory_space<hbm>>
      %dma_wait3A_123 = tpu.memref_squeeze %dma_wait3A_122 : memref<1x25x128xf32, #tpu.memory_space<hbm>> -> memref<25x128xf32, #tpu.memory_space<hbm>>
      %dma_wait3A_124 = arith.constant 0 : i32
      %dma_wait3A_125 = tpu.memref_slice %arg5[%arg0, %add3A_99, %dma_wait3A_124] : memref<2x10000x128xf32, #tpu.memory_space<hbm>> -> memref<1x25x128xf32, #tpu.memory_space<hbm>>
      %dma_wait3A_126 = tpu.memref_squeeze %dma_wait3A_125 : memref<1x25x128xf32, #tpu.memory_space<hbm>> -> memref<25x128xf32, #tpu.memory_space<hbm>>
      %dma_wait3A_127 = arith.constant 0 : i32
      %dma_wait3A_128 = arith.constant 0 : i32
      %dma_wait3A_129 = tpu.memref_slice %arg8[%run_scoped3A_100, %run_scoped3A_101, %dma_wait3A_127, %dma_wait3A_128] : memref<2x2x50x128xf32, #tpu.memory_space<vmem>> -> memref<1x1x25x128xf32, #tpu.memory_space<vmem>>
      %dma_wait3A_130 = tpu.memref_squeeze %dma_wait3A_129 : memref<1x1x25x128xf32, #tpu.memory_space<vmem>> -> memref<25x128xf32, #tpu.memory_space<vmem>>
      tpu.wait_dma2 semaphore(%run_scoped3A_102 : memref<!tpu.dma_semaphore, #tpu.memory_space<semaphore_mem>>) src(%dma_wait3A_130 : memref<25x128xf32, #tpu.memory_space<vmem>>) dst(%dma_wait3A_126 : memref<25x128xf32, #tpu.memory_space<hbm>>)
      tpu.yield
    }) : () -> ()
    return
  }
}

module attributes {stable_mosaic.version = 14 : i64} {
  func.func @_prep_body(%arg0: i32, %arg1: memref<2x2000x16xf32, #tpu.memory_space<vmem>>, %arg2: memref<2000x128xf32, #tpu.memory_space<vmem>>, %arg3: memref<128x128xf32, #tpu.memory_space<vmem>>, %arg4: memref<2000x128xf32, #tpu.memory_space<vmem>>) attributes {dimension_semantics = [#tpu.dimension_semantics<arbitrary>], iteration_bounds = array<i64: 5>, scalar_prefetch = 0 : i64, scratch_operands = 0 : i64, tpu.core_type = #tpu.core_type<tc>, window_params = [{transform_indices = @transform_0, window_bounds = array<i64: 2, 2000, 16>}, {transform_indices = @transform_1, window_bounds = array<i64: 2000, 128>}, {pipeline_mode = #tpu.pipeline_mode<synchronous>, transform_indices = @transform_2, window_bounds = array<i64: 128, 128>}, {transform_indices = @transform_3, window_bounds = array<i64: 2000, 128>}]} {
    %get3A = arith.constant 0 : index
    %get3A_0 = arith.constant 0 : index
    %get3A_1 = arith.constant 0 : index
    %get3A_2 = vector.load %arg1[%get3A, %get3A_0, %get3A_1] : memref<2x2000x16xf32, #tpu.memory_space<vmem>>, vector<1x2000x16xf32>
    %get3A_3 = vector.shape_cast %get3A_2 : vector<1x2000x16xf32> to vector<2000x16xf32>
    %get3A_4 = arith.constant 1 : index
    %get3A_5 = arith.constant 0 : index
    %get3A_6 = arith.constant 0 : index
    %get3A_7 = vector.load %arg1[%get3A_4, %get3A_5, %get3A_6] : memref<2x2000x16xf32, #tpu.memory_space<vmem>>, vector<1x2000x16xf32>
    %get3A_8 = vector.shape_cast %get3A_7 : vector<1x2000x16xf32> to vector<2000x16xf32>
    %add3A = arith.addf %get3A_3, %get3A_8 : vector<2000x16xf32>
    %add3A_9 = arith.constant 1.000000e+00 : f32
    %add3A_10 = vector.broadcast %add3A_9 : f32 to vector<2000x16xf32>
    %add3A_11 = arith.addf %add3A, %add3A_10 : vector<2000x16xf32>
    %rsqrt3A = math.rsqrt %add3A_11 : vector<2000x16xf32>
    %reduce_min3A = arith.constant dense<0x7F800000> : vector<2000xf32>
    %reduce_min3A_12 = vector.multi_reduction <minimumf>, %rsqrt3A, %reduce_min3A [1] : vector<2000x16xf32> to vector<2000xf32>
    %broadcast_in_dim3A = vector.shape_cast %reduce_min3A_12 : vector<2000xf32> to vector<2000x1xf32>
    %get3A_13 = arith.constant 0 : index
    %get3A_14 = arith.constant 0 : index
    %get3A_15 = vector.load %arg2[%get3A_13, %get3A_14] : memref<2000x128xf32, #tpu.memory_space<vmem>>, vector<2000x128xf32>
    %get3A_16 = arith.constant 0 : index
    %get3A_17 = arith.constant 0 : index
    %get3A_18 = vector.load %arg3[%get3A_16, %get3A_17] : memref<128x128xf32, #tpu.memory_space<vmem>>, vector<128x128xf32>
    %dot_general3A = arith.constant dense<0.000000e+00> : vector<2000x128xf32>
    %dot_general3A_19 = tpu.matmul %get3A_15, %get3A_18, %dot_general3A {dimension_numbers = #tpu.dot_dimension_numbers<[1], [0], [0], [1], [0, 0, 1, 1], [], []>, transpose_lhs_hint = false} : vector<2000x128xf32>, vector<128x128xf32>, vector<2000x128xf32> -> vector<2000x128xf32>
    %mul3A = vector.broadcast %broadcast_in_dim3A : vector<2000x1xf32> to vector<2000x128xf32>
    %mul3A_20 = arith.mulf %mul3A, %dot_general3A_19 : vector<2000x128xf32>
    %swap3A = arith.constant 0 : index
    %swap3A_21 = arith.constant 0 : index
    %swap3A_22 = vector.load %arg4[%swap3A, %swap3A_21] : memref<2000x128xf32, #tpu.memory_space<vmem>>, vector<2000x128xf32>
    tpu.vector_store %arg4[%swap3A, %swap3A_21], %mul3A_20 {strides = array<i32>} : memref<2000x128xf32, #tpu.memory_space<vmem>>, vector<2000x128xf32>,
    return
  }
  func.func @transform_0(%arg0: i32) -> (i32, i32, i32) {
    %c0_i32 = arith.constant 0 : i32
    %c0_i32_0 = arith.constant 0 : i32
    %c0_i32_1 = arith.constant 0 : i32
    return %c0_i32, %arg0, %c0_i32_0 : i32, i32, i32
  }
  func.func @transform_1(%arg0: i32) -> (i32, i32) {
    %c0_i32 = arith.constant 0 : i32
    %c0_i32_0 = arith.constant 0 : i32
    return %arg0, %c0_i32 : i32, i32
  }
  func.func @transform_2(%arg0: i32) -> (i32, i32) {
    %c0_i32 = arith.constant 0 : i32
    %c0_i32_0 = arith.constant 0 : i32
    %c0_i32_1 = arith.constant 0 : i32
    return %c0_i32, %c0_i32_0 : i32, i32
  }
  func.func @transform_3(%arg0: i32) -> (i32, i32) {
    %c0_i32 = arith.constant 0 : i32
    %c0_i32_0 = arith.constant 0 : i32
    return %arg0, %c0_i32 : i32, i32
  }
}

module attributes {stable_mosaic.version = 14 : i64} {
  func.func @_mid_body(%arg0: i32, %arg1: memref<2x2000x16xf32, #tpu.memory_space<vmem>>, %arg2: memref<2x2000x128xf32, #tpu.memory_space<vmem>>, %arg3: memref<2000x128xf32, #tpu.memory_space<vmem>>, %arg4: memref<128xf32, #tpu.memory_space<vmem>>, %arg5: memref<128x128xf32, #tpu.memory_space<vmem>>, %arg6: memref<2000x128xf32, #tpu.memory_space<vmem>>) attributes {dimension_semantics = [#tpu.dimension_semantics<arbitrary>], iteration_bounds = array<i64: 5>, scalar_prefetch = 0 : i64, scratch_operands = 0 : i64, tpu.core_type = #tpu.core_type<tc>, window_params = [{transform_indices = @transform_0, window_bounds = array<i64: 2, 2000, 16>}, {transform_indices = @transform_1, window_bounds = array<i64: 2, 2000, 128>}, {transform_indices = @transform_2, window_bounds = array<i64: 2000, 128>}, {pipeline_mode = #tpu.pipeline_mode<synchronous>, transform_indices = @transform_3, window_bounds = array<i64: 128>}, {pipeline_mode = #tpu.pipeline_mode<synchronous>, transform_indices = @transform_4, window_bounds = array<i64: 128, 128>}, {transform_indices = @transform_5, window_bounds = array<i64: 2000, 128>}]} {
    %get3A = arith.constant 0 : index
    %get3A_0 = arith.constant 0 : index
    %get3A_1 = arith.constant 0 : index
    %get3A_2 = vector.load %arg1[%get3A, %get3A_0, %get3A_1] : memref<2x2000x16xf32, #tpu.memory_space<vmem>>, vector<1x2000x16xf32>
    %get3A_3 = vector.shape_cast %get3A_2 : vector<1x2000x16xf32> to vector<2000x16xf32>
    %get3A_4 = arith.constant 1 : index
    %get3A_5 = arith.constant 0 : index
    %get3A_6 = arith.constant 0 : index
    %get3A_7 = vector.load %arg1[%get3A_4, %get3A_5, %get3A_6] : memref<2x2000x16xf32, #tpu.memory_space<vmem>>, vector<1x2000x16xf32>
    %get3A_8 = vector.shape_cast %get3A_7 : vector<1x2000x16xf32> to vector<2000x16xf32>
    %add3A = arith.addf %get3A_3, %get3A_8 : vector<2000x16xf32>
    %add3A_9 = arith.constant 1.000000e+00 : f32
    %add3A_10 = vector.broadcast %add3A_9 : f32 to vector<2000x16xf32>
    %add3A_11 = arith.addf %add3A, %add3A_10 : vector<2000x16xf32>
    %rsqrt3A = math.rsqrt %add3A_11 : vector<2000x16xf32>
    %reduce_min3A = arith.constant dense<0x7F800000> : vector<2000xf32>
    %reduce_min3A_12 = vector.multi_reduction <minimumf>, %rsqrt3A, %reduce_min3A [1] : vector<2000x16xf32> to vector<2000xf32>
    %broadcast_in_dim3A = vector.shape_cast %reduce_min3A_12 : vector<2000xf32> to vector<2000x1xf32>
    %get3A_13 = arith.constant 0 : index
    %get3A_14 = arith.constant 0 : index
    %get3A_15 = arith.constant 0 : index
    %get3A_16 = vector.load %arg2[%get3A_13, %get3A_14, %get3A_15] : memref<2x2000x128xf32, #tpu.memory_space<vmem>>, vector<1x2000x128xf32>
    %get3A_17 = vector.shape_cast %get3A_16 : vector<1x2000x128xf32> to vector<2000x128xf32>
    %get3A_18 = arith.constant 1 : index
    %get3A_19 = arith.constant 0 : index
    %get3A_20 = arith.constant 0 : index
    %get3A_21 = vector.load %arg2[%get3A_18, %get3A_19, %get3A_20] : memref<2x2000x128xf32, #tpu.memory_space<vmem>>, vector<1x2000x128xf32>
    %get3A_22 = vector.shape_cast %get3A_21 : vector<1x2000x128xf32> to vector<2000x128xf32>
    %add3A_23 = arith.addf %get3A_17, %get3A_22 : vector<2000x128xf32>
    %get3A_24 = arith.constant 0 : index
    %get3A_25 = arith.constant 0 : index
    %get3A_26 = vector.load %arg3[%get3A_24, %get3A_25] : memref<2000x128xf32, #tpu.memory_space<vmem>>, vector<2000x128xf32>
    %add3A_27 = arith.addf %add3A_23, %get3A_26 : vector<2000x128xf32>
    %mul3A = vector.broadcast %broadcast_in_dim3A : vector<2000x1xf32> to vector<2000x128xf32>
    %mul3A_28 = arith.mulf %mul3A, %add3A_27 : vector<2000x128xf32>
    %get3A_29 = arith.constant 0 : index
    %get3A_30 = vector.load %arg4[%get3A_29] : memref<128xf32, #tpu.memory_space<vmem>>, vector<128xf32>
    %broadcast_in_dim3A_31 = vector.shape_cast %get3A_30 : vector<128xf32> to vector<1x128xf32>
    %add3A_32 = vector.broadcast %broadcast_in_dim3A_31 : vector<1x128xf32> to vector<2000x128xf32>
    %add3A_33 = arith.addf %mul3A_28, %add3A_32 : vector<2000x128xf32>
    %max3A = arith.constant 0.000000e+00 : f32
    %max3A_34 = vector.broadcast %max3A : f32 to vector<2000x128xf32>
    %max3A_35 = arith.maximumf %add3A_33, %max3A_34 : vector<2000x128xf32>
    %get3A_36 = arith.constant 0 : index
    %get3A_37 = arith.constant 0 : index
    %get3A_38 = vector.load %arg5[%get3A_36, %get3A_37] : memref<128x128xf32, #tpu.memory_space<vmem>>, vector<128x128xf32>
    %dot_general3A = arith.constant dense<0.000000e+00> : vector<2000x128xf32>
    %dot_general3A_39 = tpu.matmul %max3A_35, %get3A_38, %dot_general3A {dimension_numbers = #tpu.dot_dimension_numbers<[1], [0], [0], [1], [0, 0, 1, 1], [], []>, transpose_lhs_hint = false} : vector<2000x128xf32>, vector<128x128xf32>, vector<2000x128xf32> -> vector<2000x128xf32>
    %mul3A_40 = vector.broadcast %broadcast_in_dim3A : vector<2000x1xf32> to vector<2000x128xf32>
    %mul3A_41 = arith.mulf %mul3A_40, %dot_general3A_39 : vector<2000x128xf32>
    %swap3A = arith.constant 0 : index
    %swap3A_42 = arith.constant 0 : index
    %swap3A_43 = vector.load %arg6[%swap3A, %swap3A_42] : memref<2000x128xf32, #tpu.memory_space<vmem>>, vector<2000x128xf32>
    tpu.vector_store %arg6[%swap3A, %swap3A_42], %mul3A_41 {strides = array<i32>} : memref<2000x128xf32, #tpu.memory_space<vmem>>, vector<2000x128xf32>,
    return
  }
  func.func @transform_0(%arg0: i32) -> (i32, i32, i32) {
    %c0_i32 = arith.constant 0 : i32
    %c0_i32_0 = arith.constant 0 : i32
    %c0_i32_1 = arith.constant 0 : i32
    return %c0_i32, %arg0, %c0_i32_0 : i32, i32, i32
  }
  func.func @transform_1(%arg0: i32) -> (i32, i32, i32) {
    %c0_i32 = arith.constant 0 : i32
    %c0_i32_0 = arith.constant 0 : i32
    %c0_i32_1 = arith.constant 0 : i32
    return %c0_i32, %arg0, %c0_i32_0 : i32, i32, i32
  }
  func.func @transform_2(%arg0: i32) -> (i32, i32) {
    %c0_i32 = arith.constant 0 : i32
    %c0_i32_0 = arith.constant 0 : i32
    return %arg0, %c0_i32 : i32, i32
  }
  func.func @transform_3(%arg0: i32) -> i32 {
    %c0_i32 = arith.constant 0 : i32
    %c0_i32_0 = arith.constant 0 : i32
    return %c0_i32 : i32
  }
  func.func @transform_4(%arg0: i32) -> (i32, i32) {
    %c0_i32 = arith.constant 0 : i32
    %c0_i32_0 = arith.constant 0 : i32
    %c0_i32_1 = arith.constant 0 : i32
    return %c0_i32, %c0_i32_0 : i32, i32
  }
  func.func @transform_5(%arg0: i32) -> (i32, i32) {
    %c0_i32 = arith.constant 0 : i32
    %c0_i32_0 = arith.constant 0 : i32
    return %arg0, %c0_i32 : i32, i32
  }
}

module attributes {stable_mosaic.version = 14 : i64} {
  func.func @_mid_body(%arg0: i32, %arg1: memref<2x2000x16xf32, #tpu.memory_space<vmem>>, %arg2: memref<2x2000x128xf32, #tpu.memory_space<vmem>>, %arg3: memref<2000x128xf32, #tpu.memory_space<vmem>>, %arg4: memref<128xf32, #tpu.memory_space<vmem>>, %arg5: memref<128x64xf32, #tpu.memory_space<vmem>>, %arg6: memref<2000x64xf32, #tpu.memory_space<vmem>>) attributes {dimension_semantics = [#tpu.dimension_semantics<arbitrary>], iteration_bounds = array<i64: 5>, scalar_prefetch = 0 : i64, scratch_operands = 0 : i64, tpu.core_type = #tpu.core_type<tc>, window_params = [{transform_indices = @transform_0, window_bounds = array<i64: 2, 2000, 16>}, {transform_indices = @transform_1, window_bounds = array<i64: 2, 2000, 128>}, {transform_indices = @transform_2, window_bounds = array<i64: 2000, 128>}, {pipeline_mode = #tpu.pipeline_mode<synchronous>, transform_indices = @transform_3, window_bounds = array<i64: 128>}, {pipeline_mode = #tpu.pipeline_mode<synchronous>, transform_indices = @transform_4, window_bounds = array<i64: 128, 64>}, {transform_indices = @transform_5, window_bounds = array<i64: 2000, 64>}]} {
    %get3A = arith.constant 0 : index
    %get3A_0 = arith.constant 0 : index
    %get3A_1 = arith.constant 0 : index
    %get3A_2 = vector.load %arg1[%get3A, %get3A_0, %get3A_1] : memref<2x2000x16xf32, #tpu.memory_space<vmem>>, vector<1x2000x16xf32>
    %get3A_3 = vector.shape_cast %get3A_2 : vector<1x2000x16xf32> to vector<2000x16xf32>
    %get3A_4 = arith.constant 1 : index
    %get3A_5 = arith.constant 0 : index
    %get3A_6 = arith.constant 0 : index
    %get3A_7 = vector.load %arg1[%get3A_4, %get3A_5, %get3A_6] : memref<2x2000x16xf32, #tpu.memory_space<vmem>>, vector<1x2000x16xf32>
    %get3A_8 = vector.shape_cast %get3A_7 : vector<1x2000x16xf32> to vector<2000x16xf32>
    %add3A = arith.addf %get3A_3, %get3A_8 : vector<2000x16xf32>
    %add3A_9 = arith.constant 1.000000e+00 : f32
    %add3A_10 = vector.broadcast %add3A_9 : f32 to vector<2000x16xf32>
    %add3A_11 = arith.addf %add3A, %add3A_10 : vector<2000x16xf32>
    %rsqrt3A = math.rsqrt %add3A_11 : vector<2000x16xf32>
    %reduce_min3A = arith.constant dense<0x7F800000> : vector<2000xf32>
    %reduce_min3A_12 = vector.multi_reduction <minimumf>, %rsqrt3A, %reduce_min3A [1] : vector<2000x16xf32> to vector<2000xf32>
    %broadcast_in_dim3A = vector.shape_cast %reduce_min3A_12 : vector<2000xf32> to vector<2000x1xf32>
    %get3A_13 = arith.constant 0 : index
    %get3A_14 = arith.constant 0 : index
    %get3A_15 = arith.constant 0 : index
    %get3A_16 = vector.load %arg2[%get3A_13, %get3A_14, %get3A_15] : memref<2x2000x128xf32, #tpu.memory_space<vmem>>, vector<1x2000x128xf32>
    %get3A_17 = vector.shape_cast %get3A_16 : vector<1x2000x128xf32> to vector<2000x128xf32>
    %get3A_18 = arith.constant 1 : index
    %get3A_19 = arith.constant 0 : index
    %get3A_20 = arith.constant 0 : index
    %get3A_21 = vector.load %arg2[%get3A_18, %get3A_19, %get3A_20] : memref<2x2000x128xf32, #tpu.memory_space<vmem>>, vector<1x2000x128xf32>
    %get3A_22 = vector.shape_cast %get3A_21 : vector<1x2000x128xf32> to vector<2000x128xf32>
    %add3A_23 = arith.addf %get3A_17, %get3A_22 : vector<2000x128xf32>
    %get3A_24 = arith.constant 0 : index
    %get3A_25 = arith.constant 0 : index
    %get3A_26 = vector.load %arg3[%get3A_24, %get3A_25] : memref<2000x128xf32, #tpu.memory_space<vmem>>, vector<2000x128xf32>
    %add3A_27 = arith.addf %add3A_23, %get3A_26 : vector<2000x128xf32>
    %mul3A = vector.broadcast %broadcast_in_dim3A : vector<2000x1xf32> to vector<2000x128xf32>
    %mul3A_28 = arith.mulf %mul3A, %add3A_27 : vector<2000x128xf32>
    %get3A_29 = arith.constant 0 : index
    %get3A_30 = vector.load %arg4[%get3A_29] : memref<128xf32, #tpu.memory_space<vmem>>, vector<128xf32>
    %broadcast_in_dim3A_31 = vector.shape_cast %get3A_30 : vector<128xf32> to vector<1x128xf32>
    %add3A_32 = vector.broadcast %broadcast_in_dim3A_31 : vector<1x128xf32> to vector<2000x128xf32>
    %add3A_33 = arith.addf %mul3A_28, %add3A_32 : vector<2000x128xf32>
    %max3A = arith.constant 0.000000e+00 : f32
    %max3A_34 = vector.broadcast %max3A : f32 to vector<2000x128xf32>
    %max3A_35 = arith.maximumf %add3A_33, %max3A_34 : vector<2000x128xf32>
    %get3A_36 = arith.constant 0 : index
    %get3A_37 = arith.constant 0 : index
    %get3A_38 = vector.load %arg5[%get3A_36, %get3A_37] : memref<128x64xf32, #tpu.memory_space<vmem>>, vector<128x64xf32>
    %dot_general3A = arith.constant dense<0.000000e+00> : vector<2000x64xf32>
    %dot_general3A_39 = tpu.matmul %max3A_35, %get3A_38, %dot_general3A {dimension_numbers = #tpu.dot_dimension_numbers<[1], [0], [0], [1], [0, 0, 1, 1], [], []>, transpose_lhs_hint = false} : vector<2000x128xf32>, vector<128x64xf32>, vector<2000x64xf32> -> vector<2000x64xf32>
    %mul3A_40 = vector.broadcast %broadcast_in_dim3A : vector<2000x1xf32> to vector<2000x64xf32>
    %mul3A_41 = arith.mulf %mul3A_40, %dot_general3A_39 : vector<2000x64xf32>
    %swap3A = arith.constant 0 : index
    %swap3A_42 = arith.constant 0 : index
    %swap3A_43 = vector.load %arg6[%swap3A, %swap3A_42] : memref<2000x64xf32, #tpu.memory_space<vmem>>, vector<2000x64xf32>
    tpu.vector_store %arg6[%swap3A, %swap3A_42], %mul3A_41 {strides = array<i32>} : memref<2000x64xf32, #tpu.memory_space<vmem>>, vector<2000x64xf32>,
    return
  }
  func.func @transform_0(%arg0: i32) -> (i32, i32, i32) {
    %c0_i32 = arith.constant 0 : i32
    %c0_i32_0 = arith.constant 0 : i32
    %c0_i32_1 = arith.constant 0 : i32
    return %c0_i32, %arg0, %c0_i32_0 : i32, i32, i32
  }
  func.func @transform_1(%arg0: i32) -> (i32, i32, i32) {
    %c0_i32 = arith.constant 0 : i32
    %c0_i32_0 = arith.constant 0 : i32
    %c0_i32_1 = arith.constant 0 : i32
    return %c0_i32, %arg0, %c0_i32_0 : i32, i32, i32
  }
  func.func @transform_2(%arg0: i32) -> (i32, i32) {
    %c0_i32 = arith.constant 0 : i32
    %c0_i32_0 = arith.constant 0 : i32
    return %arg0, %c0_i32 : i32, i32
  }
  func.func @transform_3(%arg0: i32) -> i32 {
    %c0_i32 = arith.constant 0 : i32
    %c0_i32_0 = arith.constant 0 : i32
    return %c0_i32 : i32
  }
  func.func @transform_4(%arg0: i32) -> (i32, i32) {
    %c0_i32 = arith.constant 0 : i32
    %c0_i32_0 = arith.constant 0 : i32
    %c0_i32_1 = arith.constant 0 : i32
    return %c0_i32, %c0_i32_0 : i32, i32
  }
  func.func @transform_5(%arg0: i32) -> (i32, i32) {
    %c0_i32 = arith.constant 0 : i32
    %c0_i32_0 = arith.constant 0 : i32
    return %arg0, %c0_i32 : i32, i32
  }
}

module attributes {stable_mosaic.version = 14 : i64} {
  func.func @_final_body(%arg0: i32, %arg1: memref<2x2000x16xf32, #tpu.memory_space<vmem>>, %arg2: memref<2x2000x64xf32, #tpu.memory_space<vmem>>, %arg3: memref<2000x64xf32, #tpu.memory_space<vmem>>, %arg4: memref<64xf32, #tpu.memory_space<vmem>>, %arg5: memref<2000x64xf32, #tpu.memory_space<vmem>>) attributes {dimension_semantics = [#tpu.dimension_semantics<arbitrary>], iteration_bounds = array<i64: 5>, scalar_prefetch = 0 : i64, scratch_operands = 0 : i64, tpu.core_type = #tpu.core_type<tc>, window_params = [{transform_indices = @transform_0, window_bounds = array<i64: 2, 2000, 16>}, {transform_indices = @transform_1, window_bounds = array<i64: 2, 2000, 64>}, {transform_indices = @transform_2, window_bounds = array<i64: 2000, 64>}, {pipeline_mode = #tpu.pipeline_mode<synchronous>, transform_indices = @transform_3, window_bounds = array<i64: 64>}, {transform_indices = @transform_4, window_bounds = array<i64: 2000, 64>}]} {
    %get3A = arith.constant 0 : index
    %get3A_0 = arith.constant 0 : index
    %get3A_1 = arith.constant 0 : index
    %get3A_2 = vector.load %arg1[%get3A, %get3A_0, %get3A_1] : memref<2x2000x16xf32, #tpu.memory_space<vmem>>, vector<1x2000x16xf32>
    %get3A_3 = vector.shape_cast %get3A_2 : vector<1x2000x16xf32> to vector<2000x16xf32>
    %get3A_4 = arith.constant 1 : index
    %get3A_5 = arith.constant 0 : index
    %get3A_6 = arith.constant 0 : index
    %get3A_7 = vector.load %arg1[%get3A_4, %get3A_5, %get3A_6] : memref<2x2000x16xf32, #tpu.memory_space<vmem>>, vector<1x2000x16xf32>
    %get3A_8 = vector.shape_cast %get3A_7 : vector<1x2000x16xf32> to vector<2000x16xf32>
    %add3A = arith.addf %get3A_3, %get3A_8 : vector<2000x16xf32>
    %add3A_9 = arith.constant 1.000000e+00 : f32
    %add3A_10 = vector.broadcast %add3A_9 : f32 to vector<2000x16xf32>
    %add3A_11 = arith.addf %add3A, %add3A_10 : vector<2000x16xf32>
    %rsqrt3A = math.rsqrt %add3A_11 : vector<2000x16xf32>
    %reduce_min3A = arith.constant dense<0x7F800000> : vector<2000xf32>
    %reduce_min3A_12 = vector.multi_reduction <minimumf>, %rsqrt3A, %reduce_min3A [1] : vector<2000x16xf32> to vector<2000xf32>
    %broadcast_in_dim3A = vector.shape_cast %reduce_min3A_12 : vector<2000xf32> to vector<2000x1xf32>
    %get3A_13 = arith.constant 0 : index
    %get3A_14 = arith.constant 0 : index
    %get3A_15 = arith.constant 0 : index
    %get3A_16 = vector.load %arg2[%get3A_13, %get3A_14, %get3A_15] : memref<2x2000x64xf32, #tpu.memory_space<vmem>>, vector<1x2000x64xf32>
    %get3A_17 = vector.shape_cast %get3A_16 : vector<1x2000x64xf32> to vector<2000x64xf32>
    %get3A_18 = arith.constant 1 : index
    %get3A_19 = arith.constant 0 : index
    %get3A_20 = arith.constant 0 : index
    %get3A_21 = vector.load %arg2[%get3A_18, %get3A_19, %get3A_20] : memref<2x2000x64xf32, #tpu.memory_space<vmem>>, vector<1x2000x64xf32>
    %get3A_22 = vector.shape_cast %get3A_21 : vector<1x2000x64xf32> to vector<2000x64xf32>
    %add3A_23 = arith.addf %get3A_17, %get3A_22 : vector<2000x64xf32>
    %get3A_24 = arith.constant 0 : index
    %get3A_25 = arith.constant 0 : index
    %get3A_26 = vector.load %arg3[%get3A_24, %get3A_25] : memref<2000x64xf32, #tpu.memory_space<vmem>>, vector<2000x64xf32>
    %add3A_27 = arith.addf %add3A_23, %get3A_26 : vector<2000x64xf32>
    %mul3A = vector.broadcast %broadcast_in_dim3A : vector<2000x1xf32> to vector<2000x64xf32>
    %mul3A_28 = arith.mulf %mul3A, %add3A_27 : vector<2000x64xf32>
    %get3A_29 = arith.constant 0 : index
    %get3A_30 = vector.load %arg4[%get3A_29] : memref<64xf32, #tpu.memory_space<vmem>>, vector<64xf32>
    %broadcast_in_dim3A_31 = vector.shape_cast %get3A_30 : vector<64xf32> to vector<1x64xf32>
    %add3A_32 = vector.broadcast %broadcast_in_dim3A_31 : vector<1x64xf32> to vector<2000x64xf32>
    %add3A_33 = arith.addf %mul3A_28, %add3A_32 : vector<2000x64xf32>
    %reduce_max3A = arith.constant dense<0xFF800000> : vector<2000xf32>
    %reduce_max3A_34 = vector.multi_reduction <maximumf>, %add3A_33, %reduce_max3A [1] : vector<2000x64xf32> to vector<2000xf32>
    %broadcast_in_dim3A_35 = vector.shape_cast %reduce_max3A_34 : vector<2000xf32> to vector<2000x1xf32>
    %sub3A = vector.broadcast %broadcast_in_dim3A_35 : vector<2000x1xf32> to vector<2000x64xf32>
    %sub3A_36 = arith.subf %add3A_33, %sub3A : vector<2000x64xf32>
    %exp3A = math.exp %sub3A_36 : vector<2000x64xf32>
    %reduce_sum3A = arith.constant dense<0.000000e+00> : vector<2000xf32>
    %reduce_sum3A_37 = vector.multi_reduction <add>, %exp3A, %reduce_sum3A [1] : vector<2000x64xf32> to vector<2000xf32>
    %broadcast_in_dim3A_38 = vector.shape_cast %reduce_sum3A_37 : vector<2000xf32> to vector<2000x1xf32>
    %log3A = math.log %broadcast_in_dim3A_38 : vector<2000x1xf32>
    %sub3A_39 = vector.broadcast %broadcast_in_dim3A_35 : vector<2000x1xf32> to vector<2000x64xf32>
    %sub3A_40 = arith.subf %add3A_33, %sub3A_39 : vector<2000x64xf32>
    %sub3A_41 = vector.broadcast %log3A : vector<2000x1xf32> to vector<2000x64xf32>
    %sub3A_42 = arith.subf %sub3A_40, %sub3A_41 : vector<2000x64xf32>
    %swap3A = arith.constant 0 : index
    %swap3A_43 = arith.constant 0 : index
    %swap3A_44 = vector.load %arg5[%swap3A, %swap3A_43] : memref<2000x64xf32, #tpu.memory_space<vmem>>, vector<2000x64xf32>
    tpu.vector_store %arg5[%swap3A, %swap3A_43], %sub3A_42 {strides = array<i32>} : memref<2000x64xf32, #tpu.memory_space<vmem>>, vector<2000x64xf32>,
    return
  }
  func.func @transform_0(%arg0: i32) -> (i32, i32, i32) {
    %c0_i32 = arith.constant 0 : i32
    %c0_i32_0 = arith.constant 0 : i32
    %c0_i32_1 = arith.constant 0 : i32
    return %c0_i32, %arg0, %c0_i32_0 : i32, i32, i32
  }
  func.func @transform_1(%arg0: i32) -> (i32, i32, i32) {
    %c0_i32 = arith.constant 0 : i32
    %c0_i32_0 = arith.constant 0 : i32
    %c0_i32_1 = arith.constant 0 : i32
    return %c0_i32, %arg0, %c0_i32_0 : i32, i32, i32
  }
  func.func @transform_2(%arg0: i32) -> (i32, i32) {
    %c0_i32 = arith.constant 0 : i32
    %c0_i32_0 = arith.constant 0 : i32
    return %arg0, %c0_i32 : i32, i32
  }
  func.func @transform_3(%arg0: i32) -> i32 {
    %c0_i32 = arith.constant 0 : i32
    %c0_i32_0 = arith.constant 0 : i32
    return %c0_i32 : i32
  }
  func.func @transform_4(%arg0: i32) -> (i32, i32) {
    %c0_i32 = arith.constant 0 : i32
    %c0_i32_0 = arith.constant 0 : i32
    return %arg0, %c0_i32 : i32, i32
  }
}

</mosaic_0001>

<sc_bundles>
// kernel: kernel.10.cloned.1.call-start
scs
__scs_entry_jumppad:
0x0: {  	(pc) =	sbr.rel $0x88, $3  }
0x1: {  	(tag) =	ssettag $0x0;
	lr =	simm.s32 $0x1  }
0x2: {  	[smem:$0x3F99] =	sst lr;
	_ =	strace $0xD0000000  }
0x3: {  	_ = 	snop  }
0x4: {  	_ = 	snop  }
0x5: {  	_ = 	snop  }
0x6: {  	_ = 	snop  }
0x7: {  	_ = 	snop  }
__scs_overlays_trampoline_lowered:
0x8: {  	[smem:$0x3FA8] =	sst s0  }
0x9: {  	[smem:$0x3FA9] =	sst s1  }
0xa: {  	[smem:$0x3FAA] =	sst s2  }
0xb: {  	[smem:$0x3FAB] =	sst s3  }
0xc: {  	[smem:$0x3FAC] =	sst s4  }
0xd: {  	[smem:$0x3FAD] =	sst s5  }
0xe: {  	[smem:$0x3FAE] =	sst s6  }
0xf: {  	[smem:$0x3FAF] =	sst s7  }
0x10: {  	[smem:$0x3FB0] =	sst s8  }
0x11: {  	[smem:$0x3FB1] =	sst s9;
	s0 =	simm.s32 @!p0 $0x0  }
0x12: {  	s1 =	sld [smem:$0x3F97];
	s0 =	simm.s32 @p0 $0x1  }
0x13: {  	[smem:$0x3FB2] =	sst s0;
	s0 =	simm.s32 @!p1 $0x0  }
0x14: {  	s2 =	sld [smem:$0x3F96];
	s0 =	simm.s32 @p1 $0x1  }
0x15: {  	[smem:$0x3FB3] =	sst s0;
	s0 =	simm.s32 @!p2 $0x0  }
0x16: {  	s3 =	sld [smem:$0x3FDB];
	s0 =	simm.s32 @p2 $0x1  }
0x17: {  	s4 =	simm.s32 $0x1BF5;
	[smem:$0x3FB5] =	sst s0  }
0x18: {  	s0 =	sld [smem:$0x3F98];
	_ =	swait.ge [sflag:s4], $0x0  }
0x19: {  	s7 =	sld [smem:$0x3F99]  }
0x1a: {  	s8 =	sadd.s32 $0xFFFFE003, lr  }
0x1b: {  	s9 =	sadd.s32 $0xFFFFFEF7, lr;
	s5 =	simm.s32 $0xFFFFFFFF;
	p2 =	slt.u32 s8, $0xFFFFF086  }
0x1c: {  	p1 =	slt.u32 s9, $0xF7A;
	s5 =	simm.s32 @!p2 $0x0  }
0x1d: {  	s5 =	simm.s32 @p1 $0x1;
	p0 =	seq.s32 s7, s2  }
0x1e: {  	s7 =	smul.u32 @!p0 $0xF7A, s2;
	p2 =	seq.s32 @!p0 s5, $0x0  }
0x1f: {  	s9 =	smul.u32 $0xF7A, s1;
	s8 =	simm.s32 @!p0 $0x1BF5;
	p2 =	por !p2, p0  }
0x20: {  	[sflag:s8] =	ssyncset.s32 @!p0 $0xFFFFF086;
	s6 =	sadd.s32 @!p0 s3, s7;
	s7 =	simm.s32 @!p0 $0x108  }
0x21: {  	s3 =	sadd.s32 s3, s9;
	s6 =	sadd.s32 @!p0 $0x88, s6;
	s7 =	simm.s32 @p2 $0x1082  }
0x22: {  	[simem:s7], [sflag:s8] =	dma.local @!p0 [hbm:s6], $0xF7A  }
0x23: {  	s9 =	sor.u32 $0xD0000000, s2;
	s6 =	simm.s32 $0x108;
	_ =	swait.ge @!p0 [sflag:s8], $0x0  }
0x24: {  	s3 =	sadd.s32 $0x88, s3;
	s6 =	simm.s32 @!p1 $0x1082;
	[sflag:s4] =	ssyncset.s32 $0xFFFFF086  }
0x25: {  	[simem:s6], [sflag:s4] =	dma.local [hbm:s3], $0xF7A  }
0x26: {  	[smem:$0x3F99] =	sst s1;
	(tag) =	ssettag s2;
	_ =	strace s9  }
0x27: {  	s1 =	sld [smem:$0x3FA9]  }
0x28: {  	s2 =	sld [smem:$0x3FAA]  }
0x29: {  	s4 =	sld [smem:$0x3FAC]  }
0x2a: {  	p0 =	seq.s32 s5, $0x0;
	s5 =	sld [smem:$0x3FAD]  }
0x2b: {  	s6 =	sld [smem:$0x3FAE]  }
0x2c: {  	s7 =	sld [smem:$0x3FAF]  }
0x2d: {  	s3 =	simm.s32 $0x108;
	s8 =	sld [smem:$0x3FB0]  }
0x2e: {  	s3 =	simm.s32 @!p0 $0x1082;
	s9 =	sld [smem:$0x3FB1]  }
0x2f: {  	lr =	sadd.s32 s0, s3;
	s0 =	sld [smem:$0x3FA8]  }
0x30: {  	s3 =	sld [smem:$0x3FAB]  }
0x31: {  	[smem:$0x3FB4] =	sst s10  }
0x32: {  	s10 =	sld [smem:$0x3FB2];
	_ =	sdelay $0x3  }
0x33: {  	p0 =	seq.s32 s10, $0x1;
	s10 =	sld [smem:$0x3FB4];
	_ =	sdelay $0x3  }
0x34: {  	[smem:$0x3FB4] =	sst s10  }
0x35: {  	s10 =	sld [smem:$0x3FB3];
	_ =	sdelay $0x3  }
0x36: {  	p1 =	seq.s32 s10, $0x1;
	s10 =	sld [smem:$0x3FB4];
	_ =	sdelay $0x3  }
0x37: {  	[smem:$0x3FB4] =	sst s10  }
0x38: {  	s10 =	sld [smem:$0x3FB5]  }
0x39: {  	_ = 	snop;
	(pc) =	sbr.ind lr, $3  }
0x3a: {  	_ = 	snop  }
0x3b: {  	_ = 	snop  }
0x3c: {  	p2 =	seq.s32 s10, $0x1;
	s10 =	sld [smem:$0x3FB4]  }
0x3d: {  	_ =	shalt  }
0x3e: {  	_ =	shalt  }
0x3f: {  	_ =	shalt  }
0x40: {  	_ =	shalt  }
0x41: {  	_ =	shalt  }
0x42: {  	_ =	shalt  }
0x43: {  	_ =	shalt  }
0x44: {  	_ =	shalt  }
0x45: {  	_ =	shalt  }
0x46: {  	_ =	shalt  }
0x47: {  	_ =	shalt  }
0x48: {  	_ =	shalt  }
0x49: {  	_ =	shalt  }
0x4a: {  	_ =	shalt  }
0x4b: {  	_ =	shalt  }
0x4c: {  	_ =	shalt  }
0x4d: {  	_ =	shalt  }
0x4e: {  	_ =	shalt  }
0x4f: {  	_ =	shalt  }
0x50: {  	_ =	shalt  }
0x51: {  	_ =	shalt  }
0x52: {  	_ =	shalt  }
0x53: {  	_ =	shalt  }
0x54: {  	_ =	shalt  }
0x55: {  	_ =	shalt  }
0x56: {  	_ =	shalt  }
0x57: {  	_ =	shalt  }
0x58: {  	_ =	shalt  }
0x59: {  	_ =	shalt  }
0x5a: {  	_ =	shalt  }
0x5b: {  	_ =	shalt  }
0x5c: {  	_ =	shalt  }
0x5d: {  	_ =	shalt  }
0x5e: {  	_ =	shalt  }
0x5f: {  	_ =	shalt  }
0x60: {  	_ =	shalt  }
0x61: {  	_ =	shalt  }
0x62: {  	_ =	shalt  }
0x63: {  	_ =	shalt  }
0x64: {  	_ =	shalt  }
0x65: {  	_ =	shalt  }
0x66: {  	_ =	shalt  }
0x67: {  	_ =	shalt  }
0x68: {  	_ =	shalt  }
0x69: {  	_ =	shalt  }
0x6a: {  	_ =	shalt  }
0x6b: {  	_ =	shalt  }
0x6c: {  	_ =	shalt  }
0x6d: {  	_ =	shalt  }
0x6e: {  	_ =	shalt  }
0x6f: {  	_ =	shalt  }
0x70: {  	_ =	shalt  }
0x71: {  	_ =	shalt  }
0x72: {  	_ =	shalt  }
0x73: {  	_ =	shalt  }
0x74: {  	_ =	shalt  }
0x75: {  	_ =	shalt  }
0x76: {  	_ =	shalt  }
0x77: {  	_ =	shalt  }
0x78: {  	_ =	shalt  }
0x79: {  	_ =	shalt  }
0x7a: {  	_ =	shalt  }
0x7b: {  	_ =	shalt  }
0x7c: {  	_ =	shalt  }
0x7d: {  	_ =	shalt  }
0x7e: {  	_ =	shalt  }
0x7f: {  	_ =	shalt  }
0x80: {  	_ =	shalt  }
0x81: {  	_ =	shalt  }
0x82: {  	_ =	shalt  }
0x83: {  	_ =	shalt  }
0x84: {  	_ =	shalt  }
0x85: {  	_ =	shalt  }
0x86: {  	_ =	shalt  }
0x87: {  	_ =	shalt  }
.Lfunc_end0:
.L_simem_size_0:
called_computation_lowered:
.L_overlay_start_0:
0x88: {  	s2 =	sld [smem:$0x3FD9]  }
0x89: {  	s3 =	sld [smem:$0x3FFE];
	_ =	sdelay $0x1  }
0x8a: {  	s1 =	srdreg.scid  }
0x8b: {  	s0 =	sand.u32 $0x1, s1  }
0x8c: {  	s17 =	sshll.u32 s0, $0xA;
	s2 =	sadd.s32 s3, s2  }
0x8d: {  	s2 =	sadd.s32 s2, s17  }
0x8e: {  	[smem:$0x3FC0] =	sst s2  }
0x8f: {  	_ = 	snop  }
0x90: {  	s2 =	sld [smem:$0x3FD0];
	(tm) =	ssettm $0x1  }
0x91: {  	s18 =	sld [smem:$0x3FFB];
	_ =	sdelay $0x3  }
0x92: {  	_ =	strace s18  }
0x93: {  	s3 =	sld [smem:$0x3FFC];
	_ =	sdelay $0x3  }
0x94: {  	_ =	strace s3  }
0x95: {  	s3 =	sld [smem:$0x3FFD];
	_ =	sdelay $0x3  }
0x96: {  	_ =	strace s3  }
0x97: {  	_ =	strace $0x8FFFFFFF  }
0x98: {  	s19 =	sld [smem:$0x3FDB];
	_ =	sdelay $0x1  }
0x99: {  	s4 =	simm.s32 $_scs_section_size  }
0x9a: {  	s5 =	simm.s32 $_size__tile_overlayer_lowered;
	s6 =	simm.s32 $_tile_overlayer_lowered  }
0x9b: {  	s22 =	simm.s32 $0x1BFF;
	s21 =	sshll.u32 s6, $0x1;
	s3 =	sadd.s32 s4, s19  }
0x9c: {  	s7 =	simm.s32 $0x0;
	s20 =	sshll.u32 s5, $0x1;
	s5 =	sadd.s32 s21, s3  }
0x9d: {  	[timem:s7], [sflag:s22] =	dma.local [hbm:s5], s20  }
0x9e: {  	_ =	swait.ge [sflag:s22], s20  }
0x9f: {  	s4 =	ssub.s32 $0x0, s20;
	[sflag:s22] =	ssyncset.done $0x0  }
0xa0: {  	[sflag:s22] =	ssyncadd.s32 s4;
	_ =	sdelay $0x1  }
0xa1: {  	s23 =	simm.s32 $0x1B8B  }
0xa2: {  	_ =	swait.ge [sflag:s23], $0x1  }
0xa3: {  	[sflag:s23] =	ssyncset.done $0x0  }
0xa4: {  	s25 =	simm.s32 $0x1B8E;
	s24 =	sld [smem:$0x3FFE];
	[sflag:s23] =	ssyncadd.s32 $0xFFFFFFFF  }
0xa5: {  	s26 =	simm.s32 $execute0_lowered;
	[smem:$0x3FD2] =	sst s25  }
0xa6: {  	s5 =	sshll.u32 s26, $0x1;
	_ =	strace $0x80000046;
	[dreg:$0x1] =	wrdreg $0xFFFFFFFF  }
0xa7: {  	s28 =	simm.s32 $_size_execute0_lowered;
	s3 =	sadd.s32 s3, s5;
	[dreg:$0x0] =	wrdreg $0x0  }
0xa8: {  	s5 =	sshll.u32 s28, $0x1;
	[dreg:$0x2] =	wrdreg s3  }
0xa9: {  	[dreg:$0x3] =	wrdreg s5  }
0xaa: {  	[dreg:$0x4] =	wrdreg $0xC0  }
0xab: {  	_ =	task [dreg:s7], $0x5FFFF  }
0xac: {  	[dreg:$0x1] =	wrdreg $0xFFFFFFFF  }
0xad: {  	[dreg:$0x0] =	wrdreg $0x60  }
0xae: {  	[dreg:$0x2] =	wrdreg s2  }
0xaf: {  	[dreg:$0x3] =	wrdreg s24  }
0xb0: {  	[dreg:$0x4] =	wrdreg $0x56E00  }
0xb1: {  	[dreg:$0x5] =	wrdreg $0x9  }
0xb2: {  	_ =	task.clear_ibuf [dreg:s7], $0x6FFFF;
	_ =	strace $0x90000046  }
0xb3: {  	s29 =	simm.s32 $0x9;
	_ =	strace $0x80000048  }
0xb4: {  	_ =	swait.ge [sflag:s29], $0x1  }
0xb5: {  	[sflag:s29] =	ssyncadd.s32 $0xFFFFFFFF  }
0xb6: {  	_ =	strace $0x90000048  }
0xb7: {  	_ =	sfence  }
0xb8: {  	s30 =	sld [smem:$0x0];
	_ =	sdelay $0x2  }
0xb9: {  	s31 =	sshll.u32 s1, $0xD;
	s1 =	sshrl.u32 s1, $0x2  }
0xba: {  	s3 =	sand.u32 $0x4000, s31;
	s1 =	sadd.s32 s1, s30  }
0xbb: {  	s0 =	sor.u32 s3, s0;
	s1 =	sshll.u32 s1, $0x11  }
0xbc: {  	s0 =	sor.u32 s1, s0  }
0xbd: {  	s0 =	sadd.s32 $0x8F2B, s0  }
0xbe: {  	[sflag:s0] =	ssyncadd.remote.s32 $0x1  }
0xbf: {  	_ =	sfence.sel $0xFFFF  }
0xc0: {  	[dreg:$0x0] =	wrdreg $0xFFFFFFFF;
	(pc) =	sbr.abs _section_cstart, $3  }
0xc1: {  	[dreg:$0x1] =	wrdreg $0xFFFFFFFF  }
0xc2: {  	_ =	task.clear_ibuf [dreg:s7], $0x2FFFF;
	_ =	strace $0x9FFFFFFF  }
0xc3: {  	(tm) =	ssettm $0x7FFFFFFF  }
tec
execute0_lowered:
.L_overlay_start_1:
0x0: {  	(tag) =	ssettag $0x1  }
0x1: {  	s4 =	rddreg [dreg:$0x0]  }
0x2: {  	s5 =	rddreg [dreg:$0x1]  }
0x3: {  	s2 =	rddreg [dreg:$0x2];
	s3 =	srdreg.scid  }
0x4: {  	s1 =	stileid.u32;
	s0 =	rddreg [dreg:$0x3];
	s11 =	simm.s32 $0x2800  }
0x5: {  	s12 =	simm.s32 $0x1;
	s6 =	sand.u32 $0x1, s3;
	s7 =	smul.u32 $0x2710, s1  }
0x6: {  	s3 =	simm.s32 $0x0;
	s8 =	smul.u32 $0x27100, s6;
	s9 =	sshll.u32 s6, $0x4  }
0x7: {  	s13 =	simm.s32 $0x0;
	[smem:$0x7FF] =	sst s3;
	s9 =	sor.u32 s1, s9  }
0x8: {  	s6 =	ssub.s32 $0x2, s6;
	s8 =	sadd.s32 s7, s8;
	s9 =	smul.u32 $0x500, s9  }
0x9: {  	_ =	strace $0x80000047;
	s10 =	sshrl.u32 s6, $0x1;
	s8 =	sshrl.u32 s8, $0x3  }
0xa: {  	s10 =	ssub.s32 s6, s10;
	s8 =	sadd.s32 s8, s5;
	s4 =	sadd.s32 s4, s9  }
0xb: {  	s5 =	sadd.s32 s7, s2;
	s7 =	smax.u32 s10, $0x1;
	s9 =	simm.s32 $0x2FD0  }
0xc: {  	v0 =	vimm.f32 $0.0e+00;
	v1 =	vimm.f32 $1.000000000e+00;
	s10 =	simm.s32 $0x7D;
	s6 =	sadd.s32 $0x3000, s8;
	s8 =	simm.s32 $0x2  }
.LBB2_1:
0xd: {  	s14 =	simm.s32 $0x0  }
.LBB2_2:
0xe: {  	p0 =	sne.s32 s14, $0x9C00  }
.Ltmp0:
0xf: {  	_ = 	snop;
	(pc) =	sbr.rel @p0 .LBB2_2-.Ltmp0, $3  }
0x10: {  	_ =	sdelay $0x1  }
0x11: {  	s15 =	sshra.s32 s14, $0x2  }
0x12: {  	s14 =	sadd.s32 $0x40, s14;
	[tilespmem:s15+$0x2FD0] =	vst v0  }
0x13: {  	s14 =	simm.s32 $0x40;
	s15 =	simm.s32 $0x0  }
.LBB2_4:
0x14: {  	p0 =	sne.s32 s14, $0x1F00;
	[tilespmem:s15+$0x2800] =	vst v1;
	s15 =	smov.u32 s14;
	s14 =	sadd.s32 $0x40, s14  }
.Ltmp1:
0x15: {  	(pc) =	sbr.rel @p0 .LBB2_4-.Ltmp1, $2  }
0x16: {  	_ =	sdelay $0x2  }
0x17: {  	s15 =	sshra.s32 s15, $0x2  }
0x18: {  	[tilespmem:s15+$0x2800] =	vst v1;
	s14 =	simm.s32 $0x0  }
0x19: {  	[tilespmem:s14], [sflag:$0x2] =	stream.linear.gather [hbm4b:s4+s14], $0x2800, $0x38;
	[tilespmem:$0x7DF0] =	vst v63  }
0x1a: {  	_ =	swait.ge [sflag:s8], $0x2800  }
0x1b: {  	[sflag:s8] =	ssyncset.done $0x0  }
0x1c: {  	[sflag:s8] =	ssyncadd.s32 $0xFFFFD800  }
0x1d: {  	[spmem:s5] =	stream.linear.scatter [tilespmem:s9], [sflag:$0x2], $0x2710, $0x38;
	[tilespmem:$0x7DF0] =	vst v63  }
0x1e: {  	_ =	swait.ge [sflag:s8], $0x2710  }
0x1f: {  	[sflag:s8] =	ssyncset.done $0x0  }
0x20: {  	p0 =	por $0x1, $0x1;
	[sflag:s8] =	ssyncadd.s32 $0xFFFFD8F0  }
0x21: {  	s16 =	simm.s32 @!p0 $0x1;
	[bflag:$0x0] =	sbarrier.arrive $0xFFFF  }
0x22: {  	[spmem:s2] =	stream.indirect.scatter.add.f32 [tilespmem:s11], [sflag:$0x1], $0x10, s14, s10, $0xb8;
	[tilespmem:$0x7DF0] =	vst v63  }
0x23: {  	_ =	swait.ge @!p0 [sflag:s16], $0x7D0  }
0x24: {  	s15 =	simm.s32 $0x1;
	[sflag:s16] =	ssyncset.done @!p0 $0x0  }
.LBB2_6:
0x25: {  	[sflag:s16] =	ssyncadd.s32 @!p0 $0xFFFFF830  }
0x26: {  	s14 =	sadd.s32 $0x80, s14;
	s16 =	smov.u32 s15;
	s15 =	sadd.s32 $0x1, s15  }
0x27: {  	p1 =	sne.s32 s15, $0x50  }
0x28: {  	[spmem:s2] =	stream.indirect.scatter.add.f32 [tilespmem:s11], [sflag:$0x1], $0x10, s14, s10, $0xb8;
	[tilespmem:$0x7DF0] =	vst v63  }
.Ltmp2:
0x29: {  	_ = 	snop;
	(pc) =	sbr.rel @p1 .LBB2_6-.Ltmp2, $4  }
0x2a: {  	p0 =	slt.u32 s16, $0x8  }
0x2b: {  	s16 =	simm.s32 @!p0 $0x1  }
0x2c: {  	_ =	swait.ge @!p0 [sflag:s16], $0x7D0  }
0x2d: {  	[sflag:s16] =	ssyncset.done @!p0 $0x0  }
0x2e: {  	[sflag:s16] =	ssyncadd.s32 @!p0 $0xFFFFF830  }
0x2f: {  	_ =	swait.ge [sflag:s12], $0x7D0  }
0x30: {  	[sflag:s12] =	ssyncset.done $0x0  }
0x31: {  	[sflag:s12] =	ssyncadd.s32 $0xFFFFF830  }
0x32: {  	_ =	swait.ge [sflag:s12], $0x7D0  }
0x33: {  	[sflag:s12] =	ssyncset.done $0x0  }
0x34: {  	[sflag:s12] =	ssyncadd.s32 $0xFFFFF830  }
0x35: {  	_ =	swait.ge [sflag:s12], $0x7D0  }
0x36: {  	[sflag:s12] =	ssyncset.done $0x0  }
0x37: {  	[sflag:s12] =	ssyncadd.s32 $0xFFFFF830  }
0x38: {  	_ =	swait.ge [sflag:s12], $0x7D0  }
0x39: {  	[sflag:s12] =	ssyncset.done $0x0  }
0x3a: {  	[sflag:s12] =	ssyncadd.s32 $0xFFFFF830  }
0x3b: {  	_ =	swait.ge [sflag:s12], $0x7D0  }
0x3c: {  	[sflag:s12] =	ssyncset.done $0x0  }
0x3d: {  	[sflag:s12] =	ssyncadd.s32 $0xFFFFF830  }
0x3e: {  	_ =	swait.ge [sflag:s12], $0x7D0  }
0x3f: {  	[sflag:s12] =	ssyncset.done $0x0  }
0x40: {  	[sflag:s12] =	ssyncadd.s32 $0xFFFFF830  }
0x41: {  	_ =	swait.ge [sflag:s12], $0x7D0  }
0x42: {  	[sflag:s12] =	ssyncset.done $0x0  }
0x43: {  	[sflag:s12] =	ssyncadd.s32 $0xFFFFF830  }
0x44: {  	_ =	swait.ge [sflag:s12], $0x7D0  }
0x45: {  	[sflag:s12] =	ssyncset.done $0x0  }
0x46: {  	[sflag:s12] =	ssyncadd.s32 $0xFFFFF830  }
0x47: {  	[bflag:$0x0] =	sbarrier.arrive $0xFFFF  }
0x48: {  	[tilespmem:s9], [sflag:$0x2] =	stream.linear.gather [spmem:s5], $0x2710, $0x38;
	[tilespmem:$0x7DF0] =	vst v63  }
0x49: {  	s13 =	sadd.s32 $0x1, s13;
	_ =	swait.ge [sflag:s8], $0x2710  }
0x4a: {  	p0 =	sne.s32 s13, s7;
	[sflag:s8] =	ssyncset.done $0x0  }
.Ltmp3:
0x4b: {  	[sflag:s8] =	ssyncadd.s32 $0xFFFFD8F0;
	(pc) =	sbr.rel @p0 .LBB2_1-.Ltmp3, $4  }
0x4c: {  	[hbm4b:s6+s3] =	stream.linear.scatter [tilespmem:s9], [sflag:$0x2], $0x2710, $0x38;
	[tilespmem:$0x7DF0] =	vst v63  }
0x4d: {  	_ =	swait.ge [sflag:s8], $0x2710  }
0x4e: {  	[sflag:s8] =	ssyncset.done $0x0  }
0x4f: {  	[sflag:s8] =	ssyncadd.s32 $0xFFFFD8F0  }
0x50: {  	_ =	sfence.sel $0x180000  }
0x51: {  	[bflag:$0x0] =	sbarrier.arrive $0xFFFF  }
0x52: {  	p0 =	sne.s32 s1, $0x0;
	_ =	strace $0x90000047  }
0x53: {  	s0 =	sadd.s32 @!p0 $0x100000, s0;
	[bflag:$0x2] =	sbarrier.arrive $0xFFFF  }
0x54: {  	[sflag:s0] =	ssyncadd.tile.s32 @!p0 $0x1;
	_ =	shalt  }
.Lfunc_end2:
_tile_overlayer_lowered:
.L_overlay_start_2:
0x55: {  	(tag) =	ssettag $0x2  }
0x56: {  	s0 =	rddreg [dreg:$0x0];
	s2 =	stileid.u32  }
0x57: {  	s1 =	rddreg [dreg:$0x1];
	p0 =	sne.s32 s2, $0x0  }
0x58: {  	s3 =	rddreg [dreg:$0x2];
	[bflag:$0x3] =	sbarrier.arrive $0xFFFF;
	s2 =	simm.s32 @!p0 $0x1C02  }
0x59: {  	[timem:s3], [sflag:s2] =	dma.local @!p0 [hbm:s0], s1  }
0x5a: {  	s0 =	simm.s32 @!p0 $0x2  }
0x5b: {  	_ =	swait.ge @!p0 [sflag:s0], s1  }
0x5c: {  	s1 =	ssub.s32 @!p0 $0x0, s1;
	[sflag:s0] =	ssyncset.done @!p0 $0x0  }
0x5d: {  	[sflag:s0] =	ssyncadd.s32 @!p0 s1  }
0x5e: {  	[bflag:$0x3] =	sbarrier.arrive $0xFFFF  }
0x5f: {  	_ =	shalt  }

// kernel: kernel.13.cloned.1.call-start
scs
__scs_entry_jumppad:
0x0: {  	(pc) =	sbr.rel $0x88, $3  }
0x1: {  	(tag) =	ssettag $0x0;
	lr =	simm.s32 $0x1  }
0x2: {  	[smem:$0x3F99] =	sst lr;
	_ =	strace $0xD0000000  }
0x3: {  	_ = 	snop  }
0x4: {  	_ = 	snop  }
0x5: {  	_ = 	snop  }
0x6: {  	_ = 	snop  }
0x7: {  	_ = 	snop  }
__scs_overlays_trampoline_lowered:
0x8: {  	[smem:$0x3FA8] =	sst s0  }
0x9: {  	[smem:$0x3FA9] =	sst s1  }
0xa: {  	[smem:$0x3FAA] =	sst s2  }
0xb: {  	[smem:$0x3FAB] =	sst s3  }
0xc: {  	[smem:$0x3FAC] =	sst s4  }
0xd: {  	[smem:$0x3FAD] =	sst s5  }
0xe: {  	[smem:$0x3FAE] =	sst s6  }
0xf: {  	[smem:$0x3FAF] =	sst s7  }
0x10: {  	[smem:$0x3FB0] =	sst s8  }
0x11: {  	[smem:$0x3FB1] =	sst s9;
	s0 =	simm.s32 @!p0 $0x0  }
0x12: {  	s1 =	sld [smem:$0x3F97];
	s0 =	simm.s32 @p0 $0x1  }
0x13: {  	[smem:$0x3FB2] =	sst s0;
	s0 =	simm.s32 @!p1 $0x0  }
0x14: {  	s2 =	sld [smem:$0x3F96];
	s0 =	simm.s32 @p1 $0x1  }
0x15: {  	[smem:$0x3FB3] =	sst s0;
	s0 =	simm.s32 @!p2 $0x0  }
0x16: {  	s3 =	sld [smem:$0x3FDB];
	s0 =	simm.s32 @p2 $0x1  }
0x17: {  	s4 =	simm.s32 $0x1BF5;
	[smem:$0x3FB5] =	sst s0  }
0x18: {  	s0 =	sld [smem:$0x3F98];
	_ =	swait.ge [sflag:s4], $0x0  }
0x19: {  	s7 =	sld [smem:$0x3F99]  }
0x1a: {  	s8 =	sadd.s32 $0xFFFFE003, lr  }
0x1b: {  	s9 =	sadd.s32 $0xFFFFFEF7, lr;
	s5 =	simm.s32 $0xFFFFFFFF;
	p2 =	slt.u32 s8, $0xFFFFF086  }
0x1c: {  	p1 =	slt.u32 s9, $0xF7A;
	s5 =	simm.s32 @!p2 $0x0  }
0x1d: {  	s5 =	simm.s32 @p1 $0x1;
	p0 =	seq.s32 s7, s2  }
0x1e: {  	s7 =	smul.u32 @!p0 $0xF7A, s2;
	p2 =	seq.s32 @!p0 s5, $0x0  }
0x1f: {  	s9 =	smul.u32 $0xF7A, s1;
	s8 =	simm.s32 @!p0 $0x1BF5;
	p2 =	por !p2, p0  }
0x20: {  	[sflag:s8] =	ssyncset.s32 @!p0 $0xFFFFF086;
	s6 =	sadd.s32 @!p0 s3, s7;
	s7 =	simm.s32 @!p0 $0x108  }
0x21: {  	s3 =	sadd.s32 s3, s9;
	s6 =	sadd.s32 @!p0 $0x88, s6;
	s7 =	simm.s32 @p2 $0x1082  }
0x22: {  	[simem:s7], [sflag:s8] =	dma.local @!p0 [hbm:s6], $0xF7A  }
0x23: {  	s9 =	sor.u32 $0xD0000000, s2;
	s6 =	simm.s32 $0x108;
	_ =	swait.ge @!p0 [sflag:s8], $0x0  }
0x24: {  	s3 =	sadd.s32 $0x88, s3;
	s6 =	simm.s32 @!p1 $0x1082;
	[sflag:s4] =	ssyncset.s32 $0xFFFFF086  }
0x25: {  	[simem:s6], [sflag:s4] =	dma.local [hbm:s3], $0xF7A  }
0x26: {  	[smem:$0x3F99] =	sst s1;
	(tag) =	ssettag s2;
	_ =	strace s9  }
0x27: {  	s1 =	sld [smem:$0x3FA9]  }
0x28: {  	s2 =	sld [smem:$0x3FAA]  }
0x29: {  	s4 =	sld [smem:$0x3FAC]  }
0x2a: {  	p0 =	seq.s32 s5, $0x0;
	s5 =	sld [smem:$0x3FAD]  }
0x2b: {  	s6 =	sld [smem:$0x3FAE]  }
0x2c: {  	s7 =	sld [smem:$0x3FAF]  }
0x2d: {  	s3 =	simm.s32 $0x108;
	s8 =	sld [smem:$0x3FB0]  }
0x2e: {  	s3 =	simm.s32 @!p0 $0x1082;
	s9 =	sld [smem:$0x3FB1]  }
0x2f: {  	lr =	sadd.s32 s0, s3;
	s0 =	sld [smem:$0x3FA8]  }
0x30: {  	s3 =	sld [smem:$0x3FAB]  }
0x31: {  	[smem:$0x3FB4] =	sst s10  }
0x32: {  	s10 =	sld [smem:$0x3FB2];
	_ =	sdelay $0x3  }
0x33: {  	p0 =	seq.s32 s10, $0x1;
	s10 =	sld [smem:$0x3FB4];
	_ =	sdelay $0x3  }
0x34: {  	[smem:$0x3FB4] =	sst s10  }
0x35: {  	s10 =	sld [smem:$0x3FB3];
	_ =	sdelay $0x3  }
0x36: {  	p1 =	seq.s32 s10, $0x1;
	s10 =	sld [smem:$0x3FB4];
	_ =	sdelay $0x3  }
0x37: {  	[smem:$0x3FB4] =	sst s10  }
0x38: {  	s10 =	sld [smem:$0x3FB5]  }
0x39: {  	_ = 	snop;
	(pc) =	sbr.ind lr, $3  }
0x3a: {  	_ = 	snop  }
0x3b: {  	_ = 	snop  }
0x3c: {  	p2 =	seq.s32 s10, $0x1;
	s10 =	sld [smem:$0x3FB4]  }
0x3d: {  	_ =	shalt  }
0x3e: {  	_ =	shalt  }
0x3f: {  	_ =	shalt  }
0x40: {  	_ =	shalt  }
0x41: {  	_ =	shalt  }
0x42: {  	_ =	shalt  }
0x43: {  	_ =	shalt  }
0x44: {  	_ =	shalt  }
0x45: {  	_ =	shalt  }
0x46: {  	_ =	shalt  }
0x47: {  	_ =	shalt  }
0x48: {  	_ =	shalt  }
0x49: {  	_ =	shalt  }
0x4a: {  	_ =	shalt  }
0x4b: {  	_ =	shalt  }
0x4c: {  	_ =	shalt  }
0x4d: {  	_ =	shalt  }
0x4e: {  	_ =	shalt  }
0x4f: {  	_ =	shalt  }
0x50: {  	_ =	shalt  }
0x51: {  	_ =	shalt  }
0x52: {  	_ =	shalt  }
0x53: {  	_ =	shalt  }
0x54: {  	_ =	shalt  }
0x55: {  	_ =	shalt  }
0x56: {  	_ =	shalt  }
0x57: {  	_ =	shalt  }
0x58: {  	_ =	shalt  }
0x59: {  	_ =	shalt  }
0x5a: {  	_ =	shalt  }
0x5b: {  	_ =	shalt  }
0x5c: {  	_ =	shalt  }
0x5d: {  	_ =	shalt  }
0x5e: {  	_ =	shalt  }
0x5f: {  	_ =	shalt  }
0x60: {  	_ =	shalt  }
0x61: {  	_ =	shalt  }
0x62: {  	_ =	shalt  }
0x63: {  	_ =	shalt  }
0x64: {  	_ =	shalt  }
0x65: {  	_ =	shalt  }
0x66: {  	_ =	shalt  }
0x67: {  	_ =	shalt  }
0x68: {  	_ =	shalt  }
0x69: {  	_ =	shalt  }
0x6a: {  	_ =	shalt  }
0x6b: {  	_ =	shalt  }
0x6c: {  	_ =	shalt  }
0x6d: {  	_ =	shalt  }
0x6e: {  	_ =	shalt  }
0x6f: {  	_ =	shalt  }
0x70: {  	_ =	shalt  }
0x71: {  	_ =	shalt  }
0x72: {  	_ =	shalt  }
0x73: {  	_ =	shalt  }
0x74: {  	_ =	shalt  }
0x75: {  	_ =	shalt  }
0x76: {  	_ =	shalt  }
0x77: {  	_ =	shalt  }
0x78: {  	_ =	shalt  }
0x79: {  	_ =	shalt  }
0x7a: {  	_ =	shalt  }
0x7b: {  	_ =	shalt  }
0x7c: {  	_ =	shalt  }
0x7d: {  	_ =	shalt  }
0x7e: {  	_ =	shalt  }
0x7f: {  	_ =	shalt  }
0x80: {  	_ =	shalt  }
0x81: {  	_ =	shalt  }
0x82: {  	_ =	shalt  }
0x83: {  	_ =	shalt  }
0x84: {  	_ =	shalt  }
0x85: {  	_ =	shalt  }
0x86: {  	_ =	shalt  }
0x87: {  	_ =	shalt  }
.Lfunc_end0:
.L_simem_size_0:
called_computation.1_lowered:
.L_overlay_start_0:
0x88: {  	s2 =	sld [smem:$0x3FD9]  }
0x89: {  	s3 =	sld [smem:$0x3FFE];
	_ =	sdelay $0x1  }
0x8a: {  	s1 =	srdreg.scid  }
0x8b: {  	s0 =	sand.u32 $0x1, s1  }
0x8c: {  	s16 =	sshll.u32 s0, $0xA;
	s2 =	sadd.s32 s3, s2  }
0x8d: {  	s2 =	sadd.s32 s2, s16  }
0x8e: {  	[smem:$0x3FC0] =	sst s2  }
0x8f: {  	_ = 	snop  }
0x90: {  	(tm) =	ssettm $0x1  }
0x91: {  	s17 =	sld [smem:$0x3FFB];
	_ =	sdelay $0x3  }
0x92: {  	_ =	strace s17  }
0x93: {  	s2 =	sld [smem:$0x3FFC];
	_ =	sdelay $0x3  }
0x94: {  	_ =	strace s2  }
0x95: {  	s2 =	sld [smem:$0x3FFD];
	_ =	sdelay $0x3  }
0x96: {  	_ =	strace s2  }
0x97: {  	_ =	strace $0x8FFFFFFF  }
0x98: {  	s18 =	sld [smem:$0x3FDB];
	_ =	sdelay $0x1  }
0x99: {  	s19 =	simm.s32 $_scs_section_size  }
0x9a: {  	s4 =	simm.s32 $_size__tile_overlayer_lowered;
	s5 =	simm.s32 $_tile_overlayer_lowered  }
0x9b: {  	s22 =	simm.s32 $0x1BFF;
	s21 =	sshll.u32 s5, $0x1;
	s2 =	sadd.s32 s19, s18  }
0x9c: {  	s6 =	simm.s32 $0x0;
	s20 =	sshll.u32 s4, $0x1;
	s4 =	sadd.s32 s21, s2  }
0x9d: {  	[timem:s6], [sflag:s22] =	dma.local [hbm:s4], s20  }
0x9e: {  	_ =	swait.ge [sflag:s22], s20  }
0x9f: {  	s3 =	ssub.s32 $0x0, s20;
	[sflag:s22] =	ssyncset.done $0x0  }
0xa0: {  	[sflag:s22] =	ssyncadd.s32 s3;
	_ =	sdelay $0x1  }
0xa1: {  	s23 =	simm.s32 $0x1B8B  }
0xa2: {  	_ =	swait.ge [sflag:s23], $0x1  }
0xa3: {  	[sflag:s23] =	ssyncset.done $0x0  }
0xa4: {  	s25 =	simm.s32 $0x1B8E;
	s24 =	sld [smem:$0x3FFE];
	[sflag:s23] =	ssyncadd.s32 $0xFFFFFFFF  }
0xa5: {  	s26 =	simm.s32 $execute0_lowered;
	[smem:$0x3FD2] =	sst s25  }
0xa6: {  	s4 =	sshll.u32 s26, $0x1;
	_ =	strace $0x80000049;
	[dreg:$0x1] =	wrdreg $0xFFFFFFFF  }
0xa7: {  	s28 =	simm.s32 $_size_execute0_lowered;
	s2 =	sadd.s32 s2, s4;
	[dreg:$0x0] =	wrdreg $0x0  }
0xa8: {  	s4 =	sshll.u32 s28, $0x1;
	[dreg:$0x2] =	wrdreg s2  }
0xa9: {  	[dreg:$0x3] =	wrdreg s4  }
0xaa: {  	[dreg:$0x4] =	wrdreg $0xC0  }
0xab: {  	_ =	task [dreg:s6], $0x5FFFF  }
0xac: {  	[dreg:$0x1] =	wrdreg $0xFFFFFFFF  }
0xad: {  	[dreg:$0x0] =	wrdreg $0x60  }
0xae: {  	[dreg:$0x2] =	wrdreg s24  }
0xaf: {  	[dreg:$0x3] =	wrdreg $0xBB800  }
0xb0: {  	[dreg:$0x4] =	wrdreg $0x9  }
0xb1: {  	_ =	task.clear_ibuf [dreg:s6], $0x5FFFF;
	_ =	strace $0x90000049  }
0xb2: {  	s29 =	simm.s32 $0x9;
	_ =	strace $0x8000004B  }
0xb3: {  	_ =	swait.ge [sflag:s29], $0x1  }
0xb4: {  	[sflag:s29] =	ssyncadd.s32 $0xFFFFFFFF  }
0xb5: {  	_ =	strace $0x9000004B  }
0xb6: {  	_ =	sfence  }
0xb7: {  	s30 =	sld [smem:$0x0];
	_ =	sdelay $0x2  }
0xb8: {  	s31 =	sshll.u32 s1, $0xD;
	s1 =	sshrl.u32 s1, $0x2  }
0xb9: {  	s3 =	sand.u32 $0x4000, s31;
	s1 =	sadd.s32 s1, s30  }
0xba: {  	s0 =	sor.u32 s3, s0;
	s1 =	sshll.u32 s1, $0x11  }
0xbb: {  	s0 =	sor.u32 s1, s0  }
0xbc: {  	s0 =	sadd.s32 $0x8F2B, s0  }
0xbd: {  	[sflag:s0] =	ssyncadd.remote.s32 $0x1  }
0xbe: {  	_ =	sfence.sel $0xFFFF  }
0xbf: {  	[dreg:$0x0] =	wrdreg $0xFFFFFFFF;
	(pc) =	sbr.abs _section_cstart, $3  }
0xc0: {  	[dreg:$0x1] =	wrdreg $0xFFFFFFFF  }
0xc1: {  	_ =	task.clear_ibuf [dreg:s6], $0x2FFFF;
	_ =	strace $0x9FFFFFFF  }
0xc2: {  	(tm) =	ssettm $0x7FFFFFFF  }
0xc3: {  	_ =	shalt  }
tec
execute0_lowered:
.L_overlay_start_1:
0x0: {  	(tag) =	ssettag $0x1  }
0x1: {  	s1 =	rddreg [dreg:$0x0]  }
0x2: {  	s0 =	srdreg.scid;
	s2 =	rddreg [dreg:$0x1]  }
0x3: {  	s10 =	stileid.u32;
	s3 =	simm.s32 $0x0;
	s29 =	simm.s32 $0x7080  }
0x4: {  	s30 =	simm.s32 $0x1;
	s28 =	simm.s32 $0xA280;
	s31 =	simm.s32 $0x0  }
0x5: {  	s0 =	sand.u32 $0x1, s0;
	[smem:$0x7FF] =	sst s3;
	s9 =	smul.u32 $0x13880, s10  }
0x6: {  	s4 =	sshll.u32 s0, $0x4;
	s6 =	ssub.s32 $0x2, s0;
	s0 =	smul.u32 $0x138800, s0  }
0x7: {  	_ =	strace $0x8000004A;
	s4 =	sor.u32 s10, s4;
	s10 =	smul.u32 $0x4E200, s10  }
0x8: {  	s7 =	sshrl.u32 s6, $0x1;
	s8 =	sadd.s32 $0x12C00, s9;
	s5 =	smul.u32 $0x578, s4  }
0x9: {  	s4 =	sadd.s32 $0x22E00, s1;
	s11 =	ssub.s32 s6, s7;
	s24 =	sadd.s32 s0, s8  }
0xa: {  	s7 =	sadd.s32 s8, s2;
	s0 =	sadd.s32 s9, s0;
	s25 =	sshrl.u32 s24, $0x3  }
0xb: {  	s26 =	sshrl.u32 s10, $0x2;
	s10 =	smax.u32 s11, $0x1;
	s0 =	sshrl.u32 s0, $0x3  }
0xc: {  	s24 =	simm.s32 $0x2BC0;
	s5 =	sadd.s32 s5, s1;
	s1 =	sadd.s32 $0x4A000, s1  }
0xd: {  	s6 =	sadd.s32 s26, s2;
	s26 =	simm.s32 $0x32;
	s23 =	sadd.s32 $0x17E00, s5  }
0xe: {  	s5 =	sadd.s32 $0xCE00, s5;
	s11 =	sadd.s32 $0x1900, s6;
	s12 =	sadd.s32 $0x3200, s6  }
0xf: {  	s13 =	sadd.s32 $0x4B00, s6;
	s14 =	sadd.s32 $0x6400, s6;
	s15 =	sadd.s32 $0x7D00, s6  }
0x10: {  	s16 =	sadd.s32 $0x9600, s6;
	s17 =	sadd.s32 $0xAF00, s6;
	s18 =	sadd.s32 $0xC800, s6  }
0x11: {  	s19 =	sadd.s32 $0xE100, s6;
	s20 =	sadd.s32 $0xFA00, s6;
	s21 =	sadd.s32 $0x11300, s6  }
0x12: {  	s22 =	sadd.s32 s0, s1;
	s0 =	simm.s32 $0x8980;
	[dreg:$0x3] =	wrdreg s23  }
0x13: {  	[dreg:$0x4] =	wrdreg s5;
	s5 =	sadd.s32 s1, s25;
	s23 =	simm.s32 $0x3  }
0x14: {  	v0 =	vimm.f32 $0.0e+00;
	s25 =	simm.s32 $0x5780;
	s1 =	simm.s32 $0x2;
	[dreg:$0x5] =	wrdreg s5  }
.LBB2_1:
0x15: {  	s5 =	rddreg [dreg:$0x3]  }
0x16: {  	[tilespmem:s3], [sflag:$0x3] =	stream.linear.gather [hbm4b:s5+s3], $0x2BC0, $0x38;
	[tilespmem:$0x1F400] =	vst v63  }
0x17: {  	_ =	swait.ge [sflag:s23], $0x2BC0  }
0x18: {  	[sflag:s23] =	ssyncset.done $0x0  }
0x19: {  	s9 =	rddreg [dreg:$0x4];
	[sflag:s23] =	ssyncadd.s32 $0xFFFFD440  }
0x1a: {  	[tilespmem:s24], [sflag:$0x3] =	stream.linear.gather [hbm4b:s9+s3], $0x2BC0, $0x38;
	[tilespmem:$0x1F400] =	vst v63  }
0x1b: {  	_ =	swait.ge [sflag:s23], $0x2BC0  }
0x1c: {  	[sflag:s23] =	ssyncset.done $0x0  }
0x1d: {  	s5 =	simm.s32 $0x0;
	s9 =	simm.s32 $0x200;
	[sflag:s23] =	ssyncadd.s32 $0xFFFFD440  }
.LBB2_2:
0x1e: {  	p0 =	sne.s32 s9, $0x6200;
	[tilespmem:s5+$0x57F0] =	vst v0  }
0x1f: {  	[tilespmem:s5+$0x5780] =	vst v0  }
0x20: {  	[tilespmem:s5+$0x5790] =	vst v0  }
.Ltmp0:
0x21: {  	[tilespmem:s5+$0x57A0] =	vst v0;
	(pc) =	sbr.rel @p0 .LBB2_2-.Ltmp0, $4  }
0x22: {  	[tilespmem:s5+$0x57B0] =	vst v0  }
0x23: {  	[tilespmem:s5+$0x57C0] =	vst v0  }
0x24: {  	[tilespmem:s5+$0x57D0] =	vst v0  }
0x25: {  	[tilespmem:s5+$0x57E0] =	vst v0;
	s5 =	sshra.s32 s9, $0x2;
	s9 =	sadd.s32 $0x200, s9  }
0x26: {  	[tilespmem:s5+$0x57F0] =	vst v0  }
0x27: {  	[tilespmem:s5+$0x5780] =	vst v0  }
0x28: {  	[tilespmem:s5+$0x5790] =	vst v0  }
0x29: {  	[tilespmem:s5+$0x57A0] =	vst v0  }
0x2a: {  	[tilespmem:s5+$0x57B0] =	vst v0  }
0x2b: {  	[tilespmem:s5+$0x57C0] =	vst v0  }
0x2c: {  	[tilespmem:s5+$0x57D0] =	vst v0  }
0x2d: {  	[tilespmem:s5+$0x57E0] =	vst v0  }
0x2e: {  	[spmem:s6] =	stream.linear.scatter [tilespmem:s25], [sflag:$0x3], $0x1900, $0x38;
	[tilespmem:$0x1F400] =	vst v63  }
0x2f: {  	_ =	swait.ge [sflag:s23], $0x1900  }
0x30: {  	[sflag:s23] =	ssyncset.done $0x0  }
0x31: {  	[sflag:s23] =	ssyncadd.s32 $0xFFFFE700  }
0x32: {  	[spmem:s11] =	stream.linear.scatter [tilespmem:s25], [sflag:$0x3], $0x1900, $0x38;
	[tilespmem:$0x1F400] =	vst v63  }
0x33: {  	_ =	swait.ge [sflag:s23], $0x1900  }
0x34: {  	[sflag:s23] =	ssyncset.done $0x0  }
0x35: {  	[sflag:s23] =	ssyncadd.s32 $0xFFFFE700  }
0x36: {  	[spmem:s12] =	stream.linear.scatter [tilespmem:s25], [sflag:$0x3], $0x1900, $0x38;
	[tilespmem:$0x1F400] =	vst v63  }
0x37: {  	_ =	swait.ge [sflag:s23], $0x1900  }
0x38: {  	[sflag:s23] =	ssyncset.done $0x0  }
0x39: {  	[sflag:s23] =	ssyncadd.s32 $0xFFFFE700  }
0x3a: {  	[spmem:s13] =	stream.linear.scatter [tilespmem:s25], [sflag:$0x3], $0x1900, $0x38;
	[tilespmem:$0x1F400] =	vst v63  }
0x3b: {  	_ =	swait.ge [sflag:s23], $0x1900  }
0x3c: {  	[sflag:s23] =	ssyncset.done $0x0  }
0x3d: {  	[sflag:s23] =	ssyncadd.s32 $0xFFFFE700  }
0x3e: {  	[spmem:s14] =	stream.linear.scatter [tilespmem:s25], [sflag:$0x3], $0x1900, $0x38;
	[tilespmem:$0x1F400] =	vst v63  }
0x3f: {  	_ =	swait.ge [sflag:s23], $0x1900  }
0x40: {  	[sflag:s23] =	ssyncset.done $0x0  }
0x41: {  	[sflag:s23] =	ssyncadd.s32 $0xFFFFE700  }
0x42: {  	[spmem:s15] =	stream.linear.scatter [tilespmem:s25], [sflag:$0x3], $0x1900, $0x38;
	[tilespmem:$0x1F400] =	vst v63  }
0x43: {  	_ =	swait.ge [sflag:s23], $0x1900  }
0x44: {  	[sflag:s23] =	ssyncset.done $0x0  }
0x45: {  	[sflag:s23] =	ssyncadd.s32 $0xFFFFE700  }
0x46: {  	[spmem:s16] =	stream.linear.scatter [tilespmem:s25], [sflag:$0x3], $0x1900, $0x38;
	[tilespmem:$0x1F400] =	vst v63  }
0x47: {  	_ =	swait.ge [sflag:s23], $0x1900  }
0x48: {  	[sflag:s23] =	ssyncset.done $0x0  }
0x49: {  	[sflag:s23] =	ssyncadd.s32 $0xFFFFE700  }
0x4a: {  	[spmem:s17] =	stream.linear.scatter [tilespmem:s25], [sflag:$0x3], $0x1900, $0x38;
	[tilespmem:$0x1F400] =	vst v63  }
0x4b: {  	_ =	swait.ge [sflag:s23], $0x1900  }
0x4c: {  	[sflag:s23] =	ssyncset.done $0x0  }
0x4d: {  	[sflag:s23] =	ssyncadd.s32 $0xFFFFE700  }
0x4e: {  	[spmem:s18] =	stream.linear.scatter [tilespmem:s25], [sflag:$0x3], $0x1900, $0x38;
	[tilespmem:$0x1F400] =	vst v63  }
0x4f: {  	_ =	swait.ge [sflag:s23], $0x1900  }
0x50: {  	[sflag:s23] =	ssyncset.done $0x0  }
0x51: {  	[sflag:s23] =	ssyncadd.s32 $0xFFFFE700  }
0x52: {  	[spmem:s19] =	stream.linear.scatter [tilespmem:s25], [sflag:$0x3], $0x1900, $0x38;
	[tilespmem:$0x1F400] =	vst v63  }
0x53: {  	_ =	swait.ge [sflag:s23], $0x1900  }
0x54: {  	[sflag:s23] =	ssyncset.done $0x0  }
0x55: {  	[sflag:s23] =	ssyncadd.s32 $0xFFFFE700  }
0x56: {  	[spmem:s20] =	stream.linear.scatter [tilespmem:s25], [sflag:$0x3], $0x1900, $0x38;
	[tilespmem:$0x1F400] =	vst v63  }
0x57: {  	_ =	swait.ge [sflag:s23], $0x1900  }
0x58: {  	[sflag:s23] =	ssyncset.done $0x0  }
0x59: {  	[sflag:s23] =	ssyncadd.s32 $0xFFFFE700  }
0x5a: {  	[spmem:s21] =	stream.linear.scatter [tilespmem:s25], [sflag:$0x3], $0x1900, $0x38;
	[tilespmem:$0x1F400] =	vst v63  }
0x5b: {  	_ =	swait.ge [sflag:s23], $0x1900  }
0x5c: {  	[sflag:s23] =	ssyncset.done $0x0  }
0x5d: {  	[sflag:s23] =	ssyncadd.s32 $0xFFFFE700  }
0x5e: {  	[spmem:s7] =	stream.linear.scatter [tilespmem:s25], [sflag:$0x3], $0xC80, $0x38;
	[tilespmem:$0x1F400] =	vst v63  }
0x5f: {  	_ =	swait.ge [sflag:s23], $0xC80  }
0x60: {  	[sflag:s23] =	ssyncset.done $0x0  }
0x61: {  	[sflag:s23] =	ssyncadd.s32 $0xFFFFF380  }
0x62: {  	s8 =	simm.s32 $0x0;
	[bflag:$0x0] =	sbarrier.arrive $0xFFFF  }
0x63: {  	[tilespmem:s25], [sflag:$0x1] =	stream.indirect.gather [hbm4b:s4+s26], $0x80, s8, s26, $0xb8;
	[tilespmem:$0x1F400] =	vst v63  }
0x64: {  	s9 =	simm.s32 $0x38  }
0x65: {  	[tilespmem:s29], [sflag:$0x1] =	stream.indirect.gather [hbm4b:s4+s26], $0x80, s9, s26, $0xb8;
	[tilespmem:$0x1F400] =	vst v63  }
0x66: {  	_ =	swait.ge [sflag:s30], $0x1900  }
0x67: {  	[sflag:s30] =	ssyncset.done $0x0  }
0x68: {  	[sflag:s30] =	ssyncadd.s32 $0xFFFFE700  }
0x69: {  	_ =	swait.ge [sflag:s30], $0x1900  }
0x6a: {  	[sflag:s30] =	ssyncset.done $0x0  }
0x6b: {  	s8 =	simm.s32 $0x70;
	[sflag:s30] =	ssyncadd.s32 $0xFFFFE700  }
0x6c: {  	[tilespmem:s0], [sflag:$0x1] =	stream.indirect.gather [hbm4b:s4+s26], $0x80, s8, s26, $0xb8;
	[tilespmem:$0x1F400] =	vst v63  }
0x6d: {  	s9 =	simm.s32 $0xA8  }
0x6e: {  	[tilespmem:s28], [sflag:$0x1] =	stream.indirect.gather [hbm4b:s4+s26], $0x80, s9, s26, $0xb8;
	[tilespmem:$0x1F400] =	vst v63  }
0x6f: {  	_ = 	snop  }
0x70: {  	[spmem:s2] =	stream.indirect.scatter.add.f32 [tilespmem:s25], [sflag:$0x2], $0x80, s24, s26, $0xb8;
	[tilespmem:$0x1F400] =	vst v63  }
0x71: {  	s8 =	simm.s32 $0x2BF8  }
0x72: {  	[spmem:s2] =	stream.indirect.scatter.add.f32 [tilespmem:s29], [sflag:$0x2], $0x80, s8, s26, $0xb8;
	[tilespmem:$0x1F400] =	vst v63  }
0x73: {  	_ =	swait.ge [sflag:s30], $0x1900  }
0x74: {  	[sflag:s30] =	ssyncset.done $0x0  }
0x75: {  	[sflag:s30] =	ssyncadd.s32 $0xFFFFE700  }
0x76: {  	_ =	swait.ge [sflag:s30], $0x1900  }
0x77: {  	[sflag:s30] =	ssyncset.done $0x0  }
0x78: {  	[sflag:s30] =	ssyncadd.s32 $0xFFFFE700  }
0x79: {  	_ =	swait.ge [sflag:s1], $0x1900  }
0x7a: {  	[sflag:s1] =	ssyncset.done $0x0  }
0x7b: {  	[sflag:s1] =	ssyncadd.s32 $0xFFFFE700  }
0x7c: {  	_ =	swait.ge [sflag:s1], $0x1900  }
0x7d: {  	[sflag:s1] =	ssyncset.done $0x0  }
0x7e: {  	s9 =	simm.s32 $0xE0;
	[sflag:s1] =	ssyncadd.s32 $0xFFFFE700  }
0x7f: {  	[tilespmem:s25], [sflag:$0x1] =	stream.indirect.gather [hbm4b:s4+s26], $0x80, s9, s26, $0xb8;
	[tilespmem:$0x1F400] =	vst v63  }
0x80: {  	s8 =	simm.s32 $0x118  }
0x81: {  	[tilespmem:s29], [sflag:$0x1] =	stream.indirect.gather [hbm4b:s4+s26], $0x80, s8, s26, $0xb8;
	[tilespmem:$0x1F400] =	vst v63  }
0x82: {  	s9 =	simm.s32 $0x2C30  }
0x83: {  	[spmem:s2] =	stream.indirect.scatter.add.f32 [tilespmem:s0], [sflag:$0x2], $0x80, s9, s26, $0xb8;
	[tilespmem:$0x1F400] =	vst v63  }
0x84: {  	s8 =	simm.s32 $0x2C68  }
0x85: {  	[spmem:s2] =	stream.indirect.scatter.add.f32 [tilespmem:s28], [sflag:$0x2], $0x80, s8, s26, $0xb8;
	[tilespmem:$0x1F400] =	vst v63  }
0x86: {  	_ =	swait.ge [sflag:s30], $0x1900  }
0x87: {  	[sflag:s30] =	ssyncset.done $0x0  }
0x88: {  	[sflag:s30] =	ssyncadd.s32 $0xFFFFE700  }
0x89: {  	_ =	swait.ge [sflag:s30], $0x1900  }
0x8a: {  	[sflag:s30] =	ssyncset.done $0x0  }
0x8b: {  	[sflag:s30] =	ssyncadd.s32 $0xFFFFE700  }
0x8c: {  	_ =	swait.ge [sflag:s1], $0x1900  }
0x8d: {  	[sflag:s1] =	ssyncset.done $0x0  }
0x8e: {  	[sflag:s1] =	ssyncadd.s32 $0xFFFFE700  }
0x8f: {  	_ =	swait.ge [sflag:s1], $0x1900  }
0x90: {  	[sflag:s1] =	ssyncset.done $0x0  }
0x91: {  	s9 =	simm.s32 $0x150;
	[sflag:s1] =	ssyncadd.s32 $0xFFFFE700  }
0x92: {  	[tilespmem:s0], [sflag:$0x1] =	stream.indirect.gather [hbm4b:s4+s26], $0x80, s9, s26, $0xb8;
	[tilespmem:$0x1F400] =	vst v63  }
0x93: {  	s8 =	simm.s32 $0x188  }
0x94: {  	[tilespmem:s28], [sflag:$0x1] =	stream.indirect.gather [hbm4b:s4+s26], $0x80, s8, s26, $0xb8;
	[tilespmem:$0x1F400] =	vst v63  }
0x95: {  	s9 =	simm.s32 $0x2CA0  }
0x96: {  	[spmem:s2] =	stream.indirect.scatter.add.f32 [tilespmem:s25], [sflag:$0x2], $0x80, s9, s26, $0xb8;
	[tilespmem:$0x1F400] =	vst v63  }
0x97: {  	s8 =	simm.s32 $0x2CD8  }
0x98: {  	[spmem:s2] =	stream.indirect.scatter.add.f32 [tilespmem:s29], [sflag:$0x2], $0x80, s8, s26, $0xb8;
	[tilespmem:$0x1F400] =	vst v63  }
0x99: {  	_ =	swait.ge [sflag:s30], $0x1900  }
0x9a: {  	[sflag:s30] =	ssyncset.done $0x0  }
0x9b: {  	[sflag:s30] =	ssyncadd.s32 $0xFFFFE700  }
0x9c: {  	_ =	swait.ge [sflag:s30], $0x1900  }
0x9d: {  	[sflag:s30] =	ssyncset.done $0x0  }
0x9e: {  	[sflag:s30] =	ssyncadd.s32 $0xFFFFE700  }
0x9f: {  	_ =	swait.ge [sflag:s1], $0x1900  }
0xa0: {  	[sflag:s1] =	ssyncset.done $0x0  }
0xa1: {  	[sflag:s1] =	ssyncadd.s32 $0xFFFFE700  }
0xa2: {  	_ =	swait.ge [sflag:s1], $0x1900  }
0xa3: {  	[sflag:s1] =	ssyncset.done $0x0  }
0xa4: {  	s9 =	simm.s32 $0x1C0;
	[sflag:s1] =	ssyncadd.s32 $0xFFFFE700  }
0xa5: {  	[tilespmem:s25], [sflag:$0x1] =	stream.indirect.gather [hbm4b:s4+s26], $0x80, s9, s26, $0xb8;
	[tilespmem:$0x1F400] =	vst v63  }
0xa6: {  	s8 =	simm.s32 $0x1F8  }
0xa7: {  	[tilespmem:s29], [sflag:$0x1] =	stream.indirect.gather [hbm4b:s4+s26], $0x80, s8, s26, $0xb8;
	[tilespmem:$0x1F400] =	vst v63  }
0xa8: {  	s9 =	simm.s32 $0x2D10  }
0xa9: {  	[spmem:s2] =	stream.indirect.scatter.add.f32 [tilespmem:s0], [sflag:$0x2], $0x80, s9, s26, $0xb8;
	[tilespmem:$0x1F400] =	vst v63  }
0xaa: {  	s5 =	simm.s32 $0x380;
	s9 =	simm.s32 $0x2D48  }
.LBB2_4:
0xab: {  	[spmem:s2] =	stream.indirect.scatter.add.f32 [tilespmem:s28], [sflag:$0x2], $0x80, s9, s26, $0xb8;
	[tilespmem:$0x1F400] =	vst v63  }
0xac: {  	s9 =	smov.u32 s5;
	s5 =	sadd.s32 $0x380, s5;
	_ =	swait.ge [sflag:s30], $0x1900  }
0xad: {  	p0 =	sne.s32 s5, $0xA800;
	[sflag:s30] =	ssyncset.done $0x0  }
0xae: {  	[sflag:s30] =	ssyncadd.s32 $0xFFFFE700  }
0xaf: {  	_ =	swait.ge [sflag:s30], $0x1900  }
0xb0: {  	[sflag:s30] =	ssyncset.done $0x0  }
0xb1: {  	[sflag:s30] =	ssyncadd.s32 $0xFFFFE700  }
0xb2: {  	_ =	swait.ge [sflag:s1], $0x1900  }
0xb3: {  	[sflag:s1] =	ssyncset.done $0x0  }
0xb4: {  	[sflag:s1] =	ssyncadd.s32 $0xFFFFE700  }
0xb5: {  	_ =	swait.ge [sflag:s1], $0x1900  }
0xb6: {  	s9 =	sshra.s32 s9, $0x2;
	[sflag:s1] =	ssyncset.done $0x0  }
0xb7: {  	s8 =	sadd.s32 $0x150, s9;
	[sflag:s1] =	ssyncadd.s32 $0xFFFFE700  }
0xb8: {  	[tilespmem:s0], [sflag:$0x1] =	stream.indirect.gather [hbm4b:s4+s26], $0x80, s8, s26, $0xb8;
	[tilespmem:$0x1F400] =	vst v63  }
0xb9: {  	s8 =	sadd.s32 $0x188, s9  }
0xba: {  	[tilespmem:s28], [sflag:$0x1] =	stream.indirect.gather [hbm4b:s4+s26], $0x80, s8, s26, $0xb8;
	[tilespmem:$0x1F400] =	vst v63  }
0xbb: {  	s8 =	sadd.s32 $0x2CA0, s9  }
0xbc: {  	[spmem:s2] =	stream.indirect.scatter.add.f32 [tilespmem:s25], [sflag:$0x2], $0x80, s8, s26, $0xb8;
	[tilespmem:$0x1F400] =	vst v63  }
0xbd: {  	s8 =	sadd.s32 $0x2CD8, s9  }
0xbe: {  	[spmem:s2] =	stream.indirect.scatter.add.f32 [tilespmem:s29], [sflag:$0x2], $0x80, s8, s26, $0xb8;
	[tilespmem:$0x1F400] =	vst v63  }
0xbf: {  	_ =	swait.ge [sflag:s30], $0x1900  }
0xc0: {  	[sflag:s30] =	ssyncset.done $0x0  }
0xc1: {  	[sflag:s30] =	ssyncadd.s32 $0xFFFFE700  }
0xc2: {  	_ =	swait.ge [sflag:s30], $0x1900  }
0xc3: {  	[sflag:s30] =	ssyncset.done $0x0  }
0xc4: {  	[sflag:s30] =	ssyncadd.s32 $0xFFFFE700  }
0xc5: {  	_ =	swait.ge [sflag:s1], $0x1900  }
0xc6: {  	[sflag:s1] =	ssyncset.done $0x0  }
0xc7: {  	[sflag:s1] =	ssyncadd.s32 $0xFFFFE700  }
0xc8: {  	_ =	swait.ge [sflag:s1], $0x1900  }
0xc9: {  	[sflag:s1] =	ssyncset.done $0x0  }
0xca: {  	s8 =	sadd.s32 $0x1C0, s9;
	[sflag:s1] =	ssyncadd.s32 $0xFFFFE700  }
0xcb: {  	[tilespmem:s25], [sflag:$0x1] =	stream.indirect.gather [hbm4b:s4+s26], $0x80, s8, s26, $0xb8;
	[tilespmem:$0x1F400] =	vst v63  }
.Ltmp1:
0xcc: {  	s8 =	sadd.s32 $0x1F8, s9;
	(pc) =	sbr.rel @p0 .LBB2_4-.Ltmp1, $4  }
0xcd: {  	[tilespmem:s29], [sflag:$0x1] =	stream.indirect.gather [hbm4b:s4+s26], $0x80, s8, s26, $0xb8;
	[tilespmem:$0x1F400] =	vst v63  }
0xce: {  	s8 =	sadd.s32 $0x2D10, s9  }
0xcf: {  	[spmem:s2] =	stream.indirect.scatter.add.f32 [tilespmem:s0], [sflag:$0x2], $0x80, s8, s26, $0xb8;
	[tilespmem:$0x1F400] =	vst v63  }
0xd0: {  	s9 =	sadd.s32 $0x2D48, s9  }
0xd1: {  	[spmem:s2] =	stream.indirect.scatter.add.f32 [tilespmem:s28], [sflag:$0x2], $0x80, s9, s26, $0xb8;
	[tilespmem:$0x1F400] =	vst v63  }
0xd2: {  	_ =	swait.ge [sflag:s30], $0x1900  }
0xd3: {  	[sflag:s30] =	ssyncset.done $0x0  }
0xd4: {  	[sflag:s30] =	ssyncadd.s32 $0xFFFFE700  }
0xd5: {  	_ =	swait.ge [sflag:s30], $0x1900  }
0xd6: {  	[sflag:s30] =	ssyncset.done $0x0  }
0xd7: {  	[sflag:s30] =	ssyncadd.s32 $0xFFFFE700  }
0xd8: {  	_ =	swait.ge [sflag:s1], $0x1900  }
0xd9: {  	[sflag:s1] =	ssyncset.done $0x0  }
0xda: {  	[sflag:s1] =	ssyncadd.s32 $0xFFFFE700  }
0xdb: {  	_ =	swait.ge [sflag:s1], $0x1900  }
0xdc: {  	s5 =	sshra.s32 s5, $0x2;
	[sflag:s1] =	ssyncset.done $0x0  }
0xdd: {  	s8 =	sadd.s32 $0x150, s5;
	[sflag:s1] =	ssyncadd.s32 $0xFFFFE700  }
0xde: {  	[tilespmem:s0], [sflag:$0x1] =	stream.indirect.gather [hbm4b:s4+s26], $0x80, s8, s26, $0xb8;
	[tilespmem:$0x1F400] =	vst v63  }
0xdf: {  	s9 =	sadd.s32 $0x188, s5  }
0xe0: {  	[tilespmem:s28], [sflag:$0x1] =	stream.indirect.gather [hbm4b:s4+s26], $0x80, s9, s26, $0xb8;
	[tilespmem:$0x1F400] =	vst v63  }
0xe1: {  	s9 =	sadd.s32 $0x2CA0, s5  }
0xe2: {  	[spmem:s2] =	stream.indirect.scatter.add.f32 [tilespmem:s25], [sflag:$0x2], $0x80, s9, s26, $0xb8;
	[tilespmem:$0x1F400] =	vst v63  }
0xe3: {  	s9 =	sadd.s32 $0x2CD8, s5  }
0xe4: {  	[spmem:s2] =	stream.indirect.scatter.add.f32 [tilespmem:s29], [sflag:$0x2], $0x80, s9, s26, $0xb8;
	[tilespmem:$0x1F400] =	vst v63  }
0xe5: {  	_ =	swait.ge [sflag:s30], $0x1900  }
0xe6: {  	[sflag:s30] =	ssyncset.done $0x0  }
0xe7: {  	[sflag:s30] =	ssyncadd.s32 $0xFFFFE700  }
0xe8: {  	_ =	swait.ge [sflag:s30], $0x1900  }
0xe9: {  	[sflag:s30] =	ssyncset.done $0x0  }
0xea: {  	[sflag:s30] =	ssyncadd.s32 $0xFFFFE700  }
0xeb: {  	_ =	swait.ge [sflag:s1], $0x1900  }
0xec: {  	[sflag:s1] =	ssyncset.done $0x0  }
0xed: {  	[sflag:s1] =	ssyncadd.s32 $0xFFFFE700  }
0xee: {  	_ =	swait.ge [sflag:s1], $0x1900  }
0xef: {  	[sflag:s1] =	ssyncset.done $0x0  }
0xf0: {  	s9 =	sadd.s32 $0x2D10, s5;
	[sflag:s1] =	ssyncadd.s32 $0xFFFFE700  }
0xf1: {  	[spmem:s2] =	stream.indirect.scatter.add.f32 [tilespmem:s0], [sflag:$0x2], $0x80, s9, s26, $0xb8;
	[tilespmem:$0x1F400] =	vst v63  }
0xf2: {  	s5 =	sadd.s32 $0x2D48, s5  }
0xf3: {  	[spmem:s2] =	stream.indirect.scatter.add.f32 [tilespmem:s28], [sflag:$0x2], $0x80, s5, s26, $0xb8;
	[tilespmem:$0x1F400] =	vst v63  }
0xf4: {  	_ =	swait.ge [sflag:s1], $0x1900  }
0xf5: {  	[sflag:s1] =	ssyncset.done $0x0  }
0xf6: {  	[sflag:s1] =	ssyncadd.s32 $0xFFFFE700  }
0xf7: {  	_ =	swait.ge [sflag:s1], $0x1900  }
0xf8: {  	[sflag:s1] =	ssyncset.done $0x0  }
0xf9: {  	[sflag:s1] =	ssyncadd.s32 $0xFFFFE700  }
0xfa: {  	[bflag:$0x0] =	sbarrier.arrive $0xFFFF  }
0xfb: {  	[tilespmem:s25], [sflag:$0x3] =	stream.linear.gather [spmem:s6], $0x1900, $0x38;
	[tilespmem:$0x1F400] =	vst v63  }
0xfc: {  	_ =	swait.ge [sflag:s23], $0x1900  }
0xfd: {  	[sflag:s23] =	ssyncset.done $0x0  }
0xfe: {  	s9 =	sadd.s32 $0x0, s22;
	[sflag:s23] =	ssyncadd.s32 $0xFFFFE700  }
0xff: {  	[hbm4b:s9+s3] =	stream.linear.scatter [tilespmem:s25], [sflag:$0x3], $0x1900, $0x38;
	[tilespmem:$0x1F400] =	vst v63  }
0x100: {  	_ =	swait.ge [sflag:s23], $0x1900  }
0x101: {  	s5 =	simm.s32 $0x320;
	s9 =	smov.u32 s6;
	[sflag:s23] =	ssyncset.done $0x0  }
.LBB2_6:
0x102: {  	p0 =	sne.s32 s5, $0x2260;
	[sflag:s23] =	ssyncadd.s32 $0xFFFFE700;
	s9 =	sadd.s32 $0x1900, s9  }
0x103: {  	[tilespmem:s25], [sflag:$0x3] =	stream.linear.gather [spmem:s9], $0x1900, $0x38;
	[tilespmem:$0x1F400] =	vst v63  }
0x104: {  	s8 =	smov.u32 s5;
	s5 =	sadd.s32 $0x320, s5;
	_ =	swait.ge [sflag:s23], $0x1900  }
.Ltmp2:
0x105: {  	[sflag:s23] =	ssyncset.done $0x0;
	(pc) =	sbr.rel @p0 .LBB2_6-.Ltmp2, $4  }
0x106: {  	s8 =	sadd.s32 s8, s22;
	[sflag:s23] =	ssyncadd.s32 $0xFFFFE700  }
0x107: {  	[hbm4b:s8+s3] =	stream.linear.scatter [tilespmem:s25], [sflag:$0x3], $0x1900, $0x38;
	[tilespmem:$0x1F400] =	vst v63  }
0x108: {  	_ =	swait.ge [sflag:s23], $0x1900  }
0x109: {  	[sflag:s23] =	ssyncset.done $0x0  }
0x10a: {  	[sflag:s23] =	ssyncadd.s32 $0xFFFFE700  }
0x10b: {  	[tilespmem:s25], [sflag:$0x3] =	stream.linear.gather [spmem:s7], $0xC80, $0x38;
	[tilespmem:$0x1F400] =	vst v63  }
0x10c: {  	s31 =	sadd.s32 $0x1, s31;
	_ =	swait.ge [sflag:s23], $0xC80  }
0x10d: {  	p0 =	sne.s32 s31, s10;
	[sflag:s23] =	ssyncset.done $0x0  }
.Ltmp3:
0x10e: {  	s5 =	rddreg [dreg:$0x5];
	[sflag:s23] =	ssyncadd.s32 $0xFFFFF380;
	(pc) =	sbr.rel @p0 .LBB2_1-.Ltmp3, $4  }
0x10f: {  	[hbm4b:s5+s3] =	stream.linear.scatter [tilespmem:s25], [sflag:$0x3], $0xC80, $0x38;
	[tilespmem:$0x1F400] =	vst v63  }
0x110: {  	_ =	swait.ge [sflag:s23], $0xC80  }
0x111: {  	[sflag:s23] =	ssyncset.done $0x0  }
0x112: {  	[sflag:s23] =	ssyncadd.s32 $0xFFFFF380  }
0x113: {  	_ =	sfence.sel $0x180000  }
0x114: {  	[bflag:$0x0] =	sbarrier.arrive $0xFFFF  }
0x115: {  	_ =	strace $0x9000004A  }
0x116: {  	s0 =	stileid.u32;
	[bflag:$0x2] =	sbarrier.arrive $0xFFFF  }
0x117: {  	p0 =	sne.s32 s0, $0x0;
	s0 =	rddreg [dreg:$0x2]  }
0x118: {  	s0 =	sadd.s32 @!p0 $0x100000, s0  }
0x119: {  	[sflag:s0] =	ssyncadd.tile.s32 @!p0 $0x1;
	_ =	shalt  }
.Lfunc_end2:
_tile_overlayer_lowered:
.L_overlay_start_2:
0x11a: {  	(tag) =	ssettag $0x2  }
0x11b: {  	s0 =	rddreg [dreg:$0x0];
	s2 =	stileid.u32  }
0x11c: {  	s1 =	rddreg [dreg:$0x1];
	p0 =	sne.s32 s2, $0x0  }
0x11d: {  	s3 =	rddreg [dreg:$0x2];
	[bflag:$0x3] =	sbarrier.arrive $0xFFFF;
	s2 =	simm.s32 @!p0 $0x1C03  }
0x11e: {  	[timem:s3], [sflag:s2] =	dma.local @!p0 [hbm:s0], s1  }
0x11f: {  	s0 =	simm.s32 @!p0 $0x3  }
0x120: {  	_ =	swait.ge @!p0 [sflag:s0], s1  }
0x121: {  	s1 =	ssub.s32 @!p0 $0x0, s1;
	[sflag:s0] =	ssyncset.done @!p0 $0x0  }
0x122: {  	[sflag:s0] =	ssyncadd.s32 @!p0 s1  }
0x123: {  	[bflag:$0x3] =	sbarrier.arrive $0xFFFF  }
0x124: {  	_ =	shalt  }

// kernel: kernel.16.cloned.1.call-start
scs
__scs_entry_jumppad:
0x0: {  	(pc) =	sbr.rel $0x88, $3  }
0x1: {  	(tag) =	ssettag $0x0;
	lr =	simm.s32 $0x1  }
0x2: {  	[smem:$0x3F99] =	sst lr;
	_ =	strace $0xD0000000  }
0x3: {  	_ = 	snop  }
0x4: {  	_ = 	snop  }
0x5: {  	_ = 	snop  }
0x6: {  	_ = 	snop  }
0x7: {  	_ = 	snop  }
__scs_overlays_trampoline_lowered:
0x8: {  	[smem:$0x3FA8] =	sst s0  }
0x9: {  	[smem:$0x3FA9] =	sst s1  }
0xa: {  	[smem:$0x3FAA] =	sst s2  }
0xb: {  	[smem:$0x3FAB] =	sst s3  }
0xc: {  	[smem:$0x3FAC] =	sst s4  }
0xd: {  	[smem:$0x3FAD] =	sst s5  }
0xe: {  	[smem:$0x3FAE] =	sst s6  }
0xf: {  	[smem:$0x3FAF] =	sst s7  }
0x10: {  	[smem:$0x3FB0] =	sst s8  }
0x11: {  	[smem:$0x3FB1] =	sst s9;
	s0 =	simm.s32 @!p0 $0x0  }
0x12: {  	s1 =	sld [smem:$0x3F97];
	s0 =	simm.s32 @p0 $0x1  }
0x13: {  	[smem:$0x3FB2] =	sst s0;
	s0 =	simm.s32 @!p1 $0x0  }
0x14: {  	s2 =	sld [smem:$0x3F96];
	s0 =	simm.s32 @p1 $0x1  }
0x15: {  	[smem:$0x3FB3] =	sst s0;
	s0 =	simm.s32 @!p2 $0x0  }
0x16: {  	s3 =	sld [smem:$0x3FDB];
	s0 =	simm.s32 @p2 $0x1  }
0x17: {  	s4 =	simm.s32 $0x1BF5;
	[smem:$0x3FB5] =	sst s0  }
0x18: {  	s0 =	sld [smem:$0x3F98];
	_ =	swait.ge [sflag:s4], $0x0  }
0x19: {  	s7 =	sld [smem:$0x3F99]  }
0x1a: {  	s8 =	sadd.s32 $0xFFFFE003, lr  }
0x1b: {  	s9 =	sadd.s32 $0xFFFFFEF7, lr;
	s5 =	simm.s32 $0xFFFFFFFF;
	p2 =	slt.u32 s8, $0xFFFFF086  }
0x1c: {  	p1 =	slt.u32 s9, $0xF7A;
	s5 =	simm.s32 @!p2 $0x0  }
0x1d: {  	s5 =	simm.s32 @p1 $0x1;
	p0 =	seq.s32 s7, s2  }
0x1e: {  	s7 =	smul.u32 @!p0 $0xF7A, s2;
	p2 =	seq.s32 @!p0 s5, $0x0  }
0x1f: {  	s9 =	smul.u32 $0xF7A, s1;
	s8 =	simm.s32 @!p0 $0x1BF5;
	p2 =	por !p2, p0  }
0x20: {  	[sflag:s8] =	ssyncset.s32 @!p0 $0xFFFFF086;
	s6 =	sadd.s32 @!p0 s3, s7;
	s7 =	simm.s32 @!p0 $0x108  }
0x21: {  	s3 =	sadd.s32 s3, s9;
	s6 =	sadd.s32 @!p0 $0x88, s6;
	s7 =	simm.s32 @p2 $0x1082  }
0x22: {  	[simem:s7], [sflag:s8] =	dma.local @!p0 [hbm:s6], $0xF7A  }
0x23: {  	s9 =	sor.u32 $0xD0000000, s2;
	s6 =	simm.s32 $0x108;
	_ =	swait.ge @!p0 [sflag:s8], $0x0  }
0x24: {  	s3 =	sadd.s32 $0x88, s3;
	s6 =	simm.s32 @!p1 $0x1082;
	[sflag:s4] =	ssyncset.s32 $0xFFFFF086  }
0x25: {  	[simem:s6], [sflag:s4] =	dma.local [hbm:s3], $0xF7A  }
0x26: {  	[smem:$0x3F99] =	sst s1;
	(tag) =	ssettag s2;
	_ =	strace s9  }
0x27: {  	s1 =	sld [smem:$0x3FA9]  }
0x28: {  	s2 =	sld [smem:$0x3FAA]  }
0x29: {  	s4 =	sld [smem:$0x3FAC]  }
0x2a: {  	p0 =	seq.s32 s5, $0x0;
	s5 =	sld [smem:$0x3FAD]  }
0x2b: {  	s6 =	sld [smem:$0x3FAE]  }
0x2c: {  	s7 =	sld [smem:$0x3FAF]  }
0x2d: {  	s3 =	simm.s32 $0x108;
	s8 =	sld [smem:$0x3FB0]  }
0x2e: {  	s3 =	simm.s32 @!p0 $0x1082;
	s9 =	sld [smem:$0x3FB1]  }
0x2f: {  	lr =	sadd.s32 s0, s3;
	s0 =	sld [smem:$0x3FA8]  }
0x30: {  	s3 =	sld [smem:$0x3FAB]  }
0x31: {  	[smem:$0x3FB4] =	sst s10  }
0x32: {  	s10 =	sld [smem:$0x3FB2];
	_ =	sdelay $0x3  }
0x33: {  	p0 =	seq.s32 s10, $0x1;
	s10 =	sld [smem:$0x3FB4];
	_ =	sdelay $0x3  }
0x34: {  	[smem:$0x3FB4] =	sst s10  }
0x35: {  	s10 =	sld [smem:$0x3FB3];
	_ =	sdelay $0x3  }
0x36: {  	p1 =	seq.s32 s10, $0x1;
	s10 =	sld [smem:$0x3FB4];
	_ =	sdelay $0x3  }
0x37: {  	[smem:$0x3FB4] =	sst s10  }
0x38: {  	s10 =	sld [smem:$0x3FB5]  }
0x39: {  	_ = 	snop;
	(pc) =	sbr.ind lr, $3  }
0x3a: {  	_ = 	snop  }
0x3b: {  	_ = 	snop  }
0x3c: {  	p2 =	seq.s32 s10, $0x1;
	s10 =	sld [smem:$0x3FB4]  }
0x3d: {  	_ =	shalt  }
0x3e: {  	_ =	shalt  }
0x3f: {  	_ =	shalt  }
0x40: {  	_ =	shalt  }
0x41: {  	_ =	shalt  }
0x42: {  	_ =	shalt  }
0x43: {  	_ =	shalt  }
0x44: {  	_ =	shalt  }
0x45: {  	_ =	shalt  }
0x46: {  	_ =	shalt  }
0x47: {  	_ =	shalt  }
0x48: {  	_ =	shalt  }
0x49: {  	_ =	shalt  }
0x4a: {  	_ =	shalt  }
0x4b: {  	_ =	shalt  }
0x4c: {  	_ =	shalt  }
0x4d: {  	_ =	shalt  }
0x4e: {  	_ =	shalt  }
0x4f: {  	_ =	shalt  }
0x50: {  	_ =	shalt  }
0x51: {  	_ =	shalt  }
0x52: {  	_ =	shalt  }
0x53: {  	_ =	shalt  }
0x54: {  	_ =	shalt  }
0x55: {  	_ =	shalt  }
0x56: {  	_ =	shalt  }
0x57: {  	_ =	shalt  }
0x58: {  	_ =	shalt  }
0x59: {  	_ =	shalt  }
0x5a: {  	_ =	shalt  }
0x5b: {  	_ =	shalt  }
0x5c: {  	_ =	shalt  }
0x5d: {  	_ =	shalt  }
0x5e: {  	_ =	shalt  }
0x5f: {  	_ =	shalt  }
0x60: {  	_ =	shalt  }
0x61: {  	_ =	shalt  }
0x62: {  	_ =	shalt  }
0x63: {  	_ =	shalt  }
0x64: {  	_ =	shalt  }
0x65: {  	_ =	shalt  }
0x66: {  	_ =	shalt  }
0x67: {  	_ =	shalt  }
0x68: {  	_ =	shalt  }
0x69: {  	_ =	shalt  }
0x6a: {  	_ =	shalt  }
0x6b: {  	_ =	shalt  }
0x6c: {  	_ =	shalt  }
0x6d: {  	_ =	shalt  }
0x6e: {  	_ =	shalt  }
0x6f: {  	_ =	shalt  }
0x70: {  	_ =	shalt  }
0x71: {  	_ =	shalt  }
0x72: {  	_ =	shalt  }
0x73: {  	_ =	shalt  }
0x74: {  	_ =	shalt  }
0x75: {  	_ =	shalt  }
0x76: {  	_ =	shalt  }
0x77: {  	_ =	shalt  }
0x78: {  	_ =	shalt  }
0x79: {  	_ =	shalt  }
0x7a: {  	_ =	shalt  }
0x7b: {  	_ =	shalt  }
0x7c: {  	_ =	shalt  }
0x7d: {  	_ =	shalt  }
0x7e: {  	_ =	shalt  }
0x7f: {  	_ =	shalt  }
0x80: {  	_ =	shalt  }
0x81: {  	_ =	shalt  }
0x82: {  	_ =	shalt  }
0x83: {  	_ =	shalt  }
0x84: {  	_ =	shalt  }
0x85: {  	_ =	shalt  }
0x86: {  	_ =	shalt  }
0x87: {  	_ =	shalt  }
.Lfunc_end0:
.L_simem_size_0:
called_computation.2_lowered:
.L_overlay_start_0:
0x88: {  	s2 =	sld [smem:$0x3FD9]  }
0x89: {  	s3 =	sld [smem:$0x3FFE];
	_ =	sdelay $0x1  }
0x8a: {  	s1 =	srdreg.scid  }
0x8b: {  	s0 =	sand.u32 $0x1, s1  }
0x8c: {  	s16 =	sshll.u32 s0, $0xA;
	s2 =	sadd.s32 s3, s2  }
0x8d: {  	s2 =	sadd.s32 s2, s16  }
0x8e: {  	[smem:$0x3FC0] =	sst s2  }
0x8f: {  	_ = 	snop  }
0x90: {  	(tm) =	ssettm $0x1  }
0x91: {  	s17 =	sld [smem:$0x3FFB];
	_ =	sdelay $0x3  }
0x92: {  	_ =	strace s17  }
0x93: {  	s2 =	sld [smem:$0x3FFC];
	_ =	sdelay $0x3  }
0x94: {  	_ =	strace s2  }
0x95: {  	s2 =	sld [smem:$0x3FFD];
	_ =	sdelay $0x3  }
0x96: {  	_ =	strace s2  }
0x97: {  	_ =	strace $0x8FFFFFFF  }
0x98: {  	s18 =	sld [smem:$0x3FDB];
	_ =	sdelay $0x1  }
0x99: {  	s19 =	simm.s32 $_scs_section_size  }
0x9a: {  	s4 =	simm.s32 $_size__tile_overlayer_lowered;
	s5 =	simm.s32 $_tile_overlayer_lowered  }
0x9b: {  	s22 =	simm.s32 $0x1BFF;
	s21 =	sshll.u32 s5, $0x1;
	s2 =	sadd.s32 s19, s18  }
0x9c: {  	s6 =	simm.s32 $0x0;
	s20 =	sshll.u32 s4, $0x1;
	s4 =	sadd.s32 s21, s2  }
0x9d: {  	[timem:s6], [sflag:s22] =	dma.local [hbm:s4], s20  }
0x9e: {  	_ =	swait.ge [sflag:s22], s20  }
0x9f: {  	s3 =	ssub.s32 $0x0, s20;
	[sflag:s22] =	ssyncset.done $0x0  }
0xa0: {  	[sflag:s22] =	ssyncadd.s32 s3;
	_ =	sdelay $0x1  }
0xa1: {  	s23 =	simm.s32 $0x1B8B  }
0xa2: {  	_ =	swait.ge [sflag:s23], $0x1  }
0xa3: {  	[sflag:s23] =	ssyncset.done $0x0  }
0xa4: {  	s25 =	simm.s32 $0x1B8E;
	s24 =	sld [smem:$0x3FFE];
	[sflag:s23] =	ssyncadd.s32 $0xFFFFFFFF  }
0xa5: {  	s26 =	simm.s32 $execute0_lowered;
	[smem:$0x3FD2] =	sst s25  }
0xa6: {  	s4 =	sshll.u32 s26, $0x1;
	_ =	strace $0x8000004C;
	[dreg:$0x1] =	wrdreg $0xFFFFFFFF  }
0xa7: {  	s28 =	simm.s32 $_size_execute0_lowered;
	s2 =	sadd.s32 s2, s4;
	[dreg:$0x0] =	wrdreg $0x0  }
0xa8: {  	s4 =	sshll.u32 s28, $0x1;
	[dreg:$0x2] =	wrdreg s2  }
0xa9: {  	[dreg:$0x3] =	wrdreg s4  }
0xaa: {  	[dreg:$0x4] =	wrdreg $0xC0  }
0xab: {  	_ =	task [dreg:s6], $0x5FFFF  }
0xac: {  	[dreg:$0x1] =	wrdreg $0xFFFFFFFF  }
0xad: {  	[dreg:$0x0] =	wrdreg $0x60  }
0xae: {  	[dreg:$0x2] =	wrdreg s24  }
0xaf: {  	[dreg:$0x3] =	wrdreg $0xBB800  }
0xb0: {  	[dreg:$0x4] =	wrdreg $0x9  }
0xb1: {  	_ =	task.clear_ibuf [dreg:s6], $0x5FFFF;
	_ =	strace $0x9000004C  }
0xb2: {  	s29 =	simm.s32 $0x9;
	_ =	strace $0x8000004E  }
0xb3: {  	_ =	swait.ge [sflag:s29], $0x1  }
0xb4: {  	[sflag:s29] =	ssyncadd.s32 $0xFFFFFFFF  }
0xb5: {  	_ =	strace $0x9000004E  }
0xb6: {  	_ =	sfence  }
0xb7: {  	s30 =	sld [smem:$0x0];
	_ =	sdelay $0x2  }
0xb8: {  	s31 =	sshll.u32 s1, $0xD;
	s1 =	sshrl.u32 s1, $0x2  }
0xb9: {  	s3 =	sand.u32 $0x4000, s31;
	s1 =	sadd.s32 s1, s30  }
0xba: {  	s0 =	sor.u32 s3, s0;
	s1 =	sshll.u32 s1, $0x11  }
0xbb: {  	s0 =	sor.u32 s1, s0  }
0xbc: {  	s0 =	sadd.s32 $0x8F2B, s0  }
0xbd: {  	[sflag:s0] =	ssyncadd.remote.s32 $0x1  }
0xbe: {  	_ =	sfence.sel $0xFFFF  }
0xbf: {  	[dreg:$0x0] =	wrdreg $0xFFFFFFFF;
	(pc) =	sbr.abs _section_cstart, $3  }
0xc0: {  	[dreg:$0x1] =	wrdreg $0xFFFFFFFF  }
0xc1: {  	_ =	task.clear_ibuf [dreg:s6], $0x2FFFF;
	_ =	strace $0x9FFFFFFF  }
0xc2: {  	(tm) =	ssettm $0x7FFFFFFF  }
0xc3: {  	_ =	shalt  }
tec
execute0_lowered:
.L_overlay_start_1:
0x0: {  	(tag) =	ssettag $0x1  }
0x1: {  	s1 =	rddreg [dreg:$0x0]  }
0x2: {  	s0 =	srdreg.scid;
	s2 =	rddreg [dreg:$0x1]  }
0x3: {  	s10 =	stileid.u32;
	s3 =	simm.s32 $0x0;
	s29 =	simm.s32 $0x7080  }
0x4: {  	s30 =	simm.s32 $0x1;
	s28 =	simm.s32 $0xA280;
	s31 =	simm.s32 $0x0  }
0x5: {  	s0 =	sand.u32 $0x1, s0;
	[smem:$0x7FF] =	sst s3;
	s9 =	smul.u32 $0x13880, s10  }
0x6: {  	s4 =	sshll.u32 s0, $0x4;
	s6 =	ssub.s32 $0x2, s0;
	s0 =	smul.u32 $0x138800, s0  }
0x7: {  	_ =	strace $0x8000004D;
	s4 =	sor.u32 s10, s4;
	s10 =	smul.u32 $0x4E200, s10  }
0x8: {  	s7 =	sshrl.u32 s6, $0x1;
	s8 =	sadd.s32 $0x12C00, s9;
	s5 =	smul.u32 $0x578, s4  }
0x9: {  	s4 =	sadd.s32 $0x22E00, s1;
	s11 =	ssub.s32 s6, s7;
	s24 =	sadd.s32 s0, s8  }
0xa: {  	s7 =	sadd.s32 s8, s2;
	s0 =	sadd.s32 s9, s0;
	s25 =	sshrl.u32 s24, $0x3  }
0xb: {  	s26 =	sshrl.u32 s10, $0x2;
	s10 =	smax.u32 s11, $0x1;
	s0 =	sshrl.u32 s0, $0x3  }
0xc: {  	s24 =	simm.s32 $0x2BC0;
	s5 =	sadd.s32 s5, s1;
	s1 =	sadd.s32 $0x4A000, s1  }
0xd: {  	s6 =	sadd.s32 s26, s2;
	s26 =	simm.s32 $0x32;
	s23 =	sadd.s32 $0x17E00, s5  }
0xe: {  	s5 =	sadd.s32 $0xCE00, s5;
	s11 =	sadd.s32 $0x1900, s6;
	s12 =	sadd.s32 $0x3200, s6  }
0xf: {  	s13 =	sadd.s32 $0x4B00, s6;
	s14 =	sadd.s32 $0x6400, s6;
	s15 =	sadd.s32 $0x7D00, s6  }
0x10: {  	s16 =	sadd.s32 $0x9600, s6;
	s17 =	sadd.s32 $0xAF00, s6;
	s18 =	sadd.s32 $0xC800, s6  }
0x11: {  	s19 =	sadd.s32 $0xE100, s6;
	s20 =	sadd.s32 $0xFA00, s6;
	s21 =	sadd.s32 $0x11300, s6  }
0x12: {  	s22 =	sadd.s32 s0, s1;
	s0 =	simm.s32 $0x8980;
	[dreg:$0x3] =	wrdreg s23  }
0x13: {  	[dreg:$0x4] =	wrdreg s5;
	s5 =	sadd.s32 s1, s25;
	s23 =	simm.s32 $0x3  }
0x14: {  	v0 =	vimm.f32 $0.0e+00;
	s25 =	simm.s32 $0x5780;
	s1 =	simm.s32 $0x2;
	[dreg:$0x5] =	wrdreg s5  }
.LBB2_1:
0x15: {  	s5 =	rddreg [dreg:$0x3]  }
0x16: {  	[tilespmem:s3], [sflag:$0x3] =	stream.linear.gather [hbm4b:s5+s3], $0x2BC0, $0x38;
	[tilespmem:$0x1F400] =	vst v63  }
0x17: {  	_ =	swait.ge [sflag:s23], $0x2BC0  }
0x18: {  	[sflag:s23] =	ssyncset.done $0x0  }
0x19: {  	s9 =	rddreg [dreg:$0x4];
	[sflag:s23] =	ssyncadd.s32 $0xFFFFD440  }
0x1a: {  	[tilespmem:s24], [sflag:$0x3] =	stream.linear.gather [hbm4b:s9+s3], $0x2BC0, $0x38;
	[tilespmem:$0x1F400] =	vst v63  }
0x1b: {  	_ =	swait.ge [sflag:s23], $0x2BC0  }
0x1c: {  	[sflag:s23] =	ssyncset.done $0x0  }
0x1d: {  	s5 =	simm.s32 $0x0;
	s9 =	simm.s32 $0x200;
	[sflag:s23] =	ssyncadd.s32 $0xFFFFD440  }
.LBB2_2:
0x1e: {  	p0 =	sne.s32 s9, $0x6200;
	[tilespmem:s5+$0x57F0] =	vst v0  }
0x1f: {  	[tilespmem:s5+$0x5780] =	vst v0  }
0x20: {  	[tilespmem:s5+$0x5790] =	vst v0  }
.Ltmp0:
0x21: {  	[tilespmem:s5+$0x57A0] =	vst v0;
	(pc) =	sbr.rel @p0 .LBB2_2-.Ltmp0, $4  }
0x22: {  	[tilespmem:s5+$0x57B0] =	vst v0  }
0x23: {  	[tilespmem:s5+$0x57C0] =	vst v0  }
0x24: {  	[tilespmem:s5+$0x57D0] =	vst v0  }
0x25: {  	[tilespmem:s5+$0x57E0] =	vst v0;
	s5 =	sshra.s32 s9, $0x2;
	s9 =	sadd.s32 $0x200, s9  }
0x26: {  	[tilespmem:s5+$0x57F0] =	vst v0  }
0x27: {  	[tilespmem:s5+$0x5780] =	vst v0  }
0x28: {  	[tilespmem:s5+$0x5790] =	vst v0  }
0x29: {  	[tilespmem:s5+$0x57A0] =	vst v0  }
0x2a: {  	[tilespmem:s5+$0x57B0] =	vst v0  }
0x2b: {  	[tilespmem:s5+$0x57C0] =	vst v0  }
0x2c: {  	[tilespmem:s5+$0x57D0] =	vst v0  }
0x2d: {  	[tilespmem:s5+$0x57E0] =	vst v0  }
0x2e: {  	[spmem:s6] =	stream.linear.scatter [tilespmem:s25], [sflag:$0x3], $0x1900, $0x38;
	[tilespmem:$0x1F400] =	vst v63  }
0x2f: {  	_ =	swait.ge [sflag:s23], $0x1900  }
0x30: {  	[sflag:s23] =	ssyncset.done $0x0  }
0x31: {  	[sflag:s23] =	ssyncadd.s32 $0xFFFFE700  }
0x32: {  	[spmem:s11] =	stream.linear.scatter [tilespmem:s25], [sflag:$0x3], $0x1900, $0x38;
	[tilespmem:$0x1F400] =	vst v63  }
0x33: {  	_ =	swait.ge [sflag:s23], $0x1900  }
0x34: {  	[sflag:s23] =	ssyncset.done $0x0  }
0x35: {  	[sflag:s23] =	ssyncadd.s32 $0xFFFFE700  }
0x36: {  	[spmem:s12] =	stream.linear.scatter [tilespmem:s25], [sflag:$0x3], $0x1900, $0x38;
	[tilespmem:$0x1F400] =	vst v63  }
0x37: {  	_ =	swait.ge [sflag:s23], $0x1900  }
0x38: {  	[sflag:s23] =	ssyncset.done $0x0  }
0x39: {  	[sflag:s23] =	ssyncadd.s32 $0xFFFFE700  }
0x3a: {  	[spmem:s13] =	stream.linear.scatter [tilespmem:s25], [sflag:$0x3], $0x1900, $0x38;
	[tilespmem:$0x1F400] =	vst v63  }
0x3b: {  	_ =	swait.ge [sflag:s23], $0x1900  }
0x3c: {  	[sflag:s23] =	ssyncset.done $0x0  }
0x3d: {  	[sflag:s23] =	ssyncadd.s32 $0xFFFFE700  }
0x3e: {  	[spmem:s14] =	stream.linear.scatter [tilespmem:s25], [sflag:$0x3], $0x1900, $0x38;
	[tilespmem:$0x1F400] =	vst v63  }
0x3f: {  	_ =	swait.ge [sflag:s23], $0x1900  }
0x40: {  	[sflag:s23] =	ssyncset.done $0x0  }
0x41: {  	[sflag:s23] =	ssyncadd.s32 $0xFFFFE700  }
0x42: {  	[spmem:s15] =	stream.linear.scatter [tilespmem:s25], [sflag:$0x3], $0x1900, $0x38;
	[tilespmem:$0x1F400] =	vst v63  }
0x43: {  	_ =	swait.ge [sflag:s23], $0x1900  }
0x44: {  	[sflag:s23] =	ssyncset.done $0x0  }
0x45: {  	[sflag:s23] =	ssyncadd.s32 $0xFFFFE700  }
0x46: {  	[spmem:s16] =	stream.linear.scatter [tilespmem:s25], [sflag:$0x3], $0x1900, $0x38;
	[tilespmem:$0x1F400] =	vst v63  }
0x47: {  	_ =	swait.ge [sflag:s23], $0x1900  }
0x48: {  	[sflag:s23] =	ssyncset.done $0x0  }
0x49: {  	[sflag:s23] =	ssyncadd.s32 $0xFFFFE700  }
0x4a: {  	[spmem:s17] =	stream.linear.scatter [tilespmem:s25], [sflag:$0x3], $0x1900, $0x38;
	[tilespmem:$0x1F400] =	vst v63  }
0x4b: {  	_ =	swait.ge [sflag:s23], $0x1900  }
0x4c: {  	[sflag:s23] =	ssyncset.done $0x0  }
0x4d: {  	[sflag:s23] =	ssyncadd.s32 $0xFFFFE700  }
0x4e: {  	[spmem:s18] =	stream.linear.scatter [tilespmem:s25], [sflag:$0x3], $0x1900, $0x38;
	[tilespmem:$0x1F400] =	vst v63  }
0x4f: {  	_ =	swait.ge [sflag:s23], $0x1900  }
0x50: {  	[sflag:s23] =	ssyncset.done $0x0  }
0x51: {  	[sflag:s23] =	ssyncadd.s32 $0xFFFFE700  }
0x52: {  	[spmem:s19] =	stream.linear.scatter [tilespmem:s25], [sflag:$0x3], $0x1900, $0x38;
	[tilespmem:$0x1F400] =	vst v63  }
0x53: {  	_ =	swait.ge [sflag:s23], $0x1900  }
0x54: {  	[sflag:s23] =	ssyncset.done $0x0  }
0x55: {  	[sflag:s23] =	ssyncadd.s32 $0xFFFFE700  }
0x56: {  	[spmem:s20] =	stream.linear.scatter [tilespmem:s25], [sflag:$0x3], $0x1900, $0x38;
	[tilespmem:$0x1F400] =	vst v63  }
0x57: {  	_ =	swait.ge [sflag:s23], $0x1900  }
0x58: {  	[sflag:s23] =	ssyncset.done $0x0  }
0x59: {  	[sflag:s23] =	ssyncadd.s32 $0xFFFFE700  }
0x5a: {  	[spmem:s21] =	stream.linear.scatter [tilespmem:s25], [sflag:$0x3], $0x1900, $0x38;
	[tilespmem:$0x1F400] =	vst v63  }
0x5b: {  	_ =	swait.ge [sflag:s23], $0x1900  }
0x5c: {  	[sflag:s23] =	ssyncset.done $0x0  }
0x5d: {  	[sflag:s23] =	ssyncadd.s32 $0xFFFFE700  }
0x5e: {  	[spmem:s7] =	stream.linear.scatter [tilespmem:s25], [sflag:$0x3], $0xC80, $0x38;
	[tilespmem:$0x1F400] =	vst v63  }
0x5f: {  	_ =	swait.ge [sflag:s23], $0xC80  }
0x60: {  	[sflag:s23] =	ssyncset.done $0x0  }
0x61: {  	[sflag:s23] =	ssyncadd.s32 $0xFFFFF380  }
0x62: {  	s8 =	simm.s32 $0x0;
	[bflag:$0x0] =	sbarrier.arrive $0xFFFF  }
0x63: {  	[tilespmem:s25], [sflag:$0x1] =	stream.indirect.gather [hbm4b:s4+s26], $0x80, s8, s26, $0xb8;
	[tilespmem:$0x1F400] =	vst v63  }
0x64: {  	s9 =	simm.s32 $0x38  }
0x65: {  	[tilespmem:s29], [sflag:$0x1] =	stream.indirect.gather [hbm4b:s4+s26], $0x80, s9, s26, $0xb8;
	[tilespmem:$0x1F400] =	vst v63  }
0x66: {  	_ =	swait.ge [sflag:s30], $0x1900  }
0x67: {  	[sflag:s30] =	ssyncset.done $0x0  }
0x68: {  	[sflag:s30] =	ssyncadd.s32 $0xFFFFE700  }
0x69: {  	_ =	swait.ge [sflag:s30], $0x1900  }
0x6a: {  	[sflag:s30] =	ssyncset.done $0x0  }
0x6b: {  	s8 =	simm.s32 $0x70;
	[sflag:s30] =	ssyncadd.s32 $0xFFFFE700  }
0x6c: {  	[tilespmem:s0], [sflag:$0x1] =	stream.indirect.gather [hbm4b:s4+s26], $0x80, s8, s26, $0xb8;
	[tilespmem:$0x1F400] =	vst v63  }
0x6d: {  	s9 =	simm.s32 $0xA8  }
0x6e: {  	[tilespmem:s28], [sflag:$0x1] =	stream.indirect.gather [hbm4b:s4+s26], $0x80, s9, s26, $0xb8;
	[tilespmem:$0x1F400] =	vst v63  }
0x6f: {  	_ = 	snop  }
0x70: {  	[spmem:s2] =	stream.indirect.scatter.add.f32 [tilespmem:s25], [sflag:$0x2], $0x80, s24, s26, $0xb8;
	[tilespmem:$0x1F400] =	vst v63  }
0x71: {  	s8 =	simm.s32 $0x2BF8  }
0x72: {  	[spmem:s2] =	stream.indirect.scatter.add.f32 [tilespmem:s29], [sflag:$0x2], $0x80, s8, s26, $0xb8;
	[tilespmem:$0x1F400] =	vst v63  }
0x73: {  	_ =	swait.ge [sflag:s30], $0x1900  }
0x74: {  	[sflag:s30] =	ssyncset.done $0x0  }
0x75: {  	[sflag:s30] =	ssyncadd.s32 $0xFFFFE700  }
0x76: {  	_ =	swait.ge [sflag:s30], $0x1900  }
0x77: {  	[sflag:s30] =	ssyncset.done $0x0  }
0x78: {  	[sflag:s30] =	ssyncadd.s32 $0xFFFFE700  }
0x79: {  	_ =	swait.ge [sflag:s1], $0x1900  }
0x7a: {  	[sflag:s1] =	ssyncset.done $0x0  }
0x7b: {  	[sflag:s1] =	ssyncadd.s32 $0xFFFFE700  }
0x7c: {  	_ =	swait.ge [sflag:s1], $0x1900  }
0x7d: {  	[sflag:s1] =	ssyncset.done $0x0  }
0x7e: {  	s9 =	simm.s32 $0xE0;
	[sflag:s1] =	ssyncadd.s32 $0xFFFFE700  }
0x7f: {  	[tilespmem:s25], [sflag:$0x1] =	stream.indirect.gather [hbm4b:s4+s26], $0x80, s9, s26, $0xb8;
	[tilespmem:$0x1F400] =	vst v63  }
0x80: {  	s8 =	simm.s32 $0x118  }
0x81: {  	[tilespmem:s29], [sflag:$0x1] =	stream.indirect.gather [hbm4b:s4+s26], $0x80, s8, s26, $0xb8;
	[tilespmem:$0x1F400] =	vst v63  }
0x82: {  	s9 =	simm.s32 $0x2C30  }
0x83: {  	[spmem:s2] =	stream.indirect.scatter.add.f32 [tilespmem:s0], [sflag:$0x2], $0x80, s9, s26, $0xb8;
	[tilespmem:$0x1F400] =	vst v63  }
0x84: {  	s8 =	simm.s32 $0x2C68  }
0x85: {  	[spmem:s2] =	stream.indirect.scatter.add.f32 [tilespmem:s28], [sflag:$0x2], $0x80, s8, s26, $0xb8;
	[tilespmem:$0x1F400] =	vst v63  }
0x86: {  	_ =	swait.ge [sflag:s30], $0x1900  }
0x87: {  	[sflag:s30] =	ssyncset.done $0x0  }
0x88: {  	[sflag:s30] =	ssyncadd.s32 $0xFFFFE700  }
0x89: {  	_ =	swait.ge [sflag:s30], $0x1900  }
0x8a: {  	[sflag:s30] =	ssyncset.done $0x0  }
0x8b: {  	[sflag:s30] =	ssyncadd.s32 $0xFFFFE700  }
0x8c: {  	_ =	swait.ge [sflag:s1], $0x1900  }
0x8d: {  	[sflag:s1] =	ssyncset.done $0x0  }
0x8e: {  	[sflag:s1] =	ssyncadd.s32 $0xFFFFE700  }
0x8f: {  	_ =	swait.ge [sflag:s1], $0x1900  }
0x90: {  	[sflag:s1] =	ssyncset.done $0x0  }
0x91: {  	s9 =	simm.s32 $0x150;
	[sflag:s1] =	ssyncadd.s32 $0xFFFFE700  }
0x92: {  	[tilespmem:s0], [sflag:$0x1] =	stream.indirect.gather [hbm4b:s4+s26], $0x80, s9, s26, $0xb8;
	[tilespmem:$0x1F400] =	vst v63  }
0x93: {  	s8 =	simm.s32 $0x188  }
0x94: {  	[tilespmem:s28], [sflag:$0x1] =	stream.indirect.gather [hbm4b:s4+s26], $0x80, s8, s26, $0xb8;
	[tilespmem:$0x1F400] =	vst v63  }
0x95: {  	s9 =	simm.s32 $0x2CA0  }
0x96: {  	[spmem:s2] =	stream.indirect.scatter.add.f32 [tilespmem:s25], [sflag:$0x2], $0x80, s9, s26, $0xb8;
	[tilespmem:$0x1F400] =	vst v63  }
0x97: {  	s8 =	simm.s32 $0x2CD8  }
0x98: {  	[spmem:s2] =	stream.indirect.scatter.add.f32 [tilespmem:s29], [sflag:$0x2], $0x80, s8, s26, $0xb8;
	[tilespmem:$0x1F400] =	vst v63  }
0x99: {  	_ =	swait.ge [sflag:s30], $0x1900  }
0x9a: {  	[sflag:s30] =	ssyncset.done $0x0  }
0x9b: {  	[sflag:s30] =	ssyncadd.s32 $0xFFFFE700  }
0x9c: {  	_ =	swait.ge [sflag:s30], $0x1900  }
0x9d: {  	[sflag:s30] =	ssyncset.done $0x0  }
0x9e: {  	[sflag:s30] =	ssyncadd.s32 $0xFFFFE700  }
0x9f: {  	_ =	swait.ge [sflag:s1], $0x1900  }
0xa0: {  	[sflag:s1] =	ssyncset.done $0x0  }
0xa1: {  	[sflag:s1] =	ssyncadd.s32 $0xFFFFE700  }
0xa2: {  	_ =	swait.ge [sflag:s1], $0x1900  }
0xa3: {  	[sflag:s1] =	ssyncset.done $0x0  }
0xa4: {  	s9 =	simm.s32 $0x1C0;
	[sflag:s1] =	ssyncadd.s32 $0xFFFFE700  }
0xa5: {  	[tilespmem:s25], [sflag:$0x1] =	stream.indirect.gather [hbm4b:s4+s26], $0x80, s9, s26, $0xb8;
	[tilespmem:$0x1F400] =	vst v63  }
0xa6: {  	s8 =	simm.s32 $0x1F8  }
0xa7: {  	[tilespmem:s29], [sflag:$0x1] =	stream.indirect.gather [hbm4b:s4+s26], $0x80, s8, s26, $0xb8;
	[tilespmem:$0x1F400] =	vst v63  }
0xa8: {  	s9 =	simm.s32 $0x2D10  }
0xa9: {  	[spmem:s2] =	stream.indirect.scatter.add.f32 [tilespmem:s0], [sflag:$0x2], $0x80, s9, s26, $0xb8;
	[tilespmem:$0x1F400] =	vst v63  }
0xaa: {  	s5 =	simm.s32 $0x380;
	s9 =	simm.s32 $0x2D48  }
.LBB2_4:
0xab: {  	[spmem:s2] =	stream.indirect.scatter.add.f32 [tilespmem:s28], [sflag:$0x2], $0x80, s9, s26, $0xb8;
	[tilespmem:$0x1F400] =	vst v63  }
0xac: {  	s9 =	smov.u32 s5;
	s5 =	sadd.s32 $0x380, s5;
	_ =	swait.ge [sflag:s30], $0x1900  }
0xad: {  	p0 =	sne.s32 s5, $0xA800;
	[sflag:s30] =	ssyncset.done $0x0  }
0xae: {  	[sflag:s30] =	ssyncadd.s32 $0xFFFFE700  }
0xaf: {  	_ =	swait.ge [sflag:s30], $0x1900  }
0xb0: {  	[sflag:s30] =	ssyncset.done $0x0  }
0xb1: {  	[sflag:s30] =	ssyncadd.s32 $0xFFFFE700  }
0xb2: {  	_ =	swait.ge [sflag:s1], $0x1900  }
0xb3: {  	[sflag:s1] =	ssyncset.done $0x0  }
0xb4: {  	[sflag:s1] =	ssyncadd.s32 $0xFFFFE700  }
0xb5: {  	_ =	swait.ge [sflag:s1], $0x1900  }
0xb6: {  	s9 =	sshra.s32 s9, $0x2;
	[sflag:s1] =	ssyncset.done $0x0  }
0xb7: {  	s8 =	sadd.s32 $0x150, s9;
	[sflag:s1] =	ssyncadd.s32 $0xFFFFE700  }
0xb8: {  	[tilespmem:s0], [sflag:$0x1] =	stream.indirect.gather [hbm4b:s4+s26], $0x80, s8, s26, $0xb8;
	[tilespmem:$0x1F400] =	vst v63  }
0xb9: {  	s8 =	sadd.s32 $0x188, s9  }
0xba: {  	[tilespmem:s28], [sflag:$0x1] =	stream.indirect.gather [hbm4b:s4+s26], $0x80, s8, s26, $0xb8;
	[tilespmem:$0x1F400] =	vst v63  }
0xbb: {  	s8 =	sadd.s32 $0x2CA0, s9  }
0xbc: {  	[spmem:s2] =	stream.indirect.scatter.add.f32 [tilespmem:s25], [sflag:$0x2], $0x80, s8, s26, $0xb8;
	[tilespmem:$0x1F400] =	vst v63  }
0xbd: {  	s8 =	sadd.s32 $0x2CD8, s9  }
0xbe: {  	[spmem:s2] =	stream.indirect.scatter.add.f32 [tilespmem:s29], [sflag:$0x2], $0x80, s8, s26, $0xb8;
	[tilespmem:$0x1F400] =	vst v63  }
0xbf: {  	_ =	swait.ge [sflag:s30], $0x1900  }
0xc0: {  	[sflag:s30] =	ssyncset.done $0x0  }
0xc1: {  	[sflag:s30] =	ssyncadd.s32 $0xFFFFE700  }
0xc2: {  	_ =	swait.ge [sflag:s30], $0x1900  }
0xc3: {  	[sflag:s30] =	ssyncset.done $0x0  }
0xc4: {  	[sflag:s30] =	ssyncadd.s32 $0xFFFFE700  }
0xc5: {  	_ =	swait.ge [sflag:s1], $0x1900  }
0xc6: {  	[sflag:s1] =	ssyncset.done $0x0  }
0xc7: {  	[sflag:s1] =	ssyncadd.s32 $0xFFFFE700  }
0xc8: {  	_ =	swait.ge [sflag:s1], $0x1900  }
0xc9: {  	[sflag:s1] =	ssyncset.done $0x0  }
0xca: {  	s8 =	sadd.s32 $0x1C0, s9;
	[sflag:s1] =	ssyncadd.s32 $0xFFFFE700  }
0xcb: {  	[tilespmem:s25], [sflag:$0x1] =	stream.indirect.gather [hbm4b:s4+s26], $0x80, s8, s26, $0xb8;
	[tilespmem:$0x1F400] =	vst v63  }
.Ltmp1:
0xcc: {  	s8 =	sadd.s32 $0x1F8, s9;
	(pc) =	sbr.rel @p0 .LBB2_4-.Ltmp1, $4  }
0xcd: {  	[tilespmem:s29], [sflag:$0x1] =	stream.indirect.gather [hbm4b:s4+s26], $0x80, s8, s26, $0xb8;
	[tilespmem:$0x1F400] =	vst v63  }
0xce: {  	s8 =	sadd.s32 $0x2D10, s9  }
0xcf: {  	[spmem:s2] =	stream.indirect.scatter.add.f32 [tilespmem:s0], [sflag:$0x2], $0x80, s8, s26, $0xb8;
	[tilespmem:$0x1F400] =	vst v63  }
0xd0: {  	s9 =	sadd.s32 $0x2D48, s9  }
0xd1: {  	[spmem:s2] =	stream.indirect.scatter.add.f32 [tilespmem:s28], [sflag:$0x2], $0x80, s9, s26, $0xb8;
	[tilespmem:$0x1F400] =	vst v63  }
0xd2: {  	_ =	swait.ge [sflag:s30], $0x1900  }
0xd3: {  	[sflag:s30] =	ssyncset.done $0x0  }
0xd4: {  	[sflag:s30] =	ssyncadd.s32 $0xFFFFE700  }
0xd5: {  	_ =	swait.ge [sflag:s30], $0x1900  }
0xd6: {  	[sflag:s30] =	ssyncset.done $0x0  }
0xd7: {  	[sflag:s30] =	ssyncadd.s32 $0xFFFFE700  }
0xd8: {  	_ =	swait.ge [sflag:s1], $0x1900  }
0xd9: {  	[sflag:s1] =	ssyncset.done $0x0  }
0xda: {  	[sflag:s1] =	ssyncadd.s32 $0xFFFFE700  }
0xdb: {  	_ =	swait.ge [sflag:s1], $0x1900  }
0xdc: {  	s5 =	sshra.s32 s5, $0x2;
	[sflag:s1] =	ssyncset.done $0x0  }
0xdd: {  	s8 =	sadd.s32 $0x150, s5;
	[sflag:s1] =	ssyncadd.s32 $0xFFFFE700  }
0xde: {  	[tilespmem:s0], [sflag:$0x1] =	stream.indirect.gather [hbm4b:s4+s26], $0x80, s8, s26, $0xb8;
	[tilespmem:$0x1F400] =	vst v63  }
0xdf: {  	s9 =	sadd.s32 $0x188, s5  }
0xe0: {  	[tilespmem:s28], [sflag:$0x1] =	stream.indirect.gather [hbm4b:s4+s26], $0x80, s9, s26, $0xb8;
	[tilespmem:$0x1F400] =	vst v63  }
0xe1: {  	s9 =	sadd.s32 $0x2CA0, s5  }
0xe2: {  	[spmem:s2] =	stream.indirect.scatter.add.f32 [tilespmem:s25], [sflag:$0x2], $0x80, s9, s26, $0xb8;
	[tilespmem:$0x1F400] =	vst v63  }
0xe3: {  	s9 =	sadd.s32 $0x2CD8, s5  }
0xe4: {  	[spmem:s2] =	stream.indirect.scatter.add.f32 [tilespmem:s29], [sflag:$0x2], $0x80, s9, s26, $0xb8;
	[tilespmem:$0x1F400] =	vst v63  }
0xe5: {  	_ =	swait.ge [sflag:s30], $0x1900  }
0xe6: {  	[sflag:s30] =	ssyncset.done $0x0  }
0xe7: {  	[sflag:s30] =	ssyncadd.s32 $0xFFFFE700  }
0xe8: {  	_ =	swait.ge [sflag:s30], $0x1900  }
0xe9: {  	[sflag:s30] =	ssyncset.done $0x0  }
0xea: {  	[sflag:s30] =	ssyncadd.s32 $0xFFFFE700  }
0xeb: {  	_ =	swait.ge [sflag:s1], $0x1900  }
0xec: {  	[sflag:s1] =	ssyncset.done $0x0  }
0xed: {  	[sflag:s1] =	ssyncadd.s32 $0xFFFFE700  }
0xee: {  	_ =	swait.ge [sflag:s1], $0x1900  }
0xef: {  	[sflag:s1] =	ssyncset.done $0x0  }
0xf0: {  	s9 =	sadd.s32 $0x2D10, s5;
	[sflag:s1] =	ssyncadd.s32 $0xFFFFE700  }
0xf1: {  	[spmem:s2] =	stream.indirect.scatter.add.f32 [tilespmem:s0], [sflag:$0x2], $0x80, s9, s26, $0xb8;
	[tilespmem:$0x1F400] =	vst v63  }
0xf2: {  	s5 =	sadd.s32 $0x2D48, s5  }
0xf3: {  	[spmem:s2] =	stream.indirect.scatter.add.f32 [tilespmem:s28], [sflag:$0x2], $0x80, s5, s26, $0xb8;
	[tilespmem:$0x1F400] =	vst v63  }
0xf4: {  	_ =	swait.ge [sflag:s1], $0x1900  }
0xf5: {  	[sflag:s1] =	ssyncset.done $0x0  }
0xf6: {  	[sflag:s1] =	ssyncadd.s32 $0xFFFFE700  }
0xf7: {  	_ =	swait.ge [sflag:s1], $0x1900  }
0xf8: {  	[sflag:s1] =	ssyncset.done $0x0  }
0xf9: {  	[sflag:s1] =	ssyncadd.s32 $0xFFFFE700  }
0xfa: {  	[bflag:$0x0] =	sbarrier.arrive $0xFFFF  }
0xfb: {  	[tilespmem:s25], [sflag:$0x3] =	stream.linear.gather [spmem:s6], $0x1900, $0x38;
	[tilespmem:$0x1F400] =	vst v63  }
0xfc: {  	_ =	swait.ge [sflag:s23], $0x1900  }
0xfd: {  	[sflag:s23] =	ssyncset.done $0x0  }
0xfe: {  	s9 =	sadd.s32 $0x0, s22;
	[sflag:s23] =	ssyncadd.s32 $0xFFFFE700  }
0xff: {  	[hbm4b:s9+s3] =	stream.linear.scatter [tilespmem:s25], [sflag:$0x3], $0x1900, $0x38;
	[tilespmem:$0x1F400] =	vst v63  }
0x100: {  	_ =	swait.ge [sflag:s23], $0x1900  }
0x101: {  	s5 =	simm.s32 $0x320;
	s9 =	smov.u32 s6;
	[sflag:s23] =	ssyncset.done $0x0  }
.LBB2_6:
0x102: {  	p0 =	sne.s32 s5, $0x2260;
	[sflag:s23] =	ssyncadd.s32 $0xFFFFE700;
	s9 =	sadd.s32 $0x1900, s9  }
0x103: {  	[tilespmem:s25], [sflag:$0x3] =	stream.linear.gather [spmem:s9], $0x1900, $0x38;
	[tilespmem:$0x1F400] =	vst v63  }
0x104: {  	s8 =	smov.u32 s5;
	s5 =	sadd.s32 $0x320, s5;
	_ =	swait.ge [sflag:s23], $0x1900  }
.Ltmp2:
0x105: {  	[sflag:s23] =	ssyncset.done $0x0;
	(pc) =	sbr.rel @p0 .LBB2_6-.Ltmp2, $4  }
0x106: {  	s8 =	sadd.s32 s8, s22;
	[sflag:s23] =	ssyncadd.s32 $0xFFFFE700  }
0x107: {  	[hbm4b:s8+s3] =	stream.linear.scatter [tilespmem:s25], [sflag:$0x3], $0x1900, $0x38;
	[tilespmem:$0x1F400] =	vst v63  }
0x108: {  	_ =	swait.ge [sflag:s23], $0x1900  }
0x109: {  	[sflag:s23] =	ssyncset.done $0x0  }
0x10a: {  	[sflag:s23] =	ssyncadd.s32 $0xFFFFE700  }
0x10b: {  	[tilespmem:s25], [sflag:$0x3] =	stream.linear.gather [spmem:s7], $0xC80, $0x38;
	[tilespmem:$0x1F400] =	vst v63  }
0x10c: {  	s31 =	sadd.s32 $0x1, s31;
	_ =	swait.ge [sflag:s23], $0xC80  }
0x10d: {  	p0 =	sne.s32 s31, s10;
	[sflag:s23] =	ssyncset.done $0x0  }
.Ltmp3:
0x10e: {  	s5 =	rddreg [dreg:$0x5];
	[sflag:s23] =	ssyncadd.s32 $0xFFFFF380;
	(pc) =	sbr.rel @p0 .LBB2_1-.Ltmp3, $4  }
0x10f: {  	[hbm4b:s5+s3] =	stream.linear.scatter [tilespmem:s25], [sflag:$0x3], $0xC80, $0x38;
	[tilespmem:$0x1F400] =	vst v63  }
0x110: {  	_ =	swait.ge [sflag:s23], $0xC80  }
0x111: {  	[sflag:s23] =	ssyncset.done $0x0  }
0x112: {  	[sflag:s23] =	ssyncadd.s32 $0xFFFFF380  }
0x113: {  	_ =	sfence.sel $0x180000  }
0x114: {  	[bflag:$0x0] =	sbarrier.arrive $0xFFFF  }
0x115: {  	_ =	strace $0x9000004D  }
0x116: {  	s0 =	stileid.u32;
	[bflag:$0x2] =	sbarrier.arrive $0xFFFF  }
0x117: {  	p0 =	sne.s32 s0, $0x0;
	s0 =	rddreg [dreg:$0x2]  }
0x118: {  	s0 =	sadd.s32 @!p0 $0x100000, s0  }
0x119: {  	[sflag:s0] =	ssyncadd.tile.s32 @!p0 $0x1;
	_ =	shalt  }
.Lfunc_end2:
_tile_overlayer_lowered:
.L_overlay_start_2:
0x11a: {  	(tag) =	ssettag $0x2  }
0x11b: {  	s0 =	rddreg [dreg:$0x0];
	s2 =	stileid.u32  }
0x11c: {  	s1 =	rddreg [dreg:$0x1];
	p0 =	sne.s32 s2, $0x0  }
0x11d: {  	s3 =	rddreg [dreg:$0x2];
	[bflag:$0x3] =	sbarrier.arrive $0xFFFF;
	s2 =	simm.s32 @!p0 $0x1C03  }
0x11e: {  	[timem:s3], [sflag:s2] =	dma.local @!p0 [hbm:s0], s1  }
0x11f: {  	s0 =	simm.s32 @!p0 $0x3  }
0x120: {  	_ =	swait.ge @!p0 [sflag:s0], s1  }
0x121: {  	s1 =	ssub.s32 @!p0 $0x0, s1;
	[sflag:s0] =	ssyncset.done @!p0 $0x0  }
0x122: {  	[sflag:s0] =	ssyncadd.s32 @!p0 s1  }
0x123: {  	[bflag:$0x3] =	sbarrier.arrive $0xFFFF  }
0x124: {  	_ =	shalt  }

// kernel: kernel.19.cloned.1.call-start
scs
__scs_entry_jumppad:
0x0: {  	(pc) =	sbr.rel $0x88, $3  }
0x1: {  	(tag) =	ssettag $0x0;
	lr =	simm.s32 $0x1  }
0x2: {  	[smem:$0x3F99] =	sst lr;
	_ =	strace $0xD0000000  }
0x3: {  	_ = 	snop  }
0x4: {  	_ = 	snop  }
0x5: {  	_ = 	snop  }
0x6: {  	_ = 	snop  }
0x7: {  	_ = 	snop  }
__scs_overlays_trampoline_lowered:
0x8: {  	[smem:$0x3FA8] =	sst s0  }
0x9: {  	[smem:$0x3FA9] =	sst s1  }
0xa: {  	[smem:$0x3FAA] =	sst s2  }
0xb: {  	[smem:$0x3FAB] =	sst s3  }
0xc: {  	[smem:$0x3FAC] =	sst s4  }
0xd: {  	[smem:$0x3FAD] =	sst s5  }
0xe: {  	[smem:$0x3FAE] =	sst s6  }
0xf: {  	[smem:$0x3FAF] =	sst s7  }
0x10: {  	[smem:$0x3FB0] =	sst s8  }
0x11: {  	[smem:$0x3FB1] =	sst s9;
	s0 =	simm.s32 @!p0 $0x0  }
0x12: {  	s1 =	sld [smem:$0x3F97];
	s0 =	simm.s32 @p0 $0x1  }
0x13: {  	[smem:$0x3FB2] =	sst s0;
	s0 =	simm.s32 @!p1 $0x0  }
0x14: {  	s2 =	sld [smem:$0x3F96];
	s0 =	simm.s32 @p1 $0x1  }
0x15: {  	[smem:$0x3FB3] =	sst s0;
	s0 =	simm.s32 @!p2 $0x0  }
0x16: {  	s3 =	sld [smem:$0x3FDB];
	s0 =	simm.s32 @p2 $0x1  }
0x17: {  	s4 =	simm.s32 $0x1BF5;
	[smem:$0x3FB5] =	sst s0  }
0x18: {  	s0 =	sld [smem:$0x3F98];
	_ =	swait.ge [sflag:s4], $0x0  }
0x19: {  	s7 =	sld [smem:$0x3F99]  }
0x1a: {  	s8 =	sadd.s32 $0xFFFFE003, lr  }
0x1b: {  	s9 =	sadd.s32 $0xFFFFFEF7, lr;
	s5 =	simm.s32 $0xFFFFFFFF;
	p2 =	slt.u32 s8, $0xFFFFF086  }
0x1c: {  	p1 =	slt.u32 s9, $0xF7A;
	s5 =	simm.s32 @!p2 $0x0  }
0x1d: {  	s5 =	simm.s32 @p1 $0x1;
	p0 =	seq.s32 s7, s2  }
0x1e: {  	s7 =	smul.u32 @!p0 $0xF7A, s2;
	p2 =	seq.s32 @!p0 s5, $0x0  }
0x1f: {  	s9 =	smul.u32 $0xF7A, s1;
	s8 =	simm.s32 @!p0 $0x1BF5;
	p2 =	por !p2, p0  }
0x20: {  	[sflag:s8] =	ssyncset.s32 @!p0 $0xFFFFF086;
	s6 =	sadd.s32 @!p0 s3, s7;
	s7 =	simm.s32 @!p0 $0x108  }
0x21: {  	s3 =	sadd.s32 s3, s9;
	s6 =	sadd.s32 @!p0 $0x88, s6;
	s7 =	simm.s32 @p2 $0x1082  }
0x22: {  	[simem:s7], [sflag:s8] =	dma.local @!p0 [hbm:s6], $0xF7A  }
0x23: {  	s9 =	sor.u32 $0xD0000000, s2;
	s6 =	simm.s32 $0x108;
	_ =	swait.ge @!p0 [sflag:s8], $0x0  }
0x24: {  	s3 =	sadd.s32 $0x88, s3;
	s6 =	simm.s32 @!p1 $0x1082;
	[sflag:s4] =	ssyncset.s32 $0xFFFFF086  }
0x25: {  	[simem:s6], [sflag:s4] =	dma.local [hbm:s3], $0xF7A  }
0x26: {  	[smem:$0x3F99] =	sst s1;
	(tag) =	ssettag s2;
	_ =	strace s9  }
0x27: {  	s1 =	sld [smem:$0x3FA9]  }
0x28: {  	s2 =	sld [smem:$0x3FAA]  }
0x29: {  	s4 =	sld [smem:$0x3FAC]  }
0x2a: {  	p0 =	seq.s32 s5, $0x0;
	s5 =	sld [smem:$0x3FAD]  }
0x2b: {  	s6 =	sld [smem:$0x3FAE]  }
0x2c: {  	s7 =	sld [smem:$0x3FAF]  }
0x2d: {  	s3 =	simm.s32 $0x108;
	s8 =	sld [smem:$0x3FB0]  }
0x2e: {  	s3 =	simm.s32 @!p0 $0x1082;
	s9 =	sld [smem:$0x3FB1]  }
0x2f: {  	lr =	sadd.s32 s0, s3;
	s0 =	sld [smem:$0x3FA8]  }
0x30: {  	s3 =	sld [smem:$0x3FAB]  }
0x31: {  	[smem:$0x3FB4] =	sst s10  }
0x32: {  	s10 =	sld [smem:$0x3FB2];
	_ =	sdelay $0x3  }
0x33: {  	p0 =	seq.s32 s10, $0x1;
	s10 =	sld [smem:$0x3FB4];
	_ =	sdelay $0x3  }
0x34: {  	[smem:$0x3FB4] =	sst s10  }
0x35: {  	s10 =	sld [smem:$0x3FB3];
	_ =	sdelay $0x3  }
0x36: {  	p1 =	seq.s32 s10, $0x1;
	s10 =	sld [smem:$0x3FB4];
	_ =	sdelay $0x3  }
0x37: {  	[smem:$0x3FB4] =	sst s10  }
0x38: {  	s10 =	sld [smem:$0x3FB5]  }
0x39: {  	_ = 	snop;
	(pc) =	sbr.ind lr, $3  }
0x3a: {  	_ = 	snop  }
0x3b: {  	_ = 	snop  }
0x3c: {  	p2 =	seq.s32 s10, $0x1;
	s10 =	sld [smem:$0x3FB4]  }
0x3d: {  	_ =	shalt  }
0x3e: {  	_ =	shalt  }
0x3f: {  	_ =	shalt  }
0x40: {  	_ =	shalt  }
0x41: {  	_ =	shalt  }
0x42: {  	_ =	shalt  }
0x43: {  	_ =	shalt  }
0x44: {  	_ =	shalt  }
0x45: {  	_ =	shalt  }
0x46: {  	_ =	shalt  }
0x47: {  	_ =	shalt  }
0x48: {  	_ =	shalt  }
0x49: {  	_ =	shalt  }
0x4a: {  	_ =	shalt  }
0x4b: {  	_ =	shalt  }
0x4c: {  	_ =	shalt  }
0x4d: {  	_ =	shalt  }
0x4e: {  	_ =	shalt  }
0x4f: {  	_ =	shalt  }
0x50: {  	_ =	shalt  }
0x51: {  	_ =	shalt  }
0x52: {  	_ =	shalt  }
0x53: {  	_ =	shalt  }
0x54: {  	_ =	shalt  }
0x55: {  	_ =	shalt  }
0x56: {  	_ =	shalt  }
0x57: {  	_ =	shalt  }
0x58: {  	_ =	shalt  }
0x59: {  	_ =	shalt  }
0x5a: {  	_ =	shalt  }
0x5b: {  	_ =	shalt  }
0x5c: {  	_ =	shalt  }
0x5d: {  	_ =	shalt  }
0x5e: {  	_ =	shalt  }
0x5f: {  	_ =	shalt  }
0x60: {  	_ =	shalt  }
0x61: {  	_ =	shalt  }
0x62: {  	_ =	shalt  }
0x63: {  	_ =	shalt  }
0x64: {  	_ =	shalt  }
0x65: {  	_ =	shalt  }
0x66: {  	_ =	shalt  }
0x67: {  	_ =	shalt  }
0x68: {  	_ =	shalt  }
0x69: {  	_ =	shalt  }
0x6a: {  	_ =	shalt  }
0x6b: {  	_ =	shalt  }
0x6c: {  	_ =	shalt  }
0x6d: {  	_ =	shalt  }
0x6e: {  	_ =	shalt  }
0x6f: {  	_ =	shalt  }
0x70: {  	_ =	shalt  }
0x71: {  	_ =	shalt  }
0x72: {  	_ =	shalt  }
0x73: {  	_ =	shalt  }
0x74: {  	_ =	shalt  }
0x75: {  	_ =	shalt  }
0x76: {  	_ =	shalt  }
0x77: {  	_ =	shalt  }
0x78: {  	_ =	shalt  }
0x79: {  	_ =	shalt  }
0x7a: {  	_ =	shalt  }
0x7b: {  	_ =	shalt  }
0x7c: {  	_ =	shalt  }
0x7d: {  	_ =	shalt  }
0x7e: {  	_ =	shalt  }
0x7f: {  	_ =	shalt  }
0x80: {  	_ =	shalt  }
0x81: {  	_ =	shalt  }
0x82: {  	_ =	shalt  }
0x83: {  	_ =	shalt  }
0x84: {  	_ =	shalt  }
0x85: {  	_ =	shalt  }
0x86: {  	_ =	shalt  }
0x87: {  	_ =	shalt  }
.Lfunc_end0:
.L_simem_size_0:
called_computation.3_lowered:
.L_overlay_start_0:
0x88: {  	s2 =	sld [smem:$0x3FD9]  }
0x89: {  	s3 =	sld [smem:$0x3FFE];
	_ =	sdelay $0x1  }
0x8a: {  	s1 =	srdreg.scid  }
0x8b: {  	s0 =	sand.u32 $0x1, s1  }
0x8c: {  	s17 =	sshll.u32 s0, $0xA;
	s2 =	sadd.s32 s3, s2  }
0x8d: {  	s2 =	sadd.s32 s2, s17  }
0x8e: {  	[smem:$0x3FC0] =	sst s2  }
0x8f: {  	_ = 	snop  }
0x90: {  	s2 =	sld [smem:$0x3FD0];
	(tm) =	ssettm $0x1  }
0x91: {  	s18 =	sld [smem:$0x3FFB];
	_ =	sdelay $0x3  }
0x92: {  	_ =	strace s18  }
0x93: {  	s3 =	sld [smem:$0x3FFC];
	_ =	sdelay $0x3  }
0x94: {  	_ =	strace s3  }
0x95: {  	s3 =	sld [smem:$0x3FFD];
	_ =	sdelay $0x3  }
0x96: {  	_ =	strace s3  }
0x97: {  	_ =	strace $0x8FFFFFFF  }
0x98: {  	s19 =	sld [smem:$0x3FDB];
	_ =	sdelay $0x1  }
0x99: {  	s4 =	simm.s32 $_scs_section_size  }
0x9a: {  	s5 =	simm.s32 $_size__tile_overlayer_lowered;
	s6 =	simm.s32 $_tile_overlayer_lowered  }
0x9b: {  	s22 =	simm.s32 $0x1BFF;
	s21 =	sshll.u32 s6, $0x1;
	s3 =	sadd.s32 s4, s19  }
0x9c: {  	s7 =	simm.s32 $0x0;
	s20 =	sshll.u32 s5, $0x1;
	s5 =	sadd.s32 s21, s3  }
0x9d: {  	[timem:s7], [sflag:s22] =	dma.local [hbm:s5], s20  }
0x9e: {  	_ =	swait.ge [sflag:s22], s20  }
0x9f: {  	s4 =	ssub.s32 $0x0, s20;
	[sflag:s22] =	ssyncset.done $0x0  }
0xa0: {  	[sflag:s22] =	ssyncadd.s32 s4;
	_ =	sdelay $0x1  }
0xa1: {  	s23 =	simm.s32 $0x1B8B  }
0xa2: {  	_ =	swait.ge [sflag:s23], $0x1  }
0xa3: {  	[sflag:s23] =	ssyncset.done $0x0  }
0xa4: {  	s25 =	simm.s32 $0x1B8E;
	s24 =	sld [smem:$0x3FFE];
	[sflag:s23] =	ssyncadd.s32 $0xFFFFFFFF  }
0xa5: {  	s26 =	simm.s32 $execute0_lowered;
	[smem:$0x3FD2] =	sst s25  }
0xa6: {  	s5 =	sshll.u32 s26, $0x1;
	_ =	strace $0x8000004F;
	[dreg:$0x1] =	wrdreg $0xFFFFFFFF  }
0xa7: {  	s28 =	simm.s32 $_size_execute0_lowered;
	s3 =	sadd.s32 s3, s5;
	[dreg:$0x0] =	wrdreg $0x0  }
0xa8: {  	s5 =	sshll.u32 s28, $0x1;
	[dreg:$0x2] =	wrdreg s3  }
0xa9: {  	[dreg:$0x3] =	wrdreg s5  }
0xaa: {  	[dreg:$0x4] =	wrdreg $0xC0  }
0xab: {  	_ =	task [dreg:s7], $0x5FFFF  }
0xac: {  	[dreg:$0x1] =	wrdreg $0xFFFFFFFF  }
0xad: {  	[dreg:$0x0] =	wrdreg $0x60  }
0xae: {  	[dreg:$0x2] =	wrdreg s2  }
0xaf: {  	[dreg:$0x3] =	wrdreg s24  }
0xb0: {  	[dreg:$0x4] =	wrdreg $0x89800  }
0xb1: {  	[dreg:$0x5] =	wrdreg $0x9  }
0xb2: {  	_ =	task.clear_ibuf [dreg:s7], $0x6FFFF;
	_ =	strace $0x9000004F  }
0xb3: {  	s29 =	simm.s32 $0x9;
	_ =	strace $0x80000051  }
0xb4: {  	_ =	swait.ge [sflag:s29], $0x1  }
0xb5: {  	[sflag:s29] =	ssyncadd.s32 $0xFFFFFFFF  }
0xb6: {  	_ =	strace $0x90000051  }
0xb7: {  	_ =	sfence  }
0xb8: {  	s30 =	sld [smem:$0x0];
	_ =	sdelay $0x2  }
0xb9: {  	s31 =	sshll.u32 s1, $0xD;
	s1 =	sshrl.u32 s1, $0x2  }
0xba: {  	s3 =	sand.u32 $0x4000, s31;
	s1 =	sadd.s32 s1, s30  }
0xbb: {  	s0 =	sor.u32 s3, s0;
	s1 =	sshll.u32 s1, $0x11  }
0xbc: {  	s0 =	sor.u32 s1, s0  }
0xbd: {  	s0 =	sadd.s32 $0x8F2B, s0  }
0xbe: {  	[sflag:s0] =	ssyncadd.remote.s32 $0x1  }
0xbf: {  	_ =	sfence.sel $0xFFFF  }
0xc0: {  	[dreg:$0x0] =	wrdreg $0xFFFFFFFF;
	(pc) =	sbr.abs _section_cstart, $3  }
0xc1: {  	[dreg:$0x1] =	wrdreg $0xFFFFFFFF  }
0xc2: {  	_ =	task.clear_ibuf [dreg:s7], $0x2FFFF;
	_ =	strace $0x9FFFFFFF  }
0xc3: {  	(tm) =	ssettm $0x7FFFFFFF  }
tec
execute0_lowered:
.L_overlay_start_1:
0x0: {  	(tag) =	ssettag $0x1  }
0x1: {  	s1 =	rddreg [dreg:$0x0]  }
0x2: {  	s0 =	srdreg.scid;
	s2 =	rddreg [dreg:$0x1]  }
0x3: {  	s10 =	stileid.u32;
	s3 =	rddreg [dreg:$0x2];
	s29 =	simm.s32 $0x6400  }
0x4: {  	s30 =	simm.s32 $0x1;
	s28 =	simm.s32 $0x7D00;
	s0 =	sand.u32 $0x1, s0  }
0x5: {  	s31 =	simm.s32 $0x0;
	s9 =	smul.u32 $0x9C40, s10;
	s4 =	sshll.u32 s0, $0x4  }
0x6: {  	s6 =	ssub.s32 $0x2, s0;
	s0 =	smul.u32 $0x9C400, s0;
	s5 =	sor.u32 s10, s4  }
0x7: {  	s4 =	simm.s32 $0x0;
	s7 =	sshrl.u32 s6, $0x1;
	s10 =	smul.u32 $0x27100, s10  }
0x8: {  	s8 =	sadd.s32 $0x9600, s9;
	s5 =	smul.u32 $0x578, s5;
	[smem:$0x7FF] =	sst s4  }
0x9: {  	s11 =	ssub.s32 s6, s7;
	s24 =	sadd.s32 s0, s8;
	s7 =	sadd.s32 s8, s3  }
0xa: {  	s0 =	sadd.s32 s9, s0;
	_ =	strace $0x80000050;
	s25 =	sshrl.u32 s24, $0x3  }
0xb: {  	s26 =	sshrl.u32 s10, $0x2;
	s10 =	smax.u32 s11, $0x1;
	s0 =	sshrl.u32 s0, $0x3  }
0xc: {  	s24 =	simm.s32 $0x2BC0;
	s5 =	sadd.s32 s5, s2;
	s2 =	sadd.s32 $0x22E00, s2  }
0xd: {  	s6 =	sadd.s32 s26, s3;
	s26 =	simm.s32 $0x32;
	s23 =	sadd.s32 $0x17E00, s5  }
0xe: {  	s5 =	sadd.s32 $0xCE00, s5;
	s11 =	sadd.s32 $0xC80, s6;
	s12 =	sadd.s32 $0x1900, s6  }
0xf: {  	s13 =	sadd.s32 $0x2580, s6;
	s14 =	sadd.s32 $0x3200, s6;
	s15 =	sadd.s32 $0x3E80, s6  }
0x10: {  	s16 =	sadd.s32 $0x4B00, s6;
	s17 =	sadd.s32 $0x5780, s6;
	s18 =	sadd.s32 $0x6400, s6  }
0x11: {  	s19 =	sadd.s32 $0x7080, s6;
	s20 =	sadd.s32 $0x7D00, s6;
	s21 =	sadd.s32 $0x8980, s6  }
0x12: {  	s22 =	sadd.s32 s0, s2;
	s0 =	simm.s32 $0x2;
	[dreg:$0x4] =	wrdreg s23  }
0x13: {  	[dreg:$0x5] =	wrdreg s5;
	s5 =	sadd.s32 s2, s25;
	s23 =	simm.s32 $0x3  }
0x14: {  	v0 =	vimm.f32 $0.0e+00;
	s25 =	simm.s32 $0x5780;
	s2 =	simm.s32 $0x7080;
	[dreg:$0x6] =	wrdreg s5  }
.LBB2_1:
0x15: {  	s5 =	rddreg [dreg:$0x4]  }
0x16: {  	[tilespmem:s4], [sflag:$0x3] =	stream.linear.gather [hbm4b:s5+s4], $0x2BC0, $0x38;
	[tilespmem:$0x125C0] =	vst v63  }
0x17: {  	_ =	swait.ge [sflag:s23], $0x2BC0  }
0x18: {  	[sflag:s23] =	ssyncset.done $0x0  }
0x19: {  	s9 =	rddreg [dreg:$0x5];
	[sflag:s23] =	ssyncadd.s32 $0xFFFFD440  }
0x1a: {  	[tilespmem:s24], [sflag:$0x3] =	stream.linear.gather [hbm4b:s9+s4], $0x2BC0, $0x38;
	[tilespmem:$0x125C0] =	vst v63  }
0x1b: {  	_ =	swait.ge [sflag:s23], $0x2BC0  }
0x1c: {  	[sflag:s23] =	ssyncset.done $0x0  }
0x1d: {  	s5 =	simm.s32 $0x0;
	s9 =	simm.s32 $0x100;
	[sflag:s23] =	ssyncadd.s32 $0xFFFFD440  }
.LBB2_2:
0x1e: {  	p0 =	sne.s32 s9, $0x3100;
	[tilespmem:s5+$0x57B0] =	vst v0;
	s8 =	smov.u32 s9;
	s9 =	sadd.s32 $0x100, s9  }
.Ltmp0:
0x1f: {  	[tilespmem:s5+$0x57A0] =	vst v0;
	(pc) =	sbr.rel @p0 .LBB2_2-.Ltmp0, $3  }
0x20: {  	[tilespmem:s5+$0x5780] =	vst v0  }
0x21: {  	[tilespmem:s5+$0x5790] =	vst v0;
	_ =	sdelay $0x1  }
0x22: {  	s5 =	sshra.s32 s8, $0x2  }
0x23: {  	[tilespmem:s5+$0x57B0] =	vst v0  }
0x24: {  	[tilespmem:s5+$0x57A0] =	vst v0  }
0x25: {  	[tilespmem:s5+$0x5780] =	vst v0  }
0x26: {  	[tilespmem:s5+$0x5790] =	vst v0  }
0x27: {  	[spmem:s6] =	stream.linear.scatter [tilespmem:s25], [sflag:$0x3], $0xC80, $0x38;
	[tilespmem:$0x125C0] =	vst v63  }
0x28: {  	_ =	swait.ge [sflag:s23], $0xC80  }
0x29: {  	[sflag:s23] =	ssyncset.done $0x0  }
0x2a: {  	[sflag:s23] =	ssyncadd.s32 $0xFFFFF380  }
0x2b: {  	[spmem:s11] =	stream.linear.scatter [tilespmem:s25], [sflag:$0x3], $0xC80, $0x38;
	[tilespmem:$0x125C0] =	vst v63  }
0x2c: {  	_ =	swait.ge [sflag:s23], $0xC80  }
0x2d: {  	[sflag:s23] =	ssyncset.done $0x0  }
0x2e: {  	[sflag:s23] =	ssyncadd.s32 $0xFFFFF380  }
0x2f: {  	[spmem:s12] =	stream.linear.scatter [tilespmem:s25], [sflag:$0x3], $0xC80, $0x38;
	[tilespmem:$0x125C0] =	vst v63  }
0x30: {  	_ =	swait.ge [sflag:s23], $0xC80  }
0x31: {  	[sflag:s23] =	ssyncset.done $0x0  }
0x32: {  	[sflag:s23] =	ssyncadd.s32 $0xFFFFF380  }
0x33: {  	[spmem:s13] =	stream.linear.scatter [tilespmem:s25], [sflag:$0x3], $0xC80, $0x38;
	[tilespmem:$0x125C0] =	vst v63  }
0x34: {  	_ =	swait.ge [sflag:s23], $0xC80  }
0x35: {  	[sflag:s23] =	ssyncset.done $0x0  }
0x36: {  	[sflag:s23] =	ssyncadd.s32 $0xFFFFF380  }
0x37: {  	[spmem:s14] =	stream.linear.scatter [tilespmem:s25], [sflag:$0x3], $0xC80, $0x38;
	[tilespmem:$0x125C0] =	vst v63  }
0x38: {  	_ =	swait.ge [sflag:s23], $0xC80  }
0x39: {  	[sflag:s23] =	ssyncset.done $0x0  }
0x3a: {  	[sflag:s23] =	ssyncadd.s32 $0xFFFFF380  }
0x3b: {  	[spmem:s15] =	stream.linear.scatter [tilespmem:s25], [sflag:$0x3], $0xC80, $0x38;
	[tilespmem:$0x125C0] =	vst v63  }
0x3c: {  	_ =	swait.ge [sflag:s23], $0xC80  }
0x3d: {  	[sflag:s23] =	ssyncset.done $0x0  }
0x3e: {  	[sflag:s23] =	ssyncadd.s32 $0xFFFFF380  }
0x3f: {  	[spmem:s16] =	stream.linear.scatter [tilespmem:s25], [sflag:$0x3], $0xC80, $0x38;
	[tilespmem:$0x125C0] =	vst v63  }
0x40: {  	_ =	swait.ge [sflag:s23], $0xC80  }
0x41: {  	[sflag:s23] =	ssyncset.done $0x0  }
0x42: {  	[sflag:s23] =	ssyncadd.s32 $0xFFFFF380  }
0x43: {  	[spmem:s17] =	stream.linear.scatter [tilespmem:s25], [sflag:$0x3], $0xC80, $0x38;
	[tilespmem:$0x125C0] =	vst v63  }
0x44: {  	_ =	swait.ge [sflag:s23], $0xC80  }
0x45: {  	[sflag:s23] =	ssyncset.done $0x0  }
0x46: {  	[sflag:s23] =	ssyncadd.s32 $0xFFFFF380  }
0x47: {  	[spmem:s18] =	stream.linear.scatter [tilespmem:s25], [sflag:$0x3], $0xC80, $0x38;
	[tilespmem:$0x125C0] =	vst v63  }
0x48: {  	_ =	swait.ge [sflag:s23], $0xC80  }
0x49: {  	[sflag:s23] =	ssyncset.done $0x0  }
0x4a: {  	[sflag:s23] =	ssyncadd.s32 $0xFFFFF380  }
0x4b: {  	[spmem:s19] =	stream.linear.scatter [tilespmem:s25], [sflag:$0x3], $0xC80, $0x38;
	[tilespmem:$0x125C0] =	vst v63  }
0x4c: {  	_ =	swait.ge [sflag:s23], $0xC80  }
0x4d: {  	[sflag:s23] =	ssyncset.done $0x0  }
0x4e: {  	[sflag:s23] =	ssyncadd.s32 $0xFFFFF380  }
0x4f: {  	[spmem:s20] =	stream.linear.scatter [tilespmem:s25], [sflag:$0x3], $0xC80, $0x38;
	[tilespmem:$0x125C0] =	vst v63  }
0x50: {  	_ =	swait.ge [sflag:s23], $0xC80  }
0x51: {  	[sflag:s23] =	ssyncset.done $0x0  }
0x52: {  	[sflag:s23] =	ssyncadd.s32 $0xFFFFF380  }
0x53: {  	[spmem:s21] =	stream.linear.scatter [tilespmem:s25], [sflag:$0x3], $0xC80, $0x38;
	[tilespmem:$0x125C0] =	vst v63  }
0x54: {  	_ =	swait.ge [sflag:s23], $0xC80  }
0x55: {  	[sflag:s23] =	ssyncset.done $0x0  }
0x56: {  	[sflag:s23] =	ssyncadd.s32 $0xFFFFF380  }
0x57: {  	[spmem:s7] =	stream.linear.scatter [tilespmem:s25], [sflag:$0x3], $0x640, $0x38;
	[tilespmem:$0x125C0] =	vst v63  }
0x58: {  	_ =	swait.ge [sflag:s23], $0x640  }
0x59: {  	[sflag:s23] =	ssyncset.done $0x0  }
0x5a: {  	[sflag:s23] =	ssyncadd.s32 $0xFFFFF9C0  }
0x5b: {  	s8 =	simm.s32 $0x0;
	[bflag:$0x0] =	sbarrier.arrive $0xFFFF  }
0x5c: {  	[tilespmem:s25], [sflag:$0x1] =	stream.indirect.gather [hbm4b:s1+s26], $0x40, s8, s26, $0xb8;
	[tilespmem:$0x125C0] =	vst v63  }
0x5d: {  	s9 =	simm.s32 $0x38  }
0x5e: {  	[tilespmem:s29], [sflag:$0x1] =	stream.indirect.gather [hbm4b:s1+s26], $0x40, s9, s26, $0xb8;
	[tilespmem:$0x125C0] =	vst v63  }
0x5f: {  	_ =	swait.ge [sflag:s30], $0xC80  }
0x60: {  	[sflag:s30] =	ssyncset.done $0x0  }
0x61: {  	[sflag:s30] =	ssyncadd.s32 $0xFFFFF380  }
0x62: {  	_ =	swait.ge [sflag:s30], $0xC80  }
0x63: {  	[sflag:s30] =	ssyncset.done $0x0  }
0x64: {  	s8 =	simm.s32 $0x70;
	[sflag:s30] =	ssyncadd.s32 $0xFFFFF380  }
0x65: {  	[tilespmem:s2], [sflag:$0x1] =	stream.indirect.gather [hbm4b:s1+s26], $0x40, s8, s26, $0xb8;
	[tilespmem:$0x125C0] =	vst v63  }
0x66: {  	s9 =	simm.s32 $0xA8  }
0x67: {  	[tilespmem:s28], [sflag:$0x1] =	stream.indirect.gather [hbm4b:s1+s26], $0x40, s9, s26, $0xb8;
	[tilespmem:$0x125C0] =	vst v63  }
0x68: {  	_ = 	snop  }
0x69: {  	[spmem:s3] =	stream.indirect.scatter.add.f32 [tilespmem:s25], [sflag:$0x2], $0x40, s24, s26, $0xb8;
	[tilespmem:$0x125C0] =	vst v63  }
0x6a: {  	s8 =	simm.s32 $0x2BF8  }
0x6b: {  	[spmem:s3] =	stream.indirect.scatter.add.f32 [tilespmem:s29], [sflag:$0x2], $0x40, s8, s26, $0xb8;
	[tilespmem:$0x125C0] =	vst v63  }
0x6c: {  	_ =	swait.ge [sflag:s30], $0xC80  }
0x6d: {  	[sflag:s30] =	ssyncset.done $0x0  }
0x6e: {  	[sflag:s30] =	ssyncadd.s32 $0xFFFFF380  }
0x6f: {  	_ =	swait.ge [sflag:s30], $0xC80  }
0x70: {  	[sflag:s30] =	ssyncset.done $0x0  }
0x71: {  	[sflag:s30] =	ssyncadd.s32 $0xFFFFF380  }
0x72: {  	_ =	swait.ge [sflag:s0], $0xC80  }
0x73: {  	[sflag:s0] =	ssyncset.done $0x0  }
0x74: {  	[sflag:s0] =	ssyncadd.s32 $0xFFFFF380  }
0x75: {  	_ =	swait.ge [sflag:s0], $0xC80  }
0x76: {  	[sflag:s0] =	ssyncset.done $0x0  }
0x77: {  	s9 =	simm.s32 $0xE0;
	[sflag:s0] =	ssyncadd.s32 $0xFFFFF380  }
0x78: {  	[tilespmem:s25], [sflag:$0x1] =	stream.indirect.gather [hbm4b:s1+s26], $0x40, s9, s26, $0xb8;
	[tilespmem:$0x125C0] =	vst v63  }
0x79: {  	s8 =	simm.s32 $0x118  }
0x7a: {  	[tilespmem:s29], [sflag:$0x1] =	stream.indirect.gather [hbm4b:s1+s26], $0x40, s8, s26, $0xb8;
	[tilespmem:$0x125C0] =	vst v63  }
0x7b: {  	s9 =	simm.s32 $0x2C30  }
0x7c: {  	[spmem:s3] =	stream.indirect.scatter.add.f32 [tilespmem:s2], [sflag:$0x2], $0x40, s9, s26, $0xb8;
	[tilespmem:$0x125C0] =	vst v63  }
0x7d: {  	s8 =	simm.s32 $0x2C68  }
0x7e: {  	[spmem:s3] =	stream.indirect.scatter.add.f32 [tilespmem:s28], [sflag:$0x2], $0x40, s8, s26, $0xb8;
	[tilespmem:$0x125C0] =	vst v63  }
0x7f: {  	_ =	swait.ge [sflag:s30], $0xC80  }
0x80: {  	[sflag:s30] =	ssyncset.done $0x0  }
0x81: {  	[sflag:s30] =	ssyncadd.s32 $0xFFFFF380  }
0x82: {  	_ =	swait.ge [sflag:s30], $0xC80  }
0x83: {  	[sflag:s30] =	ssyncset.done $0x0  }
0x84: {  	[sflag:s30] =	ssyncadd.s32 $0xFFFFF380  }
0x85: {  	_ =	swait.ge [sflag:s0], $0xC80  }
0x86: {  	[sflag:s0] =	ssyncset.done $0x0  }
0x87: {  	[sflag:s0] =	ssyncadd.s32 $0xFFFFF380  }
0x88: {  	_ =	swait.ge [sflag:s0], $0xC80  }
0x89: {  	[sflag:s0] =	ssyncset.done $0x0  }
0x8a: {  	s9 =	simm.s32 $0x150;
	[sflag:s0] =	ssyncadd.s32 $0xFFFFF380  }
0x8b: {  	[tilespmem:s2], [sflag:$0x1] =	stream.indirect.gather [hbm4b:s1+s26], $0x40, s9, s26, $0xb8;
	[tilespmem:$0x125C0] =	vst v63  }
0x8c: {  	s8 =	simm.s32 $0x188  }
0x8d: {  	[tilespmem:s28], [sflag:$0x1] =	stream.indirect.gather [hbm4b:s1+s26], $0x40, s8, s26, $0xb8;
	[tilespmem:$0x125C0] =	vst v63  }
0x8e: {  	s9 =	simm.s32 $0x2CA0  }
0x8f: {  	[spmem:s3] =	stream.indirect.scatter.add.f32 [tilespmem:s25], [sflag:$0x2], $0x40, s9, s26, $0xb8;
	[tilespmem:$0x125C0] =	vst v63  }
0x90: {  	s8 =	simm.s32 $0x2CD8  }
0x91: {  	[spmem:s3] =	stream.indirect.scatter.add.f32 [tilespmem:s29], [sflag:$0x2], $0x40, s8, s26, $0xb8;
	[tilespmem:$0x125C0] =	vst v63  }
0x92: {  	_ =	swait.ge [sflag:s30], $0xC80  }
0x93: {  	[sflag:s30] =	ssyncset.done $0x0  }
0x94: {  	[sflag:s30] =	ssyncadd.s32 $0xFFFFF380  }
0x95: {  	_ =	swait.ge [sflag:s30], $0xC80  }
0x96: {  	[sflag:s30] =	ssyncset.done $0x0  }
0x97: {  	[sflag:s30] =	ssyncadd.s32 $0xFFFFF380  }
0x98: {  	_ =	swait.ge [sflag:s0], $0xC80  }
0x99: {  	[sflag:s0] =	ssyncset.done $0x0  }
0x9a: {  	[sflag:s0] =	ssyncadd.s32 $0xFFFFF380  }
0x9b: {  	_ =	swait.ge [sflag:s0], $0xC80  }
0x9c: {  	[sflag:s0] =	ssyncset.done $0x0  }
0x9d: {  	s9 =	simm.s32 $0x1C0;
	[sflag:s0] =	ssyncadd.s32 $0xFFFFF380  }
0x9e: {  	[tilespmem:s25], [sflag:$0x1] =	stream.indirect.gather [hbm4b:s1+s26], $0x40, s9, s26, $0xb8;
	[tilespmem:$0x125C0] =	vst v63  }
0x9f: {  	s8 =	simm.s32 $0x1F8  }
0xa0: {  	[tilespmem:s29], [sflag:$0x1] =	stream.indirect.gather [hbm4b:s1+s26], $0x40, s8, s26, $0xb8;
	[tilespmem:$0x125C0] =	vst v63  }
0xa1: {  	s9 =	simm.s32 $0x2D10  }
0xa2: {  	[spmem:s3] =	stream.indirect.scatter.add.f32 [tilespmem:s2], [sflag:$0x2], $0x40, s9, s26, $0xb8;
	[tilespmem:$0x125C0] =	vst v63  }
0xa3: {  	s5 =	simm.s32 $0x380;
	s9 =	simm.s32 $0x2D48  }
.LBB2_4:
0xa4: {  	[spmem:s3] =	stream.indirect.scatter.add.f32 [tilespmem:s28], [sflag:$0x2], $0x40, s9, s26, $0xb8;
	[tilespmem:$0x125C0] =	vst v63  }
0xa5: {  	s8 =	smov.u32 s5;
	s5 =	sadd.s32 $0x380, s5;
	_ =	swait.ge [sflag:s30], $0xC80  }
0xa6: {  	p0 =	sne.s32 s5, $0xA800;
	[sflag:s30] =	ssyncset.done $0x0  }
0xa7: {  	[sflag:s30] =	ssyncadd.s32 $0xFFFFF380  }
0xa8: {  	_ =	swait.ge [sflag:s30], $0xC80  }
0xa9: {  	[sflag:s30] =	ssyncset.done $0x0  }
0xaa: {  	[sflag:s30] =	ssyncadd.s32 $0xFFFFF380  }
0xab: {  	_ =	swait.ge [sflag:s0], $0xC80  }
0xac: {  	[sflag:s0] =	ssyncset.done $0x0  }
0xad: {  	[sflag:s0] =	ssyncadd.s32 $0xFFFFF380  }
0xae: {  	_ =	swait.ge [sflag:s0], $0xC80  }
0xaf: {  	s8 =	sshra.s32 s8, $0x2;
	[sflag:s0] =	ssyncset.done $0x0  }
0xb0: {  	s9 =	sadd.s32 $0x150, s8;
	[sflag:s0] =	ssyncadd.s32 $0xFFFFF380  }
0xb1: {  	[tilespmem:s2], [sflag:$0x1] =	stream.indirect.gather [hbm4b:s1+s26], $0x40, s9, s26, $0xb8;
	[tilespmem:$0x125C0] =	vst v63  }
0xb2: {  	s9 =	sadd.s32 $0x188, s8  }
0xb3: {  	[tilespmem:s28], [sflag:$0x1] =	stream.indirect.gather [hbm4b:s1+s26], $0x40, s9, s26, $0xb8;
	[tilespmem:$0x125C0] =	vst v63  }
0xb4: {  	s9 =	sadd.s32 $0x2CA0, s8  }
0xb5: {  	[spmem:s3] =	stream.indirect.scatter.add.f32 [tilespmem:s25], [sflag:$0x2], $0x40, s9, s26, $0xb8;
	[tilespmem:$0x125C0] =	vst v63  }
0xb6: {  	s9 =	sadd.s32 $0x2CD8, s8  }
0xb7: {  	[spmem:s3] =	stream.indirect.scatter.add.f32 [tilespmem:s29], [sflag:$0x2], $0x40, s9, s26, $0xb8;
	[tilespmem:$0x125C0] =	vst v63  }
0xb8: {  	_ =	swait.ge [sflag:s30], $0xC80  }
0xb9: {  	[sflag:s30] =	ssyncset.done $0x0  }
0xba: {  	[sflag:s30] =	ssyncadd.s32 $0xFFFFF380  }
0xbb: {  	_ =	swait.ge [sflag:s30], $0xC80  }
0xbc: {  	[sflag:s30] =	ssyncset.done $0x0  }
0xbd: {  	[sflag:s30] =	ssyncadd.s32 $0xFFFFF380  }
0xbe: {  	_ =	swait.ge [sflag:s0], $0xC80  }
0xbf: {  	[sflag:s0] =	ssyncset.done $0x0  }
0xc0: {  	[sflag:s0] =	ssyncadd.s32 $0xFFFFF380  }
0xc1: {  	_ =	swait.ge [sflag:s0], $0xC80  }
0xc2: {  	[sflag:s0] =	ssyncset.done $0x0  }
0xc3: {  	s9 =	sadd.s32 $0x1C0, s8;
	[sflag:s0] =	ssyncadd.s32 $0xFFFFF380  }
0xc4: {  	[tilespmem:s25], [sflag:$0x1] =	stream.indirect.gather [hbm4b:s1+s26], $0x40, s9, s26, $0xb8;
	[tilespmem:$0x125C0] =	vst v63  }
.Ltmp1:
0xc5: {  	s9 =	sadd.s32 $0x1F8, s8;
	(pc) =	sbr.rel @p0 .LBB2_4-.Ltmp1, $4  }
0xc6: {  	[tilespmem:s29], [sflag:$0x1] =	stream.indirect.gather [hbm4b:s1+s26], $0x40, s9, s26, $0xb8;
	[tilespmem:$0x125C0] =	vst v63  }
0xc7: {  	s9 =	sadd.s32 $0x2D10, s8  }
0xc8: {  	[spmem:s3] =	stream.indirect.scatter.add.f32 [tilespmem:s2], [sflag:$0x2], $0x40, s9, s26, $0xb8;
	[tilespmem:$0x125C0] =	vst v63  }
0xc9: {  	s9 =	sadd.s32 $0x2D48, s8  }
0xca: {  	[spmem:s3] =	stream.indirect.scatter.add.f32 [tilespmem:s28], [sflag:$0x2], $0x40, s9, s26, $0xb8;
	[tilespmem:$0x125C0] =	vst v63  }
0xcb: {  	_ =	swait.ge [sflag:s30], $0xC80  }
0xcc: {  	[sflag:s30] =	ssyncset.done $0x0  }
0xcd: {  	[sflag:s30] =	ssyncadd.s32 $0xFFFFF380  }
0xce: {  	_ =	swait.ge [sflag:s30], $0xC80  }
0xcf: {  	[sflag:s30] =	ssyncset.done $0x0  }
0xd0: {  	[sflag:s30] =	ssyncadd.s32 $0xFFFFF380  }
0xd1: {  	_ =	swait.ge [sflag:s0], $0xC80  }
0xd2: {  	[sflag:s0] =	ssyncset.done $0x0  }
0xd3: {  	[sflag:s0] =	ssyncadd.s32 $0xFFFFF380  }
0xd4: {  	_ =	swait.ge [sflag:s0], $0xC80  }
0xd5: {  	s5 =	sshra.s32 s5, $0x2;
	[sflag:s0] =	ssyncset.done $0x0  }
0xd6: {  	s8 =	sadd.s32 $0x150, s5;
	[sflag:s0] =	ssyncadd.s32 $0xFFFFF380  }
0xd7: {  	[tilespmem:s2], [sflag:$0x1] =	stream.indirect.gather [hbm4b:s1+s26], $0x40, s8, s26, $0xb8;
	[tilespmem:$0x125C0] =	vst v63  }
0xd8: {  	s9 =	sadd.s32 $0x188, s5  }
0xd9: {  	[tilespmem:s28], [sflag:$0x1] =	stream.indirect.gather [hbm4b:s1+s26], $0x40, s9, s26, $0xb8;
	[tilespmem:$0x125C0] =	vst v63  }
0xda: {  	s9 =	sadd.s32 $0x2CA0, s5  }
0xdb: {  	[spmem:s3] =	stream.indirect.scatter.add.f32 [tilespmem:s25], [sflag:$0x2], $0x40, s9, s26, $0xb8;
	[tilespmem:$0x125C0] =	vst v63  }
0xdc: {  	s9 =	sadd.s32 $0x2CD8, s5  }
0xdd: {  	[spmem:s3] =	stream.indirect.scatter.add.f32 [tilespmem:s29], [sflag:$0x2], $0x40, s9, s26, $0xb8;
	[tilespmem:$0x125C0] =	vst v63  }
0xde: {  	_ =	swait.ge [sflag:s30], $0xC80  }
0xdf: {  	[sflag:s30] =	ssyncset.done $0x0  }
0xe0: {  	[sflag:s30] =	ssyncadd.s32 $0xFFFFF380  }
0xe1: {  	_ =	swait.ge [sflag:s30], $0xC80  }
0xe2: {  	[sflag:s30] =	ssyncset.done $0x0  }
0xe3: {  	[sflag:s30] =	ssyncadd.s32 $0xFFFFF380  }
0xe4: {  	_ =	swait.ge [sflag:s0], $0xC80  }
0xe5: {  	[sflag:s0] =	ssyncset.done $0x0  }
0xe6: {  	[sflag:s0] =	ssyncadd.s32 $0xFFFFF380  }
0xe7: {  	_ =	swait.ge [sflag:s0], $0xC80  }
0xe8: {  	[sflag:s0] =	ssyncset.done $0x0  }
0xe9: {  	s9 =	sadd.s32 $0x2D10, s5;
	[sflag:s0] =	ssyncadd.s32 $0xFFFFF380  }
0xea: {  	[spmem:s3] =	stream.indirect.scatter.add.f32 [tilespmem:s2], [sflag:$0x2], $0x40, s9, s26, $0xb8;
	[tilespmem:$0x125C0] =	vst v63  }
0xeb: {  	s5 =	sadd.s32 $0x2D48, s5  }
0xec: {  	[spmem:s3] =	stream.indirect.scatter.add.f32 [tilespmem:s28], [sflag:$0x2], $0x40, s5, s26, $0xb8;
	[tilespmem:$0x125C0] =	vst v63  }
0xed: {  	_ =	swait.ge [sflag:s0], $0xC80  }
0xee: {  	[sflag:s0] =	ssyncset.done $0x0  }
0xef: {  	[sflag:s0] =	ssyncadd.s32 $0xFFFFF380  }
0xf0: {  	_ =	swait.ge [sflag:s0], $0xC80  }
0xf1: {  	[sflag:s0] =	ssyncset.done $0x0  }
0xf2: {  	[sflag:s0] =	ssyncadd.s32 $0xFFFFF380  }
0xf3: {  	[bflag:$0x0] =	sbarrier.arrive $0xFFFF  }
0xf4: {  	[tilespmem:s25], [sflag:$0x3] =	stream.linear.gather [spmem:s6], $0xC80, $0x38;
	[tilespmem:$0x125C0] =	vst v63  }
0xf5: {  	_ =	swait.ge [sflag:s23], $0xC80  }
0xf6: {  	[sflag:s23] =	ssyncset.done $0x0  }
0xf7: {  	s9 =	sadd.s32 $0x0, s22;
	[sflag:s23] =	ssyncadd.s32 $0xFFFFF380  }
0xf8: {  	[hbm4b:s9+s4] =	stream.linear.scatter [tilespmem:s25], [sflag:$0x3], $0xC80, $0x38;
	[tilespmem:$0x125C0] =	vst v63  }
0xf9: {  	_ =	swait.ge [sflag:s23], $0xC80  }
0xfa: {  	s5 =	simm.s32 $0x190;
	s9 =	smov.u32 s6;
	[sflag:s23] =	ssyncset.done $0x0  }
.LBB2_6:
0xfb: {  	p0 =	sne.s32 s5, $0x1130;
	[sflag:s23] =	ssyncadd.s32 $0xFFFFF380;
	s9 =	sadd.s32 $0xC80, s9  }
0xfc: {  	[tilespmem:s25], [sflag:$0x3] =	stream.linear.gather [spmem:s9], $0xC80, $0x38;
	[tilespmem:$0x125C0] =	vst v63  }
0xfd: {  	s8 =	smov.u32 s5;
	s5 =	sadd.s32 $0x190, s5;
	_ =	swait.ge [sflag:s23], $0xC80  }
.Ltmp2:
0xfe: {  	[sflag:s23] =	ssyncset.done $0x0;
	(pc) =	sbr.rel @p0 .LBB2_6-.Ltmp2, $4  }
0xff: {  	s8 =	sadd.s32 s8, s22;
	[sflag:s23] =	ssyncadd.s32 $0xFFFFF380  }
0x100: {  	[hbm4b:s8+s4] =	stream.linear.scatter [tilespmem:s25], [sflag:$0x3], $0xC80, $0x38;
	[tilespmem:$0x125C0] =	vst v63  }
0x101: {  	_ =	swait.ge [sflag:s23], $0xC80  }
0x102: {  	[sflag:s23] =	ssyncset.done $0x0  }
0x103: {  	[sflag:s23] =	ssyncadd.s32 $0xFFFFF380  }
0x104: {  	[tilespmem:s25], [sflag:$0x3] =	stream.linear.gather [spmem:s7], $0x640, $0x38;
	[tilespmem:$0x125C0] =	vst v63  }
0x105: {  	s31 =	sadd.s32 $0x1, s31;
	_ =	swait.ge [sflag:s23], $0x640  }
0x106: {  	p0 =	sne.s32 s31, s10;
	[sflag:s23] =	ssyncset.done $0x0  }
.Ltmp3:
0x107: {  	s5 =	rddreg [dreg:$0x6];
	[sflag:s23] =	ssyncadd.s32 $0xFFFFF9C0;
	(pc) =	sbr.rel @p0 .LBB2_1-.Ltmp3, $4  }
0x108: {  	[hbm4b:s5+s4] =	stream.linear.scatter [tilespmem:s25], [sflag:$0x3], $0x640, $0x38;
	[tilespmem:$0x125C0] =	vst v63  }
0x109: {  	_ =	swait.ge [sflag:s23], $0x640  }
0x10a: {  	[sflag:s23] =	ssyncset.done $0x0  }
0x10b: {  	[sflag:s23] =	ssyncadd.s32 $0xFFFFF9C0  }
0x10c: {  	_ =	sfence.sel $0x180000  }
0x10d: {  	[bflag:$0x0] =	sbarrier.arrive $0xFFFF  }
0x10e: {  	_ =	strace $0x90000050  }
0x10f: {  	s0 =	stileid.u32;
	[bflag:$0x2] =	sbarrier.arrive $0xFFFF  }
0x110: {  	p0 =	sne.s32 s0, $0x0;
	s0 =	rddreg [dreg:$0x3]  }
0x111: {  	s0 =	sadd.s32 @!p0 $0x100000, s0  }
0x112: {  	[sflag:s0] =	ssyncadd.tile.s32 @!p0 $0x1;
	_ =	shalt  }
.Lfunc_end2:
_tile_overlayer_lowered:
.L_overlay_start_2:
0x113: {  	(tag) =	ssettag $0x2  }
0x114: {  	s0 =	rddreg [dreg:$0x0];
	s2 =	stileid.u32  }
0x115: {  	s1 =	rddreg [dreg:$0x1];
	p0 =	sne.s32 s2, $0x0  }
0x116: {  	s3 =	rddreg [dreg:$0x2];
	[bflag:$0x3] =	sbarrier.arrive $0xFFFF;
	s2 =	simm.s32 @!p0 $0x1C03  }
0x117: {  	[timem:s3], [sflag:s2] =	dma.local @!p0 [hbm:s0], s1  }
0x118: {  	s0 =	simm.s32 @!p0 $0x3  }
0x119: {  	_ =	swait.ge @!p0 [sflag:s0], s1  }
0x11a: {  	s1 =	ssub.s32 @!p0 $0x0, s1;
	[sflag:s0] =	ssyncset.done @!p0 $0x0  }
0x11b: {  	[sflag:s0] =	ssyncadd.s32 @!p0 s1  }
0x11c: {  	[bflag:$0x3] =	sbarrier.arrive $0xFFFF  }
0x11d: {  	_ =	shalt  }

</sc_bundles>
